<compile_context>
chip_gen: v7x
topology: tpu7x:2x2x1
jax: 0.10.2.dev20260603
libtpu: 0.0.44.dev20260713+nightly
codegen_flags: <defaults>
</compile_context>

<pallas_src>
import functools

import jax
import jax.numpy as jnp
from jax import lax
from jax.experimental import pallas as pl
from jax.experimental.pallas import tpu as pltpu
from jax.experimental.pallas import tpu_sc as plsc

B = 4
C = 3
H = 384
W = 384
S = 200
CBINS = 25
TBINS = 10
D = 4
P = H * W
IMG_SIZE = float(P)

HALF = P // 2
CH = 4608
NCH_HALF = HALF // CH
NCH_FULL = P // CH
P0SZ = S * CBINS * TBINS
P1SZ = S * TBINS * TBINS
P2SZ = S * TBINS
PAIRSZ = P0SZ + P1SZ + P2SZ
RSIZE = H * S


def _stage1_body(img255_ref, grads_ref, lab_ref, oa_ref, ob_ref):
    lab = lab_ref[0]
    p255 = img255_ref[0, 0]

    cbin = (p255 * jnp.float32((CBINS - 1) / 255.0)).astype(jnp.int32)

    gx = grads_ref[0, 0, 0]
    gy = grads_ref[0, 0, 1]
    tb = []
    for dv in (jnp.maximum(gx, 0.0), jnp.maximum(gy, 0.0),
               jnp.minimum(gx, 0.0), jnp.minimum(gy, 0.0)):
        mn = jnp.min(dv)
        mx = jnp.max(dv)
        norm = (dv - mn) / (mx - mn)
        tb.append(jnp.clip((norm * jnp.float32(TBINS - 1)).astype(jnp.int32),
                           0, TBINS - 1))

    oa_ref[0, 0] = lab * (CBINS * TBINS) + cbin * TBINS + tb[0]
    ob_ref[0, 0] = ((lab * (TBINS * TBINS) + tb[1] * TBINS + tb[2])
                    | ((lab * TBINS + tb[3]) << 17))


def _stage1(img255, grads, reg_lab):
    return pl.pallas_call(
        _stage1_body,
        grid=(B, C),
        in_specs=[
            pl.BlockSpec((1, 1, H, W), lambda b, c: (b, c, 0, 0)),
            pl.BlockSpec((1, 1, 2, H, W), lambda b, c: (b, c, 0, 0, 0)),
            pl.BlockSpec((1, H, W), lambda b, c: (b, 0, 0)),
        ],
        out_specs=[
            pl.BlockSpec((1, 1, H, W), lambda b, c: (b, c, 0, 0)),
            pl.BlockSpec((1, 1, H, W), lambda b, c: (b, c, 0, 0)),
        ],
        out_shape=[
            jax.ShapeDtypeStruct((B, C, H, W), jnp.int32),
            jax.ShapeDtypeStruct((B, C, H, W), jnp.int32),
        ],
    )(img255, grads, reg_lab)


def _zero_hist(hist, size):
    n16 = -(-size // 16)
    full, rem = n16 // 8, n16 % 8
    z = jnp.zeros((16,), jnp.float32)

    def zb(i, _):
        for u in range(8):
            hist[pl.ds(i * 128 + u * 16, 16)] = z
        return 0

    lax.fori_loop(0, full, zb, 0)
    for u in range(rem):
        hist[pl.ds(full * 128 + u * 16, 16)] = z


def _pair_task(a_hbm, b_hbm, off, out_ref, bufa, bufb, hist, sems):
    _zero_hist(hist, PAIRSZ)
    ones = jnp.ones((16,), jnp.float32)
    m15 = jnp.int32(0x7FFF)
    k1 = jnp.int32(P0SZ)
    k2 = jnp.int32(P0SZ + P1SZ)
    out0, out1, out2 = out_ref
    hs = [None, None]

    def start(ci, buf_i):
        hs[buf_i] = (
            pltpu.async_copy(a_hbm.at[pl.ds(off + ci * CH, CH)],
                             bufa.at[buf_i], sems[0][buf_i]),
            pltpu.async_copy(b_hbm.at[pl.ds(off + ci * CH, CH)],
                             bufb.at[buf_i], sems[1][buf_i]),
        )

    def chunk(ci, cur):
        pltpu.make_async_copy(a_hbm.at[pl.ds(off + ci * CH, CH)],
                              bufa.at[cur], sems[0][cur]).wait()
        pltpu.make_async_copy(b_hbm.at[pl.ds(off + ci * CH, CH)],
                              bufb.at[cur], sems[1][cur]).wait()

        @pl.when(ci + 2 < NCH_HALF)
        def _():
            start(ci + 2, cur)

        def sb(i, _):
            was = [bufa[cur, pl.ds(i * 64 + u * 16, 16)] for u in range(4)]
            wbs = [bufb[cur, pl.ds(i * 64 + u * 16, 16)] for u in range(4)]
            i1s = [(wb & m15) + k1 for wb in wbs]
            i2s = [lax.shift_right_logical(wb, 17) + k2 for wb in wbs]
            for u in range(4):
                plsc.addupdate_scatter(hist, [was[u]], ones)
                plsc.addupdate_scatter(hist, [i1s[u]], ones)
                plsc.addupdate_scatter(hist, [i2s[u]], ones)
            return 0

        lax.fori_loop(0, CH // 64, sb, 0)

    start(0, 0)
    start(1, 1)

    @pl.loop(0, NCH_HALF, step=2)
    def _(ci):
        chunk(ci, 0)
        chunk(ci + 1, 1)

    pltpu.sync_copy(hist.at[pl.ds(0, P0SZ)], out0)
    pltpu.sync_copy(hist.at[pl.ds(P0SZ, P1SZ)], out1)
    pltpu.sync_copy(hist.at[pl.ds(P0SZ + P1SZ, P2SZ)], out2)


def _count_task(lab_hbm, off, out_ref, bufa, hist, sems, is_row):
    _zero_hist(hist, RSIZE)
    ones = jnp.ones((16,), jnp.float32)
    i200 = lax.iota(jnp.int32, 16) * S
    rows_per_chunk = CH // W

    def start(ci, cur):
        pltpu.async_copy(lab_hbm.at[pl.ds(off + ci * CH, CH)],
                         bufa.at[cur], sems[0][cur])

    def chunk(ci, cur):
        pltpu.make_async_copy(lab_hbm.at[pl.ds(off + ci * CH, CH)],
                              bufa.at[cur], sems[0][cur]).wait()

        @pl.when(ci + 2 < NCH_FULL)
        def _():
            start(ci + 2, cur)

        def rb(rr, _):
            ybase = (ci * rows_per_chunk + rr) * S
            for g in range(3):
                labs = [bufa[cur, pl.ds(rr * W + g * 128 + u * 16, 16)]
                        for u in range(8)]
                if is_row:
                    idxs = [l + ybase for l in labs]
                else:
                    idxs = [l + (i200 + (g * 128 + u * 16) * S)
                            for u, l in enumerate(labs)]
                for v in idxs:
                    plsc.addupdate_scatter(hist, [v], ones)
            return 0

        lax.fori_loop(0, rows_per_chunk, rb, 0)

    start(0, 0)
    start(1, 1)

    @pl.loop(0, NCH_FULL, step=2)
    def _(ci):
        chunk(ci, 0)
        chunk(ci + 1, 1)

    pltpu.sync_copy(hist.at[pl.ds(0, RSIZE)], out_ref)


def _sc_body(a_hbm, b_hbm, lab_hbm,
             p0out, p1out, p2out, rcnt, xcnt,
             bufa, bufb, hist, s0a, s0b, s1a, s1b):
    w = lax.axis_index("c") * 16 + lax.axis_index("s")
    sems = ((s0a, s0b), (s1a, s1b))

    @pl.when(w < 24)
    def _():
        bc = lax.shift_right_logical(w, 1)
        half = w & 1
        off = bc * P + half * HALF
        _pair_task(a_hbm, b_hbm, off,
                   (p0out.at[w], p1out.at[w], p2out.at[w]),
                   bufa, bufb, hist, sems)

    @pl.when((w >= 24) & (w < 28))
    def _():
        b = w - 24
        _count_task(lab_hbm, b * P, rcnt.at[b], bufa, hist, sems, True)

    @pl.when(w >= 28)
    def _():
        b = w - 28
        _count_task(lab_hbm, b * P, xcnt.at[b], bufa, hist, sems, False)


def _stage2(a, bb, reg_lab):
    mesh = plsc.VectorSubcoreMesh(core_axis_name="c", subcore_axis_name="s",
                                  num_cores=2, num_subcores=16)
    f = functools.partial(
        pl.kernel,
        out_type=[
            jax.ShapeDtypeStruct((B * C * 2, P0SZ), jnp.float32),
            jax.ShapeDtypeStruct((B * C * 2, P1SZ), jnp.float32),
            jax.ShapeDtypeStruct((B * C * 2, P2SZ), jnp.float32),
            jax.ShapeDtypeStruct((B, RSIZE), jnp.float32),
            jax.ShapeDtypeStruct((B, RSIZE), jnp.float32),
        ],
        mesh=mesh,
        compiler_params=pltpu.CompilerParams(needs_layout_passes=False,
                                             use_tc_tiling_on_sc=False),
        scratch_types=[
            pltpu.VMEM((2, CH), jnp.int32),
            pltpu.VMEM((2, CH), jnp.int32),
            pltpu.VMEM((PAIRSZ,), jnp.float32),
            pltpu.SemaphoreType.DMA,
            pltpu.SemaphoreType.DMA,
            pltpu.SemaphoreType.DMA,
            pltpu.SemaphoreType.DMA,
        ],
    )(_sc_body)
    return f(a.reshape(-1), bb.reshape(-1), reg_lab.reshape(-1))


def _sel_major(n, m):
    i = jnp.arange(n * m) // m
    return (i[:, None] == jnp.arange(n)[None, :]).astype(jnp.float32)


def _sel_minor(n, m):
    j = jnp.arange(n * m) % m
    return (j[:, None] == jnp.arange(m)[None, :]).astype(jnp.float32)


def _stage3_body(p0_ref, p1_ref, p2_ref, rc_ref, xc_ref,
                 ma_ref, mb_ref, mc_ref, md_ref, out_ref):
    cparts = []
    tparts = []
    for c in range(C):
        p0 = p0_ref[0, c, 0] + p0_ref[0, c, 1]
        p1 = p1_ref[0, c, 0] + p1_ref[0, c, 1]
        p2 = p2_ref[0, c, 0] + p2_ref[0, c, 1]
        cc = jnp.dot(p0, ma_ref[...], preferred_element_type=jnp.float32)
        t0 = jnp.dot(p0, mb_ref[...], preferred_element_type=jnp.float32)
        t1 = jnp.dot(p1, mc_ref[...], preferred_element_type=jnp.float32)
        t2 = jnp.dot(p1, md_ref[...], preferred_element_type=jnp.float32)
        cparts.append(cc)
        tparts.extend([t0, t1, t2, p2])
    csum = jnp.concatenate(cparts, axis=1)
    tsum = jnp.concatenate(tparts, axis=1)

    sizes3_col = jnp.sum(csum, axis=1, keepdims=True)
    hc = csum / sizes3_col
    ht = tsum / (4.0 * sizes3_col)
    hct = jnp.transpose(hc)
    htt = jnp.transpose(ht)

    rc = rc_ref[0]
    xc = xc_ref[0]
    size_row = jnp.sum(rc, axis=0, keepdims=True)
    yi = lax.broadcasted_iota(jnp.int32, (H, S), 0).astype(jnp.float32)
    big = jnp.float32(2.0 ** 30)
    ymin_r = jnp.min(jnp.where(rc > 0, yi, big), axis=0, keepdims=True)
    ymax_r = jnp.max(jnp.where(rc > 0, yi, -big), axis=0, keepdims=True)
    xmin_r = jnp.min(jnp.where(xc > 0, yi, big), axis=0, keepdims=True)
    xmax_r = jnp.max(jnp.where(xc > 0, yi, -big), axis=0, keepdims=True)

    v = jnp.concatenate(
        [size_row, ymin_r, ymax_r, xmin_r, xmax_r,
         jnp.zeros((3, S), jnp.float32)], axis=0)
    vt = jnp.transpose(v)
    size_col = vt[:, 0:1]
    ymin_c = vt[:, 1:2]
    ymax_c = vt[:, 2:3]
    xmin_c = vt[:, 3:4]
    xmax_c = vt[:, 4:5]

    inv = jnp.float32(1.0 / IMG_SIZE)
    acc = 1.0 - (size_col + size_row) * inv
    x1 = jnp.minimum(xmin_c, xmin_r)
    y1 = jnp.minimum(ymin_c, ymin_r)
    x2 = jnp.maximum(xmax_c, xmax_r)
    y2 = jnp.maximum(ymax_c, ymax_r)
    merged = (x2 - x1 + 1.0) * (y2 - y1 + 1.0)
    acc = acc + (1.0 - (merged - size_col - size_row) * inv)

    for k in range(C * CBINS):
        acc = acc + jnp.minimum(hc[:, k:k + 1], hct[k:k + 1, :])
    for k in range(C * D * TBINS):
        acc = acc + jnp.minimum(ht[:, k:k + 1], htt[k:k + 1, :])
    out_ref[0] = acc


def _stage3(p0, p1, p2, rcnt, xcnt):
    ma = _sel_major(CBINS, TBINS)
    mb = _sel_minor(CBINS, TBINS)
    mc = _sel_major(TBINS, TBINS)
    md = _sel_minor(TBINS, TBINS)
    return pl.pallas_call(
        _stage3_body,
        grid=(B,),
        in_specs=[
            pl.BlockSpec((1, C, 2, S, CBINS * TBINS),
                         lambda b: (b, 0, 0, 0, 0)),
            pl.BlockSpec((1, C, 2, S, TBINS * TBINS),
                         lambda b: (b, 0, 0, 0, 0)),
            pl.BlockSpec((1, C, 2, S, TBINS), lambda b: (b, 0, 0, 0, 0)),
            pl.BlockSpec((1, H, S), lambda b: (b, 0, 0)),
            pl.BlockSpec((1, W, S), lambda b: (b, 0, 0)),
            pl.BlockSpec((CBINS * TBINS, CBINS), lambda b: (0, 0)),
            pl.BlockSpec((CBINS * TBINS, TBINS), lambda b: (0, 0)),
            pl.BlockSpec((TBINS * TBINS, TBINS), lambda b: (0, 0)),
            pl.BlockSpec((TBINS * TBINS, TBINS), lambda b: (0, 0)),
        ],
        out_specs=pl.BlockSpec((1, S, S), lambda b: (b, 0, 0)),
        out_shape=jax.ShapeDtypeStruct((B, S, S), jnp.float32),
    )(p0, p1, p2, rcnt, xcnt, ma, mb, mc, md)


def kernel(img, reg_lab):
    img255 = img * 255.0
    kx = jnp.array([[-3.0, 0.0, 3.0], [10.0, 0.0, 10.0], [-3.0, 0.0, 3.0]],
                   dtype=jnp.float32)
    kern = jnp.stack([kx, kx.T])[:, None, :, :]
    x = img255.reshape(B * C, 1, H, W)
    grads = jax.lax.conv_general_dilated(x, kern, (1, 1), 'SAME')
    grads = grads.reshape(B, C, 2, H, W)

    a, bb = _stage1(img255, grads, reg_lab)
    p0, p1, p2, rcnt, xcnt = _stage2(a, bb, reg_lab)
    return _stage3(p0.reshape(B, C, 2, S, CBINS * TBINS),
                   p1.reshape(B, C, 2, S, TBINS * TBINS),
                   p2.reshape(B, C, 2, S, TBINS),
                   rcnt.reshape(B, H, S),
                   xcnt.reshape(B, W, S))

# --- scband reference (transcript-rebuilt; emitter-appended) ---
"""Pipeline reference for scband-selective-search-34969623724197 (READ-ONLY COPY).

The authoritative reference and input builder live on the scoring server;
editing this copy changes nothing except your own understanding.
"""

import jax, jax.numpy as jnp
import numpy as np

COLOR_BINS = 25
TEX_BINS = 10
NUM_SEG = 200


def _scharr_gradients(img):
    kx = jnp.array([[-3.0, 0.0, 3.0], [10.0, 0.0, 10.0], [-3.0, 0.0, 3.0]], dtype=jnp.float32)
    kernel = jnp.stack([kx, kx.T])[:, None, :, :]
    B, C, H, W = img.shape
    x = img.reshape(B * C, 1, H, W)
    out = jax.lax.conv_general_dilated(x, kernel, (1, 1), 'SAME')
    return out.reshape(B, C, 2, H, W)


def _normalize_min_max(x):
    hmin = x.min(axis=(-2, -1), keepdims=True)
    hmax = x.max(axis=(-2, -1), keepdims=True)
    return (x - hmin) / (hmax - hmin)


def _forward(img, reg_lab):
    B, C, H, W = img.shape
    S = NUM_SEG
    img_size = float(H * W)
    img255 = img * 255.0
    lab = reg_lab.reshape(B, -1)
    ones = jnp.ones(lab.shape, jnp.float32)
    region_sizes = jax.vmap(lambda l, o: jax.ops.segment_sum(o, l, num_segments=S))(lab, ones)
    # color histograms: scatter-add into S*COLOR_BINS bins per channel
    cbin = (img255 * ((COLOR_BINS - 1) / 255.0)).astype(jnp.int32)
    cidx = (reg_lab[:, None, :, :] * COLOR_BINS + cbin).reshape(B * C, -1)
    ch = jax.vmap(lambda i: jax.ops.segment_sum(jnp.ones(i.shape, jnp.float32), i, num_segments=S * COLOR_BINS))(cidx)
    color_hist = ch.reshape(B, C, S, COLOR_BINS)
    color_hist = jnp.moveaxis(color_hist, 2, 1)  # [B, S, C, bins]
    color_hist = color_hist / color_hist.sum(axis=(-2, -1), keepdims=True)
    # texture histograms from Scharr gradient derivatives
    grads = _scharr_gradients(img255)
    derivs = jnp.concatenate([jnp.maximum(grads, 0.0), jnp.minimum(grads, 0.0)], axis=2)
    derivs = _normalize_min_max(derivs)
    D = derivs.shape[2]
    tbin = jnp.clip((derivs * (TEX_BINS - 1)).astype(jnp.int32), 0, TEX_BINS - 1)
    tidx = (reg_lab[:, None, None, :, :] * TEX_BINS + tbin).reshape(B * C * D, -1)
    th = jax.vmap(lambda i: jax.ops.segment_sum(jnp.ones(i.shape, jnp.float32), i, num_segments=S * TEX_BINS))(tidx)
    tex_hist = th.reshape(B, C, D, S, TEX_BINS)
    tex_hist = jnp.moveaxis(tex_hist, 3, 1)  # [B, S, C, D, tbins]
    tex_hist = tex_hist / tex_hist.sum(axis=(-3, -2, -1), keepdims=True)
    # per-region bounding boxes via segment min/max
    yy, xx = jnp.meshgrid(jnp.arange(H), jnp.arange(W), indexing='ij')
    yflat = yy.reshape(-1)
    xflat = xx.reshape(-1)

    def bbox_fn(l):
        ymin = jax.ops.segment_min(yflat, l, num_segments=S)
        ymax = jax.ops.segment_max(yflat, l, num_segments=S)
        xmin = jax.ops.segment_min(xflat, l, num_segments=S)
        xmax = jax.ops.segment_max(xflat, l, num_segments=S)
        return jnp.stack([xmin, ymin, xmax - xmin + 1, ymax - ymin + 1], axis=-1)

    xywh = jax.vmap(bbox_fn)(lab).astype(jnp.float32)
    # pairwise region affinities (histogram intersection + size + fill)
    color_aff = jnp.minimum(color_hist[:, :, None], color_hist[:, None, :]).sum(axis=(-2, -1))
    tex_aff = jnp.minimum(tex_hist[:, :, None], tex_hist[:, None, :]).sum(axis=(-3, -2, -1))
    size_aff = 1.0 - (region_sizes[:, :, None] + region_sizes[:, None, :]) / img_size
    x1 = jnp.minimum(xywh[:, :, None, 0], xywh[:, None, :, 0])
    y1 = jnp.minimum(xywh[:, :, None, 1], xywh[:, None, :, 1])
    x2 = jnp.maximum(xywh[:, :, None, 0] + xywh[:, :, None, 2] - 1, xywh[:, None, :, 0] + xywh[:, None, :, 2] - 1)
    y2 = jnp.maximum(xywh[:, :, None, 1] + xywh[:, :, None, 3] - 1, xywh[:, None, :, 1] + xywh[:, None, :, 3] - 1)
    merged = (x2 - x1 + 1.0) * (y2 - y1 + 1.0)
    fill_aff = 1.0 - (merged - region_sizes[:, :, None] - region_sizes[:, None, :]) / img_size
    return color_aff + tex_aff + size_aff + fill_aff


def setup_inputs(seed: int = 0):
    key = jax.random.key(seed)
    k1, k2 = jax.random.split(key)
    img = jax.random.uniform(k1, (4, 3, 384, 384), dtype=jnp.float32)
    reg_lab = jax.random.randint(k2, (4, 384, 384), 0, NUM_SEG, dtype=jnp.int32)
    return {"img": img, "reg_lab": reg_lab}


def reference(img, reg_lab):
    return _forward(img, reg_lab)

if __name__ == "__main__":
    import jax
    _d = setup_inputs()
    print(jax.jit(kernel)(*tuple(_d.values())))

</pallas_src>

<mosaic_0001>
#map = affine_map<(d0, d1) -> (0)>
#map1 = affine_map<(d0, d1) -> (0, 0)>
module attributes {stable_mosaic.version = 14 : i64} {
  func.func @_sc_body(%arg0: i32, %arg1: i32, %arg2: memref<1769472xi32, #tpu.memory_space<hbm>>, %arg3: memref<1769472xi32, #tpu.memory_space<hbm>>, %arg4: memref<589824xi32, #tpu.memory_space<hbm>>, %arg5: memref<24x50000xf32, #tpu.memory_space<hbm>>, %arg6: memref<24x20000xf32, #tpu.memory_space<hbm>>, %arg7: memref<24x2000xf32, #tpu.memory_space<hbm>>, %arg8: memref<4x76800xf32, #tpu.memory_space<hbm>>, %arg9: memref<4x76800xf32, #tpu.memory_space<hbm>>, %arg10: memref<2x4608xi32, #tpu.memory_space<vmem>>, %arg11: memref<2x4608xi32, #tpu.memory_space<vmem>>, %arg12: memref<72000xf32, #tpu.memory_space<vmem>>, %arg13: memref<!tpu.dma_semaphore, #tpu.memory_space<semaphore_mem>>, %arg14: memref<!tpu.dma_semaphore, #tpu.memory_space<semaphore_mem>>, %arg15: memref<!tpu.dma_semaphore, #tpu.memory_space<semaphore_mem>>, %arg16: memref<!tpu.dma_semaphore, #tpu.memory_space<semaphore_mem>>) attributes {dimension_semantics = [#tpu.dimension_semantics<core_parallel>, #tpu.dimension_semantics<subcore_parallel>], iteration_bounds = array<i64: 2, 16>, scalar_prefetch = 0 : i64, scratch_operands = 7 : i64, tpu.core_type = #tpu.core_type<sc_vector_subcore>, window_params = [{transform_indices = #map}, {transform_indices = #map}, {transform_indices = #map}, {transform_indices = #map1}, {transform_indices = #map1}, {transform_indices = #map1}, {transform_indices = #map1}, {transform_indices = #map1}]} {
    %mul3A = arith.constant 16 : i32
    %mul3A_0 = arith.muli %arg0, %mul3A : i32
    %add3A = arith.addi %mul3A_0, %arg1 : i32
    %lt3A = arith.constant 24 : i32
    %lt3A_1 = arith.cmpi slt, %add3A, %lt3A : i32
    %convert_element_type3A = arith.extui %lt3A_1 : i1 to i32
    %cond3A = arith.constant 0 : i32
    %cond3A_2 = arith.cmpi ne, %convert_element_type3A, %cond3A : i32
    scf.if %cond3A_2 {
      %shift_right_logical3A = arith.constant 1 : i32
      %shift_right_logical3A_14 = arith.shrui %add3A, %shift_right_logical3A : i32
      %and3A_15 = arith.constant 1 : i32
      %and3A_16 = arith.andi %add3A, %and3A_15 : i32
      %mul3A_17 = arith.constant 147456 : i32
      %mul3A_18 = arith.muli %shift_right_logical3A_14, %mul3A_17 : i32
      %mul3A_19 = arith.constant 73728 : i32
      %mul3A_20 = arith.muli %and3A_16, %mul3A_19 : i32
      %add3A_21 = arith.addi %mul3A_18, %mul3A_20 : i32
      %broadcast_in_dim3A = arith.constant 0.000000e+00 : f32
      %broadcast_in_dim3A_22 = vector.broadcast %broadcast_in_dim3A : f32 to vector<16xf32>
      %scan3A = arith.constant 0 : i32
      %scan3A_23 = arith.constant 0 : i32
      %scan3A_24 = arith.constant 562 : i32
      %scan3A_25 = arith.addi %scan3A_23, %scan3A_24 : i32
      %scan3A_26 = arith.constant 1 : i32
      %scan3A_27 = scf.for %scan3A_89 = %scan3A_23 to %scan3A_25 step %scan3A_26 iter_args(%scan3A_90 = %scan3A) -> (i32)  : i32 {
        %mul3A_91 = arith.constant 128 : i32
        %mul3A_92 = arith.muli %scan3A_89, %mul3A_91 : i32
        %add3A_93 = arith.constant 0 : i32
        %add3A_94 = arith.addi %mul3A_92, %add3A_93 : i32
        %swap3A_95 = arith.index_cast %add3A_94 : i32 to index
        %swap3A_96 = tpu.vector_load %arg12[%swap3A_95] {strides = array<i32>} : memref<72000xf32, #tpu.memory_space<vmem>>, vector<16xf32>,
        tpu.vector_store %arg12[%swap3A_95], %broadcast_in_dim3A_22 {strides = array<i32>} : memref<72000xf32, #tpu.memory_space<vmem>>, vector<16xf32>,
        %mul3A_97 = arith.constant 128 : i32
        %mul3A_98 = arith.muli %scan3A_89, %mul3A_97 : i32
        %add3A_99 = arith.constant 16 : i32
        %add3A_100 = arith.addi %mul3A_98, %add3A_99 : i32
        %swap3A_101 = arith.index_cast %add3A_100 : i32 to index
        %swap3A_102 = tpu.vector_load %arg12[%swap3A_101] {strides = array<i32>} : memref<72000xf32, #tpu.memory_space<vmem>>, vector<16xf32>,
        tpu.vector_store %arg12[%swap3A_101], %broadcast_in_dim3A_22 {strides = array<i32>} : memref<72000xf32, #tpu.memory_space<vmem>>, vector<16xf32>,
        %mul3A_103 = arith.constant 128 : i32
        %mul3A_104 = arith.muli %scan3A_89, %mul3A_103 : i32
        %add3A_105 = arith.constant 32 : i32
        %add3A_106 = arith.addi %mul3A_104, %add3A_105 : i32
        %swap3A_107 = arith.index_cast %add3A_106 : i32 to index
        %swap3A_108 = tpu.vector_load %arg12[%swap3A_107] {strides = array<i32>} : memref<72000xf32, #tpu.memory_space<vmem>>, vector<16xf32>,
        tpu.vector_store %arg12[%swap3A_107], %broadcast_in_dim3A_22 {strides = array<i32>} : memref<72000xf32, #tpu.memory_space<vmem>>, vector<16xf32>,
        %mul3A_109 = arith.constant 128 : i32
        %mul3A_110 = arith.muli %scan3A_89, %mul3A_109 : i32
        %add3A_111 = arith.constant 48 : i32
        %add3A_112 = arith.addi %mul3A_110, %add3A_111 : i32
        %swap3A_113 = arith.index_cast %add3A_112 : i32 to index
        %swap3A_114 = tpu.vector_load %arg12[%swap3A_113] {strides = array<i32>} : memref<72000xf32, #tpu.memory_space<vmem>>, vector<16xf32>,
        tpu.vector_store %arg12[%swap3A_113], %broadcast_in_dim3A_22 {strides = array<i32>} : memref<72000xf32, #tpu.memory_space<vmem>>, vector<16xf32>,
        %mul3A_115 = arith.constant 128 : i32
        %mul3A_116 = arith.muli %scan3A_89, %mul3A_115 : i32
        %add3A_117 = arith.constant 64 : i32
        %add3A_118 = arith.addi %mul3A_116, %add3A_117 : i32
        %swap3A_119 = arith.index_cast %add3A_118 : i32 to index
        %swap3A_120 = tpu.vector_load %arg12[%swap3A_119] {strides = array<i32>} : memref<72000xf32, #tpu.memory_space<vmem>>, vector<16xf32>,
        tpu.vector_store %arg12[%swap3A_119], %broadcast_in_dim3A_22 {strides = array<i32>} : memref<72000xf32, #tpu.memory_space<vmem>>, vector<16xf32>,
        %mul3A_121 = arith.constant 128 : i32
        %mul3A_122 = arith.muli %scan3A_89, %mul3A_121 : i32
        %add3A_123 = arith.constant 80 : i32
        %add3A_124 = arith.addi %mul3A_122, %add3A_123 : i32
        %swap3A_125 = arith.index_cast %add3A_124 : i32 to index
        %swap3A_126 = tpu.vector_load %arg12[%swap3A_125] {strides = array<i32>} : memref<72000xf32, #tpu.memory_space<vmem>>, vector<16xf32>,
        tpu.vector_store %arg12[%swap3A_125], %broadcast_in_dim3A_22 {strides = array<i32>} : memref<72000xf32, #tpu.memory_space<vmem>>, vector<16xf32>,
        %mul3A_127 = arith.constant 128 : i32
        %mul3A_128 = arith.muli %scan3A_89, %mul3A_127 : i32
        %add3A_129 = arith.constant 96 : i32
        %add3A_130 = arith.addi %mul3A_128, %add3A_129 : i32
        %swap3A_131 = arith.index_cast %add3A_130 : i32 to index
        %swap3A_132 = tpu.vector_load %arg12[%swap3A_131] {strides = array<i32>} : memref<72000xf32, #tpu.memory_space<vmem>>, vector<16xf32>,
        tpu.vector_store %arg12[%swap3A_131], %broadcast_in_dim3A_22 {strides = array<i32>} : memref<72000xf32, #tpu.memory_space<vmem>>, vector<16xf32>,
        %mul3A_133 = arith.constant 128 : i32
        %mul3A_134 = arith.muli %scan3A_89, %mul3A_133 : i32
        %add3A_135 = arith.constant 112 : i32
        %add3A_136 = arith.addi %mul3A_134, %add3A_135 : i32
        %swap3A_137 = arith.index_cast %add3A_136 : i32 to index
        %swap3A_138 = tpu.vector_load %arg12[%swap3A_137] {strides = array<i32>} : memref<72000xf32, #tpu.memory_space<vmem>>, vector<16xf32>,
        tpu.vector_store %arg12[%swap3A_137], %broadcast_in_dim3A_22 {strides = array<i32>} : memref<72000xf32, #tpu.memory_space<vmem>>, vector<16xf32>,
        %scan3A_139 = arith.constant 0 : i32
        scf.yield %scan3A_139 : i32
      }
      %scan3A_28 = arith.constant 562 : i32
      %swap3A = arith.constant 71936 : index
      %swap3A_29 = tpu.vector_load %arg12[%swap3A] {strides = array<i32>} : memref<72000xf32, #tpu.memory_space<vmem>>, vector<16xf32>,
      tpu.vector_store %arg12[%swap3A], %broadcast_in_dim3A_22 {strides = array<i32>} : memref<72000xf32, #tpu.memory_space<vmem>>, vector<16xf32>,
      %swap3A_30 = arith.constant 71952 : index
      %swap3A_31 = tpu.vector_load %arg12[%swap3A_30] {strides = array<i32>} : memref<72000xf32, #tpu.memory_space<vmem>>, vector<16xf32>,
      tpu.vector_store %arg12[%swap3A_30], %broadcast_in_dim3A_22 {strides = array<i32>} : memref<72000xf32, #tpu.memory_space<vmem>>, vector<16xf32>,
      %swap3A_32 = arith.constant 71968 : index
      %swap3A_33 = tpu.vector_load %arg12[%swap3A_32] {strides = array<i32>} : memref<72000xf32, #tpu.memory_space<vmem>>, vector<16xf32>,
      tpu.vector_store %arg12[%swap3A_32], %broadcast_in_dim3A_22 {strides = array<i32>} : memref<72000xf32, #tpu.memory_space<vmem>>, vector<16xf32>,
      %swap3A_34 = arith.constant 71984 : index
      %swap3A_35 = tpu.vector_load %arg12[%swap3A_34] {strides = array<i32>} : memref<72000xf32, #tpu.memory_space<vmem>>, vector<16xf32>,
      tpu.vector_store %arg12[%swap3A_34], %broadcast_in_dim3A_22 {strides = array<i32>} : memref<72000xf32, #tpu.memory_space<vmem>>, vector<16xf32>,
      %broadcast_in_dim3A_36 = arith.constant 1.000000e+00 : f32
      %broadcast_in_dim3A_37 = vector.broadcast %broadcast_in_dim3A_36 : f32 to vector<16xf32>
      %add3A_38 = arith.constant 0 : i32
      %add3A_39 = arith.addi %add3A_21, %add3A_38 : i32
      %dma_start3A = arith.constant 0 : i32
      %dma_start3A_40 = arith.constant 0 : i32
      %dma_start3A_41 = tpu.memref_slice %arg10[%dma_start3A, %dma_start3A_40] : memref<2x4608xi32, #tpu.memory_space<vmem>> -> memref<1x4608xi32, #tpu.memory_space<vmem>>
      %dma_start3A_42 = tpu.memref_squeeze %dma_start3A_41 : memref<1x4608xi32, #tpu.memory_space<vmem>> -> memref<4608xi32, #tpu.memory_space<vmem>>
      %dma_start3A_43 = tpu.memref_slice %arg2[%add3A_39] : memref<1769472xi32, #tpu.memory_space<hbm>> -> memref<4608xi32, #tpu.memory_space<hbm>>
      %dma_start3A_44 = arith.constant 0 : i32
      %dma_start3A_45 = tpu.memref_slice %arg10[%dma_start3A, %dma_start3A_44] : memref<2x4608xi32, #tpu.memory_space<vmem>> -> memref<1x4608xi32, #tpu.memory_space<vmem>>
      %dma_start3A_46 = tpu.memref_squeeze %dma_start3A_45 : memref<1x4608xi32, #tpu.memory_space<vmem>> -> memref<4608xi32, #tpu.memory_space<vmem>>
      %dma_start3A_47 = tpu.memref_slice %arg2[%add3A_39] : memref<1769472xi32, #tpu.memory_space<hbm>> -> memref<4608xi32, #tpu.memory_space<hbm>>
      tpu.enqueue_dma source(%dma_start3A_47 : memref<4608xi32, #tpu.memory_space<hbm>>) target(%dma_start3A_46 : memref<4608xi32, #tpu.memory_space<vmem>>) target_semaphore(%arg13 : memref<!tpu.dma_semaphore, #tpu.memory_space<semaphore_mem>>)
      %add3A_48 = arith.constant 0 : i32
      %add3A_49 = arith.addi %add3A_21, %add3A_48 : i32
      %dma_start3A_50 = arith.constant 0 : i32
      %dma_start3A_51 = arith.constant 0 : i32
      %dma_start3A_52 = tpu.memref_slice %arg11[%dma_start3A_50, %dma_start3A_51] : memref<2x4608xi32, #tpu.memory_space<vmem>> -> memref<1x4608xi32, #tpu.memory_space<vmem>>
      %dma_start3A_53 = tpu.memref_squeeze %dma_start3A_52 : memref<1x4608xi32, #tpu.memory_space<vmem>> -> memref<4608xi32, #tpu.memory_space<vmem>>
      %dma_start3A_54 = tpu.memref_slice %arg3[%add3A_49] : memref<1769472xi32, #tpu.memory_space<hbm>> -> memref<4608xi32, #tpu.memory_space<hbm>>
      %dma_start3A_55 = arith.constant 0 : i32
      %dma_start3A_56 = tpu.memref_slice %arg11[%dma_start3A_50, %dma_start3A_55] : memref<2x4608xi32, #tpu.memory_space<vmem>> -> memref<1x4608xi32, #tpu.memory_space<vmem>>
      %dma_start3A_57 = tpu.memref_squeeze %dma_start3A_56 : memref<1x4608xi32, #tpu.memory_space<vmem>> -> memref<4608xi32, #tpu.memory_space<vmem>>
      %dma_start3A_58 = tpu.memref_slice %arg3[%add3A_49] : memref<1769472xi32, #tpu.memory_space<hbm>> -> memref<4608xi32, #tpu.memory_space<hbm>>
      tpu.enqueue_dma source(%dma_start3A_58 : memref<4608xi32, #tpu.memory_space<hbm>>) target(%dma_start3A_57 : memref<4608xi32, #tpu.memory_space<vmem>>) target_semaphore(%arg15 : memref<!tpu.dma_semaphore, #tpu.memory_space<semaphore_mem>>)
      %add3A_59 = arith.constant 4608 : i32
      %add3A_60 = arith.addi %add3A_21, %add3A_59 : i32
      %dma_start3A_61 = arith.constant 1 : i32
      %dma_start3A_62 = arith.constant 0 : i32
      %dma_start3A_63 = tpu.memref_slice %arg10[%dma_start3A_61, %dma_start3A_62] : memref<2x4608xi32, #tpu.memory_space<vmem>> -> memref<1x4608xi32, #tpu.memory_space<vmem>>
      %dma_start3A_64 = tpu.memref_squeeze %dma_start3A_63 : memref<1x4608xi32, #tpu.memory_space<vmem>> -> memref<4608xi32, #tpu.memory_space<vmem>>
      %dma_start3A_65 = tpu.memref_slice %arg2[%add3A_60] : memref<1769472xi32, #tpu.memory_space<hbm>> -> memref<4608xi32, #tpu.memory_space<hbm>>
      %dma_start3A_66 = arith.constant 0 : i32
      %dma_start3A_67 = tpu.memref_slice %arg10[%dma_start3A_61, %dma_start3A_66] : memref<2x4608xi32, #tpu.memory_space<vmem>> -> memref<1x4608xi32, #tpu.memory_space<vmem>>
      %dma_start3A_68 = tpu.memref_squeeze %dma_start3A_67 : memref<1x4608xi32, #tpu.memory_space<vmem>> -> memref<4608xi32, #tpu.memory_space<vmem>>
      %dma_start3A_69 = tpu.memref_slice %arg2[%add3A_60] : memref<1769472xi32, #tpu.memory_space<hbm>> -> memref<4608xi32, #tpu.memory_space<hbm>>
      tpu.enqueue_dma source(%dma_start3A_69 : memref<4608xi32, #tpu.memory_space<hbm>>) target(%dma_start3A_68 : memref<4608xi32, #tpu.memory_space<vmem>>) target_semaphore(%arg14 : memref<!tpu.dma_semaphore, #tpu.memory_space<semaphore_mem>>)
      %add3A_70 = arith.constant 4608 : i32
      %add3A_71 = arith.addi %add3A_21, %add3A_70 : i32
      %dma_start3A_72 = arith.constant 1 : i32
      %dma_start3A_73 = arith.constant 0 : i32
      %dma_start3A_74 = tpu.memref_slice %arg11[%dma_start3A_72, %dma_start3A_73] : memref<2x4608xi32, #tpu.memory_space<vmem>> -> memref<1x4608xi32, #tpu.memory_space<vmem>>
      %dma_start3A_75 = tpu.memref_squeeze %dma_start3A_74 : memref<1x4608xi32, #tpu.memory_space<vmem>> -> memref<4608xi32, #tpu.memory_space<vmem>>
      %dma_start3A_76 = tpu.memref_slice %arg3[%add3A_71] : memref<1769472xi32, #tpu.memory_space<hbm>> -> memref<4608xi32, #tpu.memory_space<hbm>>
      %dma_start3A_77 = arith.constant 0 : i32
      %dma_start3A_78 = tpu.memref_slice %arg11[%dma_start3A_72, %dma_start3A_77] : memref<2x4608xi32, #tpu.memory_space<vmem>> -> memref<1x4608xi32, #tpu.memory_space<vmem>>
      %dma_start3A_79 = tpu.memref_squeeze %dma_start3A_78 : memref<1x4608xi32, #tpu.memory_space<vmem>> -> memref<4608xi32, #tpu.memory_space<vmem>>
      %dma_start3A_80 = tpu.memref_slice %arg3[%add3A_71] : memref<1769472xi32, #tpu.memory_space<hbm>> -> memref<4608xi32, #tpu.memory_space<hbm>>
      tpu.enqueue_dma source(%dma_start3A_80 : memref<4608xi32, #tpu.memory_space<hbm>>) target(%dma_start3A_79 : memref<4608xi32, #tpu.memory_space<vmem>>) target_semaphore(%arg16 : memref<!tpu.dma_semaphore, #tpu.memory_space<semaphore_mem>>)
      %scan3A_81 = arith.constant 32767 : i32
      %scan3A_82 = arith.constant 50000 : i32
      %scan3A_83 = arith.constant 70000 : i32
      %scan3A_84 = arith.constant 0 : i32
      %scan3A_85 = arith.constant 8 : i32
      %scan3A_86 = arith.addi %scan3A_84, %scan3A_85 : i32
      %scan3A_87 = arith.constant 1 : i32
      scf.for %scan3A_89 = %scan3A_84 to %scan3A_86 step %scan3A_87  : i32 {
        %mul3A_90 = arith.constant 2 : i32
        %mul3A_91 = arith.muli %scan3A_89, %mul3A_90 : i32
        %add3A_92 = arith.constant 0 : i32
        %add3A_93 = arith.addi %add3A_92, %mul3A_91 : i32
        %mul3A_94 = arith.constant 4608 : i32
        %mul3A_95 = arith.muli %add3A_93, %mul3A_94 : i32
        %add3A_96 = arith.addi %add3A_21, %mul3A_95 : i32
        %dma_wait3A = arith.constant 0 : i32
        %dma_wait3A_97 = arith.constant 0 : i32
        %dma_wait3A_98 = tpu.memref_slice %arg10[%dma_wait3A, %dma_wait3A_97] : memref<2x4608xi32, #tpu.memory_space<vmem>> -> memref<1x4608xi32, #tpu.memory_space<vmem>>
        %dma_wait3A_99 = tpu.memref_squeeze %dma_wait3A_98 : memref<1x4608xi32, #tpu.memory_space<vmem>> -> memref<4608xi32, #tpu.memory_space<vmem>>
        %dma_wait3A_100 = tpu.memref_slice %arg2[%add3A_96] : memref<1769472xi32, #tpu.memory_space<hbm>> -> memref<4608xi32, #tpu.memory_space<hbm>>
        %dma_wait3A_101 = arith.constant 0 : i32
        %dma_wait3A_102 = tpu.memref_slice %arg10[%dma_wait3A, %dma_wait3A_101] : memref<2x4608xi32, #tpu.memory_space<vmem>> -> memref<1x4608xi32, #tpu.memory_space<vmem>>
        %dma_wait3A_103 = tpu.memref_squeeze %dma_wait3A_102 : memref<1x4608xi32, #tpu.memory_space<vmem>> -> memref<4608xi32, #tpu.memory_space<vmem>>
        %dma_wait3A_104 = tpu.memref_slice %arg2[%add3A_96] : memref<1769472xi32, #tpu.memory_space<hbm>> -> memref<4608xi32, #tpu.memory_space<hbm>>
        tpu.wait_dma2 semaphore(%arg13 : memref<!tpu.dma_semaphore, #tpu.memory_space<semaphore_mem>>) src(%dma_wait3A_104 : memref<4608xi32, #tpu.memory_space<hbm>>) dst(%dma_wait3A_103 : memref<4608xi32, #tpu.memory_space<vmem>>)
        %mul3A_105 = arith.constant 4608 : i32
        %mul3A_106 = arith.muli %add3A_93, %mul3A_105 : i32
        %add3A_107 = arith.addi %add3A_21, %mul3A_106 : i32
        %dma_wait3A_108 = arith.constant 0 : i32
        %dma_wait3A_109 = arith.constant 0 : i32
        %dma_wait3A_110 = tpu.memref_slice %arg11[%dma_wait3A_108, %dma_wait3A_109] : memref<2x4608xi32, #tpu.memory_space<vmem>> -> memref<1x4608xi32, #tpu.memory_space<vmem>>
        %dma_wait3A_111 = tpu.memref_squeeze %dma_wait3A_110 : memref<1x4608xi32, #tpu.memory_space<vmem>> -> memref<4608xi32, #tpu.memory_space<vmem>>
        %dma_wait3A_112 = tpu.memref_slice %arg3[%add3A_107] : memref<1769472xi32, #tpu.memory_space<hbm>> -> memref<4608xi32, #tpu.memory_space<hbm>>
        %dma_wait3A_113 = arith.constant 0 : i32
        %dma_wait3A_114 = tpu.memref_slice %arg11[%dma_wait3A_108, %dma_wait3A_113] : memref<2x4608xi32, #tpu.memory_space<vmem>> -> memref<1x4608xi32, #tpu.memory_space<vmem>>
        %dma_wait3A_115 = tpu.memref_squeeze %dma_wait3A_114 : memref<1x4608xi32, #tpu.memory_space<vmem>> -> memref<4608xi32, #tpu.memory_space<vmem>>
        %dma_wait3A_116 = tpu.memref_slice %arg3[%add3A_107] : memref<1769472xi32, #tpu.memory_space<hbm>> -> memref<4608xi32, #tpu.memory_space<hbm>>
        tpu.wait_dma2 semaphore(%arg15 : memref<!tpu.dma_semaphore, #tpu.memory_space<semaphore_mem>>) src(%dma_wait3A_116 : memref<4608xi32, #tpu.memory_space<hbm>>) dst(%dma_wait3A_115 : memref<4608xi32, #tpu.memory_space<vmem>>)
        %add3A_117 = arith.constant 2 : i32
        %add3A_118 = arith.addi %add3A_93, %add3A_117 : i32
        %lt3A_119 = arith.constant 16 : i32
        %lt3A_120 = arith.cmpi slt, %add3A_118, %lt3A_119 : i32
        %convert_element_type3A_121 = arith.extui %lt3A_120 : i1 to i32
        %cond3A_122 = arith.constant 0 : i32
        %cond3A_123 = arith.cmpi ne, %convert_element_type3A_121, %cond3A_122 : i32
        scf.if %cond3A_123 {
          %add3A_171 = arith.constant 2 : i32
          %add3A_172 = arith.addi %add3A_93, %add3A_171 : i32
          %mul3A_173 = arith.constant 4608 : i32
          %mul3A_174 = arith.muli %add3A_172, %mul3A_173 : i32
          %add3A_175 = arith.addi %add3A_21, %mul3A_174 : i32
          %dma_start3A_176 = arith.constant 0 : i32
          %dma_start3A_177 = arith.constant 0 : i32
          %dma_start3A_178 = tpu.memref_slice %arg10[%dma_start3A_176, %dma_start3A_177] : memref<2x4608xi32, #tpu.memory_space<vmem>> -> memref<1x4608xi32, #tpu.memory_space<vmem>>
          %dma_start3A_179 = tpu.memref_squeeze %dma_start3A_178 : memref<1x4608xi32, #tpu.memory_space<vmem>> -> memref<4608xi32, #tpu.memory_space<vmem>>
          %dma_start3A_180 = tpu.memref_slice %arg2[%add3A_175] : memref<1769472xi32, #tpu.memory_space<hbm>> -> memref<4608xi32, #tpu.memory_space<hbm>>
          %dma_start3A_181 = arith.constant 0 : i32
          %dma_start3A_182 = tpu.memref_slice %arg10[%dma_start3A_176, %dma_start3A_181] : memref<2x4608xi32, #tpu.memory_space<vmem>> -> memref<1x4608xi32, #tpu.memory_space<vmem>>
          %dma_start3A_183 = tpu.memref_squeeze %dma_start3A_182 : memref<1x4608xi32, #tpu.memory_space<vmem>> -> memref<4608xi32, #tpu.memory_space<vmem>>
          %dma_start3A_184 = tpu.memref_slice %arg2[%add3A_175] : memref<1769472xi32, #tpu.memory_space<hbm>> -> memref<4608xi32, #tpu.memory_space<hbm>>
          tpu.enqueue_dma source(%dma_start3A_184 : memref<4608xi32, #tpu.memory_space<hbm>>) target(%dma_start3A_183 : memref<4608xi32, #tpu.memory_space<vmem>>) target_semaphore(%arg13 : memref<!tpu.dma_semaphore, #tpu.memory_space<semaphore_mem>>)
          %mul3A_185 = arith.constant 4608 : i32
          %mul3A_186 = arith.muli %add3A_172, %mul3A_185 : i32
          %add3A_187 = arith.addi %add3A_21, %mul3A_186 : i32
          %dma_start3A_188 = arith.constant 0 : i32
          %dma_start3A_189 = arith.constant 0 : i32
          %dma_start3A_190 = tpu.memref_slice %arg11[%dma_start3A_188, %dma_start3A_189] : memref<2x4608xi32, #tpu.memory_space<vmem>> -> memref<1x4608xi32, #tpu.memory_space<vmem>>
          %dma_start3A_191 = tpu.memref_squeeze %dma_start3A_190 : memref<1x4608xi32, #tpu.memory_space<vmem>> -> memref<4608xi32, #tpu.memory_space<vmem>>
          %dma_start3A_192 = tpu.memref_slice %arg3[%add3A_187] : memref<1769472xi32, #tpu.memory_space<hbm>> -> memref<4608xi32, #tpu.memory_space<hbm>>
          %dma_start3A_193 = arith.constant 0 : i32
          %dma_start3A_194 = tpu.memref_slice %arg11[%dma_start3A_188, %dma_start3A_193] : memref<2x4608xi32, #tpu.memory_space<vmem>> -> memref<1x4608xi32, #tpu.memory_space<vmem>>
          %dma_start3A_195 = tpu.memref_squeeze %dma_start3A_194 : memref<1x4608xi32, #tpu.memory_space<vmem>> -> memref<4608xi32, #tpu.memory_space<vmem>>
          %dma_start3A_196 = tpu.memref_slice %arg3[%add3A_187] : memref<1769472xi32, #tpu.memory_space<hbm>> -> memref<4608xi32, #tpu.memory_space<hbm>>
          tpu.enqueue_dma source(%dma_start3A_196 : memref<4608xi32, #tpu.memory_space<hbm>>) target(%dma_start3A_195 : memref<4608xi32, #tpu.memory_space<vmem>>) target_semaphore(%arg15 : memref<!tpu.dma_semaphore, #tpu.memory_space<semaphore_mem>>)
        } else {
        }
        %scan3A_124 = arith.constant 0 : i32
        %scan3A_125 = arith.constant 0 : i32
        %scan3A_126 = arith.constant 72 : i32
        %scan3A_127 = arith.addi %scan3A_125, %scan3A_126 : i32
        %scan3A_128 = arith.constant 1 : i32
        %scan3A_129 = scf.for %scan3A_171 = %scan3A_125 to %scan3A_127 step %scan3A_128 iter_args(%scan3A_172 = %scan3A_124) -> (i32)  : i32 {
          %mul3A_173 = arith.constant 64 : i32
          %mul3A_174 = arith.muli %scan3A_171, %mul3A_173 : i32
          %add3A_175 = arith.constant 0 : i32
          %add3A_176 = arith.addi %mul3A_174, %add3A_175 : i32
          %get3A = arith.constant 0 : i32
          %get3A_177 = arith.index_cast %get3A : i32 to index
          %get3A_178 = arith.index_cast %add3A_176 : i32 to index
          %get3A_179 = tpu.vector_load %arg10[%get3A_177, %get3A_178] {strides = array<i32>} : memref<2x4608xi32, #tpu.memory_space<vmem>>, vector<16xi32>,
          %mul3A_180 = arith.constant 64 : i32
          %mul3A_181 = arith.muli %scan3A_171, %mul3A_180 : i32
          %add3A_182 = arith.constant 16 : i32
          %add3A_183 = arith.addi %mul3A_181, %add3A_182 : i32
          %get3A_184 = arith.constant 0 : i32
          %get3A_185 = arith.index_cast %get3A_184 : i32 to index
          %get3A_186 = arith.index_cast %add3A_183 : i32 to index
          %get3A_187 = tpu.vector_load %arg10[%get3A_185, %get3A_186] {strides = array<i32>} : memref<2x4608xi32, #tpu.memory_space<vmem>>, vector<16xi32>,
          %mul3A_188 = arith.constant 64 : i32
          %mul3A_189 = arith.muli %scan3A_171, %mul3A_188 : i32
          %add3A_190 = arith.constant 32 : i32
          %add3A_191 = arith.addi %mul3A_189, %add3A_190 : i32
          %get3A_192 = arith.constant 0 : i32
          %get3A_193 = arith.index_cast %get3A_192 : i32 to index
          %get3A_194 = arith.index_cast %add3A_191 : i32 to index
          %get3A_195 = tpu.vector_load %arg10[%get3A_193, %get3A_194] {strides = array<i32>} : memref<2x4608xi32, #tpu.memory_space<vmem>>, vector<16xi32>,
          %mul3A_196 = arith.constant 64 : i32
          %mul3A_197 = arith.muli %scan3A_171, %mul3A_196 : i32
          %add3A_198 = arith.constant 48 : i32
          %add3A_199 = arith.addi %mul3A_197, %add3A_198 : i32
          %get3A_200 = arith.constant 0 : i32
          %get3A_201 = arith.index_cast %get3A_200 : i32 to index
          %get3A_202 = arith.index_cast %add3A_199 : i32 to index
          %get3A_203 = tpu.vector_load %arg10[%get3A_201, %get3A_202] {strides = array<i32>} : memref<2x4608xi32, #tpu.memory_space<vmem>>, vector<16xi32>,
          %mul3A_204 = arith.constant 64 : i32
          %mul3A_205 = arith.muli %scan3A_171, %mul3A_204 : i32
          %add3A_206 = arith.constant 0 : i32
          %add3A_207 = arith.addi %mul3A_205, %add3A_206 : i32
          %get3A_208 = arith.constant 0 : i32
          %get3A_209 = arith.index_cast %get3A_208 : i32 to index
          %get3A_210 = arith.index_cast %add3A_207 : i32 to index
          %get3A_211 = tpu.vector_load %arg11[%get3A_209, %get3A_210] {strides = array<i32>} : memref<2x4608xi32, #tpu.memory_space<vmem>>, vector<16xi32>,
          %mul3A_212 = arith.constant 64 : i32
          %mul3A_213 = arith.muli %scan3A_171, %mul3A_212 : i32
          %add3A_214 = arith.constant 16 : i32
          %add3A_215 = arith.addi %mul3A_213, %add3A_214 : i32
          %get3A_216 = arith.constant 0 : i32
          %get3A_217 = arith.index_cast %get3A_216 : i32 to index
          %get3A_218 = arith.index_cast %add3A_215 : i32 to index
          %get3A_219 = tpu.vector_load %arg11[%get3A_217, %get3A_218] {strides = array<i32>} : memref<2x4608xi32, #tpu.memory_space<vmem>>, vector<16xi32>,
          %mul3A_220 = arith.constant 64 : i32
          %mul3A_221 = arith.muli %scan3A_171, %mul3A_220 : i32
          %add3A_222 = arith.constant 32 : i32
          %add3A_223 = arith.addi %mul3A_221, %add3A_222 : i32
          %get3A_224 = arith.constant 0 : i32
          %get3A_225 = arith.index_cast %get3A_224 : i32 to index
          %get3A_226 = arith.index_cast %add3A_223 : i32 to index
          %get3A_227 = tpu.vector_load %arg11[%get3A_225, %get3A_226] {strides = array<i32>} : memref<2x4608xi32, #tpu.memory_space<vmem>>, vector<16xi32>,
          %mul3A_228 = arith.constant 64 : i32
          %mul3A_229 = arith.muli %scan3A_171, %mul3A_228 : i32
          %add3A_230 = arith.constant 48 : i32
          %add3A_231 = arith.addi %mul3A_229, %add3A_230 : i32
          %get3A_232 = arith.constant 0 : i32
          %get3A_233 = arith.index_cast %get3A_232 : i32 to index
          %get3A_234 = arith.index_cast %add3A_231 : i32 to index
          %get3A_235 = tpu.vector_load %arg11[%get3A_233, %get3A_234] {strides = array<i32>} : memref<2x4608xi32, #tpu.memory_space<vmem>>, vector<16xi32>,
          %and3A_236 = vector.broadcast %scan3A_81 : i32 to vector<16xi32>
          %and3A_237 = arith.andi %get3A_211, %and3A_236 : vector<16xi32>
          %add3A_238 = vector.broadcast %scan3A_82 : i32 to vector<16xi32>
          %add3A_239 = arith.addi %and3A_237, %add3A_238 : vector<16xi32>
          %and3A_240 = vector.broadcast %scan3A_81 : i32 to vector<16xi32>
          %and3A_241 = arith.andi %get3A_219, %and3A_240 : vector<16xi32>
          %add3A_242 = vector.broadcast %scan3A_82 : i32 to vector<16xi32>
          %add3A_243 = arith.addi %and3A_241, %add3A_242 : vector<16xi32>
          %and3A_244 = vector.broadcast %scan3A_81 : i32 to vector<16xi32>
          %and3A_245 = arith.andi %get3A_227, %and3A_244 : vector<16xi32>
          %add3A_246 = vector.broadcast %scan3A_82 : i32 to vector<16xi32>
          %add3A_247 = arith.addi %and3A_245, %add3A_246 : vector<16xi32>
          %and3A_248 = vector.broadcast %scan3A_81 : i32 to vector<16xi32>
          %and3A_249 = arith.andi %get3A_235, %and3A_248 : vector<16xi32>
          %add3A_250 = vector.broadcast %scan3A_82 : i32 to vector<16xi32>
          %add3A_251 = arith.addi %and3A_249, %add3A_250 : vector<16xi32>
          %shift_right_logical3A_252 = arith.constant 17 : i32
          %shift_right_logical3A_253 = vector.broadcast %shift_right_logical3A_252 : i32 to vector<16xi32>
          %shift_right_logical3A_254 = arith.shrui %get3A_211, %shift_right_logical3A_253 : vector<16xi32>
          %add3A_255 = vector.broadcast %scan3A_83 : i32 to vector<16xi32>
          %add3A_256 = arith.addi %shift_right_logical3A_254, %add3A_255 : vector<16xi32>
          %shift_right_logical3A_257 = arith.constant 17 : i32
          %shift_right_logical3A_258 = vector.broadcast %shift_right_logical3A_257 : i32 to vector<16xi32>
          %shift_right_logical3A_259 = arith.shrui %get3A_219, %shift_right_logical3A_258 : vector<16xi32>
          %add3A_260 = vector.broadcast %scan3A_83 : i32 to vector<16xi32>
          %add3A_261 = arith.addi %shift_right_logical3A_259, %add3A_260 : vector<16xi32>
          %shift_right_logical3A_262 = arith.constant 17 : i32
          %shift_right_logical3A_263 = vector.broadcast %shift_right_logical3A_262 : i32 to vector<16xi32>
          %shift_right_logical3A_264 = arith.shrui %get3A_227, %shift_right_logical3A_263 : vector<16xi32>
          %add3A_265 = vector.broadcast %scan3A_83 : i32 to vector<16xi32>
          %add3A_266 = arith.addi %shift_right_logical3A_264, %add3A_265 : vector<16xi32>
          %shift_right_logical3A_267 = arith.constant 17 : i32
          %shift_right_logical3A_268 = vector.broadcast %shift_right_logical3A_267 : i32 to vector<16xi32>
          %shift_right_logical3A_269 = arith.shrui %get3A_235, %shift_right_logical3A_268 : vector<16xi32>
          %add3A_270 = vector.broadcast %scan3A_83 : i32 to vector<16xi32>
          %add3A_271 = arith.addi %shift_right_logical3A_269, %add3A_270 : vector<16xi32>
          tpu.vector_store_idx %arg12[%get3A_179], %broadcast_in_dim3A_37 {add = true} : memref<72000xf32, #tpu.memory_space<vmem>>[vector<16xi32>], vector<16xf32>,
          tpu.vector_store_idx %arg12[%add3A_239], %broadcast_in_dim3A_37 {add = true} : memref<72000xf32, #tpu.memory_space<vmem>>[vector<16xi32>], vector<16xf32>,
          tpu.vector_store_idx %arg12[%add3A_256], %broadcast_in_dim3A_37 {add = true} : memref<72000xf32, #tpu.memory_space<vmem>>[vector<16xi32>], vector<16xf32>,
          tpu.vector_store_idx %arg12[%get3A_187], %broadcast_in_dim3A_37 {add = true} : memref<72000xf32, #tpu.memory_space<vmem>>[vector<16xi32>], vector<16xf32>,
          tpu.vector_store_idx %arg12[%add3A_243], %broadcast_in_dim3A_37 {add = true} : memref<72000xf32, #tpu.memory_space<vmem>>[vector<16xi32>], vector<16xf32>,
          tpu.vector_store_idx %arg12[%add3A_261], %broadcast_in_dim3A_37 {add = true} : memref<72000xf32, #tpu.memory_space<vmem>>[vector<16xi32>], vector<16xf32>,
          tpu.vector_store_idx %arg12[%get3A_195], %broadcast_in_dim3A_37 {add = true} : memref<72000xf32, #tpu.memory_space<vmem>>[vector<16xi32>], vector<16xf32>,
          tpu.vector_store_idx %arg12[%add3A_247], %broadcast_in_dim3A_37 {add = true} : memref<72000xf32, #tpu.memory_space<vmem>>[vector<16xi32>], vector<16xf32>,
          tpu.vector_store_idx %arg12[%add3A_266], %broadcast_in_dim3A_37 {add = true} : memref<72000xf32, #tpu.memory_space<vmem>>[vector<16xi32>], vector<16xf32>,
          tpu.vector_store_idx %arg12[%get3A_203], %broadcast_in_dim3A_37 {add = true} : memref<72000xf32, #tpu.memory_space<vmem>>[vector<16xi32>], vector<16xf32>,
          tpu.vector_store_idx %arg12[%add3A_251], %broadcast_in_dim3A_37 {add = true} : memref<72000xf32, #tpu.memory_space<vmem>>[vector<16xi32>], vector<16xf32>,
          tpu.vector_store_idx %arg12[%add3A_271], %broadcast_in_dim3A_37 {add = true} : memref<72000xf32, #tpu.memory_space<vmem>>[vector<16xi32>], vector<16xf32>,
          %scan3A_272 = arith.constant 0 : i32
          scf.yield %scan3A_272 : i32
        }
        %scan3A_130 = arith.constant 72 : i32
        %add3A_131 = arith.constant 1 : i32
        %add3A_132 = arith.addi %add3A_93, %add3A_131 : i32
        %mul3A_133 = arith.constant 4608 : i32
        %mul3A_134 = arith.muli %add3A_132, %mul3A_133 : i32
        %add3A_135 = arith.addi %add3A_21, %mul3A_134 : i32
        %dma_wait3A_136 = arith.constant 1 : i32
        %dma_wait3A_137 = arith.constant 0 : i32
        %dma_wait3A_138 = tpu.memref_slice %arg10[%dma_wait3A_136, %dma_wait3A_137] : memref<2x4608xi32, #tpu.memory_space<vmem>> -> memref<1x4608xi32, #tpu.memory_space<vmem>>
        %dma_wait3A_139 = tpu.memref_squeeze %dma_wait3A_138 : memref<1x4608xi32, #tpu.memory_space<vmem>> -> memref<4608xi32, #tpu.memory_space<vmem>>
        %dma_wait3A_140 = tpu.memref_slice %arg2[%add3A_135] : memref<1769472xi32, #tpu.memory_space<hbm>> -> memref<4608xi32, #tpu.memory_space<hbm>>
        %dma_wait3A_141 = arith.constant 0 : i32
        %dma_wait3A_142 = tpu.memref_slice %arg10[%dma_wait3A_136, %dma_wait3A_141] : memref<2x4608xi32, #tpu.memory_space<vmem>> -> memref<1x4608xi32, #tpu.memory_space<vmem>>
        %dma_wait3A_143 = tpu.memref_squeeze %dma_wait3A_142 : memref<1x4608xi32, #tpu.memory_space<vmem>> -> memref<4608xi32, #tpu.memory_space<vmem>>
        %dma_wait3A_144 = tpu.memref_slice %arg2[%add3A_135] : memref<1769472xi32, #tpu.memory_space<hbm>> -> memref<4608xi32, #tpu.memory_space<hbm>>
        tpu.wait_dma2 semaphore(%arg14 : memref<!tpu.dma_semaphore, #tpu.memory_space<semaphore_mem>>) src(%dma_wait3A_144 : memref<4608xi32, #tpu.memory_space<hbm>>) dst(%dma_wait3A_143 : memref<4608xi32, #tpu.memory_space<vmem>>)
        %mul3A_145 = arith.constant 4608 : i32
        %mul3A_146 = arith.muli %add3A_132, %mul3A_145 : i32
        %add3A_147 = arith.addi %add3A_21, %mul3A_146 : i32
        %dma_wait3A_148 = arith.constant 1 : i32
        %dma_wait3A_149 = arith.constant 0 : i32
        %dma_wait3A_150 = tpu.memref_slice %arg11[%dma_wait3A_148, %dma_wait3A_149] : memref<2x4608xi32, #tpu.memory_space<vmem>> -> memref<1x4608xi32, #tpu.memory_space<vmem>>
        %dma_wait3A_151 = tpu.memref_squeeze %dma_wait3A_150 : memref<1x4608xi32, #tpu.memory_space<vmem>> -> memref<4608xi32, #tpu.memory_space<vmem>>
        %dma_wait3A_152 = tpu.memref_slice %arg3[%add3A_147] : memref<1769472xi32, #tpu.memory_space<hbm>> -> memref<4608xi32, #tpu.memory_space<hbm>>
        %dma_wait3A_153 = arith.constant 0 : i32
        %dma_wait3A_154 = tpu.memref_slice %arg11[%dma_wait3A_148, %dma_wait3A_153] : memref<2x4608xi32, #tpu.memory_space<vmem>> -> memref<1x4608xi32, #tpu.memory_space<vmem>>
        %dma_wait3A_155 = tpu.memref_squeeze %dma_wait3A_154 : memref<1x4608xi32, #tpu.memory_space<vmem>> -> memref<4608xi32, #tpu.memory_space<vmem>>
        %dma_wait3A_156 = tpu.memref_slice %arg3[%add3A_147] : memref<1769472xi32, #tpu.memory_space<hbm>> -> memref<4608xi32, #tpu.memory_space<hbm>>
        tpu.wait_dma2 semaphore(%arg16 : memref<!tpu.dma_semaphore, #tpu.memory_space<semaphore_mem>>) src(%dma_wait3A_156 : memref<4608xi32, #tpu.memory_space<hbm>>) dst(%dma_wait3A_155 : memref<4608xi32, #tpu.memory_space<vmem>>)
        %add3A_157 = arith.constant 2 : i32
        %add3A_158 = arith.addi %add3A_132, %add3A_157 : i32
        %lt3A_159 = arith.constant 16 : i32
        %lt3A_160 = arith.cmpi slt, %add3A_158, %lt3A_159 : i32
        %convert_element_type3A_161 = arith.extui %lt3A_160 : i1 to i32
        %cond3A_162 = arith.constant 0 : i32
        %cond3A_163 = arith.cmpi ne, %convert_element_type3A_161, %cond3A_162 : i32
        scf.if %cond3A_163 {
          %add3A_171 = arith.constant 2 : i32
          %add3A_172 = arith.addi %add3A_132, %add3A_171 : i32
          %mul3A_173 = arith.constant 4608 : i32
          %mul3A_174 = arith.muli %add3A_172, %mul3A_173 : i32
          %add3A_175 = arith.addi %add3A_21, %mul3A_174 : i32
          %dma_start3A_176 = arith.constant 1 : i32
          %dma_start3A_177 = arith.constant 0 : i32
          %dma_start3A_178 = tpu.memref_slice %arg10[%dma_start3A_176, %dma_start3A_177] : memref<2x4608xi32, #tpu.memory_space<vmem>> -> memref<1x4608xi32, #tpu.memory_space<vmem>>
          %dma_start3A_179 = tpu.memref_squeeze %dma_start3A_178 : memref<1x4608xi32, #tpu.memory_space<vmem>> -> memref<4608xi32, #tpu.memory_space<vmem>>
          %dma_start3A_180 = tpu.memref_slice %arg2[%add3A_175] : memref<1769472xi32, #tpu.memory_space<hbm>> -> memref<4608xi32, #tpu.memory_space<hbm>>
          %dma_start3A_181 = arith.constant 0 : i32
          %dma_start3A_182 = tpu.memref_slice %arg10[%dma_start3A_176, %dma_start3A_181] : memref<2x4608xi32, #tpu.memory_space<vmem>> -> memref<1x4608xi32, #tpu.memory_space<vmem>>
          %dma_start3A_183 = tpu.memref_squeeze %dma_start3A_182 : memref<1x4608xi32, #tpu.memory_space<vmem>> -> memref<4608xi32, #tpu.memory_space<vmem>>
          %dma_start3A_184 = tpu.memref_slice %arg2[%add3A_175] : memref<1769472xi32, #tpu.memory_space<hbm>> -> memref<4608xi32, #tpu.memory_space<hbm>>
          tpu.enqueue_dma source(%dma_start3A_184 : memref<4608xi32, #tpu.memory_space<hbm>>) target(%dma_start3A_183 : memref<4608xi32, #tpu.memory_space<vmem>>) target_semaphore(%arg14 : memref<!tpu.dma_semaphore, #tpu.memory_space<semaphore_mem>>)
          %mul3A_185 = arith.constant 4608 : i32
          %mul3A_186 = arith.muli %add3A_172, %mul3A_185 : i32
          %add3A_187 = arith.addi %add3A_21, %mul3A_186 : i32
          %dma_start3A_188 = arith.constant 1 : i32
          %dma_start3A_189 = arith.constant 0 : i32
          %dma_start3A_190 = tpu.memref_slice %arg11[%dma_start3A_188, %dma_start3A_189] : memref<2x4608xi32, #tpu.memory_space<vmem>> -> memref<1x4608xi32, #tpu.memory_space<vmem>>
          %dma_start3A_191 = tpu.memref_squeeze %dma_start3A_190 : memref<1x4608xi32, #tpu.memory_space<vmem>> -> memref<4608xi32, #tpu.memory_space<vmem>>
          %dma_start3A_192 = tpu.memref_slice %arg3[%add3A_187] : memref<1769472xi32, #tpu.memory_space<hbm>> -> memref<4608xi32, #tpu.memory_space<hbm>>
          %dma_start3A_193 = arith.constant 0 : i32
          %dma_start3A_194 = tpu.memref_slice %arg11[%dma_start3A_188, %dma_start3A_193] : memref<2x4608xi32, #tpu.memory_space<vmem>> -> memref<1x4608xi32, #tpu.memory_space<vmem>>
          %dma_start3A_195 = tpu.memref_squeeze %dma_start3A_194 : memref<1x4608xi32, #tpu.memory_space<vmem>> -> memref<4608xi32, #tpu.memory_space<vmem>>
          %dma_start3A_196 = tpu.memref_slice %arg3[%add3A_187] : memref<1769472xi32, #tpu.memory_space<hbm>> -> memref<4608xi32, #tpu.memory_space<hbm>>
          tpu.enqueue_dma source(%dma_start3A_196 : memref<4608xi32, #tpu.memory_space<hbm>>) target(%dma_start3A_195 : memref<4608xi32, #tpu.memory_space<vmem>>) target_semaphore(%arg16 : memref<!tpu.dma_semaphore, #tpu.memory_space<semaphore_mem>>)
        } else {
        }
        %scan3A_164 = arith.constant 0 : i32
        %scan3A_165 = arith.constant 0 : i32
        %scan3A_166 = arith.constant 72 : i32
        %scan3A_167 = arith.addi %scan3A_165, %scan3A_166 : i32
        %scan3A_168 = arith.constant 1 : i32
        %scan3A_169 = scf.for %scan3A_171 = %scan3A_165 to %scan3A_167 step %scan3A_168 iter_args(%scan3A_172 = %scan3A_164) -> (i32)  : i32 {
          %mul3A_173 = arith.constant 64 : i32
          %mul3A_174 = arith.muli %scan3A_171, %mul3A_173 : i32
          %add3A_175 = arith.constant 0 : i32
          %add3A_176 = arith.addi %mul3A_174, %add3A_175 : i32
          %get3A = arith.constant 1 : i32
          %get3A_177 = arith.index_cast %get3A : i32 to index
          %get3A_178 = arith.index_cast %add3A_176 : i32 to index
          %get3A_179 = tpu.vector_load %arg10[%get3A_177, %get3A_178] {strides = array<i32>} : memref<2x4608xi32, #tpu.memory_space<vmem>>, vector<16xi32>,
          %mul3A_180 = arith.constant 64 : i32
          %mul3A_181 = arith.muli %scan3A_171, %mul3A_180 : i32
          %add3A_182 = arith.constant 16 : i32
          %add3A_183 = arith.addi %mul3A_181, %add3A_182 : i32
          %get3A_184 = arith.constant 1 : i32
          %get3A_185 = arith.index_cast %get3A_184 : i32 to index
          %get3A_186 = arith.index_cast %add3A_183 : i32 to index
          %get3A_187 = tpu.vector_load %arg10[%get3A_185, %get3A_186] {strides = array<i32>} : memref<2x4608xi32, #tpu.memory_space<vmem>>, vector<16xi32>,
          %mul3A_188 = arith.constant 64 : i32
          %mul3A_189 = arith.muli %scan3A_171, %mul3A_188 : i32
          %add3A_190 = arith.constant 32 : i32
          %add3A_191 = arith.addi %mul3A_189, %add3A_190 : i32
          %get3A_192 = arith.constant 1 : i32
          %get3A_193 = arith.index_cast %get3A_192 : i32 to index
          %get3A_194 = arith.index_cast %add3A_191 : i32 to index
          %get3A_195 = tpu.vector_load %arg10[%get3A_193, %get3A_194] {strides = array<i32>} : memref<2x4608xi32, #tpu.memory_space<vmem>>, vector<16xi32>,
          %mul3A_196 = arith.constant 64 : i32
          %mul3A_197 = arith.muli %scan3A_171, %mul3A_196 : i32
          %add3A_198 = arith.constant 48 : i32
          %add3A_199 = arith.addi %mul3A_197, %add3A_198 : i32
          %get3A_200 = arith.constant 1 : i32
          %get3A_201 = arith.index_cast %get3A_200 : i32 to index
          %get3A_202 = arith.index_cast %add3A_199 : i32 to index
          %get3A_203 = tpu.vector_load %arg10[%get3A_201, %get3A_202] {strides = array<i32>} : memref<2x4608xi32, #tpu.memory_space<vmem>>, vector<16xi32>,
          %mul3A_204 = arith.constant 64 : i32
          %mul3A_205 = arith.muli %scan3A_171, %mul3A_204 : i32
          %add3A_206 = arith.constant 0 : i32
          %add3A_207 = arith.addi %mul3A_205, %add3A_206 : i32
          %get3A_208 = arith.constant 1 : i32
          %get3A_209 = arith.index_cast %get3A_208 : i32 to index
          %get3A_210 = arith.index_cast %add3A_207 : i32 to index
          %get3A_211 = tpu.vector_load %arg11[%get3A_209, %get3A_210] {strides = array<i32>} : memref<2x4608xi32, #tpu.memory_space<vmem>>, vector<16xi32>,
          %mul3A_212 = arith.constant 64 : i32
          %mul3A_213 = arith.muli %scan3A_171, %mul3A_212 : i32
          %add3A_214 = arith.constant 16 : i32
          %add3A_215 = arith.addi %mul3A_213, %add3A_214 : i32
          %get3A_216 = arith.constant 1 : i32
          %get3A_217 = arith.index_cast %get3A_216 : i32 to index
          %get3A_218 = arith.index_cast %add3A_215 : i32 to index
          %get3A_219 = tpu.vector_load %arg11[%get3A_217, %get3A_218] {strides = array<i32>} : memref<2x4608xi32, #tpu.memory_space<vmem>>, vector<16xi32>,
          %mul3A_220 = arith.constant 64 : i32
          %mul3A_221 = arith.muli %scan3A_171, %mul3A_220 : i32
          %add3A_222 = arith.constant 32 : i32
          %add3A_223 = arith.addi %mul3A_221, %add3A_222 : i32
          %get3A_224 = arith.constant 1 : i32
          %get3A_225 = arith.index_cast %get3A_224 : i32 to index
          %get3A_226 = arith.index_cast %add3A_223 : i32 to index
          %get3A_227 = tpu.vector_load %arg11[%get3A_225, %get3A_226] {strides = array<i32>} : memref<2x4608xi32, #tpu.memory_space<vmem>>, vector<16xi32>,
          %mul3A_228 = arith.constant 64 : i32
          %mul3A_229 = arith.muli %scan3A_171, %mul3A_228 : i32
          %add3A_230 = arith.constant 48 : i32
          %add3A_231 = arith.addi %mul3A_229, %add3A_230 : i32
          %get3A_232 = arith.constant 1 : i32
          %get3A_233 = arith.index_cast %get3A_232 : i32 to index
          %get3A_234 = arith.index_cast %add3A_231 : i32 to index
          %get3A_235 = tpu.vector_load %arg11[%get3A_233, %get3A_234] {strides = array<i32>} : memref<2x4608xi32, #tpu.memory_space<vmem>>, vector<16xi32>,
          %and3A_236 = vector.broadcast %scan3A_81 : i32 to vector<16xi32>
          %and3A_237 = arith.andi %get3A_211, %and3A_236 : vector<16xi32>
          %add3A_238 = vector.broadcast %scan3A_82 : i32 to vector<16xi32>
          %add3A_239 = arith.addi %and3A_237, %add3A_238 : vector<16xi32>
          %and3A_240 = vector.broadcast %scan3A_81 : i32 to vector<16xi32>
          %and3A_241 = arith.andi %get3A_219, %and3A_240 : vector<16xi32>
          %add3A_242 = vector.broadcast %scan3A_82 : i32 to vector<16xi32>
          %add3A_243 = arith.addi %and3A_241, %add3A_242 : vector<16xi32>
          %and3A_244 = vector.broadcast %scan3A_81 : i32 to vector<16xi32>
          %and3A_245 = arith.andi %get3A_227, %and3A_244 : vector<16xi32>
          %add3A_246 = vector.broadcast %scan3A_82 : i32 to vector<16xi32>
          %add3A_247 = arith.addi %and3A_245, %add3A_246 : vector<16xi32>
          %and3A_248 = vector.broadcast %scan3A_81 : i32 to vector<16xi32>
          %and3A_249 = arith.andi %get3A_235, %and3A_248 : vector<16xi32>
          %add3A_250 = vector.broadcast %scan3A_82 : i32 to vector<16xi32>
          %add3A_251 = arith.addi %and3A_249, %add3A_250 : vector<16xi32>
          %shift_right_logical3A_252 = arith.constant 17 : i32
          %shift_right_logical3A_253 = vector.broadcast %shift_right_logical3A_252 : i32 to vector<16xi32>
          %shift_right_logical3A_254 = arith.shrui %get3A_211, %shift_right_logical3A_253 : vector<16xi32>
          %add3A_255 = vector.broadcast %scan3A_83 : i32 to vector<16xi32>
          %add3A_256 = arith.addi %shift_right_logical3A_254, %add3A_255 : vector<16xi32>
          %shift_right_logical3A_257 = arith.constant 17 : i32
          %shift_right_logical3A_258 = vector.broadcast %shift_right_logical3A_257 : i32 to vector<16xi32>
          %shift_right_logical3A_259 = arith.shrui %get3A_219, %shift_right_logical3A_258 : vector<16xi32>
          %add3A_260 = vector.broadcast %scan3A_83 : i32 to vector<16xi32>
          %add3A_261 = arith.addi %shift_right_logical3A_259, %add3A_260 : vector<16xi32>
          %shift_right_logical3A_262 = arith.constant 17 : i32
          %shift_right_logical3A_263 = vector.broadcast %shift_right_logical3A_262 : i32 to vector<16xi32>
          %shift_right_logical3A_264 = arith.shrui %get3A_227, %shift_right_logical3A_263 : vector<16xi32>
          %add3A_265 = vector.broadcast %scan3A_83 : i32 to vector<16xi32>
          %add3A_266 = arith.addi %shift_right_logical3A_264, %add3A_265 : vector<16xi32>
          %shift_right_logical3A_267 = arith.constant 17 : i32
          %shift_right_logical3A_268 = vector.broadcast %shift_right_logical3A_267 : i32 to vector<16xi32>
          %shift_right_logical3A_269 = arith.shrui %get3A_235, %shift_right_logical3A_268 : vector<16xi32>
          %add3A_270 = vector.broadcast %scan3A_83 : i32 to vector<16xi32>
          %add3A_271 = arith.addi %shift_right_logical3A_269, %add3A_270 : vector<16xi32>
          tpu.vector_store_idx %arg12[%get3A_179], %broadcast_in_dim3A_37 {add = true} : memref<72000xf32, #tpu.memory_space<vmem>>[vector<16xi32>], vector<16xf32>,
          tpu.vector_store_idx %arg12[%add3A_239], %broadcast_in_dim3A_37 {add = true} : memref<72000xf32, #tpu.memory_space<vmem>>[vector<16xi32>], vector<16xf32>,
          tpu.vector_store_idx %arg12[%add3A_256], %broadcast_in_dim3A_37 {add = true} : memref<72000xf32, #tpu.memory_space<vmem>>[vector<16xi32>], vector<16xf32>,
          tpu.vector_store_idx %arg12[%get3A_187], %broadcast_in_dim3A_37 {add = true} : memref<72000xf32, #tpu.memory_space<vmem>>[vector<16xi32>], vector<16xf32>,
          tpu.vector_store_idx %arg12[%add3A_243], %broadcast_in_dim3A_37 {add = true} : memref<72000xf32, #tpu.memory_space<vmem>>[vector<16xi32>], vector<16xf32>,
          tpu.vector_store_idx %arg12[%add3A_261], %broadcast_in_dim3A_37 {add = true} : memref<72000xf32, #tpu.memory_space<vmem>>[vector<16xi32>], vector<16xf32>,
          tpu.vector_store_idx %arg12[%get3A_195], %broadcast_in_dim3A_37 {add = true} : memref<72000xf32, #tpu.memory_space<vmem>>[vector<16xi32>], vector<16xf32>,
          tpu.vector_store_idx %arg12[%add3A_247], %broadcast_in_dim3A_37 {add = true} : memref<72000xf32, #tpu.memory_space<vmem>>[vector<16xi32>], vector<16xf32>,
          tpu.vector_store_idx %arg12[%add3A_266], %broadcast_in_dim3A_37 {add = true} : memref<72000xf32, #tpu.memory_space<vmem>>[vector<16xi32>], vector<16xf32>,
          tpu.vector_store_idx %arg12[%get3A_203], %broadcast_in_dim3A_37 {add = true} : memref<72000xf32, #tpu.memory_space<vmem>>[vector<16xi32>], vector<16xf32>,
          tpu.vector_store_idx %arg12[%add3A_251], %broadcast_in_dim3A_37 {add = true} : memref<72000xf32, #tpu.memory_space<vmem>>[vector<16xi32>], vector<16xf32>,
          tpu.vector_store_idx %arg12[%add3A_271], %broadcast_in_dim3A_37 {add = true} : memref<72000xf32, #tpu.memory_space<vmem>>[vector<16xi32>], vector<16xf32>,
          %scan3A_272 = arith.constant 0 : i32
          scf.yield %scan3A_272 : i32
        }
        %scan3A_170 = arith.constant 72 : i32
      }
      %scan3A_88 = arith.constant 8 : i32
      "tpu.region"() ({
        %run_scoped3A = tpu.sem_alloc : memref<!tpu.dma_semaphore, #tpu.memory_space<semaphore_mem>>
        %dma_start3A_89 = arith.constant 0 : i32
        %dma_start3A_90 = tpu.memref_slice %arg12[%dma_start3A_89] : memref<72000xf32, #tpu.memory_space<vmem>> -> memref<50000xf32, #tpu.memory_space<vmem>>
        %dma_start3A_91 = arith.constant 0 : i32
        %dma_start3A_92 = tpu.memref_slice %arg5[%add3A, %dma_start3A_91] : memref<24x50000xf32, #tpu.memory_space<hbm>> -> memref<1x50000xf32, #tpu.memory_space<hbm>>
        %dma_start3A_93 = tpu.memref_squeeze %dma_start3A_92 : memref<1x50000xf32, #tpu.memory_space<hbm>> -> memref<50000xf32, #tpu.memory_space<hbm>>
        %dma_start3A_94 = arith.constant 0 : i32
        %dma_start3A_95 = tpu.memref_slice %arg5[%add3A, %dma_start3A_94] : memref<24x50000xf32, #tpu.memory_space<hbm>> -> memref<1x50000xf32, #tpu.memory_space<hbm>>
        %dma_start3A_96 = tpu.memref_squeeze %dma_start3A_95 : memref<1x50000xf32, #tpu.memory_space<hbm>> -> memref<50000xf32, #tpu.memory_space<hbm>>
        %dma_start3A_97 = arith.constant 0 : i32
        %dma_start3A_98 = tpu.memref_slice %arg12[%dma_start3A_97] : memref<72000xf32, #tpu.memory_space<vmem>> -> memref<50000xf32, #tpu.memory_space<vmem>>
        tpu.enqueue_dma source(%dma_start3A_98 : memref<50000xf32, #tpu.memory_space<vmem>>) target(%dma_start3A_96 : memref<50000xf32, #tpu.memory_space<hbm>>) target_semaphore(%run_scoped3A : memref<!tpu.dma_semaphore, #tpu.memory_space<semaphore_mem>>)
        %dma_wait3A = arith.constant 0 : i32
        %dma_wait3A_99 = tpu.memref_slice %arg12[%dma_wait3A] : memref<72000xf32, #tpu.memory_space<vmem>> -> memref<50000xf32, #tpu.memory_space<vmem>>
        %dma_wait3A_100 = arith.constant 0 : i32
        %dma_wait3A_101 = tpu.memref_slice %arg5[%add3A, %dma_wait3A_100] : memref<24x50000xf32, #tpu.memory_space<hbm>> -> memref<1x50000xf32, #tpu.memory_space<hbm>>
        %dma_wait3A_102 = tpu.memref_squeeze %dma_wait3A_101 : memref<1x50000xf32, #tpu.memory_space<hbm>> -> memref<50000xf32, #tpu.memory_space<hbm>>
        %dma_wait3A_103 = arith.constant 0 : i32
        %dma_wait3A_104 = tpu.memref_slice %arg5[%add3A, %dma_wait3A_103] : memref<24x50000xf32, #tpu.memory_space<hbm>> -> memref<1x50000xf32, #tpu.memory_space<hbm>>
        %dma_wait3A_105 = tpu.memref_squeeze %dma_wait3A_104 : memref<1x50000xf32, #tpu.memory_space<hbm>> -> memref<50000xf32, #tpu.memory_space<hbm>>
        %dma_wait3A_106 = arith.constant 0 : i32
        %dma_wait3A_107 = tpu.memref_slice %arg12[%dma_wait3A_106] : memref<72000xf32, #tpu.memory_space<vmem>> -> memref<50000xf32, #tpu.memory_space<vmem>>
        tpu.wait_dma2 semaphore(%run_scoped3A : memref<!tpu.dma_semaphore, #tpu.memory_space<semaphore_mem>>) src(%dma_wait3A_107 : memref<50000xf32, #tpu.memory_space<vmem>>) dst(%dma_wait3A_105 : memref<50000xf32, #tpu.memory_space<hbm>>)
        tpu.yield
      }) : () -> ()
      "tpu.region"() ({
        %run_scoped3A = tpu.sem_alloc : memref<!tpu.dma_semaphore, #tpu.memory_space<semaphore_mem>>
        %dma_start3A_89 = arith.constant 50000 : i32
        %dma_start3A_90 = tpu.memref_slice %arg12[%dma_start3A_89] : memref<72000xf32, #tpu.memory_space<vmem>> -> memref<20000xf32, #tpu.memory_space<vmem>>
        %dma_start3A_91 = arith.constant 0 : i32
        %dma_start3A_92 = tpu.memref_slice %arg6[%add3A, %dma_start3A_91] : memref<24x20000xf32, #tpu.memory_space<hbm>> -> memref<1x20000xf32, #tpu.memory_space<hbm>>
        %dma_start3A_93 = tpu.memref_squeeze %dma_start3A_92 : memref<1x20000xf32, #tpu.memory_space<hbm>> -> memref<20000xf32, #tpu.memory_space<hbm>>
        %dma_start3A_94 = arith.constant 0 : i32
        %dma_start3A_95 = tpu.memref_slice %arg6[%add3A, %dma_start3A_94] : memref<24x20000xf32, #tpu.memory_space<hbm>> -> memref<1x20000xf32, #tpu.memory_space<hbm>>
        %dma_start3A_96 = tpu.memref_squeeze %dma_start3A_95 : memref<1x20000xf32, #tpu.memory_space<hbm>> -> memref<20000xf32, #tpu.memory_space<hbm>>
        %dma_start3A_97 = arith.constant 50000 : i32
        %dma_start3A_98 = tpu.memref_slice %arg12[%dma_start3A_97] : memref<72000xf32, #tpu.memory_space<vmem>> -> memref<20000xf32, #tpu.memory_space<vmem>>
        tpu.enqueue_dma source(%dma_start3A_98 : memref<20000xf32, #tpu.memory_space<vmem>>) target(%dma_start3A_96 : memref<20000xf32, #tpu.memory_space<hbm>>) target_semaphore(%run_scoped3A : memref<!tpu.dma_semaphore, #tpu.memory_space<semaphore_mem>>)
        %dma_wait3A = arith.constant 50000 : i32
        %dma_wait3A_99 = tpu.memref_slice %arg12[%dma_wait3A] : memref<72000xf32, #tpu.memory_space<vmem>> -> memref<20000xf32, #tpu.memory_space<vmem>>
        %dma_wait3A_100 = arith.constant 0 : i32
        %dma_wait3A_101 = tpu.memref_slice %arg6[%add3A, %dma_wait3A_100] : memref<24x20000xf32, #tpu.memory_space<hbm>> -> memref<1x20000xf32, #tpu.memory_space<hbm>>
        %dma_wait3A_102 = tpu.memref_squeeze %dma_wait3A_101 : memref<1x20000xf32, #tpu.memory_space<hbm>> -> memref<20000xf32, #tpu.memory_space<hbm>>
        %dma_wait3A_103 = arith.constant 0 : i32
        %dma_wait3A_104 = tpu.memref_slice %arg6[%add3A, %dma_wait3A_103] : memref<24x20000xf32, #tpu.memory_space<hbm>> -> memref<1x20000xf32, #tpu.memory_space<hbm>>
        %dma_wait3A_105 = tpu.memref_squeeze %dma_wait3A_104 : memref<1x20000xf32, #tpu.memory_space<hbm>> -> memref<20000xf32, #tpu.memory_space<hbm>>
        %dma_wait3A_106 = arith.constant 50000 : i32
        %dma_wait3A_107 = tpu.memref_slice %arg12[%dma_wait3A_106] : memref<72000xf32, #tpu.memory_space<vmem>> -> memref<20000xf32, #tpu.memory_space<vmem>>
        tpu.wait_dma2 semaphore(%run_scoped3A : memref<!tpu.dma_semaphore, #tpu.memory_space<semaphore_mem>>) src(%dma_wait3A_107 : memref<20000xf32, #tpu.memory_space<vmem>>) dst(%dma_wait3A_105 : memref<20000xf32, #tpu.memory_space<hbm>>)
        tpu.yield
      }) : () -> ()
      "tpu.region"() ({
        %run_scoped3A = tpu.sem_alloc : memref<!tpu.dma_semaphore, #tpu.memory_space<semaphore_mem>>
        %dma_start3A_89 = arith.constant 70000 : i32
        %dma_start3A_90 = tpu.memref_slice %arg12[%dma_start3A_89] : memref<72000xf32, #tpu.memory_space<vmem>> -> memref<2000xf32, #tpu.memory_space<vmem>>
        %dma_start3A_91 = arith.constant 0 : i32
        %dma_start3A_92 = tpu.memref_slice %arg7[%add3A, %dma_start3A_91] : memref<24x2000xf32, #tpu.memory_space<hbm>> -> memref<1x2000xf32, #tpu.memory_space<hbm>>
        %dma_start3A_93 = tpu.memref_squeeze %dma_start3A_92 : memref<1x2000xf32, #tpu.memory_space<hbm>> -> memref<2000xf32, #tpu.memory_space<hbm>>
        %dma_start3A_94 = arith.constant 0 : i32
        %dma_start3A_95 = tpu.memref_slice %arg7[%add3A, %dma_start3A_94] : memref<24x2000xf32, #tpu.memory_space<hbm>> -> memref<1x2000xf32, #tpu.memory_space<hbm>>
        %dma_start3A_96 = tpu.memref_squeeze %dma_start3A_95 : memref<1x2000xf32, #tpu.memory_space<hbm>> -> memref<2000xf32, #tpu.memory_space<hbm>>
        %dma_start3A_97 = arith.constant 70000 : i32
        %dma_start3A_98 = tpu.memref_slice %arg12[%dma_start3A_97] : memref<72000xf32, #tpu.memory_space<vmem>> -> memref<2000xf32, #tpu.memory_space<vmem>>
        tpu.enqueue_dma source(%dma_start3A_98 : memref<2000xf32, #tpu.memory_space<vmem>>) target(%dma_start3A_96 : memref<2000xf32, #tpu.memory_space<hbm>>) target_semaphore(%run_scoped3A : memref<!tpu.dma_semaphore, #tpu.memory_space<semaphore_mem>>)
        %dma_wait3A = arith.constant 70000 : i32
        %dma_wait3A_99 = tpu.memref_slice %arg12[%dma_wait3A] : memref<72000xf32, #tpu.memory_space<vmem>> -> memref<2000xf32, #tpu.memory_space<vmem>>
        %dma_wait3A_100 = arith.constant 0 : i32
        %dma_wait3A_101 = tpu.memref_slice %arg7[%add3A, %dma_wait3A_100] : memref<24x2000xf32, #tpu.memory_space<hbm>> -> memref<1x2000xf32, #tpu.memory_space<hbm>>
        %dma_wait3A_102 = tpu.memref_squeeze %dma_wait3A_101 : memref<1x2000xf32, #tpu.memory_space<hbm>> -> memref<2000xf32, #tpu.memory_space<hbm>>
        %dma_wait3A_103 = arith.constant 0 : i32
        %dma_wait3A_104 = tpu.memref_slice %arg7[%add3A, %dma_wait3A_103] : memref<24x2000xf32, #tpu.memory_space<hbm>> -> memref<1x2000xf32, #tpu.memory_space<hbm>>
        %dma_wait3A_105 = tpu.memref_squeeze %dma_wait3A_104 : memref<1x2000xf32, #tpu.memory_space<hbm>> -> memref<2000xf32, #tpu.memory_space<hbm>>
        %dma_wait3A_106 = arith.constant 70000 : i32
        %dma_wait3A_107 = tpu.memref_slice %arg12[%dma_wait3A_106] : memref<72000xf32, #tpu.memory_space<vmem>> -> memref<2000xf32, #tpu.memory_space<vmem>>
        tpu.wait_dma2 semaphore(%run_scoped3A : memref<!tpu.dma_semaphore, #tpu.memory_space<semaphore_mem>>) src(%dma_wait3A_107 : memref<2000xf32, #tpu.memory_space<vmem>>) dst(%dma_wait3A_105 : memref<2000xf32, #tpu.memory_space<hbm>>)
        tpu.yield
      }) : () -> ()
    } else {
    }
    %ge3A = arith.constant 24 : i32
    %ge3A_3 = arith.cmpi sge, %add3A, %ge3A : i32
    %lt3A_4 = arith.constant 28 : i32
    %lt3A_5 = arith.cmpi slt, %add3A, %lt3A_4 : i32
    %and3A = arith.andi %ge3A_3, %lt3A_5 : i1
    %convert_element_type3A_6 = arith.extui %and3A : i1 to i32
    %cond3A_7 = arith.constant 0 : i32
    %cond3A_8 = arith.cmpi ne, %convert_element_type3A_6, %cond3A_7 : i32
    scf.if %cond3A_8 {
      %sub3A = arith.constant 24 : i32
      %sub3A_14 = arith.subi %add3A, %sub3A : i32
      %mul3A_15 = arith.constant 147456 : i32
      %mul3A_16 = arith.muli %sub3A_14, %mul3A_15 : i32
      %broadcast_in_dim3A = arith.constant 0.000000e+00 : f32
      %broadcast_in_dim3A_17 = vector.broadcast %broadcast_in_dim3A : f32 to vector<16xf32>
      %scan3A = arith.constant 0 : i32
      %scan3A_18 = arith.constant 0 : i32
      %scan3A_19 = arith.constant 600 : i32
      %scan3A_20 = arith.addi %scan3A_18, %scan3A_19 : i32
      %scan3A_21 = arith.constant 1 : i32
      %scan3A_22 = scf.for %scan3A_55 = %scan3A_18 to %scan3A_20 step %scan3A_21 iter_args(%scan3A_56 = %scan3A) -> (i32)  : i32 {
        %mul3A_57 = arith.constant 128 : i32
        %mul3A_58 = arith.muli %scan3A_55, %mul3A_57 : i32
        %add3A_59 = arith.constant 0 : i32
        %add3A_60 = arith.addi %mul3A_58, %add3A_59 : i32
        %swap3A = arith.index_cast %add3A_60 : i32 to index
        %swap3A_61 = tpu.vector_load %arg12[%swap3A] {strides = array<i32>} : memref<72000xf32, #tpu.memory_space<vmem>>, vector<16xf32>,
        tpu.vector_store %arg12[%swap3A], %broadcast_in_dim3A_17 {strides = array<i32>} : memref<72000xf32, #tpu.memory_space<vmem>>, vector<16xf32>,
        %mul3A_62 = arith.constant 128 : i32
        %mul3A_63 = arith.muli %scan3A_55, %mul3A_62 : i32
        %add3A_64 = arith.constant 16 : i32
        %add3A_65 = arith.addi %mul3A_63, %add3A_64 : i32
        %swap3A_66 = arith.index_cast %add3A_65 : i32 to index
        %swap3A_67 = tpu.vector_load %arg12[%swap3A_66] {strides = array<i32>} : memref<72000xf32, #tpu.memory_space<vmem>>, vector<16xf32>,
        tpu.vector_store %arg12[%swap3A_66], %broadcast_in_dim3A_17 {strides = array<i32>} : memref<72000xf32, #tpu.memory_space<vmem>>, vector<16xf32>,
        %mul3A_68 = arith.constant 128 : i32
        %mul3A_69 = arith.muli %scan3A_55, %mul3A_68 : i32
        %add3A_70 = arith.constant 32 : i32
        %add3A_71 = arith.addi %mul3A_69, %add3A_70 : i32
        %swap3A_72 = arith.index_cast %add3A_71 : i32 to index
        %swap3A_73 = tpu.vector_load %arg12[%swap3A_72] {strides = array<i32>} : memref<72000xf32, #tpu.memory_space<vmem>>, vector<16xf32>,
        tpu.vector_store %arg12[%swap3A_72], %broadcast_in_dim3A_17 {strides = array<i32>} : memref<72000xf32, #tpu.memory_space<vmem>>, vector<16xf32>,
        %mul3A_74 = arith.constant 128 : i32
        %mul3A_75 = arith.muli %scan3A_55, %mul3A_74 : i32
        %add3A_76 = arith.constant 48 : i32
        %add3A_77 = arith.addi %mul3A_75, %add3A_76 : i32
        %swap3A_78 = arith.index_cast %add3A_77 : i32 to index
        %swap3A_79 = tpu.vector_load %arg12[%swap3A_78] {strides = array<i32>} : memref<72000xf32, #tpu.memory_space<vmem>>, vector<16xf32>,
        tpu.vector_store %arg12[%swap3A_78], %broadcast_in_dim3A_17 {strides = array<i32>} : memref<72000xf32, #tpu.memory_space<vmem>>, vector<16xf32>,
        %mul3A_80 = arith.constant 128 : i32
        %mul3A_81 = arith.muli %scan3A_55, %mul3A_80 : i32
        %add3A_82 = arith.constant 64 : i32
        %add3A_83 = arith.addi %mul3A_81, %add3A_82 : i32
        %swap3A_84 = arith.index_cast %add3A_83 : i32 to index
        %swap3A_85 = tpu.vector_load %arg12[%swap3A_84] {strides = array<i32>} : memref<72000xf32, #tpu.memory_space<vmem>>, vector<16xf32>,
        tpu.vector_store %arg12[%swap3A_84], %broadcast_in_dim3A_17 {strides = array<i32>} : memref<72000xf32, #tpu.memory_space<vmem>>, vector<16xf32>,
        %mul3A_86 = arith.constant 128 : i32
        %mul3A_87 = arith.muli %scan3A_55, %mul3A_86 : i32
        %add3A_88 = arith.constant 80 : i32
        %add3A_89 = arith.addi %mul3A_87, %add3A_88 : i32
        %swap3A_90 = arith.index_cast %add3A_89 : i32 to index
        %swap3A_91 = tpu.vector_load %arg12[%swap3A_90] {strides = array<i32>} : memref<72000xf32, #tpu.memory_space<vmem>>, vector<16xf32>,
        tpu.vector_store %arg12[%swap3A_90], %broadcast_in_dim3A_17 {strides = array<i32>} : memref<72000xf32, #tpu.memory_space<vmem>>, vector<16xf32>,
        %mul3A_92 = arith.constant 128 : i32
        %mul3A_93 = arith.muli %scan3A_55, %mul3A_92 : i32
        %add3A_94 = arith.constant 96 : i32
        %add3A_95 = arith.addi %mul3A_93, %add3A_94 : i32
        %swap3A_96 = arith.index_cast %add3A_95 : i32 to index
        %swap3A_97 = tpu.vector_load %arg12[%swap3A_96] {strides = array<i32>} : memref<72000xf32, #tpu.memory_space<vmem>>, vector<16xf32>,
        tpu.vector_store %arg12[%swap3A_96], %broadcast_in_dim3A_17 {strides = array<i32>} : memref<72000xf32, #tpu.memory_space<vmem>>, vector<16xf32>,
        %mul3A_98 = arith.constant 128 : i32
        %mul3A_99 = arith.muli %scan3A_55, %mul3A_98 : i32
        %add3A_100 = arith.constant 112 : i32
        %add3A_101 = arith.addi %mul3A_99, %add3A_100 : i32
        %swap3A_102 = arith.index_cast %add3A_101 : i32 to index
        %swap3A_103 = tpu.vector_load %arg12[%swap3A_102] {strides = array<i32>} : memref<72000xf32, #tpu.memory_space<vmem>>, vector<16xf32>,
        tpu.vector_store %arg12[%swap3A_102], %broadcast_in_dim3A_17 {strides = array<i32>} : memref<72000xf32, #tpu.memory_space<vmem>>, vector<16xf32>,
        %scan3A_104 = arith.constant 0 : i32
        scf.yield %scan3A_104 : i32
      }
      %scan3A_23 = arith.constant 600 : i32
      %broadcast_in_dim3A_24 = arith.constant 1.000000e+00 : f32
      %broadcast_in_dim3A_25 = vector.broadcast %broadcast_in_dim3A_24 : f32 to vector<16xf32>
      %iota3A = tpu.iota {dimensions = array<i32: 0>} : vector<16xi32>
      %mul3A_26 = arith.constant 200 : i32
      %mul3A_27 = vector.broadcast %mul3A_26 : i32 to vector<16xi32>
      %mul3A_28 = arith.muli %iota3A, %mul3A_27 : vector<16xi32>
      %add3A_29 = arith.constant 0 : i32
      %add3A_30 = arith.addi %mul3A_16, %add3A_29 : i32
      %dma_start3A = arith.constant 0 : i32
      %dma_start3A_31 = arith.constant 0 : i32
      %dma_start3A_32 = tpu.memref_slice %arg10[%dma_start3A, %dma_start3A_31] : memref<2x4608xi32, #tpu.memory_space<vmem>> -> memref<1x4608xi32, #tpu.memory_space<vmem>>
      %dma_start3A_33 = tpu.memref_squeeze %dma_start3A_32 : memref<1x4608xi32, #tpu.memory_space<vmem>> -> memref<4608xi32, #tpu.memory_space<vmem>>
      %dma_start3A_34 = tpu.memref_slice %arg4[%add3A_30] : memref<589824xi32, #tpu.memory_space<hbm>> -> memref<4608xi32, #tpu.memory_space<hbm>>
      %dma_start3A_35 = arith.constant 0 : i32
      %dma_start3A_36 = tpu.memref_slice %arg10[%dma_start3A, %dma_start3A_35] : memref<2x4608xi32, #tpu.memory_space<vmem>> -> memref<1x4608xi32, #tpu.memory_space<vmem>>
      %dma_start3A_37 = tpu.memref_squeeze %dma_start3A_36 : memref<1x4608xi32, #tpu.memory_space<vmem>> -> memref<4608xi32, #tpu.memory_space<vmem>>
      %dma_start3A_38 = tpu.memref_slice %arg4[%add3A_30] : memref<589824xi32, #tpu.memory_space<hbm>> -> memref<4608xi32, #tpu.memory_space<hbm>>
      tpu.enqueue_dma source(%dma_start3A_38 : memref<4608xi32, #tpu.memory_space<hbm>>) target(%dma_start3A_37 : memref<4608xi32, #tpu.memory_space<vmem>>) target_semaphore(%arg13 : memref<!tpu.dma_semaphore, #tpu.memory_space<semaphore_mem>>)
      %add3A_39 = arith.constant 4608 : i32
      %add3A_40 = arith.addi %mul3A_16, %add3A_39 : i32
      %dma_start3A_41 = arith.constant 1 : i32
      %dma_start3A_42 = arith.constant 0 : i32
      %dma_start3A_43 = tpu.memref_slice %arg10[%dma_start3A_41, %dma_start3A_42] : memref<2x4608xi32, #tpu.memory_space<vmem>> -> memref<1x4608xi32, #tpu.memory_space<vmem>>
      %dma_start3A_44 = tpu.memref_squeeze %dma_start3A_43 : memref<1x4608xi32, #tpu.memory_space<vmem>> -> memref<4608xi32, #tpu.memory_space<vmem>>
      %dma_start3A_45 = tpu.memref_slice %arg4[%add3A_40] : memref<589824xi32, #tpu.memory_space<hbm>> -> memref<4608xi32, #tpu.memory_space<hbm>>
      %dma_start3A_46 = arith.constant 0 : i32
      %dma_start3A_47 = tpu.memref_slice %arg10[%dma_start3A_41, %dma_start3A_46] : memref<2x4608xi32, #tpu.memory_space<vmem>> -> memref<1x4608xi32, #tpu.memory_space<vmem>>
      %dma_start3A_48 = tpu.memref_squeeze %dma_start3A_47 : memref<1x4608xi32, #tpu.memory_space<vmem>> -> memref<4608xi32, #tpu.memory_space<vmem>>
      %dma_start3A_49 = tpu.memref_slice %arg4[%add3A_40] : memref<589824xi32, #tpu.memory_space<hbm>> -> memref<4608xi32, #tpu.memory_space<hbm>>
      tpu.enqueue_dma source(%dma_start3A_49 : memref<4608xi32, #tpu.memory_space<hbm>>) target(%dma_start3A_48 : memref<4608xi32, #tpu.memory_space<vmem>>) target_semaphore(%arg14 : memref<!tpu.dma_semaphore, #tpu.memory_space<semaphore_mem>>)
      %scan3A_50 = arith.constant 0 : i32
      %scan3A_51 = arith.constant 16 : i32
      %scan3A_52 = arith.addi %scan3A_50, %scan3A_51 : i32
      %scan3A_53 = arith.constant 1 : i32
      scf.for %scan3A_55 = %scan3A_50 to %scan3A_52 step %scan3A_53  : i32 {
        %mul3A_56 = arith.constant 2 : i32
        %mul3A_57 = arith.muli %scan3A_55, %mul3A_56 : i32
        %add3A_58 = arith.constant 0 : i32
        %add3A_59 = arith.addi %add3A_58, %mul3A_57 : i32
        %mul3A_60 = arith.constant 4608 : i32
        %mul3A_61 = arith.muli %add3A_59, %mul3A_60 : i32
        %add3A_62 = arith.addi %mul3A_16, %mul3A_61 : i32
        %dma_wait3A = arith.constant 0 : i32
        %dma_wait3A_63 = arith.constant 0 : i32
        %dma_wait3A_64 = tpu.memref_slice %arg10[%dma_wait3A, %dma_wait3A_63] : memref<2x4608xi32, #tpu.memory_space<vmem>> -> memref<1x4608xi32, #tpu.memory_space<vmem>>
        %dma_wait3A_65 = tpu.memref_squeeze %dma_wait3A_64 : memref<1x4608xi32, #tpu.memory_space<vmem>> -> memref<4608xi32, #tpu.memory_space<vmem>>
        %dma_wait3A_66 = tpu.memref_slice %arg4[%add3A_62] : memref<589824xi32, #tpu.memory_space<hbm>> -> memref<4608xi32, #tpu.memory_space<hbm>>
        %dma_wait3A_67 = arith.constant 0 : i32
        %dma_wait3A_68 = tpu.memref_slice %arg10[%dma_wait3A, %dma_wait3A_67] : memref<2x4608xi32, #tpu.memory_space<vmem>> -> memref<1x4608xi32, #tpu.memory_space<vmem>>
        %dma_wait3A_69 = tpu.memref_squeeze %dma_wait3A_68 : memref<1x4608xi32, #tpu.memory_space<vmem>> -> memref<4608xi32, #tpu.memory_space<vmem>>
        %dma_wait3A_70 = tpu.memref_slice %arg4[%add3A_62] : memref<589824xi32, #tpu.memory_space<hbm>> -> memref<4608xi32, #tpu.memory_space<hbm>>
        tpu.wait_dma2 semaphore(%arg13 : memref<!tpu.dma_semaphore, #tpu.memory_space<semaphore_mem>>) src(%dma_wait3A_70 : memref<4608xi32, #tpu.memory_space<hbm>>) dst(%dma_wait3A_69 : memref<4608xi32, #tpu.memory_space<vmem>>)
        %add3A_71 = arith.constant 2 : i32
        %add3A_72 = arith.addi %add3A_59, %add3A_71 : i32
        %lt3A_73 = arith.constant 32 : i32
        %lt3A_74 = arith.cmpi slt, %add3A_72, %lt3A_73 : i32
        %convert_element_type3A_75 = arith.extui %lt3A_74 : i1 to i32
        %cond3A_76 = arith.constant 0 : i32
        %cond3A_77 = arith.cmpi ne, %convert_element_type3A_75, %cond3A_76 : i32
        scf.if %cond3A_77 {
          %add3A_113 = arith.constant 2 : i32
          %add3A_114 = arith.addi %add3A_59, %add3A_113 : i32
          %mul3A_115 = arith.constant 4608 : i32
          %mul3A_116 = arith.muli %add3A_114, %mul3A_115 : i32
          %add3A_117 = arith.addi %mul3A_16, %mul3A_116 : i32
          %dma_start3A_118 = arith.constant 0 : i32
          %dma_start3A_119 = arith.constant 0 : i32
          %dma_start3A_120 = tpu.memref_slice %arg10[%dma_start3A_118, %dma_start3A_119] : memref<2x4608xi32, #tpu.memory_space<vmem>> -> memref<1x4608xi32, #tpu.memory_space<vmem>>
          %dma_start3A_121 = tpu.memref_squeeze %dma_start3A_120 : memref<1x4608xi32, #tpu.memory_space<vmem>> -> memref<4608xi32, #tpu.memory_space<vmem>>
          %dma_start3A_122 = tpu.memref_slice %arg4[%add3A_117] : memref<589824xi32, #tpu.memory_space<hbm>> -> memref<4608xi32, #tpu.memory_space<hbm>>
          %dma_start3A_123 = arith.constant 0 : i32
          %dma_start3A_124 = tpu.memref_slice %arg10[%dma_start3A_118, %dma_start3A_123] : memref<2x4608xi32, #tpu.memory_space<vmem>> -> memref<1x4608xi32, #tpu.memory_space<vmem>>
          %dma_start3A_125 = tpu.memref_squeeze %dma_start3A_124 : memref<1x4608xi32, #tpu.memory_space<vmem>> -> memref<4608xi32, #tpu.memory_space<vmem>>
          %dma_start3A_126 = tpu.memref_slice %arg4[%add3A_117] : memref<589824xi32, #tpu.memory_space<hbm>> -> memref<4608xi32, #tpu.memory_space<hbm>>
          tpu.enqueue_dma source(%dma_start3A_126 : memref<4608xi32, #tpu.memory_space<hbm>>) target(%dma_start3A_125 : memref<4608xi32, #tpu.memory_space<vmem>>) target_semaphore(%arg13 : memref<!tpu.dma_semaphore, #tpu.memory_space<semaphore_mem>>)
        } else {
        }
        %scan3A_78 = arith.constant 0 : i32
        %scan3A_79 = arith.constant 0 : i32
        %scan3A_80 = arith.constant 12 : i32
        %scan3A_81 = arith.addi %scan3A_79, %scan3A_80 : i32
        %scan3A_82 = arith.constant 1 : i32
        %scan3A_83 = scf.for %scan3A_113 = %scan3A_79 to %scan3A_81 step %scan3A_82 iter_args(%scan3A_114 = %scan3A_78) -> (i32)  : i32 {
          %mul3A_115 = arith.constant 12 : i32
          %mul3A_116 = arith.muli %add3A_59, %mul3A_115 : i32
          %add3A_117 = arith.addi %mul3A_116, %scan3A_113 : i32
          %mul3A_118 = arith.constant 200 : i32
          %mul3A_119 = arith.muli %add3A_117, %mul3A_118 : i32
          %mul3A_120 = arith.constant 384 : i32
          %mul3A_121 = arith.muli %scan3A_113, %mul3A_120 : i32
          %add3A_122 = arith.constant 0 : i32
          %add3A_123 = arith.addi %mul3A_121, %add3A_122 : i32
          %add3A_124 = arith.constant 0 : i32
          %add3A_125 = arith.addi %add3A_123, %add3A_124 : i32
          %get3A = arith.constant 0 : i32
          %get3A_126 = arith.index_cast %get3A : i32 to index
          %get3A_127 = arith.index_cast %add3A_125 : i32 to index
          %get3A_128 = tpu.vector_load %arg10[%get3A_126, %get3A_127] {strides = array<i32>} : memref<2x4608xi32, #tpu.memory_space<vmem>>, vector<16xi32>,
          %mul3A_129 = arith.constant 384 : i32
          %mul3A_130 = arith.muli %scan3A_113, %mul3A_129 : i32
          %add3A_131 = arith.constant 0 : i32
          %add3A_132 = arith.addi %mul3A_130, %add3A_131 : i32
          %add3A_133 = arith.constant 16 : i32
          %add3A_134 = arith.addi %add3A_132, %add3A_133 : i32
          %get3A_135 = arith.constant 0 : i32
          %get3A_136 = arith.index_cast %get3A_135 : i32 to index
          %get3A_137 = arith.index_cast %add3A_134 : i32 to index
          %get3A_138 = tpu.vector_load %arg10[%get3A_136, %get3A_137] {strides = array<i32>} : memref<2x4608xi32, #tpu.memory_space<vmem>>, vector<16xi32>,
          %mul3A_139 = arith.constant 384 : i32
          %mul3A_140 = arith.muli %scan3A_113, %mul3A_139 : i32
          %add3A_141 = arith.constant 0 : i32
          %add3A_142 = arith.addi %mul3A_140, %add3A_141 : i32
          %add3A_143 = arith.constant 32 : i32
          %add3A_144 = arith.addi %add3A_142, %add3A_143 : i32
          %get3A_145 = arith.constant 0 : i32
          %get3A_146 = arith.index_cast %get3A_145 : i32 to index
          %get3A_147 = arith.index_cast %add3A_144 : i32 to index
          %get3A_148 = tpu.vector_load %arg10[%get3A_146, %get3A_147] {strides = array<i32>} : memref<2x4608xi32, #tpu.memory_space<vmem>>, vector<16xi32>,
          %mul3A_149 = arith.constant 384 : i32
          %mul3A_150 = arith.muli %scan3A_113, %mul3A_149 : i32
          %add3A_151 = arith.constant 0 : i32
          %add3A_152 = arith.addi %mul3A_150, %add3A_151 : i32
          %add3A_153 = arith.constant 48 : i32
          %add3A_154 = arith.addi %add3A_152, %add3A_153 : i32
          %get3A_155 = arith.constant 0 : i32
          %get3A_156 = arith.index_cast %get3A_155 : i32 to index
          %get3A_157 = arith.index_cast %add3A_154 : i32 to index
          %get3A_158 = tpu.vector_load %arg10[%get3A_156, %get3A_157] {strides = array<i32>} : memref<2x4608xi32, #tpu.memory_space<vmem>>, vector<16xi32>,
          %mul3A_159 = arith.constant 384 : i32
          %mul3A_160 = arith.muli %scan3A_113, %mul3A_159 : i32
          %add3A_161 = arith.constant 0 : i32
          %add3A_162 = arith.addi %mul3A_160, %add3A_161 : i32
          %add3A_163 = arith.constant 64 : i32
          %add3A_164 = arith.addi %add3A_162, %add3A_163 : i32
          %get3A_165 = arith.constant 0 : i32
          %get3A_166 = arith.index_cast %get3A_165 : i32 to index
          %get3A_167 = arith.index_cast %add3A_164 : i32 to index
          %get3A_168 = tpu.vector_load %arg10[%get3A_166, %get3A_167] {strides = array<i32>} : memref<2x4608xi32, #tpu.memory_space<vmem>>, vector<16xi32>,
          %mul3A_169 = arith.constant 384 : i32
          %mul3A_170 = arith.muli %scan3A_113, %mul3A_169 : i32
          %add3A_171 = arith.constant 0 : i32
          %add3A_172 = arith.addi %mul3A_170, %add3A_171 : i32
          %add3A_173 = arith.constant 80 : i32
          %add3A_174 = arith.addi %add3A_172, %add3A_173 : i32
          %get3A_175 = arith.constant 0 : i32
          %get3A_176 = arith.index_cast %get3A_175 : i32 to index
          %get3A_177 = arith.index_cast %add3A_174 : i32 to index
          %get3A_178 = tpu.vector_load %arg10[%get3A_176, %get3A_177] {strides = array<i32>} : memref<2x4608xi32, #tpu.memory_space<vmem>>, vector<16xi32>,
          %mul3A_179 = arith.constant 384 : i32
          %mul3A_180 = arith.muli %scan3A_113, %mul3A_179 : i32
          %add3A_181 = arith.constant 0 : i32
          %add3A_182 = arith.addi %mul3A_180, %add3A_181 : i32
          %add3A_183 = arith.constant 96 : i32
          %add3A_184 = arith.addi %add3A_182, %add3A_183 : i32
          %get3A_185 = arith.constant 0 : i32
          %get3A_186 = arith.index_cast %get3A_185 : i32 to index
          %get3A_187 = arith.index_cast %add3A_184 : i32 to index
          %get3A_188 = tpu.vector_load %arg10[%get3A_186, %get3A_187] {strides = array<i32>} : memref<2x4608xi32, #tpu.memory_space<vmem>>, vector<16xi32>,
          %mul3A_189 = arith.constant 384 : i32
          %mul3A_190 = arith.muli %scan3A_113, %mul3A_189 : i32
          %add3A_191 = arith.constant 0 : i32
          %add3A_192 = arith.addi %mul3A_190, %add3A_191 : i32
          %add3A_193 = arith.constant 112 : i32
          %add3A_194 = arith.addi %add3A_192, %add3A_193 : i32
          %get3A_195 = arith.constant 0 : i32
          %get3A_196 = arith.index_cast %get3A_195 : i32 to index
          %get3A_197 = arith.index_cast %add3A_194 : i32 to index
          %get3A_198 = tpu.vector_load %arg10[%get3A_196, %get3A_197] {strides = array<i32>} : memref<2x4608xi32, #tpu.memory_space<vmem>>, vector<16xi32>,
          %add3A_199 = vector.broadcast %mul3A_119 : i32 to vector<16xi32>
          %add3A_200 = arith.addi %get3A_128, %add3A_199 : vector<16xi32>
          %add3A_201 = vector.broadcast %mul3A_119 : i32 to vector<16xi32>
          %add3A_202 = arith.addi %get3A_138, %add3A_201 : vector<16xi32>
          %add3A_203 = vector.broadcast %mul3A_119 : i32 to vector<16xi32>
          %add3A_204 = arith.addi %get3A_148, %add3A_203 : vector<16xi32>
          %add3A_205 = vector.broadcast %mul3A_119 : i32 to vector<16xi32>
          %add3A_206 = arith.addi %get3A_158, %add3A_205 : vector<16xi32>
          %add3A_207 = vector.broadcast %mul3A_119 : i32 to vector<16xi32>
          %add3A_208 = arith.addi %get3A_168, %add3A_207 : vector<16xi32>
          %add3A_209 = vector.broadcast %mul3A_119 : i32 to vector<16xi32>
          %add3A_210 = arith.addi %get3A_178, %add3A_209 : vector<16xi32>
          %add3A_211 = vector.broadcast %mul3A_119 : i32 to vector<16xi32>
          %add3A_212 = arith.addi %get3A_188, %add3A_211 : vector<16xi32>
          %add3A_213 = vector.broadcast %mul3A_119 : i32 to vector<16xi32>
          %add3A_214 = arith.addi %get3A_198, %add3A_213 : vector<16xi32>
          tpu.vector_store_idx %arg12[%add3A_200], %broadcast_in_dim3A_25 {add = true} : memref<72000xf32, #tpu.memory_space<vmem>>[vector<16xi32>], vector<16xf32>,
          tpu.vector_store_idx %arg12[%add3A_202], %broadcast_in_dim3A_25 {add = true} : memref<72000xf32, #tpu.memory_space<vmem>>[vector<16xi32>], vector<16xf32>,
          tpu.vector_store_idx %arg12[%add3A_204], %broadcast_in_dim3A_25 {add = true} : memref<72000xf32, #tpu.memory_space<vmem>>[vector<16xi32>], vector<16xf32>,
          tpu.vector_store_idx %arg12[%add3A_206], %broadcast_in_dim3A_25 {add = true} : memref<72000xf32, #tpu.memory_space<vmem>>[vector<16xi32>], vector<16xf32>,
          tpu.vector_store_idx %arg12[%add3A_208], %broadcast_in_dim3A_25 {add = true} : memref<72000xf32, #tpu.memory_space<vmem>>[vector<16xi32>], vector<16xf32>,
          tpu.vector_store_idx %arg12[%add3A_210], %broadcast_in_dim3A_25 {add = true} : memref<72000xf32, #tpu.memory_space<vmem>>[vector<16xi32>], vector<16xf32>,
          tpu.vector_store_idx %arg12[%add3A_212], %broadcast_in_dim3A_25 {add = true} : memref<72000xf32, #tpu.memory_space<vmem>>[vector<16xi32>], vector<16xf32>,
          tpu.vector_store_idx %arg12[%add3A_214], %broadcast_in_dim3A_25 {add = true} : memref<72000xf32, #tpu.memory_space<vmem>>[vector<16xi32>], vector<16xf32>,
          %mul3A_215 = arith.constant 384 : i32
          %mul3A_216 = arith.muli %scan3A_113, %mul3A_215 : i32
          %add3A_217 = arith.constant 128 : i32
          %add3A_218 = arith.addi %mul3A_216, %add3A_217 : i32
          %add3A_219 = arith.constant 0 : i32
          %add3A_220 = arith.addi %add3A_218, %add3A_219 : i32
          %get3A_221 = arith.constant 0 : i32
          %get3A_222 = arith.index_cast %get3A_221 : i32 to index
          %get3A_223 = arith.index_cast %add3A_220 : i32 to index
          %get3A_224 = tpu.vector_load %arg10[%get3A_222, %get3A_223] {strides = array<i32>} : memref<2x4608xi32, #tpu.memory_space<vmem>>, vector<16xi32>,
          %mul3A_225 = arith.constant 384 : i32
          %mul3A_226 = arith.muli %scan3A_113, %mul3A_225 : i32
          %add3A_227 = arith.constant 128 : i32
          %add3A_228 = arith.addi %mul3A_226, %add3A_227 : i32
          %add3A_229 = arith.constant 16 : i32
          %add3A_230 = arith.addi %add3A_228, %add3A_229 : i32
          %get3A_231 = arith.constant 0 : i32
          %get3A_232 = arith.index_cast %get3A_231 : i32 to index
          %get3A_233 = arith.index_cast %add3A_230 : i32 to index
          %get3A_234 = tpu.vector_load %arg10[%get3A_232, %get3A_233] {strides = array<i32>} : memref<2x4608xi32, #tpu.memory_space<vmem>>, vector<16xi32>,
          %mul3A_235 = arith.constant 384 : i32
          %mul3A_236 = arith.muli %scan3A_113, %mul3A_235 : i32
          %add3A_237 = arith.constant 128 : i32
          %add3A_238 = arith.addi %mul3A_236, %add3A_237 : i32
          %add3A_239 = arith.constant 32 : i32
          %add3A_240 = arith.addi %add3A_238, %add3A_239 : i32
          %get3A_241 = arith.constant 0 : i32
          %get3A_242 = arith.index_cast %get3A_241 : i32 to index
          %get3A_243 = arith.index_cast %add3A_240 : i32 to index
          %get3A_244 = tpu.vector_load %arg10[%get3A_242, %get3A_243] {strides = array<i32>} : memref<2x4608xi32, #tpu.memory_space<vmem>>, vector<16xi32>,
          %mul3A_245 = arith.constant 384 : i32
          %mul3A_246 = arith.muli %scan3A_113, %mul3A_245 : i32
          %add3A_247 = arith.constant 128 : i32
          %add3A_248 = arith.addi %mul3A_246, %add3A_247 : i32
          %add3A_249 = arith.constant 48 : i32
          %add3A_250 = arith.addi %add3A_248, %add3A_249 : i32
          %get3A_251 = arith.constant 0 : i32
          %get3A_252 = arith.index_cast %get3A_251 : i32 to index
          %get3A_253 = arith.index_cast %add3A_250 : i32 to index
          %get3A_254 = tpu.vector_load %arg10[%get3A_252, %get3A_253] {strides = array<i32>} : memref<2x4608xi32, #tpu.memory_space<vmem>>, vector<16xi32>,
          %mul3A_255 = arith.constant 384 : i32
          %mul3A_256 = arith.muli %scan3A_113, %mul3A_255 : i32
          %add3A_257 = arith.constant 128 : i32
          %add3A_258 = arith.addi %mul3A_256, %add3A_257 : i32
          %add3A_259 = arith.constant 64 : i32
          %add3A_260 = arith.addi %add3A_258, %add3A_259 : i32
          %get3A_261 = arith.constant 0 : i32
          %get3A_262 = arith.index_cast %get3A_261 : i32 to index
          %get3A_263 = arith.index_cast %add3A_260 : i32 to index
          %get3A_264 = tpu.vector_load %arg10[%get3A_262, %get3A_263] {strides = array<i32>} : memref<2x4608xi32, #tpu.memory_space<vmem>>, vector<16xi32>,
          %mul3A_265 = arith.constant 384 : i32
          %mul3A_266 = arith.muli %scan3A_113, %mul3A_265 : i32
          %add3A_267 = arith.constant 128 : i32
          %add3A_268 = arith.addi %mul3A_266, %add3A_267 : i32
          %add3A_269 = arith.constant 80 : i32
          %add3A_270 = arith.addi %add3A_268, %add3A_269 : i32
          %get3A_271 = arith.constant 0 : i32
          %get3A_272 = arith.index_cast %get3A_271 : i32 to index
          %get3A_273 = arith.index_cast %add3A_270 : i32 to index
          %get3A_274 = tpu.vector_load %arg10[%get3A_272, %get3A_273] {strides = array<i32>} : memref<2x4608xi32, #tpu.memory_space<vmem>>, vector<16xi32>,
          %mul3A_275 = arith.constant 384 : i32
          %mul3A_276 = arith.muli %scan3A_113, %mul3A_275 : i32
          %add3A_277 = arith.constant 128 : i32
          %add3A_278 = arith.addi %mul3A_276, %add3A_277 : i32
          %add3A_279 = arith.constant 96 : i32
          %add3A_280 = arith.addi %add3A_278, %add3A_279 : i32
          %get3A_281 = arith.constant 0 : i32
          %get3A_282 = arith.index_cast %get3A_281 : i32 to index
          %get3A_283 = arith.index_cast %add3A_280 : i32 to index
          %get3A_284 = tpu.vector_load %arg10[%get3A_282, %get3A_283] {strides = array<i32>} : memref<2x4608xi32, #tpu.memory_space<vmem>>, vector<16xi32>,
          %mul3A_285 = arith.constant 384 : i32
          %mul3A_286 = arith.muli %scan3A_113, %mul3A_285 : i32
          %add3A_287 = arith.constant 128 : i32
          %add3A_288 = arith.addi %mul3A_286, %add3A_287 : i32
          %add3A_289 = arith.constant 112 : i32
          %add3A_290 = arith.addi %add3A_288, %add3A_289 : i32
          %get3A_291 = arith.constant 0 : i32
          %get3A_292 = arith.index_cast %get3A_291 : i32 to index
          %get3A_293 = arith.index_cast %add3A_290 : i32 to index
          %get3A_294 = tpu.vector_load %arg10[%get3A_292, %get3A_293] {strides = array<i32>} : memref<2x4608xi32, #tpu.memory_space<vmem>>, vector<16xi32>,
          %add3A_295 = vector.broadcast %mul3A_119 : i32 to vector<16xi32>
          %add3A_296 = arith.addi %get3A_224, %add3A_295 : vector<16xi32>
          %add3A_297 = vector.broadcast %mul3A_119 : i32 to vector<16xi32>
          %add3A_298 = arith.addi %get3A_234, %add3A_297 : vector<16xi32>
          %add3A_299 = vector.broadcast %mul3A_119 : i32 to vector<16xi32>
          %add3A_300 = arith.addi %get3A_244, %add3A_299 : vector<16xi32>
          %add3A_301 = vector.broadcast %mul3A_119 : i32 to vector<16xi32>
          %add3A_302 = arith.addi %get3A_254, %add3A_301 : vector<16xi32>
          %add3A_303 = vector.broadcast %mul3A_119 : i32 to vector<16xi32>
          %add3A_304 = arith.addi %get3A_264, %add3A_303 : vector<16xi32>
          %add3A_305 = vector.broadcast %mul3A_119 : i32 to vector<16xi32>
          %add3A_306 = arith.addi %get3A_274, %add3A_305 : vector<16xi32>
          %add3A_307 = vector.broadcast %mul3A_119 : i32 to vector<16xi32>
          %add3A_308 = arith.addi %get3A_284, %add3A_307 : vector<16xi32>
          %add3A_309 = vector.broadcast %mul3A_119 : i32 to vector<16xi32>
          %add3A_310 = arith.addi %get3A_294, %add3A_309 : vector<16xi32>
          tpu.vector_store_idx %arg12[%add3A_296], %broadcast_in_dim3A_25 {add = true} : memref<72000xf32, #tpu.memory_space<vmem>>[vector<16xi32>], vector<16xf32>,
          tpu.vector_store_idx %arg12[%add3A_298], %broadcast_in_dim3A_25 {add = true} : memref<72000xf32, #tpu.memory_space<vmem>>[vector<16xi32>], vector<16xf32>,
          tpu.vector_store_idx %arg12[%add3A_300], %broadcast_in_dim3A_25 {add = true} : memref<72000xf32, #tpu.memory_space<vmem>>[vector<16xi32>], vector<16xf32>,
          tpu.vector_store_idx %arg12[%add3A_302], %broadcast_in_dim3A_25 {add = true} : memref<72000xf32, #tpu.memory_space<vmem>>[vector<16xi32>], vector<16xf32>,
          tpu.vector_store_idx %arg12[%add3A_304], %broadcast_in_dim3A_25 {add = true} : memref<72000xf32, #tpu.memory_space<vmem>>[vector<16xi32>], vector<16xf32>,
          tpu.vector_store_idx %arg12[%add3A_306], %broadcast_in_dim3A_25 {add = true} : memref<72000xf32, #tpu.memory_space<vmem>>[vector<16xi32>], vector<16xf32>,
          tpu.vector_store_idx %arg12[%add3A_308], %broadcast_in_dim3A_25 {add = true} : memref<72000xf32, #tpu.memory_space<vmem>>[vector<16xi32>], vector<16xf32>,
          tpu.vector_store_idx %arg12[%add3A_310], %broadcast_in_dim3A_25 {add = true} : memref<72000xf32, #tpu.memory_space<vmem>>[vector<16xi32>], vector<16xf32>,
          %mul3A_311 = arith.constant 384 : i32
          %mul3A_312 = arith.muli %scan3A_113, %mul3A_311 : i32
          %add3A_313 = arith.constant 256 : i32
          %add3A_314 = arith.addi %mul3A_312, %add3A_313 : i32
          %add3A_315 = arith.constant 0 : i32
          %add3A_316 = arith.addi %add3A_314, %add3A_315 : i32
          %get3A_317 = arith.constant 0 : i32
          %get3A_318 = arith.index_cast %get3A_317 : i32 to index
          %get3A_319 = arith.index_cast %add3A_316 : i32 to index
          %get3A_320 = tpu.vector_load %arg10[%get3A_318, %get3A_319] {strides = array<i32>} : memref<2x4608xi32, #tpu.memory_space<vmem>>, vector<16xi32>,
          %mul3A_321 = arith.constant 384 : i32
          %mul3A_322 = arith.muli %scan3A_113, %mul3A_321 : i32
          %add3A_323 = arith.constant 256 : i32
          %add3A_324 = arith.addi %mul3A_322, %add3A_323 : i32
          %add3A_325 = arith.constant 16 : i32
          %add3A_326 = arith.addi %add3A_324, %add3A_325 : i32
          %get3A_327 = arith.constant 0 : i32
          %get3A_328 = arith.index_cast %get3A_327 : i32 to index
          %get3A_329 = arith.index_cast %add3A_326 : i32 to index
          %get3A_330 = tpu.vector_load %arg10[%get3A_328, %get3A_329] {strides = array<i32>} : memref<2x4608xi32, #tpu.memory_space<vmem>>, vector<16xi32>,
          %mul3A_331 = arith.constant 384 : i32
          %mul3A_332 = arith.muli %scan3A_113, %mul3A_331 : i32
          %add3A_333 = arith.constant 256 : i32
          %add3A_334 = arith.addi %mul3A_332, %add3A_333 : i32
          %add3A_335 = arith.constant 32 : i32
          %add3A_336 = arith.addi %add3A_334, %add3A_335 : i32
          %get3A_337 = arith.constant 0 : i32
          %get3A_338 = arith.index_cast %get3A_337 : i32 to index
          %get3A_339 = arith.index_cast %add3A_336 : i32 to index
          %get3A_340 = tpu.vector_load %arg10[%get3A_338, %get3A_339] {strides = array<i32>} : memref<2x4608xi32, #tpu.memory_space<vmem>>, vector<16xi32>,
          %mul3A_341 = arith.constant 384 : i32
          %mul3A_342 = arith.muli %scan3A_113, %mul3A_341 : i32
          %add3A_343 = arith.constant 256 : i32
          %add3A_344 = arith.addi %mul3A_342, %add3A_343 : i32
          %add3A_345 = arith.constant 48 : i32
          %add3A_346 = arith.addi %add3A_344, %add3A_345 : i32
          %get3A_347 = arith.constant 0 : i32
          %get3A_348 = arith.index_cast %get3A_347 : i32 to index
          %get3A_349 = arith.index_cast %add3A_346 : i32 to index
          %get3A_350 = tpu.vector_load %arg10[%get3A_348, %get3A_349] {strides = array<i32>} : memref<2x4608xi32, #tpu.memory_space<vmem>>, vector<16xi32>,
          %mul3A_351 = arith.constant 384 : i32
          %mul3A_352 = arith.muli %scan3A_113, %mul3A_351 : i32
          %add3A_353 = arith.constant 256 : i32
          %add3A_354 = arith.addi %mul3A_352, %add3A_353 : i32
          %add3A_355 = arith.constant 64 : i32
          %add3A_356 = arith.addi %add3A_354, %add3A_355 : i32
          %get3A_357 = arith.constant 0 : i32
          %get3A_358 = arith.index_cast %get3A_357 : i32 to index
          %get3A_359 = arith.index_cast %add3A_356 : i32 to index
          %get3A_360 = tpu.vector_load %arg10[%get3A_358, %get3A_359] {strides = array<i32>} : memref<2x4608xi32, #tpu.memory_space<vmem>>, vector<16xi32>,
          %mul3A_361 = arith.constant 384 : i32
          %mul3A_362 = arith.muli %scan3A_113, %mul3A_361 : i32
          %add3A_363 = arith.constant 256 : i32
          %add3A_364 = arith.addi %mul3A_362, %add3A_363 : i32
          %add3A_365 = arith.constant 80 : i32
          %add3A_366 = arith.addi %add3A_364, %add3A_365 : i32
          %get3A_367 = arith.constant 0 : i32
          %get3A_368 = arith.index_cast %get3A_367 : i32 to index
          %get3A_369 = arith.index_cast %add3A_366 : i32 to index
          %get3A_370 = tpu.vector_load %arg10[%get3A_368, %get3A_369] {strides = array<i32>} : memref<2x4608xi32, #tpu.memory_space<vmem>>, vector<16xi32>,
          %mul3A_371 = arith.constant 384 : i32
          %mul3A_372 = arith.muli %scan3A_113, %mul3A_371 : i32
          %add3A_373 = arith.constant 256 : i32
          %add3A_374 = arith.addi %mul3A_372, %add3A_373 : i32
          %add3A_375 = arith.constant 96 : i32
          %add3A_376 = arith.addi %add3A_374, %add3A_375 : i32
          %get3A_377 = arith.constant 0 : i32
          %get3A_378 = arith.index_cast %get3A_377 : i32 to index
          %get3A_379 = arith.index_cast %add3A_376 : i32 to index
          %get3A_380 = tpu.vector_load %arg10[%get3A_378, %get3A_379] {strides = array<i32>} : memref<2x4608xi32, #tpu.memory_space<vmem>>, vector<16xi32>,
          %mul3A_381 = arith.constant 384 : i32
          %mul3A_382 = arith.muli %scan3A_113, %mul3A_381 : i32
          %add3A_383 = arith.constant 256 : i32
          %add3A_384 = arith.addi %mul3A_382, %add3A_383 : i32
          %add3A_385 = arith.constant 112 : i32
          %add3A_386 = arith.addi %add3A_384, %add3A_385 : i32
          %get3A_387 = arith.constant 0 : i32
          %get3A_388 = arith.index_cast %get3A_387 : i32 to index
          %get3A_389 = arith.index_cast %add3A_386 : i32 to index
          %get3A_390 = tpu.vector_load %arg10[%get3A_388, %get3A_389] {strides = array<i32>} : memref<2x4608xi32, #tpu.memory_space<vmem>>, vector<16xi32>,
          %add3A_391 = vector.broadcast %mul3A_119 : i32 to vector<16xi32>
          %add3A_392 = arith.addi %get3A_320, %add3A_391 : vector<16xi32>
          %add3A_393 = vector.broadcast %mul3A_119 : i32 to vector<16xi32>
          %add3A_394 = arith.addi %get3A_330, %add3A_393 : vector<16xi32>
          %add3A_395 = vector.broadcast %mul3A_119 : i32 to vector<16xi32>
          %add3A_396 = arith.addi %get3A_340, %add3A_395 : vector<16xi32>
          %add3A_397 = vector.broadcast %mul3A_119 : i32 to vector<16xi32>
          %add3A_398 = arith.addi %get3A_350, %add3A_397 : vector<16xi32>
          %add3A_399 = vector.broadcast %mul3A_119 : i32 to vector<16xi32>
          %add3A_400 = arith.addi %get3A_360, %add3A_399 : vector<16xi32>
          %add3A_401 = vector.broadcast %mul3A_119 : i32 to vector<16xi32>
          %add3A_402 = arith.addi %get3A_370, %add3A_401 : vector<16xi32>
          %add3A_403 = vector.broadcast %mul3A_119 : i32 to vector<16xi32>
          %add3A_404 = arith.addi %get3A_380, %add3A_403 : vector<16xi32>
          %add3A_405 = vector.broadcast %mul3A_119 : i32 to vector<16xi32>
          %add3A_406 = arith.addi %get3A_390, %add3A_405 : vector<16xi32>
          tpu.vector_store_idx %arg12[%add3A_392], %broadcast_in_dim3A_25 {add = true} : memref<72000xf32, #tpu.memory_space<vmem>>[vector<16xi32>], vector<16xf32>,
          tpu.vector_store_idx %arg12[%add3A_394], %broadcast_in_dim3A_25 {add = true} : memref<72000xf32, #tpu.memory_space<vmem>>[vector<16xi32>], vector<16xf32>,
          tpu.vector_store_idx %arg12[%add3A_396], %broadcast_in_dim3A_25 {add = true} : memref<72000xf32, #tpu.memory_space<vmem>>[vector<16xi32>], vector<16xf32>,
          tpu.vector_store_idx %arg12[%add3A_398], %broadcast_in_dim3A_25 {add = true} : memref<72000xf32, #tpu.memory_space<vmem>>[vector<16xi32>], vector<16xf32>,
          tpu.vector_store_idx %arg12[%add3A_400], %broadcast_in_dim3A_25 {add = true} : memref<72000xf32, #tpu.memory_space<vmem>>[vector<16xi32>], vector<16xf32>,
          tpu.vector_store_idx %arg12[%add3A_402], %broadcast_in_dim3A_25 {add = true} : memref<72000xf32, #tpu.memory_space<vmem>>[vector<16xi32>], vector<16xf32>,
          tpu.vector_store_idx %arg12[%add3A_404], %broadcast_in_dim3A_25 {add = true} : memref<72000xf32, #tpu.memory_space<vmem>>[vector<16xi32>], vector<16xf32>,
          tpu.vector_store_idx %arg12[%add3A_406], %broadcast_in_dim3A_25 {add = true} : memref<72000xf32, #tpu.memory_space<vmem>>[vector<16xi32>], vector<16xf32>,
          %scan3A_407 = arith.constant 0 : i32
          scf.yield %scan3A_407 : i32
        }
        %scan3A_84 = arith.constant 12 : i32
        %add3A_85 = arith.constant 1 : i32
        %add3A_86 = arith.addi %add3A_59, %add3A_85 : i32
        %mul3A_87 = arith.constant 4608 : i32
        %mul3A_88 = arith.muli %add3A_86, %mul3A_87 : i32
        %add3A_89 = arith.addi %mul3A_16, %mul3A_88 : i32
        %dma_wait3A_90 = arith.constant 1 : i32
        %dma_wait3A_91 = arith.constant 0 : i32
        %dma_wait3A_92 = tpu.memref_slice %arg10[%dma_wait3A_90, %dma_wait3A_91] : memref<2x4608xi32, #tpu.memory_space<vmem>> -> memref<1x4608xi32, #tpu.memory_space<vmem>>
        %dma_wait3A_93 = tpu.memref_squeeze %dma_wait3A_92 : memref<1x4608xi32, #tpu.memory_space<vmem>> -> memref<4608xi32, #tpu.memory_space<vmem>>
        %dma_wait3A_94 = tpu.memref_slice %arg4[%add3A_89] : memref<589824xi32, #tpu.memory_space<hbm>> -> memref<4608xi32, #tpu.memory_space<hbm>>
        %dma_wait3A_95 = arith.constant 0 : i32
        %dma_wait3A_96 = tpu.memref_slice %arg10[%dma_wait3A_90, %dma_wait3A_95] : memref<2x4608xi32, #tpu.memory_space<vmem>> -> memref<1x4608xi32, #tpu.memory_space<vmem>>
        %dma_wait3A_97 = tpu.memref_squeeze %dma_wait3A_96 : memref<1x4608xi32, #tpu.memory_space<vmem>> -> memref<4608xi32, #tpu.memory_space<vmem>>
        %dma_wait3A_98 = tpu.memref_slice %arg4[%add3A_89] : memref<589824xi32, #tpu.memory_space<hbm>> -> memref<4608xi32, #tpu.memory_space<hbm>>
        tpu.wait_dma2 semaphore(%arg14 : memref<!tpu.dma_semaphore, #tpu.memory_space<semaphore_mem>>) src(%dma_wait3A_98 : memref<4608xi32, #tpu.memory_space<hbm>>) dst(%dma_wait3A_97 : memref<4608xi32, #tpu.memory_space<vmem>>)
        %add3A_99 = arith.constant 2 : i32
        %add3A_100 = arith.addi %add3A_86, %add3A_99 : i32
        %lt3A_101 = arith.constant 32 : i32
        %lt3A_102 = arith.cmpi slt, %add3A_100, %lt3A_101 : i32
        %convert_element_type3A_103 = arith.extui %lt3A_102 : i1 to i32
        %cond3A_104 = arith.constant 0 : i32
        %cond3A_105 = arith.cmpi ne, %convert_element_type3A_103, %cond3A_104 : i32
        scf.if %cond3A_105 {
          %add3A_113 = arith.constant 2 : i32
          %add3A_114 = arith.addi %add3A_86, %add3A_113 : i32
          %mul3A_115 = arith.constant 4608 : i32
          %mul3A_116 = arith.muli %add3A_114, %mul3A_115 : i32
          %add3A_117 = arith.addi %mul3A_16, %mul3A_116 : i32
          %dma_start3A_118 = arith.constant 1 : i32
          %dma_start3A_119 = arith.constant 0 : i32
          %dma_start3A_120 = tpu.memref_slice %arg10[%dma_start3A_118, %dma_start3A_119] : memref<2x4608xi32, #tpu.memory_space<vmem>> -> memref<1x4608xi32, #tpu.memory_space<vmem>>
          %dma_start3A_121 = tpu.memref_squeeze %dma_start3A_120 : memref<1x4608xi32, #tpu.memory_space<vmem>> -> memref<4608xi32, #tpu.memory_space<vmem>>
          %dma_start3A_122 = tpu.memref_slice %arg4[%add3A_117] : memref<589824xi32, #tpu.memory_space<hbm>> -> memref<4608xi32, #tpu.memory_space<hbm>>
          %dma_start3A_123 = arith.constant 0 : i32
          %dma_start3A_124 = tpu.memref_slice %arg10[%dma_start3A_118, %dma_start3A_123] : memref<2x4608xi32, #tpu.memory_space<vmem>> -> memref<1x4608xi32, #tpu.memory_space<vmem>>
          %dma_start3A_125 = tpu.memref_squeeze %dma_start3A_124 : memref<1x4608xi32, #tpu.memory_space<vmem>> -> memref<4608xi32, #tpu.memory_space<vmem>>
          %dma_start3A_126 = tpu.memref_slice %arg4[%add3A_117] : memref<589824xi32, #tpu.memory_space<hbm>> -> memref<4608xi32, #tpu.memory_space<hbm>>
          tpu.enqueue_dma source(%dma_start3A_126 : memref<4608xi32, #tpu.memory_space<hbm>>) target(%dma_start3A_125 : memref<4608xi32, #tpu.memory_space<vmem>>) target_semaphore(%arg14 : memref<!tpu.dma_semaphore, #tpu.memory_space<semaphore_mem>>)
        } else {
        }
        %scan3A_106 = arith.constant 0 : i32
        %scan3A_107 = arith.constant 0 : i32
        %scan3A_108 = arith.constant 12 : i32
        %scan3A_109 = arith.addi %scan3A_107, %scan3A_108 : i32
        %scan3A_110 = arith.constant 1 : i32
        %scan3A_111 = scf.for %scan3A_113 = %scan3A_107 to %scan3A_109 step %scan3A_110 iter_args(%scan3A_114 = %scan3A_106) -> (i32)  : i32 {
          %mul3A_115 = arith.constant 12 : i32
          %mul3A_116 = arith.muli %add3A_86, %mul3A_115 : i32
          %add3A_117 = arith.addi %mul3A_116, %scan3A_113 : i32
          %mul3A_118 = arith.constant 200 : i32
          %mul3A_119 = arith.muli %add3A_117, %mul3A_118 : i32
          %mul3A_120 = arith.constant 384 : i32
          %mul3A_121 = arith.muli %scan3A_113, %mul3A_120 : i32
          %add3A_122 = arith.constant 0 : i32
          %add3A_123 = arith.addi %mul3A_121, %add3A_122 : i32
          %add3A_124 = arith.constant 0 : i32
          %add3A_125 = arith.addi %add3A_123, %add3A_124 : i32
          %get3A = arith.constant 1 : i32
          %get3A_126 = arith.index_cast %get3A : i32 to index
          %get3A_127 = arith.index_cast %add3A_125 : i32 to index
          %get3A_128 = tpu.vector_load %arg10[%get3A_126, %get3A_127] {strides = array<i32>} : memref<2x4608xi32, #tpu.memory_space<vmem>>, vector<16xi32>,
          %mul3A_129 = arith.constant 384 : i32
          %mul3A_130 = arith.muli %scan3A_113, %mul3A_129 : i32
          %add3A_131 = arith.constant 0 : i32
          %add3A_132 = arith.addi %mul3A_130, %add3A_131 : i32
          %add3A_133 = arith.constant 16 : i32
          %add3A_134 = arith.addi %add3A_132, %add3A_133 : i32
          %get3A_135 = arith.constant 1 : i32
          %get3A_136 = arith.index_cast %get3A_135 : i32 to index
          %get3A_137 = arith.index_cast %add3A_134 : i32 to index
          %get3A_138 = tpu.vector_load %arg10[%get3A_136, %get3A_137] {strides = array<i32>} : memref<2x4608xi32, #tpu.memory_space<vmem>>, vector<16xi32>,
          %mul3A_139 = arith.constant 384 : i32
          %mul3A_140 = arith.muli %scan3A_113, %mul3A_139 : i32
          %add3A_141 = arith.constant 0 : i32
          %add3A_142 = arith.addi %mul3A_140, %add3A_141 : i32
          %add3A_143 = arith.constant 32 : i32
          %add3A_144 = arith.addi %add3A_142, %add3A_143 : i32
          %get3A_145 = arith.constant 1 : i32
          %get3A_146 = arith.index_cast %get3A_145 : i32 to index
          %get3A_147 = arith.index_cast %add3A_144 : i32 to index
          %get3A_148 = tpu.vector_load %arg10[%get3A_146, %get3A_147] {strides = array<i32>} : memref<2x4608xi32, #tpu.memory_space<vmem>>, vector<16xi32>,
          %mul3A_149 = arith.constant 384 : i32
          %mul3A_150 = arith.muli %scan3A_113, %mul3A_149 : i32
          %add3A_151 = arith.constant 0 : i32
          %add3A_152 = arith.addi %mul3A_150, %add3A_151 : i32
          %add3A_153 = arith.constant 48 : i32
          %add3A_154 = arith.addi %add3A_152, %add3A_153 : i32
          %get3A_155 = arith.constant 1 : i32
          %get3A_156 = arith.index_cast %get3A_155 : i32 to index
          %get3A_157 = arith.index_cast %add3A_154 : i32 to index
          %get3A_158 = tpu.vector_load %arg10[%get3A_156, %get3A_157] {strides = array<i32>} : memref<2x4608xi32, #tpu.memory_space<vmem>>, vector<16xi32>,
          %mul3A_159 = arith.constant 384 : i32
          %mul3A_160 = arith.muli %scan3A_113, %mul3A_159 : i32
          %add3A_161 = arith.constant 0 : i32
          %add3A_162 = arith.addi %mul3A_160, %add3A_161 : i32
          %add3A_163 = arith.constant 64 : i32
          %add3A_164 = arith.addi %add3A_162, %add3A_163 : i32
          %get3A_165 = arith.constant 1 : i32
          %get3A_166 = arith.index_cast %get3A_165 : i32 to index
          %get3A_167 = arith.index_cast %add3A_164 : i32 to index
          %get3A_168 = tpu.vector_load %arg10[%get3A_166, %get3A_167] {strides = array<i32>} : memref<2x4608xi32, #tpu.memory_space<vmem>>, vector<16xi32>,
          %mul3A_169 = arith.constant 384 : i32
          %mul3A_170 = arith.muli %scan3A_113, %mul3A_169 : i32
          %add3A_171 = arith.constant 0 : i32
          %add3A_172 = arith.addi %mul3A_170, %add3A_171 : i32
          %add3A_173 = arith.constant 80 : i32
          %add3A_174 = arith.addi %add3A_172, %add3A_173 : i32
          %get3A_175 = arith.constant 1 : i32
          %get3A_176 = arith.index_cast %get3A_175 : i32 to index
          %get3A_177 = arith.index_cast %add3A_174 : i32 to index
          %get3A_178 = tpu.vector_load %arg10[%get3A_176, %get3A_177] {strides = array<i32>} : memref<2x4608xi32, #tpu.memory_space<vmem>>, vector<16xi32>,
          %mul3A_179 = arith.constant 384 : i32
          %mul3A_180 = arith.muli %scan3A_113, %mul3A_179 : i32
          %add3A_181 = arith.constant 0 : i32
          %add3A_182 = arith.addi %mul3A_180, %add3A_181 : i32
          %add3A_183 = arith.constant 96 : i32
          %add3A_184 = arith.addi %add3A_182, %add3A_183 : i32
          %get3A_185 = arith.constant 1 : i32
          %get3A_186 = arith.index_cast %get3A_185 : i32 to index
          %get3A_187 = arith.index_cast %add3A_184 : i32 to index
          %get3A_188 = tpu.vector_load %arg10[%get3A_186, %get3A_187] {strides = array<i32>} : memref<2x4608xi32, #tpu.memory_space<vmem>>, vector<16xi32>,
          %mul3A_189 = arith.constant 384 : i32
          %mul3A_190 = arith.muli %scan3A_113, %mul3A_189 : i32
          %add3A_191 = arith.constant 0 : i32
          %add3A_192 = arith.addi %mul3A_190, %add3A_191 : i32
          %add3A_193 = arith.constant 112 : i32
          %add3A_194 = arith.addi %add3A_192, %add3A_193 : i32
          %get3A_195 = arith.constant 1 : i32
          %get3A_196 = arith.index_cast %get3A_195 : i32 to index
          %get3A_197 = arith.index_cast %add3A_194 : i32 to index
          %get3A_198 = tpu.vector_load %arg10[%get3A_196, %get3A_197] {strides = array<i32>} : memref<2x4608xi32, #tpu.memory_space<vmem>>, vector<16xi32>,
          %add3A_199 = vector.broadcast %mul3A_119 : i32 to vector<16xi32>
          %add3A_200 = arith.addi %get3A_128, %add3A_199 : vector<16xi32>
          %add3A_201 = vector.broadcast %mul3A_119 : i32 to vector<16xi32>
          %add3A_202 = arith.addi %get3A_138, %add3A_201 : vector<16xi32>
          %add3A_203 = vector.broadcast %mul3A_119 : i32 to vector<16xi32>
          %add3A_204 = arith.addi %get3A_148, %add3A_203 : vector<16xi32>
          %add3A_205 = vector.broadcast %mul3A_119 : i32 to vector<16xi32>
          %add3A_206 = arith.addi %get3A_158, %add3A_205 : vector<16xi32>
          %add3A_207 = vector.broadcast %mul3A_119 : i32 to vector<16xi32>
          %add3A_208 = arith.addi %get3A_168, %add3A_207 : vector<16xi32>
          %add3A_209 = vector.broadcast %mul3A_119 : i32 to vector<16xi32>
          %add3A_210 = arith.addi %get3A_178, %add3A_209 : vector<16xi32>
          %add3A_211 = vector.broadcast %mul3A_119 : i32 to vector<16xi32>
          %add3A_212 = arith.addi %get3A_188, %add3A_211 : vector<16xi32>
          %add3A_213 = vector.broadcast %mul3A_119 : i32 to vector<16xi32>
          %add3A_214 = arith.addi %get3A_198, %add3A_213 : vector<16xi32>
          tpu.vector_store_idx %arg12[%add3A_200], %broadcast_in_dim3A_25 {add = true} : memref<72000xf32, #tpu.memory_space<vmem>>[vector<16xi32>], vector<16xf32>,
          tpu.vector_store_idx %arg12[%add3A_202], %broadcast_in_dim3A_25 {add = true} : memref<72000xf32, #tpu.memory_space<vmem>>[vector<16xi32>], vector<16xf32>,
          tpu.vector_store_idx %arg12[%add3A_204], %broadcast_in_dim3A_25 {add = true} : memref<72000xf32, #tpu.memory_space<vmem>>[vector<16xi32>], vector<16xf32>,
          tpu.vector_store_idx %arg12[%add3A_206], %broadcast_in_dim3A_25 {add = true} : memref<72000xf32, #tpu.memory_space<vmem>>[vector<16xi32>], vector<16xf32>,
          tpu.vector_store_idx %arg12[%add3A_208], %broadcast_in_dim3A_25 {add = true} : memref<72000xf32, #tpu.memory_space<vmem>>[vector<16xi32>], vector<16xf32>,
          tpu.vector_store_idx %arg12[%add3A_210], %broadcast_in_dim3A_25 {add = true} : memref<72000xf32, #tpu.memory_space<vmem>>[vector<16xi32>], vector<16xf32>,
          tpu.vector_store_idx %arg12[%add3A_212], %broadcast_in_dim3A_25 {add = true} : memref<72000xf32, #tpu.memory_space<vmem>>[vector<16xi32>], vector<16xf32>,
          tpu.vector_store_idx %arg12[%add3A_214], %broadcast_in_dim3A_25 {add = true} : memref<72000xf32, #tpu.memory_space<vmem>>[vector<16xi32>], vector<16xf32>,
          %mul3A_215 = arith.constant 384 : i32
          %mul3A_216 = arith.muli %scan3A_113, %mul3A_215 : i32
          %add3A_217 = arith.constant 128 : i32
          %add3A_218 = arith.addi %mul3A_216, %add3A_217 : i32
          %add3A_219 = arith.constant 0 : i32
          %add3A_220 = arith.addi %add3A_218, %add3A_219 : i32
          %get3A_221 = arith.constant 1 : i32
          %get3A_222 = arith.index_cast %get3A_221 : i32 to index
          %get3A_223 = arith.index_cast %add3A_220 : i32 to index
          %get3A_224 = tpu.vector_load %arg10[%get3A_222, %get3A_223] {strides = array<i32>} : memref<2x4608xi32, #tpu.memory_space<vmem>>, vector<16xi32>,
          %mul3A_225 = arith.constant 384 : i32
          %mul3A_226 = arith.muli %scan3A_113, %mul3A_225 : i32
          %add3A_227 = arith.constant 128 : i32
          %add3A_228 = arith.addi %mul3A_226, %add3A_227 : i32
          %add3A_229 = arith.constant 16 : i32
          %add3A_230 = arith.addi %add3A_228, %add3A_229 : i32
          %get3A_231 = arith.constant 1 : i32
          %get3A_232 = arith.index_cast %get3A_231 : i32 to index
          %get3A_233 = arith.index_cast %add3A_230 : i32 to index
          %get3A_234 = tpu.vector_load %arg10[%get3A_232, %get3A_233] {strides = array<i32>} : memref<2x4608xi32, #tpu.memory_space<vmem>>, vector<16xi32>,
          %mul3A_235 = arith.constant 384 : i32
          %mul3A_236 = arith.muli %scan3A_113, %mul3A_235 : i32
          %add3A_237 = arith.constant 128 : i32
          %add3A_238 = arith.addi %mul3A_236, %add3A_237 : i32
          %add3A_239 = arith.constant 32 : i32
          %add3A_240 = arith.addi %add3A_238, %add3A_239 : i32
          %get3A_241 = arith.constant 1 : i32
          %get3A_242 = arith.index_cast %get3A_241 : i32 to index
          %get3A_243 = arith.index_cast %add3A_240 : i32 to index
          %get3A_244 = tpu.vector_load %arg10[%get3A_242, %get3A_243] {strides = array<i32>} : memref<2x4608xi32, #tpu.memory_space<vmem>>, vector<16xi32>,
          %mul3A_245 = arith.constant 384 : i32
          %mul3A_246 = arith.muli %scan3A_113, %mul3A_245 : i32
          %add3A_247 = arith.constant 128 : i32
          %add3A_248 = arith.addi %mul3A_246, %add3A_247 : i32
          %add3A_249 = arith.constant 48 : i32
          %add3A_250 = arith.addi %add3A_248, %add3A_249 : i32
          %get3A_251 = arith.constant 1 : i32
          %get3A_252 = arith.index_cast %get3A_251 : i32 to index
          %get3A_253 = arith.index_cast %add3A_250 : i32 to index
          %get3A_254 = tpu.vector_load %arg10[%get3A_252, %get3A_253] {strides = array<i32>} : memref<2x4608xi32, #tpu.memory_space<vmem>>, vector<16xi32>,
          %mul3A_255 = arith.constant 384 : i32
          %mul3A_256 = arith.muli %scan3A_113, %mul3A_255 : i32
          %add3A_257 = arith.constant 128 : i32
          %add3A_258 = arith.addi %mul3A_256, %add3A_257 : i32
          %add3A_259 = arith.constant 64 : i32
          %add3A_260 = arith.addi %add3A_258, %add3A_259 : i32
          %get3A_261 = arith.constant 1 : i32
          %get3A_262 = arith.index_cast %get3A_261 : i32 to index
          %get3A_263 = arith.index_cast %add3A_260 : i32 to index
          %get3A_264 = tpu.vector_load %arg10[%get3A_262, %get3A_263] {strides = array<i32>} : memref<2x4608xi32, #tpu.memory_space<vmem>>, vector<16xi32>,
          %mul3A_265 = arith.constant 384 : i32
          %mul3A_266 = arith.muli %scan3A_113, %mul3A_265 : i32
          %add3A_267 = arith.constant 128 : i32
          %add3A_268 = arith.addi %mul3A_266, %add3A_267 : i32
          %add3A_269 = arith.constant 80 : i32
          %add3A_270 = arith.addi %add3A_268, %add3A_269 : i32
          %get3A_271 = arith.constant 1 : i32
          %get3A_272 = arith.index_cast %get3A_271 : i32 to index
          %get3A_273 = arith.index_cast %add3A_270 : i32 to index
          %get3A_274 = tpu.vector_load %arg10[%get3A_272, %get3A_273] {strides = array<i32>} : memref<2x4608xi32, #tpu.memory_space<vmem>>, vector<16xi32>,
          %mul3A_275 = arith.constant 384 : i32
          %mul3A_276 = arith.muli %scan3A_113, %mul3A_275 : i32
          %add3A_277 = arith.constant 128 : i32
          %add3A_278 = arith.addi %mul3A_276, %add3A_277 : i32
          %add3A_279 = arith.constant 96 : i32
          %add3A_280 = arith.addi %add3A_278, %add3A_279 : i32
          %get3A_281 = arith.constant 1 : i32
          %get3A_282 = arith.index_cast %get3A_281 : i32 to index
          %get3A_283 = arith.index_cast %add3A_280 : i32 to index
          %get3A_284 = tpu.vector_load %arg10[%get3A_282, %get3A_283] {strides = array<i32>} : memref<2x4608xi32, #tpu.memory_space<vmem>>, vector<16xi32>,
          %mul3A_285 = arith.constant 384 : i32
          %mul3A_286 = arith.muli %scan3A_113, %mul3A_285 : i32
          %add3A_287 = arith.constant 128 : i32
          %add3A_288 = arith.addi %mul3A_286, %add3A_287 : i32
          %add3A_289 = arith.constant 112 : i32
          %add3A_290 = arith.addi %add3A_288, %add3A_289 : i32
          %get3A_291 = arith.constant 1 : i32
          %get3A_292 = arith.index_cast %get3A_291 : i32 to index
          %get3A_293 = arith.index_cast %add3A_290 : i32 to index
          %get3A_294 = tpu.vector_load %arg10[%get3A_292, %get3A_293] {strides = array<i32>} : memref<2x4608xi32, #tpu.memory_space<vmem>>, vector<16xi32>,
          %add3A_295 = vector.broadcast %mul3A_119 : i32 to vector<16xi32>
          %add3A_296 = arith.addi %get3A_224, %add3A_295 : vector<16xi32>
          %add3A_297 = vector.broadcast %mul3A_119 : i32 to vector<16xi32>
          %add3A_298 = arith.addi %get3A_234, %add3A_297 : vector<16xi32>
          %add3A_299 = vector.broadcast %mul3A_119 : i32 to vector<16xi32>
          %add3A_300 = arith.addi %get3A_244, %add3A_299 : vector<16xi32>
          %add3A_301 = vector.broadcast %mul3A_119 : i32 to vector<16xi32>
          %add3A_302 = arith.addi %get3A_254, %add3A_301 : vector<16xi32>
          %add3A_303 = vector.broadcast %mul3A_119 : i32 to vector<16xi32>
          %add3A_304 = arith.addi %get3A_264, %add3A_303 : vector<16xi32>
          %add3A_305 = vector.broadcast %mul3A_119 : i32 to vector<16xi32>
          %add3A_306 = arith.addi %get3A_274, %add3A_305 : vector<16xi32>
          %add3A_307 = vector.broadcast %mul3A_119 : i32 to vector<16xi32>
          %add3A_308 = arith.addi %get3A_284, %add3A_307 : vector<16xi32>
          %add3A_309 = vector.broadcast %mul3A_119 : i32 to vector<16xi32>
          %add3A_310 = arith.addi %get3A_294, %add3A_309 : vector<16xi32>
          tpu.vector_store_idx %arg12[%add3A_296], %broadcast_in_dim3A_25 {add = true} : memref<72000xf32, #tpu.memory_space<vmem>>[vector<16xi32>], vector<16xf32>,
          tpu.vector_store_idx %arg12[%add3A_298], %broadcast_in_dim3A_25 {add = true} : memref<72000xf32, #tpu.memory_space<vmem>>[vector<16xi32>], vector<16xf32>,
          tpu.vector_store_idx %arg12[%add3A_300], %broadcast_in_dim3A_25 {add = true} : memref<72000xf32, #tpu.memory_space<vmem>>[vector<16xi32>], vector<16xf32>,
          tpu.vector_store_idx %arg12[%add3A_302], %broadcast_in_dim3A_25 {add = true} : memref<72000xf32, #tpu.memory_space<vmem>>[vector<16xi32>], vector<16xf32>,
          tpu.vector_store_idx %arg12[%add3A_304], %broadcast_in_dim3A_25 {add = true} : memref<72000xf32, #tpu.memory_space<vmem>>[vector<16xi32>], vector<16xf32>,
          tpu.vector_store_idx %arg12[%add3A_306], %broadcast_in_dim3A_25 {add = true} : memref<72000xf32, #tpu.memory_space<vmem>>[vector<16xi32>], vector<16xf32>,
          tpu.vector_store_idx %arg12[%add3A_308], %broadcast_in_dim3A_25 {add = true} : memref<72000xf32, #tpu.memory_space<vmem>>[vector<16xi32>], vector<16xf32>,
          tpu.vector_store_idx %arg12[%add3A_310], %broadcast_in_dim3A_25 {add = true} : memref<72000xf32, #tpu.memory_space<vmem>>[vector<16xi32>], vector<16xf32>,
          %mul3A_311 = arith.constant 384 : i32
          %mul3A_312 = arith.muli %scan3A_113, %mul3A_311 : i32
          %add3A_313 = arith.constant 256 : i32
          %add3A_314 = arith.addi %mul3A_312, %add3A_313 : i32
          %add3A_315 = arith.constant 0 : i32
          %add3A_316 = arith.addi %add3A_314, %add3A_315 : i32
          %get3A_317 = arith.constant 1 : i32
          %get3A_318 = arith.index_cast %get3A_317 : i32 to index
          %get3A_319 = arith.index_cast %add3A_316 : i32 to index
          %get3A_320 = tpu.vector_load %arg10[%get3A_318, %get3A_319] {strides = array<i32>} : memref<2x4608xi32, #tpu.memory_space<vmem>>, vector<16xi32>,
          %mul3A_321 = arith.constant 384 : i32
          %mul3A_322 = arith.muli %scan3A_113, %mul3A_321 : i32
          %add3A_323 = arith.constant 256 : i32
          %add3A_324 = arith.addi %mul3A_322, %add3A_323 : i32
          %add3A_325 = arith.constant 16 : i32
          %add3A_326 = arith.addi %add3A_324, %add3A_325 : i32
          %get3A_327 = arith.constant 1 : i32
          %get3A_328 = arith.index_cast %get3A_327 : i32 to index
          %get3A_329 = arith.index_cast %add3A_326 : i32 to index
          %get3A_330 = tpu.vector_load %arg10[%get3A_328, %get3A_329] {strides = array<i32>} : memref<2x4608xi32, #tpu.memory_space<vmem>>, vector<16xi32>,
          %mul3A_331 = arith.constant 384 : i32
          %mul3A_332 = arith.muli %scan3A_113, %mul3A_331 : i32
          %add3A_333 = arith.constant 256 : i32
          %add3A_334 = arith.addi %mul3A_332, %add3A_333 : i32
          %add3A_335 = arith.constant 32 : i32
          %add3A_336 = arith.addi %add3A_334, %add3A_335 : i32
          %get3A_337 = arith.constant 1 : i32
          %get3A_338 = arith.index_cast %get3A_337 : i32 to index
          %get3A_339 = arith.index_cast %add3A_336 : i32 to index
          %get3A_340 = tpu.vector_load %arg10[%get3A_338, %get3A_339] {strides = array<i32>} : memref<2x4608xi32, #tpu.memory_space<vmem>>, vector<16xi32>,
          %mul3A_341 = arith.constant 384 : i32
          %mul3A_342 = arith.muli %scan3A_113, %mul3A_341 : i32
          %add3A_343 = arith.constant 256 : i32
          %add3A_344 = arith.addi %mul3A_342, %add3A_343 : i32
          %add3A_345 = arith.constant 48 : i32
          %add3A_346 = arith.addi %add3A_344, %add3A_345 : i32
          %get3A_347 = arith.constant 1 : i32
          %get3A_348 = arith.index_cast %get3A_347 : i32 to index
          %get3A_349 = arith.index_cast %add3A_346 : i32 to index
          %get3A_350 = tpu.vector_load %arg10[%get3A_348, %get3A_349] {strides = array<i32>} : memref<2x4608xi32, #tpu.memory_space<vmem>>, vector<16xi32>,
          %mul3A_351 = arith.constant 384 : i32
          %mul3A_352 = arith.muli %scan3A_113, %mul3A_351 : i32
          %add3A_353 = arith.constant 256 : i32
          %add3A_354 = arith.addi %mul3A_352, %add3A_353 : i32
          %add3A_355 = arith.constant 64 : i32
          %add3A_356 = arith.addi %add3A_354, %add3A_355 : i32
          %get3A_357 = arith.constant 1 : i32
          %get3A_358 = arith.index_cast %get3A_357 : i32 to index
          %get3A_359 = arith.index_cast %add3A_356 : i32 to index
          %get3A_360 = tpu.vector_load %arg10[%get3A_358, %get3A_359] {strides = array<i32>} : memref<2x4608xi32, #tpu.memory_space<vmem>>, vector<16xi32>,
          %mul3A_361 = arith.constant 384 : i32
          %mul3A_362 = arith.muli %scan3A_113, %mul3A_361 : i32
          %add3A_363 = arith.constant 256 : i32
          %add3A_364 = arith.addi %mul3A_362, %add3A_363 : i32
          %add3A_365 = arith.constant 80 : i32
          %add3A_366 = arith.addi %add3A_364, %add3A_365 : i32
          %get3A_367 = arith.constant 1 : i32
          %get3A_368 = arith.index_cast %get3A_367 : i32 to index
          %get3A_369 = arith.index_cast %add3A_366 : i32 to index
          %get3A_370 = tpu.vector_load %arg10[%get3A_368, %get3A_369] {strides = array<i32>} : memref<2x4608xi32, #tpu.memory_space<vmem>>, vector<16xi32>,
          %mul3A_371 = arith.constant 384 : i32
          %mul3A_372 = arith.muli %scan3A_113, %mul3A_371 : i32
          %add3A_373 = arith.constant 256 : i32
          %add3A_374 = arith.addi %mul3A_372, %add3A_373 : i32
          %add3A_375 = arith.constant 96 : i32
          %add3A_376 = arith.addi %add3A_374, %add3A_375 : i32
          %get3A_377 = arith.constant 1 : i32
          %get3A_378 = arith.index_cast %get3A_377 : i32 to index
          %get3A_379 = arith.index_cast %add3A_376 : i32 to index
          %get3A_380 = tpu.vector_load %arg10[%get3A_378, %get3A_379] {strides = array<i32>} : memref<2x4608xi32, #tpu.memory_space<vmem>>, vector<16xi32>,
          %mul3A_381 = arith.constant 384 : i32
          %mul3A_382 = arith.muli %scan3A_113, %mul3A_381 : i32
          %add3A_383 = arith.constant 256 : i32
          %add3A_384 = arith.addi %mul3A_382, %add3A_383 : i32
          %add3A_385 = arith.constant 112 : i32
          %add3A_386 = arith.addi %add3A_384, %add3A_385 : i32
          %get3A_387 = arith.constant 1 : i32
          %get3A_388 = arith.index_cast %get3A_387 : i32 to index
          %get3A_389 = arith.index_cast %add3A_386 : i32 to index
          %get3A_390 = tpu.vector_load %arg10[%get3A_388, %get3A_389] {strides = array<i32>} : memref<2x4608xi32, #tpu.memory_space<vmem>>, vector<16xi32>,
          %add3A_391 = vector.broadcast %mul3A_119 : i32 to vector<16xi32>
          %add3A_392 = arith.addi %get3A_320, %add3A_391 : vector<16xi32>
          %add3A_393 = vector.broadcast %mul3A_119 : i32 to vector<16xi32>
          %add3A_394 = arith.addi %get3A_330, %add3A_393 : vector<16xi32>
          %add3A_395 = vector.broadcast %mul3A_119 : i32 to vector<16xi32>
          %add3A_396 = arith.addi %get3A_340, %add3A_395 : vector<16xi32>
          %add3A_397 = vector.broadcast %mul3A_119 : i32 to vector<16xi32>
          %add3A_398 = arith.addi %get3A_350, %add3A_397 : vector<16xi32>
          %add3A_399 = vector.broadcast %mul3A_119 : i32 to vector<16xi32>
          %add3A_400 = arith.addi %get3A_360, %add3A_399 : vector<16xi32>
          %add3A_401 = vector.broadcast %mul3A_119 : i32 to vector<16xi32>
          %add3A_402 = arith.addi %get3A_370, %add3A_401 : vector<16xi32>
          %add3A_403 = vector.broadcast %mul3A_119 : i32 to vector<16xi32>
          %add3A_404 = arith.addi %get3A_380, %add3A_403 : vector<16xi32>
          %add3A_405 = vector.broadcast %mul3A_119 : i32 to vector<16xi32>
          %add3A_406 = arith.addi %get3A_390, %add3A_405 : vector<16xi32>
          tpu.vector_store_idx %arg12[%add3A_392], %broadcast_in_dim3A_25 {add = true} : memref<72000xf32, #tpu.memory_space<vmem>>[vector<16xi32>], vector<16xf32>,
          tpu.vector_store_idx %arg12[%add3A_394], %broadcast_in_dim3A_25 {add = true} : memref<72000xf32, #tpu.memory_space<vmem>>[vector<16xi32>], vector<16xf32>,
          tpu.vector_store_idx %arg12[%add3A_396], %broadcast_in_dim3A_25 {add = true} : memref<72000xf32, #tpu.memory_space<vmem>>[vector<16xi32>], vector<16xf32>,
          tpu.vector_store_idx %arg12[%add3A_398], %broadcast_in_dim3A_25 {add = true} : memref<72000xf32, #tpu.memory_space<vmem>>[vector<16xi32>], vector<16xf32>,
          tpu.vector_store_idx %arg12[%add3A_400], %broadcast_in_dim3A_25 {add = true} : memref<72000xf32, #tpu.memory_space<vmem>>[vector<16xi32>], vector<16xf32>,
          tpu.vector_store_idx %arg12[%add3A_402], %broadcast_in_dim3A_25 {add = true} : memref<72000xf32, #tpu.memory_space<vmem>>[vector<16xi32>], vector<16xf32>,
          tpu.vector_store_idx %arg12[%add3A_404], %broadcast_in_dim3A_25 {add = true} : memref<72000xf32, #tpu.memory_space<vmem>>[vector<16xi32>], vector<16xf32>,
          tpu.vector_store_idx %arg12[%add3A_406], %broadcast_in_dim3A_25 {add = true} : memref<72000xf32, #tpu.memory_space<vmem>>[vector<16xi32>], vector<16xf32>,
          %scan3A_407 = arith.constant 0 : i32
          scf.yield %scan3A_407 : i32
        }
        %scan3A_112 = arith.constant 12 : i32
      }
      %scan3A_54 = arith.constant 16 : i32
      "tpu.region"() ({
        %run_scoped3A = tpu.sem_alloc : memref<!tpu.dma_semaphore, #tpu.memory_space<semaphore_mem>>
        %dma_start3A_55 = arith.constant 0 : i32
        %dma_start3A_56 = tpu.memref_slice %arg12[%dma_start3A_55] : memref<72000xf32, #tpu.memory_space<vmem>> -> memref<76800xf32, #tpu.memory_space<vmem>>
        %dma_start3A_57 = arith.constant 0 : i32
        %dma_start3A_58 = tpu.memref_slice %arg8[%sub3A_14, %dma_start3A_57] : memref<4x76800xf32, #tpu.memory_space<hbm>> -> memref<1x76800xf32, #tpu.memory_space<hbm>>
        %dma_start3A_59 = tpu.memref_squeeze %dma_start3A_58 : memref<1x76800xf32, #tpu.memory_space<hbm>> -> memref<76800xf32, #tpu.memory_space<hbm>>
        %dma_start3A_60 = arith.constant 0 : i32
        %dma_start3A_61 = tpu.memref_slice %arg8[%sub3A_14, %dma_start3A_60] : memref<4x76800xf32, #tpu.memory_space<hbm>> -> memref<1x76800xf32, #tpu.memory_space<hbm>>
        %dma_start3A_62 = tpu.memref_squeeze %dma_start3A_61 : memref<1x76800xf32, #tpu.memory_space<hbm>> -> memref<76800xf32, #tpu.memory_space<hbm>>
        %dma_start3A_63 = arith.constant 0 : i32
        %dma_start3A_64 = tpu.memref_slice %arg12[%dma_start3A_63] : memref<72000xf32, #tpu.memory_space<vmem>> -> memref<76800xf32, #tpu.memory_space<vmem>>
        tpu.enqueue_dma source(%dma_start3A_64 : memref<76800xf32, #tpu.memory_space<vmem>>) target(%dma_start3A_62 : memref<76800xf32, #tpu.memory_space<hbm>>) target_semaphore(%run_scoped3A : memref<!tpu.dma_semaphore, #tpu.memory_space<semaphore_mem>>)
        %dma_wait3A = arith.constant 0 : i32
        %dma_wait3A_65 = tpu.memref_slice %arg12[%dma_wait3A] : memref<72000xf32, #tpu.memory_space<vmem>> -> memref<76800xf32, #tpu.memory_space<vmem>>
        %dma_wait3A_66 = arith.constant 0 : i32
        %dma_wait3A_67 = tpu.memref_slice %arg8[%sub3A_14, %dma_wait3A_66] : memref<4x76800xf32, #tpu.memory_space<hbm>> -> memref<1x76800xf32, #tpu.memory_space<hbm>>
        %dma_wait3A_68 = tpu.memref_squeeze %dma_wait3A_67 : memref<1x76800xf32, #tpu.memory_space<hbm>> -> memref<76800xf32, #tpu.memory_space<hbm>>
        %dma_wait3A_69 = arith.constant 0 : i32
        %dma_wait3A_70 = tpu.memref_slice %arg8[%sub3A_14, %dma_wait3A_69] : memref<4x76800xf32, #tpu.memory_space<hbm>> -> memref<1x76800xf32, #tpu.memory_space<hbm>>
        %dma_wait3A_71 = tpu.memref_squeeze %dma_wait3A_70 : memref<1x76800xf32, #tpu.memory_space<hbm>> -> memref<76800xf32, #tpu.memory_space<hbm>>
        %dma_wait3A_72 = arith.constant 0 : i32
        %dma_wait3A_73 = tpu.memref_slice %arg12[%dma_wait3A_72] : memref<72000xf32, #tpu.memory_space<vmem>> -> memref<76800xf32, #tpu.memory_space<vmem>>
        tpu.wait_dma2 semaphore(%run_scoped3A : memref<!tpu.dma_semaphore, #tpu.memory_space<semaphore_mem>>) src(%dma_wait3A_73 : memref<76800xf32, #tpu.memory_space<vmem>>) dst(%dma_wait3A_71 : memref<76800xf32, #tpu.memory_space<hbm>>)
        tpu.yield
      }) : () -> ()
    } else {
    }
    %ge3A_9 = arith.constant 28 : i32
    %ge3A_10 = arith.cmpi sge, %add3A, %ge3A_9 : i32
    %convert_element_type3A_11 = arith.extui %ge3A_10 : i1 to i32
    %cond3A_12 = arith.constant 0 : i32
    %cond3A_13 = arith.cmpi ne, %convert_element_type3A_11, %cond3A_12 : i32
    scf.if %cond3A_13 {
      %sub3A = arith.constant 28 : i32
      %sub3A_14 = arith.subi %add3A, %sub3A : i32
      %mul3A_15 = arith.constant 147456 : i32
      %mul3A_16 = arith.muli %sub3A_14, %mul3A_15 : i32
      %broadcast_in_dim3A = arith.constant 0.000000e+00 : f32
      %broadcast_in_dim3A_17 = vector.broadcast %broadcast_in_dim3A : f32 to vector<16xf32>
      %scan3A = arith.constant 0 : i32
      %scan3A_18 = arith.constant 0 : i32
      %scan3A_19 = arith.constant 600 : i32
      %scan3A_20 = arith.addi %scan3A_18, %scan3A_19 : i32
      %scan3A_21 = arith.constant 1 : i32
      %scan3A_22 = scf.for %scan3A_55 = %scan3A_18 to %scan3A_20 step %scan3A_21 iter_args(%scan3A_56 = %scan3A) -> (i32)  : i32 {
        %mul3A_57 = arith.constant 128 : i32
        %mul3A_58 = arith.muli %scan3A_55, %mul3A_57 : i32
        %add3A_59 = arith.constant 0 : i32
        %add3A_60 = arith.addi %mul3A_58, %add3A_59 : i32
        %swap3A = arith.index_cast %add3A_60 : i32 to index
        %swap3A_61 = tpu.vector_load %arg12[%swap3A] {strides = array<i32>} : memref<72000xf32, #tpu.memory_space<vmem>>, vector<16xf32>,
        tpu.vector_store %arg12[%swap3A], %broadcast_in_dim3A_17 {strides = array<i32>} : memref<72000xf32, #tpu.memory_space<vmem>>, vector<16xf32>,
        %mul3A_62 = arith.constant 128 : i32
        %mul3A_63 = arith.muli %scan3A_55, %mul3A_62 : i32
        %add3A_64 = arith.constant 16 : i32
        %add3A_65 = arith.addi %mul3A_63, %add3A_64 : i32
        %swap3A_66 = arith.index_cast %add3A_65 : i32 to index
        %swap3A_67 = tpu.vector_load %arg12[%swap3A_66] {strides = array<i32>} : memref<72000xf32, #tpu.memory_space<vmem>>, vector<16xf32>,
        tpu.vector_store %arg12[%swap3A_66], %broadcast_in_dim3A_17 {strides = array<i32>} : memref<72000xf32, #tpu.memory_space<vmem>>, vector<16xf32>,
        %mul3A_68 = arith.constant 128 : i32
        %mul3A_69 = arith.muli %scan3A_55, %mul3A_68 : i32
        %add3A_70 = arith.constant 32 : i32
        %add3A_71 = arith.addi %mul3A_69, %add3A_70 : i32
        %swap3A_72 = arith.index_cast %add3A_71 : i32 to index
        %swap3A_73 = tpu.vector_load %arg12[%swap3A_72] {strides = array<i32>} : memref<72000xf32, #tpu.memory_space<vmem>>, vector<16xf32>,
        tpu.vector_store %arg12[%swap3A_72], %broadcast_in_dim3A_17 {strides = array<i32>} : memref<72000xf32, #tpu.memory_space<vmem>>, vector<16xf32>,
        %mul3A_74 = arith.constant 128 : i32
        %mul3A_75 = arith.muli %scan3A_55, %mul3A_74 : i32
        %add3A_76 = arith.constant 48 : i32
        %add3A_77 = arith.addi %mul3A_75, %add3A_76 : i32
        %swap3A_78 = arith.index_cast %add3A_77 : i32 to index
        %swap3A_79 = tpu.vector_load %arg12[%swap3A_78] {strides = array<i32>} : memref<72000xf32, #tpu.memory_space<vmem>>, vector<16xf32>,
        tpu.vector_store %arg12[%swap3A_78], %broadcast_in_dim3A_17 {strides = array<i32>} : memref<72000xf32, #tpu.memory_space<vmem>>, vector<16xf32>,
        %mul3A_80 = arith.constant 128 : i32
        %mul3A_81 = arith.muli %scan3A_55, %mul3A_80 : i32
        %add3A_82 = arith.constant 64 : i32
        %add3A_83 = arith.addi %mul3A_81, %add3A_82 : i32
        %swap3A_84 = arith.index_cast %add3A_83 : i32 to index
        %swap3A_85 = tpu.vector_load %arg12[%swap3A_84] {strides = array<i32>} : memref<72000xf32, #tpu.memory_space<vmem>>, vector<16xf32>,
        tpu.vector_store %arg12[%swap3A_84], %broadcast_in_dim3A_17 {strides = array<i32>} : memref<72000xf32, #tpu.memory_space<vmem>>, vector<16xf32>,
        %mul3A_86 = arith.constant 128 : i32
        %mul3A_87 = arith.muli %scan3A_55, %mul3A_86 : i32
        %add3A_88 = arith.constant 80 : i32
        %add3A_89 = arith.addi %mul3A_87, %add3A_88 : i32
        %swap3A_90 = arith.index_cast %add3A_89 : i32 to index
        %swap3A_91 = tpu.vector_load %arg12[%swap3A_90] {strides = array<i32>} : memref<72000xf32, #tpu.memory_space<vmem>>, vector<16xf32>,
        tpu.vector_store %arg12[%swap3A_90], %broadcast_in_dim3A_17 {strides = array<i32>} : memref<72000xf32, #tpu.memory_space<vmem>>, vector<16xf32>,
        %mul3A_92 = arith.constant 128 : i32
        %mul3A_93 = arith.muli %scan3A_55, %mul3A_92 : i32
        %add3A_94 = arith.constant 96 : i32
        %add3A_95 = arith.addi %mul3A_93, %add3A_94 : i32
        %swap3A_96 = arith.index_cast %add3A_95 : i32 to index
        %swap3A_97 = tpu.vector_load %arg12[%swap3A_96] {strides = array<i32>} : memref<72000xf32, #tpu.memory_space<vmem>>, vector<16xf32>,
        tpu.vector_store %arg12[%swap3A_96], %broadcast_in_dim3A_17 {strides = array<i32>} : memref<72000xf32, #tpu.memory_space<vmem>>, vector<16xf32>,
        %mul3A_98 = arith.constant 128 : i32
        %mul3A_99 = arith.muli %scan3A_55, %mul3A_98 : i32
        %add3A_100 = arith.constant 112 : i32
        %add3A_101 = arith.addi %mul3A_99, %add3A_100 : i32
        %swap3A_102 = arith.index_cast %add3A_101 : i32 to index
        %swap3A_103 = tpu.vector_load %arg12[%swap3A_102] {strides = array<i32>} : memref<72000xf32, #tpu.memory_space<vmem>>, vector<16xf32>,
        tpu.vector_store %arg12[%swap3A_102], %broadcast_in_dim3A_17 {strides = array<i32>} : memref<72000xf32, #tpu.memory_space<vmem>>, vector<16xf32>,
        %scan3A_104 = arith.constant 0 : i32
        scf.yield %scan3A_104 : i32
      }
      %scan3A_23 = arith.constant 600 : i32
      %broadcast_in_dim3A_24 = arith.constant 1.000000e+00 : f32
      %broadcast_in_dim3A_25 = vector.broadcast %broadcast_in_dim3A_24 : f32 to vector<16xf32>
      %iota3A = tpu.iota {dimensions = array<i32: 0>} : vector<16xi32>
      %mul3A_26 = arith.constant 200 : i32
      %mul3A_27 = vector.broadcast %mul3A_26 : i32 to vector<16xi32>
      %mul3A_28 = arith.muli %iota3A, %mul3A_27 : vector<16xi32>
      %add3A_29 = arith.constant 0 : i32
      %add3A_30 = arith.addi %mul3A_16, %add3A_29 : i32
      %dma_start3A = arith.constant 0 : i32
      %dma_start3A_31 = arith.constant 0 : i32
      %dma_start3A_32 = tpu.memref_slice %arg10[%dma_start3A, %dma_start3A_31] : memref<2x4608xi32, #tpu.memory_space<vmem>> -> memref<1x4608xi32, #tpu.memory_space<vmem>>
      %dma_start3A_33 = tpu.memref_squeeze %dma_start3A_32 : memref<1x4608xi32, #tpu.memory_space<vmem>> -> memref<4608xi32, #tpu.memory_space<vmem>>
      %dma_start3A_34 = tpu.memref_slice %arg4[%add3A_30] : memref<589824xi32, #tpu.memory_space<hbm>> -> memref<4608xi32, #tpu.memory_space<hbm>>
      %dma_start3A_35 = arith.constant 0 : i32
      %dma_start3A_36 = tpu.memref_slice %arg10[%dma_start3A, %dma_start3A_35] : memref<2x4608xi32, #tpu.memory_space<vmem>> -> memref<1x4608xi32, #tpu.memory_space<vmem>>
      %dma_start3A_37 = tpu.memref_squeeze %dma_start3A_36 : memref<1x4608xi32, #tpu.memory_space<vmem>> -> memref<4608xi32, #tpu.memory_space<vmem>>
      %dma_start3A_38 = tpu.memref_slice %arg4[%add3A_30] : memref<589824xi32, #tpu.memory_space<hbm>> -> memref<4608xi32, #tpu.memory_space<hbm>>
      tpu.enqueue_dma source(%dma_start3A_38 : memref<4608xi32, #tpu.memory_space<hbm>>) target(%dma_start3A_37 : memref<4608xi32, #tpu.memory_space<vmem>>) target_semaphore(%arg13 : memref<!tpu.dma_semaphore, #tpu.memory_space<semaphore_mem>>)
      %add3A_39 = arith.constant 4608 : i32
      %add3A_40 = arith.addi %mul3A_16, %add3A_39 : i32
      %dma_start3A_41 = arith.constant 1 : i32
      %dma_start3A_42 = arith.constant 0 : i32
      %dma_start3A_43 = tpu.memref_slice %arg10[%dma_start3A_41, %dma_start3A_42] : memref<2x4608xi32, #tpu.memory_space<vmem>> -> memref<1x4608xi32, #tpu.memory_space<vmem>>
      %dma_start3A_44 = tpu.memref_squeeze %dma_start3A_43 : memref<1x4608xi32, #tpu.memory_space<vmem>> -> memref<4608xi32, #tpu.memory_space<vmem>>
      %dma_start3A_45 = tpu.memref_slice %arg4[%add3A_40] : memref<589824xi32, #tpu.memory_space<hbm>> -> memref<4608xi32, #tpu.memory_space<hbm>>
      %dma_start3A_46 = arith.constant 0 : i32
      %dma_start3A_47 = tpu.memref_slice %arg10[%dma_start3A_41, %dma_start3A_46] : memref<2x4608xi32, #tpu.memory_space<vmem>> -> memref<1x4608xi32, #tpu.memory_space<vmem>>
      %dma_start3A_48 = tpu.memref_squeeze %dma_start3A_47 : memref<1x4608xi32, #tpu.memory_space<vmem>> -> memref<4608xi32, #tpu.memory_space<vmem>>
      %dma_start3A_49 = tpu.memref_slice %arg4[%add3A_40] : memref<589824xi32, #tpu.memory_space<hbm>> -> memref<4608xi32, #tpu.memory_space<hbm>>
      tpu.enqueue_dma source(%dma_start3A_49 : memref<4608xi32, #tpu.memory_space<hbm>>) target(%dma_start3A_48 : memref<4608xi32, #tpu.memory_space<vmem>>) target_semaphore(%arg14 : memref<!tpu.dma_semaphore, #tpu.memory_space<semaphore_mem>>)
      %scan3A_50 = arith.constant 0 : i32
      %scan3A_51 = arith.constant 16 : i32
      %scan3A_52 = arith.addi %scan3A_50, %scan3A_51 : i32
      %scan3A_53 = arith.constant 1 : i32
      scf.for %scan3A_55 = %scan3A_50 to %scan3A_52 step %scan3A_53  : i32 {
        %mul3A_56 = arith.constant 2 : i32
        %mul3A_57 = arith.muli %scan3A_55, %mul3A_56 : i32
        %add3A_58 = arith.constant 0 : i32
        %add3A_59 = arith.addi %add3A_58, %mul3A_57 : i32
        %mul3A_60 = arith.constant 4608 : i32
        %mul3A_61 = arith.muli %add3A_59, %mul3A_60 : i32
        %add3A_62 = arith.addi %mul3A_16, %mul3A_61 : i32
        %dma_wait3A = arith.constant 0 : i32
        %dma_wait3A_63 = arith.constant 0 : i32
        %dma_wait3A_64 = tpu.memref_slice %arg10[%dma_wait3A, %dma_wait3A_63] : memref<2x4608xi32, #tpu.memory_space<vmem>> -> memref<1x4608xi32, #tpu.memory_space<vmem>>
        %dma_wait3A_65 = tpu.memref_squeeze %dma_wait3A_64 : memref<1x4608xi32, #tpu.memory_space<vmem>> -> memref<4608xi32, #tpu.memory_space<vmem>>
        %dma_wait3A_66 = tpu.memref_slice %arg4[%add3A_62] : memref<589824xi32, #tpu.memory_space<hbm>> -> memref<4608xi32, #tpu.memory_space<hbm>>
        %dma_wait3A_67 = arith.constant 0 : i32
        %dma_wait3A_68 = tpu.memref_slice %arg10[%dma_wait3A, %dma_wait3A_67] : memref<2x4608xi32, #tpu.memory_space<vmem>> -> memref<1x4608xi32, #tpu.memory_space<vmem>>
        %dma_wait3A_69 = tpu.memref_squeeze %dma_wait3A_68 : memref<1x4608xi32, #tpu.memory_space<vmem>> -> memref<4608xi32, #tpu.memory_space<vmem>>
        %dma_wait3A_70 = tpu.memref_slice %arg4[%add3A_62] : memref<589824xi32, #tpu.memory_space<hbm>> -> memref<4608xi32, #tpu.memory_space<hbm>>
        tpu.wait_dma2 semaphore(%arg13 : memref<!tpu.dma_semaphore, #tpu.memory_space<semaphore_mem>>) src(%dma_wait3A_70 : memref<4608xi32, #tpu.memory_space<hbm>>) dst(%dma_wait3A_69 : memref<4608xi32, #tpu.memory_space<vmem>>)
        %add3A_71 = arith.constant 2 : i32
        %add3A_72 = arith.addi %add3A_59, %add3A_71 : i32
        %lt3A_73 = arith.constant 32 : i32
        %lt3A_74 = arith.cmpi slt, %add3A_72, %lt3A_73 : i32
        %convert_element_type3A_75 = arith.extui %lt3A_74 : i1 to i32
        %cond3A_76 = arith.constant 0 : i32
        %cond3A_77 = arith.cmpi ne, %convert_element_type3A_75, %cond3A_76 : i32
        scf.if %cond3A_77 {
          %add3A_113 = arith.constant 2 : i32
          %add3A_114 = arith.addi %add3A_59, %add3A_113 : i32
          %mul3A_115 = arith.constant 4608 : i32
          %mul3A_116 = arith.muli %add3A_114, %mul3A_115 : i32
          %add3A_117 = arith.addi %mul3A_16, %mul3A_116 : i32
          %dma_start3A_118 = arith.constant 0 : i32
          %dma_start3A_119 = arith.constant 0 : i32
          %dma_start3A_120 = tpu.memref_slice %arg10[%dma_start3A_118, %dma_start3A_119] : memref<2x4608xi32, #tpu.memory_space<vmem>> -> memref<1x4608xi32, #tpu.memory_space<vmem>>
          %dma_start3A_121 = tpu.memref_squeeze %dma_start3A_120 : memref<1x4608xi32, #tpu.memory_space<vmem>> -> memref<4608xi32, #tpu.memory_space<vmem>>
          %dma_start3A_122 = tpu.memref_slice %arg4[%add3A_117] : memref<589824xi32, #tpu.memory_space<hbm>> -> memref<4608xi32, #tpu.memory_space<hbm>>
          %dma_start3A_123 = arith.constant 0 : i32
          %dma_start3A_124 = tpu.memref_slice %arg10[%dma_start3A_118, %dma_start3A_123] : memref<2x4608xi32, #tpu.memory_space<vmem>> -> memref<1x4608xi32, #tpu.memory_space<vmem>>
          %dma_start3A_125 = tpu.memref_squeeze %dma_start3A_124 : memref<1x4608xi32, #tpu.memory_space<vmem>> -> memref<4608xi32, #tpu.memory_space<vmem>>
          %dma_start3A_126 = tpu.memref_slice %arg4[%add3A_117] : memref<589824xi32, #tpu.memory_space<hbm>> -> memref<4608xi32, #tpu.memory_space<hbm>>
          tpu.enqueue_dma source(%dma_start3A_126 : memref<4608xi32, #tpu.memory_space<hbm>>) target(%dma_start3A_125 : memref<4608xi32, #tpu.memory_space<vmem>>) target_semaphore(%arg13 : memref<!tpu.dma_semaphore, #tpu.memory_space<semaphore_mem>>)
        } else {
        }
        %scan3A_78 = arith.constant 0 : i32
        %scan3A_79 = arith.constant 0 : i32
        %scan3A_80 = arith.constant 12 : i32
        %scan3A_81 = arith.addi %scan3A_79, %scan3A_80 : i32
        %scan3A_82 = arith.constant 1 : i32
        %scan3A_83 = scf.for %scan3A_113 = %scan3A_79 to %scan3A_81 step %scan3A_82 iter_args(%scan3A_114 = %scan3A_78) -> (i32)  : i32 {
          %mul3A_115 = arith.constant 12 : i32
          %mul3A_116 = arith.muli %add3A_59, %mul3A_115 : i32
          %add3A_117 = arith.addi %mul3A_116, %scan3A_113 : i32
          %mul3A_118 = arith.constant 200 : i32
          %mul3A_119 = arith.muli %add3A_117, %mul3A_118 : i32
          %mul3A_120 = arith.constant 384 : i32
          %mul3A_121 = arith.muli %scan3A_113, %mul3A_120 : i32
          %add3A_122 = arith.constant 0 : i32
          %add3A_123 = arith.addi %mul3A_121, %add3A_122 : i32
          %add3A_124 = arith.constant 0 : i32
          %add3A_125 = arith.addi %add3A_123, %add3A_124 : i32
          %get3A = arith.constant 0 : i32
          %get3A_126 = arith.index_cast %get3A : i32 to index
          %get3A_127 = arith.index_cast %add3A_125 : i32 to index
          %get3A_128 = tpu.vector_load %arg10[%get3A_126, %get3A_127] {strides = array<i32>} : memref<2x4608xi32, #tpu.memory_space<vmem>>, vector<16xi32>,
          %mul3A_129 = arith.constant 384 : i32
          %mul3A_130 = arith.muli %scan3A_113, %mul3A_129 : i32
          %add3A_131 = arith.constant 0 : i32
          %add3A_132 = arith.addi %mul3A_130, %add3A_131 : i32
          %add3A_133 = arith.constant 16 : i32
          %add3A_134 = arith.addi %add3A_132, %add3A_133 : i32
          %get3A_135 = arith.constant 0 : i32
          %get3A_136 = arith.index_cast %get3A_135 : i32 to index
          %get3A_137 = arith.index_cast %add3A_134 : i32 to index
          %get3A_138 = tpu.vector_load %arg10[%get3A_136, %get3A_137] {strides = array<i32>} : memref<2x4608xi32, #tpu.memory_space<vmem>>, vector<16xi32>,
          %mul3A_139 = arith.constant 384 : i32
          %mul3A_140 = arith.muli %scan3A_113, %mul3A_139 : i32
          %add3A_141 = arith.constant 0 : i32
          %add3A_142 = arith.addi %mul3A_140, %add3A_141 : i32
          %add3A_143 = arith.constant 32 : i32
          %add3A_144 = arith.addi %add3A_142, %add3A_143 : i32
          %get3A_145 = arith.constant 0 : i32
          %get3A_146 = arith.index_cast %get3A_145 : i32 to index
          %get3A_147 = arith.index_cast %add3A_144 : i32 to index
          %get3A_148 = tpu.vector_load %arg10[%get3A_146, %get3A_147] {strides = array<i32>} : memref<2x4608xi32, #tpu.memory_space<vmem>>, vector<16xi32>,
          %mul3A_149 = arith.constant 384 : i32
          %mul3A_150 = arith.muli %scan3A_113, %mul3A_149 : i32
          %add3A_151 = arith.constant 0 : i32
          %add3A_152 = arith.addi %mul3A_150, %add3A_151 : i32
          %add3A_153 = arith.constant 48 : i32
          %add3A_154 = arith.addi %add3A_152, %add3A_153 : i32
          %get3A_155 = arith.constant 0 : i32
          %get3A_156 = arith.index_cast %get3A_155 : i32 to index
          %get3A_157 = arith.index_cast %add3A_154 : i32 to index
          %get3A_158 = tpu.vector_load %arg10[%get3A_156, %get3A_157] {strides = array<i32>} : memref<2x4608xi32, #tpu.memory_space<vmem>>, vector<16xi32>,
          %mul3A_159 = arith.constant 384 : i32
          %mul3A_160 = arith.muli %scan3A_113, %mul3A_159 : i32
          %add3A_161 = arith.constant 0 : i32
          %add3A_162 = arith.addi %mul3A_160, %add3A_161 : i32
          %add3A_163 = arith.constant 64 : i32
          %add3A_164 = arith.addi %add3A_162, %add3A_163 : i32
          %get3A_165 = arith.constant 0 : i32
          %get3A_166 = arith.index_cast %get3A_165 : i32 to index
          %get3A_167 = arith.index_cast %add3A_164 : i32 to index
          %get3A_168 = tpu.vector_load %arg10[%get3A_166, %get3A_167] {strides = array<i32>} : memref<2x4608xi32, #tpu.memory_space<vmem>>, vector<16xi32>,
          %mul3A_169 = arith.constant 384 : i32
          %mul3A_170 = arith.muli %scan3A_113, %mul3A_169 : i32
          %add3A_171 = arith.constant 0 : i32
          %add3A_172 = arith.addi %mul3A_170, %add3A_171 : i32
          %add3A_173 = arith.constant 80 : i32
          %add3A_174 = arith.addi %add3A_172, %add3A_173 : i32
          %get3A_175 = arith.constant 0 : i32
          %get3A_176 = arith.index_cast %get3A_175 : i32 to index
          %get3A_177 = arith.index_cast %add3A_174 : i32 to index
          %get3A_178 = tpu.vector_load %arg10[%get3A_176, %get3A_177] {strides = array<i32>} : memref<2x4608xi32, #tpu.memory_space<vmem>>, vector<16xi32>,
          %mul3A_179 = arith.constant 384 : i32
          %mul3A_180 = arith.muli %scan3A_113, %mul3A_179 : i32
          %add3A_181 = arith.constant 0 : i32
          %add3A_182 = arith.addi %mul3A_180, %add3A_181 : i32
          %add3A_183 = arith.constant 96 : i32
          %add3A_184 = arith.addi %add3A_182, %add3A_183 : i32
          %get3A_185 = arith.constant 0 : i32
          %get3A_186 = arith.index_cast %get3A_185 : i32 to index
          %get3A_187 = arith.index_cast %add3A_184 : i32 to index
          %get3A_188 = tpu.vector_load %arg10[%get3A_186, %get3A_187] {strides = array<i32>} : memref<2x4608xi32, #tpu.memory_space<vmem>>, vector<16xi32>,
          %mul3A_189 = arith.constant 384 : i32
          %mul3A_190 = arith.muli %scan3A_113, %mul3A_189 : i32
          %add3A_191 = arith.constant 0 : i32
          %add3A_192 = arith.addi %mul3A_190, %add3A_191 : i32
          %add3A_193 = arith.constant 112 : i32
          %add3A_194 = arith.addi %add3A_192, %add3A_193 : i32
          %get3A_195 = arith.constant 0 : i32
          %get3A_196 = arith.index_cast %get3A_195 : i32 to index
          %get3A_197 = arith.index_cast %add3A_194 : i32 to index
          %get3A_198 = tpu.vector_load %arg10[%get3A_196, %get3A_197] {strides = array<i32>} : memref<2x4608xi32, #tpu.memory_space<vmem>>, vector<16xi32>,
          %add3A_199 = arith.constant 0 : i32
          %add3A_200 = vector.broadcast %add3A_199 : i32 to vector<16xi32>
          %add3A_201 = arith.addi %mul3A_28, %add3A_200 : vector<16xi32>
          %add3A_202 = arith.addi %get3A_128, %add3A_201 : vector<16xi32>
          %add3A_203 = arith.constant 3200 : i32
          %add3A_204 = vector.broadcast %add3A_203 : i32 to vector<16xi32>
          %add3A_205 = arith.addi %mul3A_28, %add3A_204 : vector<16xi32>
          %add3A_206 = arith.addi %get3A_138, %add3A_205 : vector<16xi32>
          %add3A_207 = arith.constant 6400 : i32
          %add3A_208 = vector.broadcast %add3A_207 : i32 to vector<16xi32>
          %add3A_209 = arith.addi %mul3A_28, %add3A_208 : vector<16xi32>
          %add3A_210 = arith.addi %get3A_148, %add3A_209 : vector<16xi32>
          %add3A_211 = arith.constant 9600 : i32
          %add3A_212 = vector.broadcast %add3A_211 : i32 to vector<16xi32>
          %add3A_213 = arith.addi %mul3A_28, %add3A_212 : vector<16xi32>
          %add3A_214 = arith.addi %get3A_158, %add3A_213 : vector<16xi32>
          %add3A_215 = arith.constant 12800 : i32
          %add3A_216 = vector.broadcast %add3A_215 : i32 to vector<16xi32>
          %add3A_217 = arith.addi %mul3A_28, %add3A_216 : vector<16xi32>
          %add3A_218 = arith.addi %get3A_168, %add3A_217 : vector<16xi32>
          %add3A_219 = arith.constant 16000 : i32
          %add3A_220 = vector.broadcast %add3A_219 : i32 to vector<16xi32>
          %add3A_221 = arith.addi %mul3A_28, %add3A_220 : vector<16xi32>
          %add3A_222 = arith.addi %get3A_178, %add3A_221 : vector<16xi32>
          %add3A_223 = arith.constant 19200 : i32
          %add3A_224 = vector.broadcast %add3A_223 : i32 to vector<16xi32>
          %add3A_225 = arith.addi %mul3A_28, %add3A_224 : vector<16xi32>
          %add3A_226 = arith.addi %get3A_188, %add3A_225 : vector<16xi32>
          %add3A_227 = arith.constant 22400 : i32
          %add3A_228 = vector.broadcast %add3A_227 : i32 to vector<16xi32>
          %add3A_229 = arith.addi %mul3A_28, %add3A_228 : vector<16xi32>
          %add3A_230 = arith.addi %get3A_198, %add3A_229 : vector<16xi32>
          tpu.vector_store_idx %arg12[%add3A_202], %broadcast_in_dim3A_25 {add = true} : memref<72000xf32, #tpu.memory_space<vmem>>[vector<16xi32>], vector<16xf32>,
          tpu.vector_store_idx %arg12[%add3A_206], %broadcast_in_dim3A_25 {add = true} : memref<72000xf32, #tpu.memory_space<vmem>>[vector<16xi32>], vector<16xf32>,
          tpu.vector_store_idx %arg12[%add3A_210], %broadcast_in_dim3A_25 {add = true} : memref<72000xf32, #tpu.memory_space<vmem>>[vector<16xi32>], vector<16xf32>,
          tpu.vector_store_idx %arg12[%add3A_214], %broadcast_in_dim3A_25 {add = true} : memref<72000xf32, #tpu.memory_space<vmem>>[vector<16xi32>], vector<16xf32>,
          tpu.vector_store_idx %arg12[%add3A_218], %broadcast_in_dim3A_25 {add = true} : memref<72000xf32, #tpu.memory_space<vmem>>[vector<16xi32>], vector<16xf32>,
          tpu.vector_store_idx %arg12[%add3A_222], %broadcast_in_dim3A_25 {add = true} : memref<72000xf32, #tpu.memory_space<vmem>>[vector<16xi32>], vector<16xf32>,
          tpu.vector_store_idx %arg12[%add3A_226], %broadcast_in_dim3A_25 {add = true} : memref<72000xf32, #tpu.memory_space<vmem>>[vector<16xi32>], vector<16xf32>,
          tpu.vector_store_idx %arg12[%add3A_230], %broadcast_in_dim3A_25 {add = true} : memref<72000xf32, #tpu.memory_space<vmem>>[vector<16xi32>], vector<16xf32>,
          %mul3A_231 = arith.constant 384 : i32
          %mul3A_232 = arith.muli %scan3A_113, %mul3A_231 : i32
          %add3A_233 = arith.constant 128 : i32
          %add3A_234 = arith.addi %mul3A_232, %add3A_233 : i32
          %add3A_235 = arith.constant 0 : i32
          %add3A_236 = arith.addi %add3A_234, %add3A_235 : i32
          %get3A_237 = arith.constant 0 : i32
          %get3A_238 = arith.index_cast %get3A_237 : i32 to index
          %get3A_239 = arith.index_cast %add3A_236 : i32 to index
          %get3A_240 = tpu.vector_load %arg10[%get3A_238, %get3A_239] {strides = array<i32>} : memref<2x4608xi32, #tpu.memory_space<vmem>>, vector<16xi32>,
          %mul3A_241 = arith.constant 384 : i32
          %mul3A_242 = arith.muli %scan3A_113, %mul3A_241 : i32
          %add3A_243 = arith.constant 128 : i32
          %add3A_244 = arith.addi %mul3A_242, %add3A_243 : i32
          %add3A_245 = arith.constant 16 : i32
          %add3A_246 = arith.addi %add3A_244, %add3A_245 : i32
          %get3A_247 = arith.constant 0 : i32
          %get3A_248 = arith.index_cast %get3A_247 : i32 to index
          %get3A_249 = arith.index_cast %add3A_246 : i32 to index
          %get3A_250 = tpu.vector_load %arg10[%get3A_248, %get3A_249] {strides = array<i32>} : memref<2x4608xi32, #tpu.memory_space<vmem>>, vector<16xi32>,
          %mul3A_251 = arith.constant 384 : i32
          %mul3A_252 = arith.muli %scan3A_113, %mul3A_251 : i32
          %add3A_253 = arith.constant 128 : i32
          %add3A_254 = arith.addi %mul3A_252, %add3A_253 : i32
          %add3A_255 = arith.constant 32 : i32
          %add3A_256 = arith.addi %add3A_254, %add3A_255 : i32
          %get3A_257 = arith.constant 0 : i32
          %get3A_258 = arith.index_cast %get3A_257 : i32 to index
          %get3A_259 = arith.index_cast %add3A_256 : i32 to index
          %get3A_260 = tpu.vector_load %arg10[%get3A_258, %get3A_259] {strides = array<i32>} : memref<2x4608xi32, #tpu.memory_space<vmem>>, vector<16xi32>,
          %mul3A_261 = arith.constant 384 : i32
          %mul3A_262 = arith.muli %scan3A_113, %mul3A_261 : i32
          %add3A_263 = arith.constant 128 : i32
          %add3A_264 = arith.addi %mul3A_262, %add3A_263 : i32
          %add3A_265 = arith.constant 48 : i32
          %add3A_266 = arith.addi %add3A_264, %add3A_265 : i32
          %get3A_267 = arith.constant 0 : i32
          %get3A_268 = arith.index_cast %get3A_267 : i32 to index
          %get3A_269 = arith.index_cast %add3A_266 : i32 to index
          %get3A_270 = tpu.vector_load %arg10[%get3A_268, %get3A_269] {strides = array<i32>} : memref<2x4608xi32, #tpu.memory_space<vmem>>, vector<16xi32>,
          %mul3A_271 = arith.constant 384 : i32
          %mul3A_272 = arith.muli %scan3A_113, %mul3A_271 : i32
          %add3A_273 = arith.constant 128 : i32
          %add3A_274 = arith.addi %mul3A_272, %add3A_273 : i32
          %add3A_275 = arith.constant 64 : i32
          %add3A_276 = arith.addi %add3A_274, %add3A_275 : i32
          %get3A_277 = arith.constant 0 : i32
          %get3A_278 = arith.index_cast %get3A_277 : i32 to index
          %get3A_279 = arith.index_cast %add3A_276 : i32 to index
          %get3A_280 = tpu.vector_load %arg10[%get3A_278, %get3A_279] {strides = array<i32>} : memref<2x4608xi32, #tpu.memory_space<vmem>>, vector<16xi32>,
          %mul3A_281 = arith.constant 384 : i32
          %mul3A_282 = arith.muli %scan3A_113, %mul3A_281 : i32
          %add3A_283 = arith.constant 128 : i32
          %add3A_284 = arith.addi %mul3A_282, %add3A_283 : i32
          %add3A_285 = arith.constant 80 : i32
          %add3A_286 = arith.addi %add3A_284, %add3A_285 : i32
          %get3A_287 = arith.constant 0 : i32
          %get3A_288 = arith.index_cast %get3A_287 : i32 to index
          %get3A_289 = arith.index_cast %add3A_286 : i32 to index
          %get3A_290 = tpu.vector_load %arg10[%get3A_288, %get3A_289] {strides = array<i32>} : memref<2x4608xi32, #tpu.memory_space<vmem>>, vector<16xi32>,
          %mul3A_291 = arith.constant 384 : i32
          %mul3A_292 = arith.muli %scan3A_113, %mul3A_291 : i32
          %add3A_293 = arith.constant 128 : i32
          %add3A_294 = arith.addi %mul3A_292, %add3A_293 : i32
          %add3A_295 = arith.constant 96 : i32
          %add3A_296 = arith.addi %add3A_294, %add3A_295 : i32
          %get3A_297 = arith.constant 0 : i32
          %get3A_298 = arith.index_cast %get3A_297 : i32 to index
          %get3A_299 = arith.index_cast %add3A_296 : i32 to index
          %get3A_300 = tpu.vector_load %arg10[%get3A_298, %get3A_299] {strides = array<i32>} : memref<2x4608xi32, #tpu.memory_space<vmem>>, vector<16xi32>,
          %mul3A_301 = arith.constant 384 : i32
          %mul3A_302 = arith.muli %scan3A_113, %mul3A_301 : i32
          %add3A_303 = arith.constant 128 : i32
          %add3A_304 = arith.addi %mul3A_302, %add3A_303 : i32
          %add3A_305 = arith.constant 112 : i32
          %add3A_306 = arith.addi %add3A_304, %add3A_305 : i32
          %get3A_307 = arith.constant 0 : i32
          %get3A_308 = arith.index_cast %get3A_307 : i32 to index
          %get3A_309 = arith.index_cast %add3A_306 : i32 to index
          %get3A_310 = tpu.vector_load %arg10[%get3A_308, %get3A_309] {strides = array<i32>} : memref<2x4608xi32, #tpu.memory_space<vmem>>, vector<16xi32>,
          %add3A_311 = arith.constant 25600 : i32
          %add3A_312 = vector.broadcast %add3A_311 : i32 to vector<16xi32>
          %add3A_313 = arith.addi %mul3A_28, %add3A_312 : vector<16xi32>
          %add3A_314 = arith.addi %get3A_240, %add3A_313 : vector<16xi32>
          %add3A_315 = arith.constant 28800 : i32
          %add3A_316 = vector.broadcast %add3A_315 : i32 to vector<16xi32>
          %add3A_317 = arith.addi %mul3A_28, %add3A_316 : vector<16xi32>
          %add3A_318 = arith.addi %get3A_250, %add3A_317 : vector<16xi32>
          %add3A_319 = arith.constant 32000 : i32
          %add3A_320 = vector.broadcast %add3A_319 : i32 to vector<16xi32>
          %add3A_321 = arith.addi %mul3A_28, %add3A_320 : vector<16xi32>
          %add3A_322 = arith.addi %get3A_260, %add3A_321 : vector<16xi32>
          %add3A_323 = arith.constant 35200 : i32
          %add3A_324 = vector.broadcast %add3A_323 : i32 to vector<16xi32>
          %add3A_325 = arith.addi %mul3A_28, %add3A_324 : vector<16xi32>
          %add3A_326 = arith.addi %get3A_270, %add3A_325 : vector<16xi32>
          %add3A_327 = arith.constant 38400 : i32
          %add3A_328 = vector.broadcast %add3A_327 : i32 to vector<16xi32>
          %add3A_329 = arith.addi %mul3A_28, %add3A_328 : vector<16xi32>
          %add3A_330 = arith.addi %get3A_280, %add3A_329 : vector<16xi32>
          %add3A_331 = arith.constant 41600 : i32
          %add3A_332 = vector.broadcast %add3A_331 : i32 to vector<16xi32>
          %add3A_333 = arith.addi %mul3A_28, %add3A_332 : vector<16xi32>
          %add3A_334 = arith.addi %get3A_290, %add3A_333 : vector<16xi32>
          %add3A_335 = arith.constant 44800 : i32
          %add3A_336 = vector.broadcast %add3A_335 : i32 to vector<16xi32>
          %add3A_337 = arith.addi %mul3A_28, %add3A_336 : vector<16xi32>
          %add3A_338 = arith.addi %get3A_300, %add3A_337 : vector<16xi32>
          %add3A_339 = arith.constant 48000 : i32
          %add3A_340 = vector.broadcast %add3A_339 : i32 to vector<16xi32>
          %add3A_341 = arith.addi %mul3A_28, %add3A_340 : vector<16xi32>
          %add3A_342 = arith.addi %get3A_310, %add3A_341 : vector<16xi32>
          tpu.vector_store_idx %arg12[%add3A_314], %broadcast_in_dim3A_25 {add = true} : memref<72000xf32, #tpu.memory_space<vmem>>[vector<16xi32>], vector<16xf32>,
          tpu.vector_store_idx %arg12[%add3A_318], %broadcast_in_dim3A_25 {add = true} : memref<72000xf32, #tpu.memory_space<vmem>>[vector<16xi32>], vector<16xf32>,
          tpu.vector_store_idx %arg12[%add3A_322], %broadcast_in_dim3A_25 {add = true} : memref<72000xf32, #tpu.memory_space<vmem>>[vector<16xi32>], vector<16xf32>,
          tpu.vector_store_idx %arg12[%add3A_326], %broadcast_in_dim3A_25 {add = true} : memref<72000xf32, #tpu.memory_space<vmem>>[vector<16xi32>], vector<16xf32>,
          tpu.vector_store_idx %arg12[%add3A_330], %broadcast_in_dim3A_25 {add = true} : memref<72000xf32, #tpu.memory_space<vmem>>[vector<16xi32>], vector<16xf32>,
          tpu.vector_store_idx %arg12[%add3A_334], %broadcast_in_dim3A_25 {add = true} : memref<72000xf32, #tpu.memory_space<vmem>>[vector<16xi32>], vector<16xf32>,
          tpu.vector_store_idx %arg12[%add3A_338], %broadcast_in_dim3A_25 {add = true} : memref<72000xf32, #tpu.memory_space<vmem>>[vector<16xi32>], vector<16xf32>,
          tpu.vector_store_idx %arg12[%add3A_342], %broadcast_in_dim3A_25 {add = true} : memref<72000xf32, #tpu.memory_space<vmem>>[vector<16xi32>], vector<16xf32>,
          %mul3A_343 = arith.constant 384 : i32
          %mul3A_344 = arith.muli %scan3A_113, %mul3A_343 : i32
          %add3A_345 = arith.constant 256 : i32
          %add3A_346 = arith.addi %mul3A_344, %add3A_345 : i32
          %add3A_347 = arith.constant 0 : i32
          %add3A_348 = arith.addi %add3A_346, %add3A_347 : i32
          %get3A_349 = arith.constant 0 : i32
          %get3A_350 = arith.index_cast %get3A_349 : i32 to index
          %get3A_351 = arith.index_cast %add3A_348 : i32 to index
          %get3A_352 = tpu.vector_load %arg10[%get3A_350, %get3A_351] {strides = array<i32>} : memref<2x4608xi32, #tpu.memory_space<vmem>>, vector<16xi32>,
          %mul3A_353 = arith.constant 384 : i32
          %mul3A_354 = arith.muli %scan3A_113, %mul3A_353 : i32
          %add3A_355 = arith.constant 256 : i32
          %add3A_356 = arith.addi %mul3A_354, %add3A_355 : i32
          %add3A_357 = arith.constant 16 : i32
          %add3A_358 = arith.addi %add3A_356, %add3A_357 : i32
          %get3A_359 = arith.constant 0 : i32
          %get3A_360 = arith.index_cast %get3A_359 : i32 to index
          %get3A_361 = arith.index_cast %add3A_358 : i32 to index
          %get3A_362 = tpu.vector_load %arg10[%get3A_360, %get3A_361] {strides = array<i32>} : memref<2x4608xi32, #tpu.memory_space<vmem>>, vector<16xi32>,
          %mul3A_363 = arith.constant 384 : i32
          %mul3A_364 = arith.muli %scan3A_113, %mul3A_363 : i32
          %add3A_365 = arith.constant 256 : i32
          %add3A_366 = arith.addi %mul3A_364, %add3A_365 : i32
          %add3A_367 = arith.constant 32 : i32
          %add3A_368 = arith.addi %add3A_366, %add3A_367 : i32
          %get3A_369 = arith.constant 0 : i32
          %get3A_370 = arith.index_cast %get3A_369 : i32 to index
          %get3A_371 = arith.index_cast %add3A_368 : i32 to index
          %get3A_372 = tpu.vector_load %arg10[%get3A_370, %get3A_371] {strides = array<i32>} : memref<2x4608xi32, #tpu.memory_space<vmem>>, vector<16xi32>,
          %mul3A_373 = arith.constant 384 : i32
          %mul3A_374 = arith.muli %scan3A_113, %mul3A_373 : i32
          %add3A_375 = arith.constant 256 : i32
          %add3A_376 = arith.addi %mul3A_374, %add3A_375 : i32
          %add3A_377 = arith.constant 48 : i32
          %add3A_378 = arith.addi %add3A_376, %add3A_377 : i32
          %get3A_379 = arith.constant 0 : i32
          %get3A_380 = arith.index_cast %get3A_379 : i32 to index
          %get3A_381 = arith.index_cast %add3A_378 : i32 to index
          %get3A_382 = tpu.vector_load %arg10[%get3A_380, %get3A_381] {strides = array<i32>} : memref<2x4608xi32, #tpu.memory_space<vmem>>, vector<16xi32>,
          %mul3A_383 = arith.constant 384 : i32
          %mul3A_384 = arith.muli %scan3A_113, %mul3A_383 : i32
          %add3A_385 = arith.constant 256 : i32
          %add3A_386 = arith.addi %mul3A_384, %add3A_385 : i32
          %add3A_387 = arith.constant 64 : i32
          %add3A_388 = arith.addi %add3A_386, %add3A_387 : i32
          %get3A_389 = arith.constant 0 : i32
          %get3A_390 = arith.index_cast %get3A_389 : i32 to index
          %get3A_391 = arith.index_cast %add3A_388 : i32 to index
          %get3A_392 = tpu.vector_load %arg10[%get3A_390, %get3A_391] {strides = array<i32>} : memref<2x4608xi32, #tpu.memory_space<vmem>>, vector<16xi32>,
          %mul3A_393 = arith.constant 384 : i32
          %mul3A_394 = arith.muli %scan3A_113, %mul3A_393 : i32
          %add3A_395 = arith.constant 256 : i32
          %add3A_396 = arith.addi %mul3A_394, %add3A_395 : i32
          %add3A_397 = arith.constant 80 : i32
          %add3A_398 = arith.addi %add3A_396, %add3A_397 : i32
          %get3A_399 = arith.constant 0 : i32
          %get3A_400 = arith.index_cast %get3A_399 : i32 to index
          %get3A_401 = arith.index_cast %add3A_398 : i32 to index
          %get3A_402 = tpu.vector_load %arg10[%get3A_400, %get3A_401] {strides = array<i32>} : memref<2x4608xi32, #tpu.memory_space<vmem>>, vector<16xi32>,
          %mul3A_403 = arith.constant 384 : i32
          %mul3A_404 = arith.muli %scan3A_113, %mul3A_403 : i32
          %add3A_405 = arith.constant 256 : i32
          %add3A_406 = arith.addi %mul3A_404, %add3A_405 : i32
          %add3A_407 = arith.constant 96 : i32
          %add3A_408 = arith.addi %add3A_406, %add3A_407 : i32
          %get3A_409 = arith.constant 0 : i32
          %get3A_410 = arith.index_cast %get3A_409 : i32 to index
          %get3A_411 = arith.index_cast %add3A_408 : i32 to index
          %get3A_412 = tpu.vector_load %arg10[%get3A_410, %get3A_411] {strides = array<i32>} : memref<2x4608xi32, #tpu.memory_space<vmem>>, vector<16xi32>,
          %mul3A_413 = arith.constant 384 : i32
          %mul3A_414 = arith.muli %scan3A_113, %mul3A_413 : i32
          %add3A_415 = arith.constant 256 : i32
          %add3A_416 = arith.addi %mul3A_414, %add3A_415 : i32
          %add3A_417 = arith.constant 112 : i32
          %add3A_418 = arith.addi %add3A_416, %add3A_417 : i32
          %get3A_419 = arith.constant 0 : i32
          %get3A_420 = arith.index_cast %get3A_419 : i32 to index
          %get3A_421 = arith.index_cast %add3A_418 : i32 to index
          %get3A_422 = tpu.vector_load %arg10[%get3A_420, %get3A_421] {strides = array<i32>} : memref<2x4608xi32, #tpu.memory_space<vmem>>, vector<16xi32>,
          %add3A_423 = arith.constant 51200 : i32
          %add3A_424 = vector.broadcast %add3A_423 : i32 to vector<16xi32>
          %add3A_425 = arith.addi %mul3A_28, %add3A_424 : vector<16xi32>
          %add3A_426 = arith.addi %get3A_352, %add3A_425 : vector<16xi32>
          %add3A_427 = arith.constant 54400 : i32
          %add3A_428 = vector.broadcast %add3A_427 : i32 to vector<16xi32>
          %add3A_429 = arith.addi %mul3A_28, %add3A_428 : vector<16xi32>
          %add3A_430 = arith.addi %get3A_362, %add3A_429 : vector<16xi32>
          %add3A_431 = arith.constant 57600 : i32
          %add3A_432 = vector.broadcast %add3A_431 : i32 to vector<16xi32>
          %add3A_433 = arith.addi %mul3A_28, %add3A_432 : vector<16xi32>
          %add3A_434 = arith.addi %get3A_372, %add3A_433 : vector<16xi32>
          %add3A_435 = arith.constant 60800 : i32
          %add3A_436 = vector.broadcast %add3A_435 : i32 to vector<16xi32>
          %add3A_437 = arith.addi %mul3A_28, %add3A_436 : vector<16xi32>
          %add3A_438 = arith.addi %get3A_382, %add3A_437 : vector<16xi32>
          %add3A_439 = arith.constant 64000 : i32
          %add3A_440 = vector.broadcast %add3A_439 : i32 to vector<16xi32>
          %add3A_441 = arith.addi %mul3A_28, %add3A_440 : vector<16xi32>
          %add3A_442 = arith.addi %get3A_392, %add3A_441 : vector<16xi32>
          %add3A_443 = arith.constant 67200 : i32
          %add3A_444 = vector.broadcast %add3A_443 : i32 to vector<16xi32>
          %add3A_445 = arith.addi %mul3A_28, %add3A_444 : vector<16xi32>
          %add3A_446 = arith.addi %get3A_402, %add3A_445 : vector<16xi32>
          %add3A_447 = arith.constant 70400 : i32
          %add3A_448 = vector.broadcast %add3A_447 : i32 to vector<16xi32>
          %add3A_449 = arith.addi %mul3A_28, %add3A_448 : vector<16xi32>
          %add3A_450 = arith.addi %get3A_412, %add3A_449 : vector<16xi32>
          %add3A_451 = arith.constant 73600 : i32
          %add3A_452 = vector.broadcast %add3A_451 : i32 to vector<16xi32>
          %add3A_453 = arith.addi %mul3A_28, %add3A_452 : vector<16xi32>
          %add3A_454 = arith.addi %get3A_422, %add3A_453 : vector<16xi32>
          tpu.vector_store_idx %arg12[%add3A_426], %broadcast_in_dim3A_25 {add = true} : memref<72000xf32, #tpu.memory_space<vmem>>[vector<16xi32>], vector<16xf32>,
          tpu.vector_store_idx %arg12[%add3A_430], %broadcast_in_dim3A_25 {add = true} : memref<72000xf32, #tpu.memory_space<vmem>>[vector<16xi32>], vector<16xf32>,
          tpu.vector_store_idx %arg12[%add3A_434], %broadcast_in_dim3A_25 {add = true} : memref<72000xf32, #tpu.memory_space<vmem>>[vector<16xi32>], vector<16xf32>,
          tpu.vector_store_idx %arg12[%add3A_438], %broadcast_in_dim3A_25 {add = true} : memref<72000xf32, #tpu.memory_space<vmem>>[vector<16xi32>], vector<16xf32>,
          tpu.vector_store_idx %arg12[%add3A_442], %broadcast_in_dim3A_25 {add = true} : memref<72000xf32, #tpu.memory_space<vmem>>[vector<16xi32>], vector<16xf32>,
          tpu.vector_store_idx %arg12[%add3A_446], %broadcast_in_dim3A_25 {add = true} : memref<72000xf32, #tpu.memory_space<vmem>>[vector<16xi32>], vector<16xf32>,
          tpu.vector_store_idx %arg12[%add3A_450], %broadcast_in_dim3A_25 {add = true} : memref<72000xf32, #tpu.memory_space<vmem>>[vector<16xi32>], vector<16xf32>,
          tpu.vector_store_idx %arg12[%add3A_454], %broadcast_in_dim3A_25 {add = true} : memref<72000xf32, #tpu.memory_space<vmem>>[vector<16xi32>], vector<16xf32>,
          %scan3A_455 = arith.constant 0 : i32
          scf.yield %scan3A_455 : i32
        }
        %scan3A_84 = arith.constant 12 : i32
        %add3A_85 = arith.constant 1 : i32
        %add3A_86 = arith.addi %add3A_59, %add3A_85 : i32
        %mul3A_87 = arith.constant 4608 : i32
        %mul3A_88 = arith.muli %add3A_86, %mul3A_87 : i32
        %add3A_89 = arith.addi %mul3A_16, %mul3A_88 : i32
        %dma_wait3A_90 = arith.constant 1 : i32
        %dma_wait3A_91 = arith.constant 0 : i32
        %dma_wait3A_92 = tpu.memref_slice %arg10[%dma_wait3A_90, %dma_wait3A_91] : memref<2x4608xi32, #tpu.memory_space<vmem>> -> memref<1x4608xi32, #tpu.memory_space<vmem>>
        %dma_wait3A_93 = tpu.memref_squeeze %dma_wait3A_92 : memref<1x4608xi32, #tpu.memory_space<vmem>> -> memref<4608xi32, #tpu.memory_space<vmem>>
        %dma_wait3A_94 = tpu.memref_slice %arg4[%add3A_89] : memref<589824xi32, #tpu.memory_space<hbm>> -> memref<4608xi32, #tpu.memory_space<hbm>>
        %dma_wait3A_95 = arith.constant 0 : i32
        %dma_wait3A_96 = tpu.memref_slice %arg10[%dma_wait3A_90, %dma_wait3A_95] : memref<2x4608xi32, #tpu.memory_space<vmem>> -> memref<1x4608xi32, #tpu.memory_space<vmem>>
        %dma_wait3A_97 = tpu.memref_squeeze %dma_wait3A_96 : memref<1x4608xi32, #tpu.memory_space<vmem>> -> memref<4608xi32, #tpu.memory_space<vmem>>
        %dma_wait3A_98 = tpu.memref_slice %arg4[%add3A_89] : memref<589824xi32, #tpu.memory_space<hbm>> -> memref<4608xi32, #tpu.memory_space<hbm>>
        tpu.wait_dma2 semaphore(%arg14 : memref<!tpu.dma_semaphore, #tpu.memory_space<semaphore_mem>>) src(%dma_wait3A_98 : memref<4608xi32, #tpu.memory_space<hbm>>) dst(%dma_wait3A_97 : memref<4608xi32, #tpu.memory_space<vmem>>)
        %add3A_99 = arith.constant 2 : i32
        %add3A_100 = arith.addi %add3A_86, %add3A_99 : i32
        %lt3A_101 = arith.constant 32 : i32
        %lt3A_102 = arith.cmpi slt, %add3A_100, %lt3A_101 : i32
        %convert_element_type3A_103 = arith.extui %lt3A_102 : i1 to i32
        %cond3A_104 = arith.constant 0 : i32
        %cond3A_105 = arith.cmpi ne, %convert_element_type3A_103, %cond3A_104 : i32
        scf.if %cond3A_105 {
          %add3A_113 = arith.constant 2 : i32
          %add3A_114 = arith.addi %add3A_86, %add3A_113 : i32
          %mul3A_115 = arith.constant 4608 : i32
          %mul3A_116 = arith.muli %add3A_114, %mul3A_115 : i32
          %add3A_117 = arith.addi %mul3A_16, %mul3A_116 : i32
          %dma_start3A_118 = arith.constant 1 : i32
          %dma_start3A_119 = arith.constant 0 : i32
          %dma_start3A_120 = tpu.memref_slice %arg10[%dma_start3A_118, %dma_start3A_119] : memref<2x4608xi32, #tpu.memory_space<vmem>> -> memref<1x4608xi32, #tpu.memory_space<vmem>>
          %dma_start3A_121 = tpu.memref_squeeze %dma_start3A_120 : memref<1x4608xi32, #tpu.memory_space<vmem>> -> memref<4608xi32, #tpu.memory_space<vmem>>
          %dma_start3A_122 = tpu.memref_slice %arg4[%add3A_117] : memref<589824xi32, #tpu.memory_space<hbm>> -> memref<4608xi32, #tpu.memory_space<hbm>>
          %dma_start3A_123 = arith.constant 0 : i32
          %dma_start3A_124 = tpu.memref_slice %arg10[%dma_start3A_118, %dma_start3A_123] : memref<2x4608xi32, #tpu.memory_space<vmem>> -> memref<1x4608xi32, #tpu.memory_space<vmem>>
          %dma_start3A_125 = tpu.memref_squeeze %dma_start3A_124 : memref<1x4608xi32, #tpu.memory_space<vmem>> -> memref<4608xi32, #tpu.memory_space<vmem>>
          %dma_start3A_126 = tpu.memref_slice %arg4[%add3A_117] : memref<589824xi32, #tpu.memory_space<hbm>> -> memref<4608xi32, #tpu.memory_space<hbm>>
          tpu.enqueue_dma source(%dma_start3A_126 : memref<4608xi32, #tpu.memory_space<hbm>>) target(%dma_start3A_125 : memref<4608xi32, #tpu.memory_space<vmem>>) target_semaphore(%arg14 : memref<!tpu.dma_semaphore, #tpu.memory_space<semaphore_mem>>)
        } else {
        }
        %scan3A_106 = arith.constant 0 : i32
        %scan3A_107 = arith.constant 0 : i32
        %scan3A_108 = arith.constant 12 : i32
        %scan3A_109 = arith.addi %scan3A_107, %scan3A_108 : i32
        %scan3A_110 = arith.constant 1 : i32
        %scan3A_111 = scf.for %scan3A_113 = %scan3A_107 to %scan3A_109 step %scan3A_110 iter_args(%scan3A_114 = %scan3A_106) -> (i32)  : i32 {
          %mul3A_115 = arith.constant 12 : i32
          %mul3A_116 = arith.muli %add3A_86, %mul3A_115 : i32
          %add3A_117 = arith.addi %mul3A_116, %scan3A_113 : i32
          %mul3A_118 = arith.constant 200 : i32
          %mul3A_119 = arith.muli %add3A_117, %mul3A_118 : i32
          %mul3A_120 = arith.constant 384 : i32
          %mul3A_121 = arith.muli %scan3A_113, %mul3A_120 : i32
          %add3A_122 = arith.constant 0 : i32
          %add3A_123 = arith.addi %mul3A_121, %add3A_122 : i32
          %add3A_124 = arith.constant 0 : i32
          %add3A_125 = arith.addi %add3A_123, %add3A_124 : i32
          %get3A = arith.constant 1 : i32
          %get3A_126 = arith.index_cast %get3A : i32 to index
          %get3A_127 = arith.index_cast %add3A_125 : i32 to index
          %get3A_128 = tpu.vector_load %arg10[%get3A_126, %get3A_127] {strides = array<i32>} : memref<2x4608xi32, #tpu.memory_space<vmem>>, vector<16xi32>,
          %mul3A_129 = arith.constant 384 : i32
          %mul3A_130 = arith.muli %scan3A_113, %mul3A_129 : i32
          %add3A_131 = arith.constant 0 : i32
          %add3A_132 = arith.addi %mul3A_130, %add3A_131 : i32
          %add3A_133 = arith.constant 16 : i32
          %add3A_134 = arith.addi %add3A_132, %add3A_133 : i32
          %get3A_135 = arith.constant 1 : i32
          %get3A_136 = arith.index_cast %get3A_135 : i32 to index
          %get3A_137 = arith.index_cast %add3A_134 : i32 to index
          %get3A_138 = tpu.vector_load %arg10[%get3A_136, %get3A_137] {strides = array<i32>} : memref<2x4608xi32, #tpu.memory_space<vmem>>, vector<16xi32>,
          %mul3A_139 = arith.constant 384 : i32
          %mul3A_140 = arith.muli %scan3A_113, %mul3A_139 : i32
          %add3A_141 = arith.constant 0 : i32
          %add3A_142 = arith.addi %mul3A_140, %add3A_141 : i32
          %add3A_143 = arith.constant 32 : i32
          %add3A_144 = arith.addi %add3A_142, %add3A_143 : i32
          %get3A_145 = arith.constant 1 : i32
          %get3A_146 = arith.index_cast %get3A_145 : i32 to index
          %get3A_147 = arith.index_cast %add3A_144 : i32 to index
          %get3A_148 = tpu.vector_load %arg10[%get3A_146, %get3A_147] {strides = array<i32>} : memref<2x4608xi32, #tpu.memory_space<vmem>>, vector<16xi32>,
          %mul3A_149 = arith.constant 384 : i32
          %mul3A_150 = arith.muli %scan3A_113, %mul3A_149 : i32
          %add3A_151 = arith.constant 0 : i32
          %add3A_152 = arith.addi %mul3A_150, %add3A_151 : i32
          %add3A_153 = arith.constant 48 : i32
          %add3A_154 = arith.addi %add3A_152, %add3A_153 : i32
          %get3A_155 = arith.constant 1 : i32
          %get3A_156 = arith.index_cast %get3A_155 : i32 to index
          %get3A_157 = arith.index_cast %add3A_154 : i32 to index
          %get3A_158 = tpu.vector_load %arg10[%get3A_156, %get3A_157] {strides = array<i32>} : memref<2x4608xi32, #tpu.memory_space<vmem>>, vector<16xi32>,
          %mul3A_159 = arith.constant 384 : i32
          %mul3A_160 = arith.muli %scan3A_113, %mul3A_159 : i32
          %add3A_161 = arith.constant 0 : i32
          %add3A_162 = arith.addi %mul3A_160, %add3A_161 : i32
          %add3A_163 = arith.constant 64 : i32
          %add3A_164 = arith.addi %add3A_162, %add3A_163 : i32
          %get3A_165 = arith.constant 1 : i32
          %get3A_166 = arith.index_cast %get3A_165 : i32 to index
          %get3A_167 = arith.index_cast %add3A_164 : i32 to index
          %get3A_168 = tpu.vector_load %arg10[%get3A_166, %get3A_167] {strides = array<i32>} : memref<2x4608xi32, #tpu.memory_space<vmem>>, vector<16xi32>,
          %mul3A_169 = arith.constant 384 : i32
          %mul3A_170 = arith.muli %scan3A_113, %mul3A_169 : i32
          %add3A_171 = arith.constant 0 : i32
          %add3A_172 = arith.addi %mul3A_170, %add3A_171 : i32
          %add3A_173 = arith.constant 80 : i32
          %add3A_174 = arith.addi %add3A_172, %add3A_173 : i32
          %get3A_175 = arith.constant 1 : i32
          %get3A_176 = arith.index_cast %get3A_175 : i32 to index
          %get3A_177 = arith.index_cast %add3A_174 : i32 to index
          %get3A_178 = tpu.vector_load %arg10[%get3A_176, %get3A_177] {strides = array<i32>} : memref<2x4608xi32, #tpu.memory_space<vmem>>, vector<16xi32>,
          %mul3A_179 = arith.constant 384 : i32
          %mul3A_180 = arith.muli %scan3A_113, %mul3A_179 : i32
          %add3A_181 = arith.constant 0 : i32
          %add3A_182 = arith.addi %mul3A_180, %add3A_181 : i32
          %add3A_183 = arith.constant 96 : i32
          %add3A_184 = arith.addi %add3A_182, %add3A_183 : i32
          %get3A_185 = arith.constant 1 : i32
          %get3A_186 = arith.index_cast %get3A_185 : i32 to index
          %get3A_187 = arith.index_cast %add3A_184 : i32 to index
          %get3A_188 = tpu.vector_load %arg10[%get3A_186, %get3A_187] {strides = array<i32>} : memref<2x4608xi32, #tpu.memory_space<vmem>>, vector<16xi32>,
          %mul3A_189 = arith.constant 384 : i32
          %mul3A_190 = arith.muli %scan3A_113, %mul3A_189 : i32
          %add3A_191 = arith.constant 0 : i32
          %add3A_192 = arith.addi %mul3A_190, %add3A_191 : i32
          %add3A_193 = arith.constant 112 : i32
          %add3A_194 = arith.addi %add3A_192, %add3A_193 : i32
          %get3A_195 = arith.constant 1 : i32
          %get3A_196 = arith.index_cast %get3A_195 : i32 to index
          %get3A_197 = arith.index_cast %add3A_194 : i32 to index
          %get3A_198 = tpu.vector_load %arg10[%get3A_196, %get3A_197] {strides = array<i32>} : memref<2x4608xi32, #tpu.memory_space<vmem>>, vector<16xi32>,
          %add3A_199 = arith.constant 0 : i32
          %add3A_200 = vector.broadcast %add3A_199 : i32 to vector<16xi32>
          %add3A_201 = arith.addi %mul3A_28, %add3A_200 : vector<16xi32>
          %add3A_202 = arith.addi %get3A_128, %add3A_201 : vector<16xi32>
          %add3A_203 = arith.constant 3200 : i32
          %add3A_204 = vector.broadcast %add3A_203 : i32 to vector<16xi32>
          %add3A_205 = arith.addi %mul3A_28, %add3A_204 : vector<16xi32>
          %add3A_206 = arith.addi %get3A_138, %add3A_205 : vector<16xi32>
          %add3A_207 = arith.constant 6400 : i32
          %add3A_208 = vector.broadcast %add3A_207 : i32 to vector<16xi32>
          %add3A_209 = arith.addi %mul3A_28, %add3A_208 : vector<16xi32>
          %add3A_210 = arith.addi %get3A_148, %add3A_209 : vector<16xi32>
          %add3A_211 = arith.constant 9600 : i32
          %add3A_212 = vector.broadcast %add3A_211 : i32 to vector<16xi32>
          %add3A_213 = arith.addi %mul3A_28, %add3A_212 : vector<16xi32>
          %add3A_214 = arith.addi %get3A_158, %add3A_213 : vector<16xi32>
          %add3A_215 = arith.constant 12800 : i32
          %add3A_216 = vector.broadcast %add3A_215 : i32 to vector<16xi32>
          %add3A_217 = arith.addi %mul3A_28, %add3A_216 : vector<16xi32>
          %add3A_218 = arith.addi %get3A_168, %add3A_217 : vector<16xi32>
          %add3A_219 = arith.constant 16000 : i32
          %add3A_220 = vector.broadcast %add3A_219 : i32 to vector<16xi32>
          %add3A_221 = arith.addi %mul3A_28, %add3A_220 : vector<16xi32>
          %add3A_222 = arith.addi %get3A_178, %add3A_221 : vector<16xi32>
          %add3A_223 = arith.constant 19200 : i32
          %add3A_224 = vector.broadcast %add3A_223 : i32 to vector<16xi32>
          %add3A_225 = arith.addi %mul3A_28, %add3A_224 : vector<16xi32>
          %add3A_226 = arith.addi %get3A_188, %add3A_225 : vector<16xi32>
          %add3A_227 = arith.constant 22400 : i32
          %add3A_228 = vector.broadcast %add3A_227 : i32 to vector<16xi32>
          %add3A_229 = arith.addi %mul3A_28, %add3A_228 : vector<16xi32>
          %add3A_230 = arith.addi %get3A_198, %add3A_229 : vector<16xi32>
          tpu.vector_store_idx %arg12[%add3A_202], %broadcast_in_dim3A_25 {add = true} : memref<72000xf32, #tpu.memory_space<vmem>>[vector<16xi32>], vector<16xf32>,
          tpu.vector_store_idx %arg12[%add3A_206], %broadcast_in_dim3A_25 {add = true} : memref<72000xf32, #tpu.memory_space<vmem>>[vector<16xi32>], vector<16xf32>,
          tpu.vector_store_idx %arg12[%add3A_210], %broadcast_in_dim3A_25 {add = true} : memref<72000xf32, #tpu.memory_space<vmem>>[vector<16xi32>], vector<16xf32>,
          tpu.vector_store_idx %arg12[%add3A_214], %broadcast_in_dim3A_25 {add = true} : memref<72000xf32, #tpu.memory_space<vmem>>[vector<16xi32>], vector<16xf32>,
          tpu.vector_store_idx %arg12[%add3A_218], %broadcast_in_dim3A_25 {add = true} : memref<72000xf32, #tpu.memory_space<vmem>>[vector<16xi32>], vector<16xf32>,
          tpu.vector_store_idx %arg12[%add3A_222], %broadcast_in_dim3A_25 {add = true} : memref<72000xf32, #tpu.memory_space<vmem>>[vector<16xi32>], vector<16xf32>,
          tpu.vector_store_idx %arg12[%add3A_226], %broadcast_in_dim3A_25 {add = true} : memref<72000xf32, #tpu.memory_space<vmem>>[vector<16xi32>], vector<16xf32>,
          tpu.vector_store_idx %arg12[%add3A_230], %broadcast_in_dim3A_25 {add = true} : memref<72000xf32, #tpu.memory_space<vmem>>[vector<16xi32>], vector<16xf32>,
          %mul3A_231 = arith.constant 384 : i32
          %mul3A_232 = arith.muli %scan3A_113, %mul3A_231 : i32
          %add3A_233 = arith.constant 128 : i32
          %add3A_234 = arith.addi %mul3A_232, %add3A_233 : i32
          %add3A_235 = arith.constant 0 : i32
          %add3A_236 = arith.addi %add3A_234, %add3A_235 : i32
          %get3A_237 = arith.constant 1 : i32
          %get3A_238 = arith.index_cast %get3A_237 : i32 to index
          %get3A_239 = arith.index_cast %add3A_236 : i32 to index
          %get3A_240 = tpu.vector_load %arg10[%get3A_238, %get3A_239] {strides = array<i32>} : memref<2x4608xi32, #tpu.memory_space<vmem>>, vector<16xi32>,
          %mul3A_241 = arith.constant 384 : i32
          %mul3A_242 = arith.muli %scan3A_113, %mul3A_241 : i32
          %add3A_243 = arith.constant 128 : i32
          %add3A_244 = arith.addi %mul3A_242, %add3A_243 : i32
          %add3A_245 = arith.constant 16 : i32
          %add3A_246 = arith.addi %add3A_244, %add3A_245 : i32
          %get3A_247 = arith.constant 1 : i32
          %get3A_248 = arith.index_cast %get3A_247 : i32 to index
          %get3A_249 = arith.index_cast %add3A_246 : i32 to index
          %get3A_250 = tpu.vector_load %arg10[%get3A_248, %get3A_249] {strides = array<i32>} : memref<2x4608xi32, #tpu.memory_space<vmem>>, vector<16xi32>,
          %mul3A_251 = arith.constant 384 : i32
          %mul3A_252 = arith.muli %scan3A_113, %mul3A_251 : i32
          %add3A_253 = arith.constant 128 : i32
          %add3A_254 = arith.addi %mul3A_252, %add3A_253 : i32
          %add3A_255 = arith.constant 32 : i32
          %add3A_256 = arith.addi %add3A_254, %add3A_255 : i32
          %get3A_257 = arith.constant 1 : i32
          %get3A_258 = arith.index_cast %get3A_257 : i32 to index
          %get3A_259 = arith.index_cast %add3A_256 : i32 to index
          %get3A_260 = tpu.vector_load %arg10[%get3A_258, %get3A_259] {strides = array<i32>} : memref<2x4608xi32, #tpu.memory_space<vmem>>, vector<16xi32>,
          %mul3A_261 = arith.constant 384 : i32
          %mul3A_262 = arith.muli %scan3A_113, %mul3A_261 : i32
          %add3A_263 = arith.constant 128 : i32
          %add3A_264 = arith.addi %mul3A_262, %add3A_263 : i32
          %add3A_265 = arith.constant 48 : i32
          %add3A_266 = arith.addi %add3A_264, %add3A_265 : i32
          %get3A_267 = arith.constant 1 : i32
          %get3A_268 = arith.index_cast %get3A_267 : i32 to index
          %get3A_269 = arith.index_cast %add3A_266 : i32 to index
          %get3A_270 = tpu.vector_load %arg10[%get3A_268, %get3A_269] {strides = array<i32>} : memref<2x4608xi32, #tpu.memory_space<vmem>>, vector<16xi32>,
          %mul3A_271 = arith.constant 384 : i32
          %mul3A_272 = arith.muli %scan3A_113, %mul3A_271 : i32
          %add3A_273 = arith.constant 128 : i32
          %add3A_274 = arith.addi %mul3A_272, %add3A_273 : i32
          %add3A_275 = arith.constant 64 : i32
          %add3A_276 = arith.addi %add3A_274, %add3A_275 : i32
          %get3A_277 = arith.constant 1 : i32
          %get3A_278 = arith.index_cast %get3A_277 : i32 to index
          %get3A_279 = arith.index_cast %add3A_276 : i32 to index
          %get3A_280 = tpu.vector_load %arg10[%get3A_278, %get3A_279] {strides = array<i32>} : memref<2x4608xi32, #tpu.memory_space<vmem>>, vector<16xi32>,
          %mul3A_281 = arith.constant 384 : i32
          %mul3A_282 = arith.muli %scan3A_113, %mul3A_281 : i32
          %add3A_283 = arith.constant 128 : i32
          %add3A_284 = arith.addi %mul3A_282, %add3A_283 : i32
          %add3A_285 = arith.constant 80 : i32
          %add3A_286 = arith.addi %add3A_284, %add3A_285 : i32
          %get3A_287 = arith.constant 1 : i32
          %get3A_288 = arith.index_cast %get3A_287 : i32 to index
          %get3A_289 = arith.index_cast %add3A_286 : i32 to index
          %get3A_290 = tpu.vector_load %arg10[%get3A_288, %get3A_289] {strides = array<i32>} : memref<2x4608xi32, #tpu.memory_space<vmem>>, vector<16xi32>,
          %mul3A_291 = arith.constant 384 : i32
          %mul3A_292 = arith.muli %scan3A_113, %mul3A_291 : i32
          %add3A_293 = arith.constant 128 : i32
          %add3A_294 = arith.addi %mul3A_292, %add3A_293 : i32
          %add3A_295 = arith.constant 96 : i32
          %add3A_296 = arith.addi %add3A_294, %add3A_295 : i32
          %get3A_297 = arith.constant 1 : i32
          %get3A_298 = arith.index_cast %get3A_297 : i32 to index
          %get3A_299 = arith.index_cast %add3A_296 : i32 to index
          %get3A_300 = tpu.vector_load %arg10[%get3A_298, %get3A_299] {strides = array<i32>} : memref<2x4608xi32, #tpu.memory_space<vmem>>, vector<16xi32>,
          %mul3A_301 = arith.constant 384 : i32
          %mul3A_302 = arith.muli %scan3A_113, %mul3A_301 : i32
          %add3A_303 = arith.constant 128 : i32
          %add3A_304 = arith.addi %mul3A_302, %add3A_303 : i32
          %add3A_305 = arith.constant 112 : i32
          %add3A_306 = arith.addi %add3A_304, %add3A_305 : i32
          %get3A_307 = arith.constant 1 : i32
          %get3A_308 = arith.index_cast %get3A_307 : i32 to index
          %get3A_309 = arith.index_cast %add3A_306 : i32 to index
          %get3A_310 = tpu.vector_load %arg10[%get3A_308, %get3A_309] {strides = array<i32>} : memref<2x4608xi32, #tpu.memory_space<vmem>>, vector<16xi32>,
          %add3A_311 = arith.constant 25600 : i32
          %add3A_312 = vector.broadcast %add3A_311 : i32 to vector<16xi32>
          %add3A_313 = arith.addi %mul3A_28, %add3A_312 : vector<16xi32>
          %add3A_314 = arith.addi %get3A_240, %add3A_313 : vector<16xi32>
          %add3A_315 = arith.constant 28800 : i32
          %add3A_316 = vector.broadcast %add3A_315 : i32 to vector<16xi32>
          %add3A_317 = arith.addi %mul3A_28, %add3A_316 : vector<16xi32>
          %add3A_318 = arith.addi %get3A_250, %add3A_317 : vector<16xi32>
          %add3A_319 = arith.constant 32000 : i32
          %add3A_320 = vector.broadcast %add3A_319 : i32 to vector<16xi32>
          %add3A_321 = arith.addi %mul3A_28, %add3A_320 : vector<16xi32>
          %add3A_322 = arith.addi %get3A_260, %add3A_321 : vector<16xi32>
          %add3A_323 = arith.constant 35200 : i32
          %add3A_324 = vector.broadcast %add3A_323 : i32 to vector<16xi32>
          %add3A_325 = arith.addi %mul3A_28, %add3A_324 : vector<16xi32>
          %add3A_326 = arith.addi %get3A_270, %add3A_325 : vector<16xi32>
          %add3A_327 = arith.constant 38400 : i32
          %add3A_328 = vector.broadcast %add3A_327 : i32 to vector<16xi32>
          %add3A_329 = arith.addi %mul3A_28, %add3A_328 : vector<16xi32>
          %add3A_330 = arith.addi %get3A_280, %add3A_329 : vector<16xi32>
          %add3A_331 = arith.constant 41600 : i32
          %add3A_332 = vector.broadcast %add3A_331 : i32 to vector<16xi32>
          %add3A_333 = arith.addi %mul3A_28, %add3A_332 : vector<16xi32>
          %add3A_334 = arith.addi %get3A_290, %add3A_333 : vector<16xi32>
          %add3A_335 = arith.constant 44800 : i32
          %add3A_336 = vector.broadcast %add3A_335 : i32 to vector<16xi32>
          %add3A_337 = arith.addi %mul3A_28, %add3A_336 : vector<16xi32>
          %add3A_338 = arith.addi %get3A_300, %add3A_337 : vector<16xi32>
          %add3A_339 = arith.constant 48000 : i32
          %add3A_340 = vector.broadcast %add3A_339 : i32 to vector<16xi32>
          %add3A_341 = arith.addi %mul3A_28, %add3A_340 : vector<16xi32>
          %add3A_342 = arith.addi %get3A_310, %add3A_341 : vector<16xi32>
          tpu.vector_store_idx %arg12[%add3A_314], %broadcast_in_dim3A_25 {add = true} : memref<72000xf32, #tpu.memory_space<vmem>>[vector<16xi32>], vector<16xf32>,
          tpu.vector_store_idx %arg12[%add3A_318], %broadcast_in_dim3A_25 {add = true} : memref<72000xf32, #tpu.memory_space<vmem>>[vector<16xi32>], vector<16xf32>,
          tpu.vector_store_idx %arg12[%add3A_322], %broadcast_in_dim3A_25 {add = true} : memref<72000xf32, #tpu.memory_space<vmem>>[vector<16xi32>], vector<16xf32>,
          tpu.vector_store_idx %arg12[%add3A_326], %broadcast_in_dim3A_25 {add = true} : memref<72000xf32, #tpu.memory_space<vmem>>[vector<16xi32>], vector<16xf32>,
          tpu.vector_store_idx %arg12[%add3A_330], %broadcast_in_dim3A_25 {add = true} : memref<72000xf32, #tpu.memory_space<vmem>>[vector<16xi32>], vector<16xf32>,
          tpu.vector_store_idx %arg12[%add3A_334], %broadcast_in_dim3A_25 {add = true} : memref<72000xf32, #tpu.memory_space<vmem>>[vector<16xi32>], vector<16xf32>,
          tpu.vector_store_idx %arg12[%add3A_338], %broadcast_in_dim3A_25 {add = true} : memref<72000xf32, #tpu.memory_space<vmem>>[vector<16xi32>], vector<16xf32>,
          tpu.vector_store_idx %arg12[%add3A_342], %broadcast_in_dim3A_25 {add = true} : memref<72000xf32, #tpu.memory_space<vmem>>[vector<16xi32>], vector<16xf32>,
          %mul3A_343 = arith.constant 384 : i32
          %mul3A_344 = arith.muli %scan3A_113, %mul3A_343 : i32
          %add3A_345 = arith.constant 256 : i32
          %add3A_346 = arith.addi %mul3A_344, %add3A_345 : i32
          %add3A_347 = arith.constant 0 : i32
          %add3A_348 = arith.addi %add3A_346, %add3A_347 : i32
          %get3A_349 = arith.constant 1 : i32
          %get3A_350 = arith.index_cast %get3A_349 : i32 to index
          %get3A_351 = arith.index_cast %add3A_348 : i32 to index
          %get3A_352 = tpu.vector_load %arg10[%get3A_350, %get3A_351] {strides = array<i32>} : memref<2x4608xi32, #tpu.memory_space<vmem>>, vector<16xi32>,
          %mul3A_353 = arith.constant 384 : i32
          %mul3A_354 = arith.muli %scan3A_113, %mul3A_353 : i32
          %add3A_355 = arith.constant 256 : i32
          %add3A_356 = arith.addi %mul3A_354, %add3A_355 : i32
          %add3A_357 = arith.constant 16 : i32
          %add3A_358 = arith.addi %add3A_356, %add3A_357 : i32
          %get3A_359 = arith.constant 1 : i32
          %get3A_360 = arith.index_cast %get3A_359 : i32 to index
          %get3A_361 = arith.index_cast %add3A_358 : i32 to index
          %get3A_362 = tpu.vector_load %arg10[%get3A_360, %get3A_361] {strides = array<i32>} : memref<2x4608xi32, #tpu.memory_space<vmem>>, vector<16xi32>,
          %mul3A_363 = arith.constant 384 : i32
          %mul3A_364 = arith.muli %scan3A_113, %mul3A_363 : i32
          %add3A_365 = arith.constant 256 : i32
          %add3A_366 = arith.addi %mul3A_364, %add3A_365 : i32
          %add3A_367 = arith.constant 32 : i32
          %add3A_368 = arith.addi %add3A_366, %add3A_367 : i32
          %get3A_369 = arith.constant 1 : i32
          %get3A_370 = arith.index_cast %get3A_369 : i32 to index
          %get3A_371 = arith.index_cast %add3A_368 : i32 to index
          %get3A_372 = tpu.vector_load %arg10[%get3A_370, %get3A_371] {strides = array<i32>} : memref<2x4608xi32, #tpu.memory_space<vmem>>, vector<16xi32>,
          %mul3A_373 = arith.constant 384 : i32
          %mul3A_374 = arith.muli %scan3A_113, %mul3A_373 : i32
          %add3A_375 = arith.constant 256 : i32
          %add3A_376 = arith.addi %mul3A_374, %add3A_375 : i32
          %add3A_377 = arith.constant 48 : i32
          %add3A_378 = arith.addi %add3A_376, %add3A_377 : i32
          %get3A_379 = arith.constant 1 : i32
          %get3A_380 = arith.index_cast %get3A_379 : i32 to index
          %get3A_381 = arith.index_cast %add3A_378 : i32 to index
          %get3A_382 = tpu.vector_load %arg10[%get3A_380, %get3A_381] {strides = array<i32>} : memref<2x4608xi32, #tpu.memory_space<vmem>>, vector<16xi32>,
          %mul3A_383 = arith.constant 384 : i32
          %mul3A_384 = arith.muli %scan3A_113, %mul3A_383 : i32
          %add3A_385 = arith.constant 256 : i32
          %add3A_386 = arith.addi %mul3A_384, %add3A_385 : i32
          %add3A_387 = arith.constant 64 : i32
          %add3A_388 = arith.addi %add3A_386, %add3A_387 : i32
          %get3A_389 = arith.constant 1 : i32
          %get3A_390 = arith.index_cast %get3A_389 : i32 to index
          %get3A_391 = arith.index_cast %add3A_388 : i32 to index
          %get3A_392 = tpu.vector_load %arg10[%get3A_390, %get3A_391] {strides = array<i32>} : memref<2x4608xi32, #tpu.memory_space<vmem>>, vector<16xi32>,
          %mul3A_393 = arith.constant 384 : i32
          %mul3A_394 = arith.muli %scan3A_113, %mul3A_393 : i32
          %add3A_395 = arith.constant 256 : i32
          %add3A_396 = arith.addi %mul3A_394, %add3A_395 : i32
          %add3A_397 = arith.constant 80 : i32
          %add3A_398 = arith.addi %add3A_396, %add3A_397 : i32
          %get3A_399 = arith.constant 1 : i32
          %get3A_400 = arith.index_cast %get3A_399 : i32 to index
          %get3A_401 = arith.index_cast %add3A_398 : i32 to index
          %get3A_402 = tpu.vector_load %arg10[%get3A_400, %get3A_401] {strides = array<i32>} : memref<2x4608xi32, #tpu.memory_space<vmem>>, vector<16xi32>,
          %mul3A_403 = arith.constant 384 : i32
          %mul3A_404 = arith.muli %scan3A_113, %mul3A_403 : i32
          %add3A_405 = arith.constant 256 : i32
          %add3A_406 = arith.addi %mul3A_404, %add3A_405 : i32
          %add3A_407 = arith.constant 96 : i32
          %add3A_408 = arith.addi %add3A_406, %add3A_407 : i32
          %get3A_409 = arith.constant 1 : i32
          %get3A_410 = arith.index_cast %get3A_409 : i32 to index
          %get3A_411 = arith.index_cast %add3A_408 : i32 to index
          %get3A_412 = tpu.vector_load %arg10[%get3A_410, %get3A_411] {strides = array<i32>} : memref<2x4608xi32, #tpu.memory_space<vmem>>, vector<16xi32>,
          %mul3A_413 = arith.constant 384 : i32
          %mul3A_414 = arith.muli %scan3A_113, %mul3A_413 : i32
          %add3A_415 = arith.constant 256 : i32
          %add3A_416 = arith.addi %mul3A_414, %add3A_415 : i32
          %add3A_417 = arith.constant 112 : i32
          %add3A_418 = arith.addi %add3A_416, %add3A_417 : i32
          %get3A_419 = arith.constant 1 : i32
          %get3A_420 = arith.index_cast %get3A_419 : i32 to index
          %get3A_421 = arith.index_cast %add3A_418 : i32 to index
          %get3A_422 = tpu.vector_load %arg10[%get3A_420, %get3A_421] {strides = array<i32>} : memref<2x4608xi32, #tpu.memory_space<vmem>>, vector<16xi32>,
          %add3A_423 = arith.constant 51200 : i32
          %add3A_424 = vector.broadcast %add3A_423 : i32 to vector<16xi32>
          %add3A_425 = arith.addi %mul3A_28, %add3A_424 : vector<16xi32>
          %add3A_426 = arith.addi %get3A_352, %add3A_425 : vector<16xi32>
          %add3A_427 = arith.constant 54400 : i32
          %add3A_428 = vector.broadcast %add3A_427 : i32 to vector<16xi32>
          %add3A_429 = arith.addi %mul3A_28, %add3A_428 : vector<16xi32>
          %add3A_430 = arith.addi %get3A_362, %add3A_429 : vector<16xi32>
          %add3A_431 = arith.constant 57600 : i32
          %add3A_432 = vector.broadcast %add3A_431 : i32 to vector<16xi32>
          %add3A_433 = arith.addi %mul3A_28, %add3A_432 : vector<16xi32>
          %add3A_434 = arith.addi %get3A_372, %add3A_433 : vector<16xi32>
          %add3A_435 = arith.constant 60800 : i32
          %add3A_436 = vector.broadcast %add3A_435 : i32 to vector<16xi32>
          %add3A_437 = arith.addi %mul3A_28, %add3A_436 : vector<16xi32>
          %add3A_438 = arith.addi %get3A_382, %add3A_437 : vector<16xi32>
          %add3A_439 = arith.constant 64000 : i32
          %add3A_440 = vector.broadcast %add3A_439 : i32 to vector<16xi32>
          %add3A_441 = arith.addi %mul3A_28, %add3A_440 : vector<16xi32>
          %add3A_442 = arith.addi %get3A_392, %add3A_441 : vector<16xi32>
          %add3A_443 = arith.constant 67200 : i32
          %add3A_444 = vector.broadcast %add3A_443 : i32 to vector<16xi32>
          %add3A_445 = arith.addi %mul3A_28, %add3A_444 : vector<16xi32>
          %add3A_446 = arith.addi %get3A_402, %add3A_445 : vector<16xi32>
          %add3A_447 = arith.constant 70400 : i32
          %add3A_448 = vector.broadcast %add3A_447 : i32 to vector<16xi32>
          %add3A_449 = arith.addi %mul3A_28, %add3A_448 : vector<16xi32>
          %add3A_450 = arith.addi %get3A_412, %add3A_449 : vector<16xi32>
          %add3A_451 = arith.constant 73600 : i32
          %add3A_452 = vector.broadcast %add3A_451 : i32 to vector<16xi32>
          %add3A_453 = arith.addi %mul3A_28, %add3A_452 : vector<16xi32>
          %add3A_454 = arith.addi %get3A_422, %add3A_453 : vector<16xi32>
          tpu.vector_store_idx %arg12[%add3A_426], %broadcast_in_dim3A_25 {add = true} : memref<72000xf32, #tpu.memory_space<vmem>>[vector<16xi32>], vector<16xf32>,
          tpu.vector_store_idx %arg12[%add3A_430], %broadcast_in_dim3A_25 {add = true} : memref<72000xf32, #tpu.memory_space<vmem>>[vector<16xi32>], vector<16xf32>,
          tpu.vector_store_idx %arg12[%add3A_434], %broadcast_in_dim3A_25 {add = true} : memref<72000xf32, #tpu.memory_space<vmem>>[vector<16xi32>], vector<16xf32>,
          tpu.vector_store_idx %arg12[%add3A_438], %broadcast_in_dim3A_25 {add = true} : memref<72000xf32, #tpu.memory_space<vmem>>[vector<16xi32>], vector<16xf32>,
          tpu.vector_store_idx %arg12[%add3A_442], %broadcast_in_dim3A_25 {add = true} : memref<72000xf32, #tpu.memory_space<vmem>>[vector<16xi32>], vector<16xf32>,
          tpu.vector_store_idx %arg12[%add3A_446], %broadcast_in_dim3A_25 {add = true} : memref<72000xf32, #tpu.memory_space<vmem>>[vector<16xi32>], vector<16xf32>,
          tpu.vector_store_idx %arg12[%add3A_450], %broadcast_in_dim3A_25 {add = true} : memref<72000xf32, #tpu.memory_space<vmem>>[vector<16xi32>], vector<16xf32>,
          tpu.vector_store_idx %arg12[%add3A_454], %broadcast_in_dim3A_25 {add = true} : memref<72000xf32, #tpu.memory_space<vmem>>[vector<16xi32>], vector<16xf32>,
          %scan3A_455 = arith.constant 0 : i32
          scf.yield %scan3A_455 : i32
        }
        %scan3A_112 = arith.constant 12 : i32
      }
      %scan3A_54 = arith.constant 16 : i32
      "tpu.region"() ({
        %run_scoped3A = tpu.sem_alloc : memref<!tpu.dma_semaphore, #tpu.memory_space<semaphore_mem>>
        %dma_start3A_55 = arith.constant 0 : i32
        %dma_start3A_56 = tpu.memref_slice %arg12[%dma_start3A_55] : memref<72000xf32, #tpu.memory_space<vmem>> -> memref<76800xf32, #tpu.memory_space<vmem>>
        %dma_start3A_57 = arith.constant 0 : i32
        %dma_start3A_58 = tpu.memref_slice %arg9[%sub3A_14, %dma_start3A_57] : memref<4x76800xf32, #tpu.memory_space<hbm>> -> memref<1x76800xf32, #tpu.memory_space<hbm>>
        %dma_start3A_59 = tpu.memref_squeeze %dma_start3A_58 : memref<1x76800xf32, #tpu.memory_space<hbm>> -> memref<76800xf32, #tpu.memory_space<hbm>>
        %dma_start3A_60 = arith.constant 0 : i32
        %dma_start3A_61 = tpu.memref_slice %arg9[%sub3A_14, %dma_start3A_60] : memref<4x76800xf32, #tpu.memory_space<hbm>> -> memref<1x76800xf32, #tpu.memory_space<hbm>>
        %dma_start3A_62 = tpu.memref_squeeze %dma_start3A_61 : memref<1x76800xf32, #tpu.memory_space<hbm>> -> memref<76800xf32, #tpu.memory_space<hbm>>
        %dma_start3A_63 = arith.constant 0 : i32
        %dma_start3A_64 = tpu.memref_slice %arg12[%dma_start3A_63] : memref<72000xf32, #tpu.memory_space<vmem>> -> memref<76800xf32, #tpu.memory_space<vmem>>
        tpu.enqueue_dma source(%dma_start3A_64 : memref<76800xf32, #tpu.memory_space<vmem>>) target(%dma_start3A_62 : memref<76800xf32, #tpu.memory_space<hbm>>) target_semaphore(%run_scoped3A : memref<!tpu.dma_semaphore, #tpu.memory_space<semaphore_mem>>)
        %dma_wait3A = arith.constant 0 : i32
        %dma_wait3A_65 = tpu.memref_slice %arg12[%dma_wait3A] : memref<72000xf32, #tpu.memory_space<vmem>> -> memref<76800xf32, #tpu.memory_space<vmem>>
        %dma_wait3A_66 = arith.constant 0 : i32
        %dma_wait3A_67 = tpu.memref_slice %arg9[%sub3A_14, %dma_wait3A_66] : memref<4x76800xf32, #tpu.memory_space<hbm>> -> memref<1x76800xf32, #tpu.memory_space<hbm>>
        %dma_wait3A_68 = tpu.memref_squeeze %dma_wait3A_67 : memref<1x76800xf32, #tpu.memory_space<hbm>> -> memref<76800xf32, #tpu.memory_space<hbm>>
        %dma_wait3A_69 = arith.constant 0 : i32
        %dma_wait3A_70 = tpu.memref_slice %arg9[%sub3A_14, %dma_wait3A_69] : memref<4x76800xf32, #tpu.memory_space<hbm>> -> memref<1x76800xf32, #tpu.memory_space<hbm>>
        %dma_wait3A_71 = tpu.memref_squeeze %dma_wait3A_70 : memref<1x76800xf32, #tpu.memory_space<hbm>> -> memref<76800xf32, #tpu.memory_space<hbm>>
        %dma_wait3A_72 = arith.constant 0 : i32
        %dma_wait3A_73 = tpu.memref_slice %arg12[%dma_wait3A_72] : memref<72000xf32, #tpu.memory_space<vmem>> -> memref<76800xf32, #tpu.memory_space<vmem>>
        tpu.wait_dma2 semaphore(%run_scoped3A : memref<!tpu.dma_semaphore, #tpu.memory_space<semaphore_mem>>) src(%dma_wait3A_73 : memref<76800xf32, #tpu.memory_space<vmem>>) dst(%dma_wait3A_71 : memref<76800xf32, #tpu.memory_space<hbm>>)
        tpu.yield
      }) : () -> ()
    } else {
    }
    return
  }
}

module attributes {stable_mosaic.version = 14 : i64} {
  func.func @_stage1_body(%arg0: i32, %arg1: i32, %arg2: memref<1x1x384x384xf32, #tpu.memory_space<vmem>>, %arg3: memref<1x1x2x384x384xf32, #tpu.memory_space<vmem>>, %arg4: memref<1x384x384xi32, #tpu.memory_space<vmem>>, %arg5: memref<1x1x384x384xi32, #tpu.memory_space<vmem>>, %arg6: memref<1x1x384x384xi32, #tpu.memory_space<vmem>>) attributes {dimension_semantics = [#tpu.dimension_semantics<arbitrary>, #tpu.dimension_semantics<arbitrary>], iteration_bounds = array<i64: 4, 3>, scalar_prefetch = 0 : i64, scratch_operands = 0 : i64, tpu.core_type = #tpu.core_type<tc>, window_params = [{transform_indices = @transform_0, window_bounds = array<i64: 1, 1, 384, 384>}, {transform_indices = @transform_1, window_bounds = array<i64: 1, 1, 2, 384, 384>}, {transform_indices = @transform_2, window_bounds = array<i64: 1, 384, 384>}, {transform_indices = @transform_3, window_bounds = array<i64: 1, 1, 384, 384>}, {transform_indices = @transform_4, window_bounds = array<i64: 1, 1, 384, 384>}]} {
    %get3A = arith.constant 0 : index
    %get3A_0 = arith.constant 0 : index
    %get3A_1 = arith.constant 0 : index
    %get3A_2 = vector.load %arg4[%get3A, %get3A_0, %get3A_1] : memref<1x384x384xi32, #tpu.memory_space<vmem>>, vector<1x384x384xi32>
    %get3A_3 = vector.shape_cast %get3A_2 : vector<1x384x384xi32> to vector<384x384xi32>
    %get3A_4 = arith.constant 0 : index
    %get3A_5 = arith.constant 0 : index
    %get3A_6 = arith.constant 0 : index
    %get3A_7 = arith.constant 0 : index
    %get3A_8 = vector.load %arg2[%get3A_4, %get3A_5, %get3A_6, %get3A_7] : memref<1x1x384x384xf32, #tpu.memory_space<vmem>>, vector<1x1x384x384xf32>
    %get3A_9 = vector.shape_cast %get3A_8 : vector<1x1x384x384xf32> to vector<384x384xf32>
    %mul3A = arith.constant 0.0941176488 : f32
    %mul3A_10 = vector.broadcast %mul3A : f32 to vector<384x384xf32>
    %mul3A_11 = arith.mulf %get3A_9, %mul3A_10 : vector<384x384xf32>
    %convert_element_type3A = arith.fptosi %mul3A_11 : vector<384x384xf32> to vector<384x384xi32>
    %get3A_12 = arith.constant 0 : index
    %get3A_13 = arith.constant 0 : index
    %get3A_14 = arith.constant 0 : index
    %get3A_15 = arith.constant 0 : index
    %get3A_16 = arith.constant 0 : index
    %get3A_17 = vector.load %arg3[%get3A_12, %get3A_13, %get3A_14, %get3A_15, %get3A_16] : memref<1x1x2x384x384xf32, #tpu.memory_space<vmem>>, vector<1x1x1x384x384xf32>
    %get3A_18 = vector.shape_cast %get3A_17 : vector<1x1x1x384x384xf32> to vector<384x384xf32>
    %get3A_19 = arith.constant 0 : index
    %get3A_20 = arith.constant 0 : index
    %get3A_21 = arith.constant 1 : index
    %get3A_22 = arith.constant 0 : index
    %get3A_23 = arith.constant 0 : index
    %get3A_24 = vector.load %arg3[%get3A_19, %get3A_20, %get3A_21, %get3A_22, %get3A_23] : memref<1x1x2x384x384xf32, #tpu.memory_space<vmem>>, vector<1x1x1x384x384xf32>
    %get3A_25 = vector.shape_cast %get3A_24 : vector<1x1x1x384x384xf32> to vector<384x384xf32>
    %max3A = arith.constant 0.000000e+00 : f32
    %max3A_26 = vector.broadcast %max3A : f32 to vector<384x384xf32>
    %max3A_27 = arith.maximumf %get3A_18, %max3A_26 : vector<384x384xf32>
    %max3A_28 = arith.constant 0.000000e+00 : f32
    %max3A_29 = vector.broadcast %max3A_28 : f32 to vector<384x384xf32>
    %max3A_30 = arith.maximumf %get3A_25, %max3A_29 : vector<384x384xf32>
    %min3A = arith.constant 0.000000e+00 : f32
    %min3A_31 = vector.broadcast %min3A : f32 to vector<384x384xf32>
    %min3A_32 = arith.minimumf %get3A_18, %min3A_31 : vector<384x384xf32>
    %min3A_33 = arith.constant 0.000000e+00 : f32
    %min3A_34 = vector.broadcast %min3A_33 : f32 to vector<384x384xf32>
    %min3A_35 = arith.minimumf %get3A_25, %min3A_34 : vector<384x384xf32>
    %reduce_min3A = vector.shape_cast %max3A_27 : vector<384x384xf32> to vector<1x384x384xf32>
    %reduce_min3A_36 = arith.constant dense<0x7F800000> : vector<1xf32>
    %reduce_min3A_37 = vector.multi_reduction <minimumf>, %reduce_min3A, %reduce_min3A_36 [1, 2] : vector<1x384x384xf32> to vector<1xf32>
    %reduce_min3A_38 = vector.shape_cast %reduce_min3A_37 : vector<1xf32> to vector<1x1x1xf32>
    %reduce_min3A_39 = vector.extract %reduce_min3A_38[0, 0, 0] : f32 from vector<1x1x1xf32>
    %reduce_max3A = vector.shape_cast %max3A_27 : vector<384x384xf32> to vector<1x384x384xf32>
    %reduce_max3A_40 = arith.constant dense<0xFF800000> : vector<1xf32>
    %reduce_max3A_41 = vector.multi_reduction <maximumf>, %reduce_max3A, %reduce_max3A_40 [1, 2] : vector<1x384x384xf32> to vector<1xf32>
    %reduce_max3A_42 = vector.shape_cast %reduce_max3A_41 : vector<1xf32> to vector<1x1x1xf32>
    %reduce_max3A_43 = vector.extract %reduce_max3A_42[0, 0, 0] : f32 from vector<1x1x1xf32>
    %sub3A = vector.broadcast %reduce_min3A_39 : f32 to vector<384x384xf32>
    %sub3A_44 = arith.subf %max3A_27, %sub3A : vector<384x384xf32>
    %sub3A_45 = arith.subf %reduce_max3A_43, %reduce_min3A_39 : f32
    %div3A = vector.broadcast %sub3A_45 : f32 to vector<384x384xf32>
    %div3A_46 = arith.divf %sub3A_44, %div3A : vector<384x384xf32>
    %mul3A_47 = arith.constant 9.000000e+00 : f32
    %mul3A_48 = vector.broadcast %mul3A_47 : f32 to vector<384x384xf32>
    %mul3A_49 = arith.mulf %div3A_46, %mul3A_48 : vector<384x384xf32>
    %convert_element_type3A_50 = arith.fptosi %mul3A_49 : vector<384x384xf32> to vector<384x384xi32>
    %jit3A = arith.constant 0 : i32
    %jit3A_51 = arith.constant 9 : i32
    %max3A_52 = vector.broadcast %jit3A : i32 to vector<384x384xi32>
    %max3A_53 = arith.maxsi %max3A_52, %convert_element_type3A_50 : vector<384x384xi32>
    %min3A_54 = vector.broadcast %jit3A_51 : i32 to vector<384x384xi32>
    %min3A_55 = arith.minsi %min3A_54, %max3A_53 : vector<384x384xi32>
    %reduce_min3A_56 = vector.shape_cast %max3A_30 : vector<384x384xf32> to vector<1x384x384xf32>
    %reduce_min3A_57 = arith.constant dense<0x7F800000> : vector<1xf32>
    %reduce_min3A_58 = vector.multi_reduction <minimumf>, %reduce_min3A_56, %reduce_min3A_57 [1, 2] : vector<1x384x384xf32> to vector<1xf32>
    %reduce_min3A_59 = vector.shape_cast %reduce_min3A_58 : vector<1xf32> to vector<1x1x1xf32>
    %reduce_min3A_60 = vector.extract %reduce_min3A_59[0, 0, 0] : f32 from vector<1x1x1xf32>
    %reduce_max3A_61 = vector.shape_cast %max3A_30 : vector<384x384xf32> to vector<1x384x384xf32>
    %reduce_max3A_62 = arith.constant dense<0xFF800000> : vector<1xf32>
    %reduce_max3A_63 = vector.multi_reduction <maximumf>, %reduce_max3A_61, %reduce_max3A_62 [1, 2] : vector<1x384x384xf32> to vector<1xf32>
    %reduce_max3A_64 = vector.shape_cast %reduce_max3A_63 : vector<1xf32> to vector<1x1x1xf32>
    %reduce_max3A_65 = vector.extract %reduce_max3A_64[0, 0, 0] : f32 from vector<1x1x1xf32>
    %sub3A_66 = vector.broadcast %reduce_min3A_60 : f32 to vector<384x384xf32>
    %sub3A_67 = arith.subf %max3A_30, %sub3A_66 : vector<384x384xf32>
    %sub3A_68 = arith.subf %reduce_max3A_65, %reduce_min3A_60 : f32
    %div3A_69 = vector.broadcast %sub3A_68 : f32 to vector<384x384xf32>
    %div3A_70 = arith.divf %sub3A_67, %div3A_69 : vector<384x384xf32>
    %mul3A_71 = arith.constant 9.000000e+00 : f32
    %mul3A_72 = vector.broadcast %mul3A_71 : f32 to vector<384x384xf32>
    %mul3A_73 = arith.mulf %div3A_70, %mul3A_72 : vector<384x384xf32>
    %convert_element_type3A_74 = arith.fptosi %mul3A_73 : vector<384x384xf32> to vector<384x384xi32>
    %jit3A_75 = arith.constant 0 : i32
    %jit3A_76 = arith.constant 9 : i32
    %max3A_77 = vector.broadcast %jit3A_75 : i32 to vector<384x384xi32>
    %max3A_78 = arith.maxsi %max3A_77, %convert_element_type3A_74 : vector<384x384xi32>
    %min3A_79 = vector.broadcast %jit3A_76 : i32 to vector<384x384xi32>
    %min3A_80 = arith.minsi %min3A_79, %max3A_78 : vector<384x384xi32>
    %reduce_min3A_81 = vector.shape_cast %min3A_32 : vector<384x384xf32> to vector<1x384x384xf32>
    %reduce_min3A_82 = arith.constant dense<0x7F800000> : vector<1xf32>
    %reduce_min3A_83 = vector.multi_reduction <minimumf>, %reduce_min3A_81, %reduce_min3A_82 [1, 2] : vector<1x384x384xf32> to vector<1xf32>
    %reduce_min3A_84 = vector.shape_cast %reduce_min3A_83 : vector<1xf32> to vector<1x1x1xf32>
    %reduce_min3A_85 = vector.extract %reduce_min3A_84[0, 0, 0] : f32 from vector<1x1x1xf32>
    %reduce_max3A_86 = vector.shape_cast %min3A_32 : vector<384x384xf32> to vector<1x384x384xf32>
    %reduce_max3A_87 = arith.constant dense<0xFF800000> : vector<1xf32>
    %reduce_max3A_88 = vector.multi_reduction <maximumf>, %reduce_max3A_86, %reduce_max3A_87 [1, 2] : vector<1x384x384xf32> to vector<1xf32>
    %reduce_max3A_89 = vector.shape_cast %reduce_max3A_88 : vector<1xf32> to vector<1x1x1xf32>
    %reduce_max3A_90 = vector.extract %reduce_max3A_89[0, 0, 0] : f32 from vector<1x1x1xf32>
    %sub3A_91 = vector.broadcast %reduce_min3A_85 : f32 to vector<384x384xf32>
    %sub3A_92 = arith.subf %min3A_32, %sub3A_91 : vector<384x384xf32>
    %sub3A_93 = arith.subf %reduce_max3A_90, %reduce_min3A_85 : f32
    %div3A_94 = vector.broadcast %sub3A_93 : f32 to vector<384x384xf32>
    %div3A_95 = arith.divf %sub3A_92, %div3A_94 : vector<384x384xf32>
    %mul3A_96 = arith.constant 9.000000e+00 : f32
    %mul3A_97 = vector.broadcast %mul3A_96 : f32 to vector<384x384xf32>
    %mul3A_98 = arith.mulf %div3A_95, %mul3A_97 : vector<384x384xf32>
    %convert_element_type3A_99 = arith.fptosi %mul3A_98 : vector<384x384xf32> to vector<384x384xi32>
    %jit3A_100 = arith.constant 0 : i32
    %jit3A_101 = arith.constant 9 : i32
    %max3A_102 = vector.broadcast %jit3A_100 : i32 to vector<384x384xi32>
    %max3A_103 = arith.maxsi %max3A_102, %convert_element_type3A_99 : vector<384x384xi32>
    %min3A_104 = vector.broadcast %jit3A_101 : i32 to vector<384x384xi32>
    %min3A_105 = arith.minsi %min3A_104, %max3A_103 : vector<384x384xi32>
    %reduce_min3A_106 = vector.shape_cast %min3A_35 : vector<384x384xf32> to vector<1x384x384xf32>
    %reduce_min3A_107 = arith.constant dense<0x7F800000> : vector<1xf32>
    %reduce_min3A_108 = vector.multi_reduction <minimumf>, %reduce_min3A_106, %reduce_min3A_107 [1, 2] : vector<1x384x384xf32> to vector<1xf32>
    %reduce_min3A_109 = vector.shape_cast %reduce_min3A_108 : vector<1xf32> to vector<1x1x1xf32>
    %reduce_min3A_110 = vector.extract %reduce_min3A_109[0, 0, 0] : f32 from vector<1x1x1xf32>
    %reduce_max3A_111 = vector.shape_cast %min3A_35 : vector<384x384xf32> to vector<1x384x384xf32>
    %reduce_max3A_112 = arith.constant dense<0xFF800000> : vector<1xf32>
    %reduce_max3A_113 = vector.multi_reduction <maximumf>, %reduce_max3A_111, %reduce_max3A_112 [1, 2] : vector<1x384x384xf32> to vector<1xf32>
    %reduce_max3A_114 = vector.shape_cast %reduce_max3A_113 : vector<1xf32> to vector<1x1x1xf32>
    %reduce_max3A_115 = vector.extract %reduce_max3A_114[0, 0, 0] : f32 from vector<1x1x1xf32>
    %sub3A_116 = vector.broadcast %reduce_min3A_110 : f32 to vector<384x384xf32>
    %sub3A_117 = arith.subf %min3A_35, %sub3A_116 : vector<384x384xf32>
    %sub3A_118 = arith.subf %reduce_max3A_115, %reduce_min3A_110 : f32
    %div3A_119 = vector.broadcast %sub3A_118 : f32 to vector<384x384xf32>
    %div3A_120 = arith.divf %sub3A_117, %div3A_119 : vector<384x384xf32>
    %mul3A_121 = arith.constant 9.000000e+00 : f32
    %mul3A_122 = vector.broadcast %mul3A_121 : f32 to vector<384x384xf32>
    %mul3A_123 = arith.mulf %div3A_120, %mul3A_122 : vector<384x384xf32>
    %convert_element_type3A_124 = arith.fptosi %mul3A_123 : vector<384x384xf32> to vector<384x384xi32>
    %jit3A_125 = arith.constant 0 : i32
    %jit3A_126 = arith.constant 9 : i32
    %max3A_127 = vector.broadcast %jit3A_125 : i32 to vector<384x384xi32>
    %max3A_128 = arith.maxsi %max3A_127, %convert_element_type3A_124 : vector<384x384xi32>
    %min3A_129 = vector.broadcast %jit3A_126 : i32 to vector<384x384xi32>
    %min3A_130 = arith.minsi %min3A_129, %max3A_128 : vector<384x384xi32>
    %mul3A_131 = arith.constant 250 : i32
    %mul3A_132 = vector.broadcast %mul3A_131 : i32 to vector<384x384xi32>
    %mul3A_133 = arith.muli %get3A_3, %mul3A_132 : vector<384x384xi32>
    %mul3A_134 = arith.constant 10 : i32
    %mul3A_135 = vector.broadcast %mul3A_134 : i32 to vector<384x384xi32>
    %mul3A_136 = arith.muli %convert_element_type3A, %mul3A_135 : vector<384x384xi32>
    %add3A = arith.addi %mul3A_133, %mul3A_136 : vector<384x384xi32>
    %add3A_137 = arith.addi %add3A, %min3A_55 : vector<384x384xi32>
    %swap3A = arith.constant 0 : index
    %swap3A_138 = arith.constant 0 : index
    %swap3A_139 = arith.constant 0 : index
    %swap3A_140 = arith.constant 0 : index
    %swap3A_141 = vector.load %arg5[%swap3A, %swap3A_138, %swap3A_139, %swap3A_140] : memref<1x1x384x384xi32, #tpu.memory_space<vmem>>, vector<1x1x384x384xi32>
    %swap3A_142 = vector.shape_cast %swap3A_141 : vector<1x1x384x384xi32> to vector<384x384xi32>
    %swap3A_143 = vector.shape_cast %add3A_137 : vector<384x384xi32> to vector<1x1x384x384xi32>
    tpu.vector_store %arg5[%swap3A, %swap3A_138, %swap3A_139, %swap3A_140], %swap3A_143 {strides = array<i32>} : memref<1x1x384x384xi32, #tpu.memory_space<vmem>>, vector<1x1x384x384xi32>,
    %mul3A_144 = arith.constant 100 : i32
    %mul3A_145 = vector.broadcast %mul3A_144 : i32 to vector<384x384xi32>
    %mul3A_146 = arith.muli %get3A_3, %mul3A_145 : vector<384x384xi32>
    %mul3A_147 = arith.constant 10 : i32
    %mul3A_148 = vector.broadcast %mul3A_147 : i32 to vector<384x384xi32>
    %mul3A_149 = arith.muli %min3A_80, %mul3A_148 : vector<384x384xi32>
    %add3A_150 = arith.addi %mul3A_146, %mul3A_149 : vector<384x384xi32>
    %add3A_151 = arith.addi %add3A_150, %min3A_105 : vector<384x384xi32>
    %mul3A_152 = arith.constant 10 : i32
    %mul3A_153 = vector.broadcast %mul3A_152 : i32 to vector<384x384xi32>
    %mul3A_154 = arith.muli %get3A_3, %mul3A_153 : vector<384x384xi32>
    %add3A_155 = arith.addi %mul3A_154, %min3A_130 : vector<384x384xi32>
    %shift_left3A = arith.constant 17 : i32
    %shift_left3A_156 = vector.broadcast %shift_left3A : i32 to vector<384x384xi32>
    %shift_left3A_157 = arith.shli %add3A_155, %shift_left3A_156 : vector<384x384xi32>
    %or3A = arith.ori %add3A_151, %shift_left3A_157 : vector<384x384xi32>
    %swap3A_158 = arith.constant 0 : index
    %swap3A_159 = arith.constant 0 : index
    %swap3A_160 = arith.constant 0 : index
    %swap3A_161 = arith.constant 0 : index
    %swap3A_162 = vector.load %arg6[%swap3A_158, %swap3A_159, %swap3A_160, %swap3A_161] : memref<1x1x384x384xi32, #tpu.memory_space<vmem>>, vector<1x1x384x384xi32>
    %swap3A_163 = vector.shape_cast %swap3A_162 : vector<1x1x384x384xi32> to vector<384x384xi32>
    %swap3A_164 = vector.shape_cast %or3A : vector<384x384xi32> to vector<1x1x384x384xi32>
    tpu.vector_store %arg6[%swap3A_158, %swap3A_159, %swap3A_160, %swap3A_161], %swap3A_164 {strides = array<i32>} : memref<1x1x384x384xi32, #tpu.memory_space<vmem>>, vector<1x1x384x384xi32>,
    return
  }
  func.func @transform_0(%arg0: i32, %arg1: i32) -> (i32, i32, i32, i32) {
    %c0_i32 = arith.constant 0 : i32
    %c0_i32_0 = arith.constant 0 : i32
    %c0_i32_1 = arith.constant 0 : i32
    return %arg0, %arg1, %c0_i32, %c0_i32_0 : i32, i32, i32, i32
  }
  func.func @transform_1(%arg0: i32, %arg1: i32) -> (i32, i32, i32, i32, i32) {
    %c0_i32 = arith.constant 0 : i32
    %c0_i32_0 = arith.constant 0 : i32
    %c0_i32_1 = arith.constant 0 : i32
    %c0_i32_2 = arith.constant 0 : i32
    return %arg0, %arg1, %c0_i32, %c0_i32_0, %c0_i32_1 : i32, i32, i32, i32, i32
  }
  func.func @transform_2(%arg0: i32, %arg1: i32) -> (i32, i32, i32) {
    %c0_i32 = arith.constant 0 : i32
    %c0_i32_0 = arith.constant 0 : i32
    %c0_i32_1 = arith.constant 0 : i32
    return %arg0, %c0_i32, %c0_i32_0 : i32, i32, i32
  }
  func.func @transform_3(%arg0: i32, %arg1: i32) -> (i32, i32, i32, i32) {
    %c0_i32 = arith.constant 0 : i32
    %c0_i32_0 = arith.constant 0 : i32
    %c0_i32_1 = arith.constant 0 : i32
    return %arg0, %arg1, %c0_i32, %c0_i32_0 : i32, i32, i32, i32
  }
  func.func @transform_4(%arg0: i32, %arg1: i32) -> (i32, i32, i32, i32) {
    %c0_i32 = arith.constant 0 : i32
    %c0_i32_0 = arith.constant 0 : i32
    %c0_i32_1 = arith.constant 0 : i32
    return %arg0, %arg1, %c0_i32, %c0_i32_0 : i32, i32, i32, i32
  }
}

module attributes {stable_mosaic.version = 14 : i64} {
  func.func @_stage3_body(%arg0: i32, %arg1: memref<1x3x2x200x250xf32, #tpu.memory_space<vmem>>, %arg2: memref<1x3x2x200x100xf32, #tpu.memory_space<vmem>>, %arg3: memref<1x3x2x200x10xf32, #tpu.memory_space<vmem>>, %arg4: memref<1x384x200xf32, #tpu.memory_space<vmem>>, %arg5: memref<1x384x200xf32, #tpu.memory_space<vmem>>, %arg6: memref<250x25xf32, #tpu.memory_space<vmem>>, %arg7: memref<250x10xf32, #tpu.memory_space<vmem>>, %arg8: memref<100x10xf32, #tpu.memory_space<vmem>>, %arg9: memref<100x10xf32, #tpu.memory_space<vmem>>, %arg10: memref<1x200x200xf32, #tpu.memory_space<vmem>>) attributes {dimension_semantics = [#tpu.dimension_semantics<arbitrary>], iteration_bounds = array<i64: 4>, scalar_prefetch = 0 : i64, scratch_operands = 0 : i64, tpu.core_type = #tpu.core_type<tc>, window_params = [{transform_indices = @transform_0, window_bounds = array<i64: 1, 3, 2, 200, 250>}, {transform_indices = @transform_1, window_bounds = array<i64: 1, 3, 2, 200, 100>}, {transform_indices = @transform_2, window_bounds = array<i64: 1, 3, 2, 200, 10>}, {transform_indices = @transform_3, window_bounds = array<i64: 1, 384, 200>}, {transform_indices = @transform_4, window_bounds = array<i64: 1, 384, 200>}, {pipeline_mode = #tpu.pipeline_mode<synchronous>, transform_indices = @transform_5, window_bounds = array<i64: 250, 25>}, {pipeline_mode = #tpu.pipeline_mode<synchronous>, transform_indices = @transform_6, window_bounds = array<i64: 250, 10>}, {pipeline_mode = #tpu.pipeline_mode<synchronous>, transform_indices = @transform_7, window_bounds = array<i64: 100, 10>}, {pipeline_mode = #tpu.pipeline_mode<synchronous>, transform_indices = @transform_8, window_bounds = array<i64: 100, 10>}, {transform_indices = @transform_9, window_bounds = array<i64: 1, 200, 200>}]} {
    %get3A = arith.constant 0 : index
    %get3A_0 = arith.constant 0 : index
    %get3A_1 = arith.constant 0 : index
    %get3A_2 = arith.constant 0 : index
    %get3A_3 = arith.constant 0 : index
    %get3A_4 = vector.load %arg1[%get3A, %get3A_0, %get3A_1, %get3A_2, %get3A_3] : memref<1x3x2x200x250xf32, #tpu.memory_space<vmem>>, vector<1x1x1x200x250xf32>
    %get3A_5 = vector.shape_cast %get3A_4 : vector<1x1x1x200x250xf32> to vector<200x250xf32>
    %get3A_6 = arith.constant 0 : index
    %get3A_7 = arith.constant 0 : index
    %get3A_8 = arith.constant 1 : index
    %get3A_9 = arith.constant 0 : index
    %get3A_10 = arith.constant 0 : index
    %get3A_11 = vector.load %arg1[%get3A_6, %get3A_7, %get3A_8, %get3A_9, %get3A_10] : memref<1x3x2x200x250xf32, #tpu.memory_space<vmem>>, vector<1x1x1x200x250xf32>
    %get3A_12 = vector.shape_cast %get3A_11 : vector<1x1x1x200x250xf32> to vector<200x250xf32>
    %add3A = arith.addf %get3A_5, %get3A_12 : vector<200x250xf32>
    %get3A_13 = arith.constant 0 : index
    %get3A_14 = arith.constant 0 : index
    %get3A_15 = arith.constant 0 : index
    %get3A_16 = arith.constant 0 : index
    %get3A_17 = arith.constant 0 : index
    %get3A_18 = vector.load %arg2[%get3A_13, %get3A_14, %get3A_15, %get3A_16, %get3A_17] : memref<1x3x2x200x100xf32, #tpu.memory_space<vmem>>, vector<1x1x1x200x100xf32>
    %get3A_19 = vector.shape_cast %get3A_18 : vector<1x1x1x200x100xf32> to vector<200x100xf32>
    %get3A_20 = arith.constant 0 : index
    %get3A_21 = arith.constant 0 : index
    %get3A_22 = arith.constant 1 : index
    %get3A_23 = arith.constant 0 : index
    %get3A_24 = arith.constant 0 : index
    %get3A_25 = vector.load %arg2[%get3A_20, %get3A_21, %get3A_22, %get3A_23, %get3A_24] : memref<1x3x2x200x100xf32, #tpu.memory_space<vmem>>, vector<1x1x1x200x100xf32>
    %get3A_26 = vector.shape_cast %get3A_25 : vector<1x1x1x200x100xf32> to vector<200x100xf32>
    %add3A_27 = arith.addf %get3A_19, %get3A_26 : vector<200x100xf32>
    %get3A_28 = arith.constant 0 : index
    %get3A_29 = arith.constant 0 : index
    %get3A_30 = arith.constant 0 : index
    %get3A_31 = arith.constant 0 : index
    %get3A_32 = arith.constant 0 : index
    %get3A_33 = vector.load %arg3[%get3A_28, %get3A_29, %get3A_30, %get3A_31, %get3A_32] : memref<1x3x2x200x10xf32, #tpu.memory_space<vmem>>, vector<1x1x1x200x10xf32>
    %get3A_34 = vector.shape_cast %get3A_33 : vector<1x1x1x200x10xf32> to vector<200x10xf32>
    %get3A_35 = arith.constant 0 : index
    %get3A_36 = arith.constant 0 : index
    %get3A_37 = arith.constant 1 : index
    %get3A_38 = arith.constant 0 : index
    %get3A_39 = arith.constant 0 : index
    %get3A_40 = vector.load %arg3[%get3A_35, %get3A_36, %get3A_37, %get3A_38, %get3A_39] : memref<1x3x2x200x10xf32, #tpu.memory_space<vmem>>, vector<1x1x1x200x10xf32>
    %get3A_41 = vector.shape_cast %get3A_40 : vector<1x1x1x200x10xf32> to vector<200x10xf32>
    %add3A_42 = arith.addf %get3A_34, %get3A_41 : vector<200x10xf32>
    %get3A_43 = arith.constant 0 : index
    %get3A_44 = arith.constant 0 : index
    %get3A_45 = vector.load %arg6[%get3A_43, %get3A_44] : memref<250x25xf32, #tpu.memory_space<vmem>>, vector<250x25xf32>
    %dot_general3A = arith.constant dense<0.000000e+00> : vector<200x25xf32>
    %dot_general3A_46 = tpu.matmul %add3A, %get3A_45, %dot_general3A {dimension_numbers = #tpu.dot_dimension_numbers<[1], [0], [0], [1], [0, 0, 1, 1], [], []>, transpose_lhs_hint = false} : vector<200x250xf32>, vector<250x25xf32>, vector<200x25xf32> -> vector<200x25xf32>
    %get3A_47 = arith.constant 0 : index
    %get3A_48 = arith.constant 0 : index
    %get3A_49 = vector.load %arg7[%get3A_47, %get3A_48] : memref<250x10xf32, #tpu.memory_space<vmem>>, vector<250x10xf32>
    %dot_general3A_50 = arith.constant dense<0.000000e+00> : vector<200x10xf32>
    %dot_general3A_51 = tpu.matmul %add3A, %get3A_49, %dot_general3A_50 {dimension_numbers = #tpu.dot_dimension_numbers<[1], [0], [0], [1], [0, 0, 1, 1], [], []>, transpose_lhs_hint = false} : vector<200x250xf32>, vector<250x10xf32>, vector<200x10xf32> -> vector<200x10xf32>
    %get3A_52 = arith.constant 0 : index
    %get3A_53 = arith.constant 0 : index
    %get3A_54 = vector.load %arg8[%get3A_52, %get3A_53] : memref<100x10xf32, #tpu.memory_space<vmem>>, vector<100x10xf32>
    %dot_general3A_55 = arith.constant dense<0.000000e+00> : vector<200x10xf32>
    %dot_general3A_56 = tpu.matmul %add3A_27, %get3A_54, %dot_general3A_55 {dimension_numbers = #tpu.dot_dimension_numbers<[1], [0], [0], [1], [0, 0, 1, 1], [], []>, transpose_lhs_hint = false} : vector<200x100xf32>, vector<100x10xf32>, vector<200x10xf32> -> vector<200x10xf32>
    %get3A_57 = arith.constant 0 : index
    %get3A_58 = arith.constant 0 : index
    %get3A_59 = vector.load %arg9[%get3A_57, %get3A_58] : memref<100x10xf32, #tpu.memory_space<vmem>>, vector<100x10xf32>
    %dot_general3A_60 = arith.constant dense<0.000000e+00> : vector<200x10xf32>
    %dot_general3A_61 = tpu.matmul %add3A_27, %get3A_59, %dot_general3A_60 {dimension_numbers = #tpu.dot_dimension_numbers<[1], [0], [0], [1], [0, 0, 1, 1], [], []>, transpose_lhs_hint = false} : vector<200x100xf32>, vector<100x10xf32>, vector<200x10xf32> -> vector<200x10xf32>
    %get3A_62 = arith.constant 0 : index
    %get3A_63 = arith.constant 1 : index
    %get3A_64 = arith.constant 0 : index
    %get3A_65 = arith.constant 0 : index
    %get3A_66 = arith.constant 0 : index
    %get3A_67 = vector.load %arg1[%get3A_62, %get3A_63, %get3A_64, %get3A_65, %get3A_66] : memref<1x3x2x200x250xf32, #tpu.memory_space<vmem>>, vector<1x1x1x200x250xf32>
    %get3A_68 = vector.shape_cast %get3A_67 : vector<1x1x1x200x250xf32> to vector<200x250xf32>
    %get3A_69 = arith.constant 0 : index
    %get3A_70 = arith.constant 1 : index
    %get3A_71 = arith.constant 1 : index
    %get3A_72 = arith.constant 0 : index
    %get3A_73 = arith.constant 0 : index
    %get3A_74 = vector.load %arg1[%get3A_69, %get3A_70, %get3A_71, %get3A_72, %get3A_73] : memref<1x3x2x200x250xf32, #tpu.memory_space<vmem>>, vector<1x1x1x200x250xf32>
    %get3A_75 = vector.shape_cast %get3A_74 : vector<1x1x1x200x250xf32> to vector<200x250xf32>
    %add3A_76 = arith.addf %get3A_68, %get3A_75 : vector<200x250xf32>
    %get3A_77 = arith.constant 0 : index
    %get3A_78 = arith.constant 1 : index
    %get3A_79 = arith.constant 0 : index
    %get3A_80 = arith.constant 0 : index
    %get3A_81 = arith.constant 0 : index
    %get3A_82 = vector.load %arg2[%get3A_77, %get3A_78, %get3A_79, %get3A_80, %get3A_81] : memref<1x3x2x200x100xf32, #tpu.memory_space<vmem>>, vector<1x1x1x200x100xf32>
    %get3A_83 = vector.shape_cast %get3A_82 : vector<1x1x1x200x100xf32> to vector<200x100xf32>
    %get3A_84 = arith.constant 0 : index
    %get3A_85 = arith.constant 1 : index
    %get3A_86 = arith.constant 1 : index
    %get3A_87 = arith.constant 0 : index
    %get3A_88 = arith.constant 0 : index
    %get3A_89 = vector.load %arg2[%get3A_84, %get3A_85, %get3A_86, %get3A_87, %get3A_88] : memref<1x3x2x200x100xf32, #tpu.memory_space<vmem>>, vector<1x1x1x200x100xf32>
    %get3A_90 = vector.shape_cast %get3A_89 : vector<1x1x1x200x100xf32> to vector<200x100xf32>
    %add3A_91 = arith.addf %get3A_83, %get3A_90 : vector<200x100xf32>
    %get3A_92 = arith.constant 0 : index
    %get3A_93 = arith.constant 1 : index
    %get3A_94 = arith.constant 0 : index
    %get3A_95 = arith.constant 0 : index
    %get3A_96 = arith.constant 0 : index
    %get3A_97 = vector.load %arg3[%get3A_92, %get3A_93, %get3A_94, %get3A_95, %get3A_96] : memref<1x3x2x200x10xf32, #tpu.memory_space<vmem>>, vector<1x1x1x200x10xf32>
    %get3A_98 = vector.shape_cast %get3A_97 : vector<1x1x1x200x10xf32> to vector<200x10xf32>
    %get3A_99 = arith.constant 0 : index
    %get3A_100 = arith.constant 1 : index
    %get3A_101 = arith.constant 1 : index
    %get3A_102 = arith.constant 0 : index
    %get3A_103 = arith.constant 0 : index
    %get3A_104 = vector.load %arg3[%get3A_99, %get3A_100, %get3A_101, %get3A_102, %get3A_103] : memref<1x3x2x200x10xf32, #tpu.memory_space<vmem>>, vector<1x1x1x200x10xf32>
    %get3A_105 = vector.shape_cast %get3A_104 : vector<1x1x1x200x10xf32> to vector<200x10xf32>
    %add3A_106 = arith.addf %get3A_98, %get3A_105 : vector<200x10xf32>
    %get3A_107 = arith.constant 0 : index
    %get3A_108 = arith.constant 0 : index
    %get3A_109 = vector.load %arg6[%get3A_107, %get3A_108] : memref<250x25xf32, #tpu.memory_space<vmem>>, vector<250x25xf32>
    %dot_general3A_110 = arith.constant dense<0.000000e+00> : vector<200x25xf32>
    %dot_general3A_111 = tpu.matmul %add3A_76, %get3A_109, %dot_general3A_110 {dimension_numbers = #tpu.dot_dimension_numbers<[1], [0], [0], [1], [0, 0, 1, 1], [], []>, transpose_lhs_hint = false} : vector<200x250xf32>, vector<250x25xf32>, vector<200x25xf32> -> vector<200x25xf32>
    %get3A_112 = arith.constant 0 : index
    %get3A_113 = arith.constant 0 : index
    %get3A_114 = vector.load %arg7[%get3A_112, %get3A_113] : memref<250x10xf32, #tpu.memory_space<vmem>>, vector<250x10xf32>
    %dot_general3A_115 = arith.constant dense<0.000000e+00> : vector<200x10xf32>
    %dot_general3A_116 = tpu.matmul %add3A_76, %get3A_114, %dot_general3A_115 {dimension_numbers = #tpu.dot_dimension_numbers<[1], [0], [0], [1], [0, 0, 1, 1], [], []>, transpose_lhs_hint = false} : vector<200x250xf32>, vector<250x10xf32>, vector<200x10xf32> -> vector<200x10xf32>
    %get3A_117 = arith.constant 0 : index
    %get3A_118 = arith.constant 0 : index
    %get3A_119 = vector.load %arg8[%get3A_117, %get3A_118] : memref<100x10xf32, #tpu.memory_space<vmem>>, vector<100x10xf32>
    %dot_general3A_120 = arith.constant dense<0.000000e+00> : vector<200x10xf32>
    %dot_general3A_121 = tpu.matmul %add3A_91, %get3A_119, %dot_general3A_120 {dimension_numbers = #tpu.dot_dimension_numbers<[1], [0], [0], [1], [0, 0, 1, 1], [], []>, transpose_lhs_hint = false} : vector<200x100xf32>, vector<100x10xf32>, vector<200x10xf32> -> vector<200x10xf32>
    %get3A_122 = arith.constant 0 : index
    %get3A_123 = arith.constant 0 : index
    %get3A_124 = vector.load %arg9[%get3A_122, %get3A_123] : memref<100x10xf32, #tpu.memory_space<vmem>>, vector<100x10xf32>
    %dot_general3A_125 = arith.constant dense<0.000000e+00> : vector<200x10xf32>
    %dot_general3A_126 = tpu.matmul %add3A_91, %get3A_124, %dot_general3A_125 {dimension_numbers = #tpu.dot_dimension_numbers<[1], [0], [0], [1], [0, 0, 1, 1], [], []>, transpose_lhs_hint = false} : vector<200x100xf32>, vector<100x10xf32>, vector<200x10xf32> -> vector<200x10xf32>
    %get3A_127 = arith.constant 0 : index
    %get3A_128 = arith.constant 2 : index
    %get3A_129 = arith.constant 0 : index
    %get3A_130 = arith.constant 0 : index
    %get3A_131 = arith.constant 0 : index
    %get3A_132 = vector.load %arg1[%get3A_127, %get3A_128, %get3A_129, %get3A_130, %get3A_131] : memref<1x3x2x200x250xf32, #tpu.memory_space<vmem>>, vector<1x1x1x200x250xf32>
    %get3A_133 = vector.shape_cast %get3A_132 : vector<1x1x1x200x250xf32> to vector<200x250xf32>
    %get3A_134 = arith.constant 0 : index
    %get3A_135 = arith.constant 2 : index
    %get3A_136 = arith.constant 1 : index
    %get3A_137 = arith.constant 0 : index
    %get3A_138 = arith.constant 0 : index
    %get3A_139 = vector.load %arg1[%get3A_134, %get3A_135, %get3A_136, %get3A_137, %get3A_138] : memref<1x3x2x200x250xf32, #tpu.memory_space<vmem>>, vector<1x1x1x200x250xf32>
    %get3A_140 = vector.shape_cast %get3A_139 : vector<1x1x1x200x250xf32> to vector<200x250xf32>
    %add3A_141 = arith.addf %get3A_133, %get3A_140 : vector<200x250xf32>
    %get3A_142 = arith.constant 0 : index
    %get3A_143 = arith.constant 2 : index
    %get3A_144 = arith.constant 0 : index
    %get3A_145 = arith.constant 0 : index
    %get3A_146 = arith.constant 0 : index
    %get3A_147 = vector.load %arg2[%get3A_142, %get3A_143, %get3A_144, %get3A_145, %get3A_146] : memref<1x3x2x200x100xf32, #tpu.memory_space<vmem>>, vector<1x1x1x200x100xf32>
    %get3A_148 = vector.shape_cast %get3A_147 : vector<1x1x1x200x100xf32> to vector<200x100xf32>
    %get3A_149 = arith.constant 0 : index
    %get3A_150 = arith.constant 2 : index
    %get3A_151 = arith.constant 1 : index
    %get3A_152 = arith.constant 0 : index
    %get3A_153 = arith.constant 0 : index
    %get3A_154 = vector.load %arg2[%get3A_149, %get3A_150, %get3A_151, %get3A_152, %get3A_153] : memref<1x3x2x200x100xf32, #tpu.memory_space<vmem>>, vector<1x1x1x200x100xf32>
    %get3A_155 = vector.shape_cast %get3A_154 : vector<1x1x1x200x100xf32> to vector<200x100xf32>
    %add3A_156 = arith.addf %get3A_148, %get3A_155 : vector<200x100xf32>
    %get3A_157 = arith.constant 0 : index
    %get3A_158 = arith.constant 2 : index
    %get3A_159 = arith.constant 0 : index
    %get3A_160 = arith.constant 0 : index
    %get3A_161 = arith.constant 0 : index
    %get3A_162 = vector.load %arg3[%get3A_157, %get3A_158, %get3A_159, %get3A_160, %get3A_161] : memref<1x3x2x200x10xf32, #tpu.memory_space<vmem>>, vector<1x1x1x200x10xf32>
    %get3A_163 = vector.shape_cast %get3A_162 : vector<1x1x1x200x10xf32> to vector<200x10xf32>
    %get3A_164 = arith.constant 0 : index
    %get3A_165 = arith.constant 2 : index
    %get3A_166 = arith.constant 1 : index
    %get3A_167 = arith.constant 0 : index
    %get3A_168 = arith.constant 0 : index
    %get3A_169 = vector.load %arg3[%get3A_164, %get3A_165, %get3A_166, %get3A_167, %get3A_168] : memref<1x3x2x200x10xf32, #tpu.memory_space<vmem>>, vector<1x1x1x200x10xf32>
    %get3A_170 = vector.shape_cast %get3A_169 : vector<1x1x1x200x10xf32> to vector<200x10xf32>
    %add3A_171 = arith.addf %get3A_163, %get3A_170 : vector<200x10xf32>
    %get3A_172 = arith.constant 0 : index
    %get3A_173 = arith.constant 0 : index
    %get3A_174 = vector.load %arg6[%get3A_172, %get3A_173] : memref<250x25xf32, #tpu.memory_space<vmem>>, vector<250x25xf32>
    %dot_general3A_175 = arith.constant dense<0.000000e+00> : vector<200x25xf32>
    %dot_general3A_176 = tpu.matmul %add3A_141, %get3A_174, %dot_general3A_175 {dimension_numbers = #tpu.dot_dimension_numbers<[1], [0], [0], [1], [0, 0, 1, 1], [], []>, transpose_lhs_hint = false} : vector<200x250xf32>, vector<250x25xf32>, vector<200x25xf32> -> vector<200x25xf32>
    %get3A_177 = arith.constant 0 : index
    %get3A_178 = arith.constant 0 : index
    %get3A_179 = vector.load %arg7[%get3A_177, %get3A_178] : memref<250x10xf32, #tpu.memory_space<vmem>>, vector<250x10xf32>
    %dot_general3A_180 = arith.constant dense<0.000000e+00> : vector<200x10xf32>
    %dot_general3A_181 = tpu.matmul %add3A_141, %get3A_179, %dot_general3A_180 {dimension_numbers = #tpu.dot_dimension_numbers<[1], [0], [0], [1], [0, 0, 1, 1], [], []>, transpose_lhs_hint = false} : vector<200x250xf32>, vector<250x10xf32>, vector<200x10xf32> -> vector<200x10xf32>
    %get3A_182 = arith.constant 0 : index
    %get3A_183 = arith.constant 0 : index
    %get3A_184 = vector.load %arg8[%get3A_182, %get3A_183] : memref<100x10xf32, #tpu.memory_space<vmem>>, vector<100x10xf32>
    %dot_general3A_185 = arith.constant dense<0.000000e+00> : vector<200x10xf32>
    %dot_general3A_186 = tpu.matmul %add3A_156, %get3A_184, %dot_general3A_185 {dimension_numbers = #tpu.dot_dimension_numbers<[1], [0], [0], [1], [0, 0, 1, 1], [], []>, transpose_lhs_hint = false} : vector<200x100xf32>, vector<100x10xf32>, vector<200x10xf32> -> vector<200x10xf32>
    %get3A_187 = arith.constant 0 : index
    %get3A_188 = arith.constant 0 : index
    %get3A_189 = vector.load %arg9[%get3A_187, %get3A_188] : memref<100x10xf32, #tpu.memory_space<vmem>>, vector<100x10xf32>
    %dot_general3A_190 = arith.constant dense<0.000000e+00> : vector<200x10xf32>
    %dot_general3A_191 = tpu.matmul %add3A_156, %get3A_189, %dot_general3A_190 {dimension_numbers = #tpu.dot_dimension_numbers<[1], [0], [0], [1], [0, 0, 1, 1], [], []>, transpose_lhs_hint = false} : vector<200x100xf32>, vector<100x10xf32>, vector<200x10xf32> -> vector<200x10xf32>
    %concatenate3A = tpu.concatenate %dot_general3A_46, %dot_general3A_111, %dot_general3A_176 in 1 : vector<200x25xf32>, vector<200x25xf32>, vector<200x25xf32> -> vector<200x75xf32>
    %concatenate3A_192 = tpu.concatenate %dot_general3A_51, %dot_general3A_56, %dot_general3A_61, %add3A_42, %dot_general3A_116, %dot_general3A_121, %dot_general3A_126, %add3A_106, %dot_general3A_181, %dot_general3A_186, %dot_general3A_191, %add3A_171 in 1 : vector<200x10xf32>, vector<200x10xf32>, vector<200x10xf32>, vector<200x10xf32>, vector<200x10xf32>, vector<200x10xf32>, vector<200x10xf32>, vector<200x10xf32>, vector<200x10xf32>, vector<200x10xf32>, vector<200x10xf32>, vector<200x10xf32> -> vector<200x120xf32>
    %reduce_sum3A = arith.constant dense<0.000000e+00> : vector<200xf32>
    %reduce_sum3A_193 = vector.multi_reduction <add>, %concatenate3A, %reduce_sum3A [1] : vector<200x75xf32> to vector<200xf32>
    %broadcast_in_dim3A = vector.shape_cast %reduce_sum3A_193 : vector<200xf32> to vector<200x1xf32>
    %div3A = vector.broadcast %broadcast_in_dim3A : vector<200x1xf32> to vector<200x75xf32>
    %div3A_194 = arith.divf %concatenate3A, %div3A : vector<200x75xf32>
    %mul3A = arith.constant 4.000000e+00 : f32
    %mul3A_195 = vector.broadcast %mul3A : f32 to vector<200x1xf32>
    %mul3A_196 = arith.mulf %mul3A_195, %broadcast_in_dim3A : vector<200x1xf32>
    %div3A_197 = vector.broadcast %mul3A_196 : vector<200x1xf32> to vector<200x120xf32>
    %div3A_198 = arith.divf %concatenate3A_192, %div3A_197 : vector<200x120xf32>
    %transpose3A = tpu.transpose %div3A_194, [1, 0] : vector<200x75xf32> -> vector<75x200xf32>
    %transpose3A_199 = tpu.transpose %div3A_198, [1, 0] : vector<200x120xf32> -> vector<120x200xf32>
    %get3A_200 = arith.constant 0 : index
    %get3A_201 = arith.constant 0 : index
    %get3A_202 = arith.constant 0 : index
    %get3A_203 = vector.load %arg4[%get3A_200, %get3A_201, %get3A_202] : memref<1x384x200xf32, #tpu.memory_space<vmem>>, vector<1x384x200xf32>
    %get3A_204 = vector.shape_cast %get3A_203 : vector<1x384x200xf32> to vector<384x200xf32>
    %get3A_205 = arith.constant 0 : index
    %get3A_206 = arith.constant 0 : index
    %get3A_207 = arith.constant 0 : index
    %get3A_208 = vector.load %arg5[%get3A_205, %get3A_206, %get3A_207] : memref<1x384x200xf32, #tpu.memory_space<vmem>>, vector<1x384x200xf32>
    %get3A_209 = vector.shape_cast %get3A_208 : vector<1x384x200xf32> to vector<384x200xf32>
    %reduce_sum3A_210 = arith.constant dense<0.000000e+00> : vector<200xf32>
    %reduce_sum3A_211 = vector.multi_reduction <add>, %get3A_204, %reduce_sum3A_210 [0] : vector<384x200xf32> to vector<200xf32>
    %broadcast_in_dim3A_212 = vector.shape_cast %reduce_sum3A_211 : vector<200xf32> to vector<1x200xf32>
    %iota3A = tpu.iota {dimensions = array<i32: 0>} : vector<384x200xi32>
    %convert_element_type3A = arith.sitofp %iota3A : vector<384x200xi32> to vector<384x200xf32>
    %gt3A = arith.constant 0.000000e+00 : f32
    %gt3A_213 = vector.broadcast %gt3A : f32 to vector<384x200xf32>
    %gt3A_214 = arith.cmpf ogt, %get3A_204, %gt3A_213 : vector<384x200xf32>
    %jit3A = arith.constant 1.07374182E+9 : f32
    %broadcast_in_dim3A_215 = vector.broadcast %jit3A : f32 to vector<384x200xf32>
    %select_n3A = arith.select %gt3A_214, %convert_element_type3A, %broadcast_in_dim3A_215 : vector<384x200xi1>, vector<384x200xf32>
    %reduce_min3A = arith.constant dense<0x7F800000> : vector<200xf32>
    %reduce_min3A_216 = vector.multi_reduction <minimumf>, %select_n3A, %reduce_min3A [0] : vector<384x200xf32> to vector<200xf32>
    %broadcast_in_dim3A_217 = vector.shape_cast %reduce_min3A_216 : vector<200xf32> to vector<1x200xf32>
    %gt3A_218 = arith.constant 0.000000e+00 : f32
    %gt3A_219 = vector.broadcast %gt3A_218 : f32 to vector<384x200xf32>
    %gt3A_220 = arith.cmpf ogt, %get3A_204, %gt3A_219 : vector<384x200xf32>
    %neg3A = arith.constant 0.000000e+00 : f32
    %neg3A_221 = arith.constant 1.07374182E+9 : f32
    %neg3A_222 = arith.subf %neg3A, %neg3A_221 : f32
    %broadcast_in_dim3A_223 = vector.broadcast %neg3A_222 : f32 to vector<384x200xf32>
    %select_n3A_224 = arith.select %gt3A_220, %convert_element_type3A, %broadcast_in_dim3A_223 : vector<384x200xi1>, vector<384x200xf32>
    %reduce_max3A = arith.constant dense<0xFF800000> : vector<200xf32>
    %reduce_max3A_225 = vector.multi_reduction <maximumf>, %select_n3A_224, %reduce_max3A [0] : vector<384x200xf32> to vector<200xf32>
    %broadcast_in_dim3A_226 = vector.shape_cast %reduce_max3A_225 : vector<200xf32> to vector<1x200xf32>
    %gt3A_227 = arith.constant 0.000000e+00 : f32
    %gt3A_228 = vector.broadcast %gt3A_227 : f32 to vector<384x200xf32>
    %gt3A_229 = arith.cmpf ogt, %get3A_209, %gt3A_228 : vector<384x200xf32>
    %jit3A_230 = arith.constant 1.07374182E+9 : f32
    %broadcast_in_dim3A_231 = vector.broadcast %jit3A_230 : f32 to vector<384x200xf32>
    %select_n3A_232 = arith.select %gt3A_229, %convert_element_type3A, %broadcast_in_dim3A_231 : vector<384x200xi1>, vector<384x200xf32>
    %reduce_min3A_233 = arith.constant dense<0x7F800000> : vector<200xf32>
    %reduce_min3A_234 = vector.multi_reduction <minimumf>, %select_n3A_232, %reduce_min3A_233 [0] : vector<384x200xf32> to vector<200xf32>
    %broadcast_in_dim3A_235 = vector.shape_cast %reduce_min3A_234 : vector<200xf32> to vector<1x200xf32>
    %gt3A_236 = arith.constant 0.000000e+00 : f32
    %gt3A_237 = vector.broadcast %gt3A_236 : f32 to vector<384x200xf32>
    %gt3A_238 = arith.cmpf ogt, %get3A_209, %gt3A_237 : vector<384x200xf32>
    %neg3A_239 = arith.constant 0.000000e+00 : f32
    %neg3A_240 = arith.constant 1.07374182E+9 : f32
    %neg3A_241 = arith.subf %neg3A_239, %neg3A_240 : f32
    %broadcast_in_dim3A_242 = vector.broadcast %neg3A_241 : f32 to vector<384x200xf32>
    %select_n3A_243 = arith.select %gt3A_238, %convert_element_type3A, %broadcast_in_dim3A_242 : vector<384x200xi1>, vector<384x200xf32>
    %reduce_max3A_244 = arith.constant dense<0xFF800000> : vector<200xf32>
    %reduce_max3A_245 = vector.multi_reduction <maximumf>, %select_n3A_243, %reduce_max3A_244 [0] : vector<384x200xf32> to vector<200xf32>
    %broadcast_in_dim3A_246 = vector.shape_cast %reduce_max3A_245 : vector<200xf32> to vector<1x200xf32>
    %broadcast_in_dim3A_247 = arith.constant 0.000000e+00 : f32
    %broadcast_in_dim3A_248 = vector.broadcast %broadcast_in_dim3A_247 : f32 to vector<3x200xf32>
    %concatenate3A_249 = tpu.concatenate %broadcast_in_dim3A_212, %broadcast_in_dim3A_217, %broadcast_in_dim3A_226, %broadcast_in_dim3A_235, %broadcast_in_dim3A_246, %broadcast_in_dim3A_248 in 0 : vector<1x200xf32>, vector<1x200xf32>, vector<1x200xf32>, vector<1x200xf32>, vector<1x200xf32>, vector<3x200xf32> -> vector<8x200xf32>
    %transpose3A_250 = tpu.transpose %concatenate3A_249, [1, 0] : vector<8x200xf32> -> vector<200x8xf32>
    %slice3A = vector.extract_strided_slice %transpose3A_250 {offsets = [0, 0], sizes = [200, 1], strides = [1, 1]} : vector<200x8xf32> to vector<200x1xf32>
    %slice3A_251 = vector.extract_strided_slice %transpose3A_250 {offsets = [0, 1], sizes = [200, 1], strides = [1, 1]} : vector<200x8xf32> to vector<200x1xf32>
    %slice3A_252 = vector.extract_strided_slice %transpose3A_250 {offsets = [0, 2], sizes = [200, 1], strides = [1, 1]} : vector<200x8xf32> to vector<200x1xf32>
    %slice3A_253 = vector.extract_strided_slice %transpose3A_250 {offsets = [0, 3], sizes = [200, 1], strides = [1, 1]} : vector<200x8xf32> to vector<200x1xf32>
    %slice3A_254 = vector.extract_strided_slice %transpose3A_250 {offsets = [0, 4], sizes = [200, 1], strides = [1, 1]} : vector<200x8xf32> to vector<200x1xf32>
    %add3A_255 = vector.broadcast %slice3A : vector<200x1xf32> to vector<200x200xf32>
    %add3A_256 = vector.broadcast %broadcast_in_dim3A_212 : vector<1x200xf32> to vector<200x200xf32>
    %add3A_257 = arith.addf %add3A_255, %add3A_256 : vector<200x200xf32>
    %mul3A_258 = arith.constant 6.78168407E-6 : f32
    %mul3A_259 = vector.broadcast %mul3A_258 : f32 to vector<200x200xf32>
    %mul3A_260 = arith.mulf %add3A_257, %mul3A_259 : vector<200x200xf32>
    %sub3A = arith.constant 1.000000e+00 : f32
    %sub3A_261 = vector.broadcast %sub3A : f32 to vector<200x200xf32>
    %sub3A_262 = arith.subf %sub3A_261, %mul3A_260 : vector<200x200xf32>
    %min3A = vector.broadcast %slice3A_253 : vector<200x1xf32> to vector<200x200xf32>
    %min3A_263 = vector.broadcast %broadcast_in_dim3A_235 : vector<1x200xf32> to vector<200x200xf32>
    %min3A_264 = arith.minimumf %min3A, %min3A_263 : vector<200x200xf32>
    %min3A_265 = vector.broadcast %slice3A_251 : vector<200x1xf32> to vector<200x200xf32>
    %min3A_266 = vector.broadcast %broadcast_in_dim3A_217 : vector<1x200xf32> to vector<200x200xf32>
    %min3A_267 = arith.minimumf %min3A_265, %min3A_266 : vector<200x200xf32>
    %max3A = vector.broadcast %slice3A_254 : vector<200x1xf32> to vector<200x200xf32>
    %max3A_268 = vector.broadcast %broadcast_in_dim3A_246 : vector<1x200xf32> to vector<200x200xf32>
    %max3A_269 = arith.maximumf %max3A, %max3A_268 : vector<200x200xf32>
    %max3A_270 = vector.broadcast %slice3A_252 : vector<200x1xf32> to vector<200x200xf32>
    %max3A_271 = vector.broadcast %broadcast_in_dim3A_226 : vector<1x200xf32> to vector<200x200xf32>
    %max3A_272 = arith.maximumf %max3A_270, %max3A_271 : vector<200x200xf32>
    %sub3A_273 = arith.subf %max3A_269, %min3A_264 : vector<200x200xf32>
    %add3A_274 = arith.constant 1.000000e+00 : f32
    %add3A_275 = vector.broadcast %add3A_274 : f32 to vector<200x200xf32>
    %add3A_276 = arith.addf %sub3A_273, %add3A_275 : vector<200x200xf32>
    %sub3A_277 = arith.subf %max3A_272, %min3A_267 : vector<200x200xf32>
    %add3A_278 = arith.constant 1.000000e+00 : f32
    %add3A_279 = vector.broadcast %add3A_278 : f32 to vector<200x200xf32>
    %add3A_280 = arith.addf %sub3A_277, %add3A_279 : vector<200x200xf32>
    %mul3A_281 = arith.mulf %add3A_276, %add3A_280 : vector<200x200xf32>
    %sub3A_282 = vector.broadcast %slice3A : vector<200x1xf32> to vector<200x200xf32>
    %sub3A_283 = arith.subf %mul3A_281, %sub3A_282 : vector<200x200xf32>
    %sub3A_284 = vector.broadcast %broadcast_in_dim3A_212 : vector<1x200xf32> to vector<200x200xf32>
    %sub3A_285 = arith.subf %sub3A_283, %sub3A_284 : vector<200x200xf32>
    %mul3A_286 = arith.constant 6.78168407E-6 : f32
    %mul3A_287 = vector.broadcast %mul3A_286 : f32 to vector<200x200xf32>
    %mul3A_288 = arith.mulf %sub3A_285, %mul3A_287 : vector<200x200xf32>
    %sub3A_289 = arith.constant 1.000000e+00 : f32
    %sub3A_290 = vector.broadcast %sub3A_289 : f32 to vector<200x200xf32>
    %sub3A_291 = arith.subf %sub3A_290, %mul3A_288 : vector<200x200xf32>
    %add3A_292 = arith.addf %sub3A_262, %sub3A_291 : vector<200x200xf32>
    %slice3A_293 = vector.extract_strided_slice %div3A_194 {offsets = [0, 0], sizes = [200, 1], strides = [1, 1]} : vector<200x75xf32> to vector<200x1xf32>
    %slice3A_294 = vector.extract_strided_slice %transpose3A {offsets = [0, 0], sizes = [1, 200], strides = [1, 1]} : vector<75x200xf32> to vector<1x200xf32>
    %min3A_295 = vector.broadcast %slice3A_293 : vector<200x1xf32> to vector<200x200xf32>
    %min3A_296 = vector.broadcast %slice3A_294 : vector<1x200xf32> to vector<200x200xf32>
    %min3A_297 = arith.minimumf %min3A_295, %min3A_296 : vector<200x200xf32>
    %add3A_298 = arith.addf %add3A_292, %min3A_297 : vector<200x200xf32>
    %slice3A_299 = vector.extract_strided_slice %div3A_194 {offsets = [0, 1], sizes = [200, 1], strides = [1, 1]} : vector<200x75xf32> to vector<200x1xf32>
    %slice3A_300 = vector.extract_strided_slice %transpose3A {offsets = [1, 0], sizes = [1, 200], strides = [1, 1]} : vector<75x200xf32> to vector<1x200xf32>
    %min3A_301 = vector.broadcast %slice3A_299 : vector<200x1xf32> to vector<200x200xf32>
    %min3A_302 = vector.broadcast %slice3A_300 : vector<1x200xf32> to vector<200x200xf32>
    %min3A_303 = arith.minimumf %min3A_301, %min3A_302 : vector<200x200xf32>
    %add3A_304 = arith.addf %add3A_298, %min3A_303 : vector<200x200xf32>
    %slice3A_305 = vector.extract_strided_slice %div3A_194 {offsets = [0, 2], sizes = [200, 1], strides = [1, 1]} : vector<200x75xf32> to vector<200x1xf32>
    %slice3A_306 = vector.extract_strided_slice %transpose3A {offsets = [2, 0], sizes = [1, 200], strides = [1, 1]} : vector<75x200xf32> to vector<1x200xf32>
    %min3A_307 = vector.broadcast %slice3A_305 : vector<200x1xf32> to vector<200x200xf32>
    %min3A_308 = vector.broadcast %slice3A_306 : vector<1x200xf32> to vector<200x200xf32>
    %min3A_309 = arith.minimumf %min3A_307, %min3A_308 : vector<200x200xf32>
    %add3A_310 = arith.addf %add3A_304, %min3A_309 : vector<200x200xf32>
    %slice3A_311 = vector.extract_strided_slice %div3A_194 {offsets = [0, 3], sizes = [200, 1], strides = [1, 1]} : vector<200x75xf32> to vector<200x1xf32>
    %slice3A_312 = vector.extract_strided_slice %transpose3A {offsets = [3, 0], sizes = [1, 200], strides = [1, 1]} : vector<75x200xf32> to vector<1x200xf32>
    %min3A_313 = vector.broadcast %slice3A_311 : vector<200x1xf32> to vector<200x200xf32>
    %min3A_314 = vector.broadcast %slice3A_312 : vector<1x200xf32> to vector<200x200xf32>
    %min3A_315 = arith.minimumf %min3A_313, %min3A_314 : vector<200x200xf32>
    %add3A_316 = arith.addf %add3A_310, %min3A_315 : vector<200x200xf32>
    %slice3A_317 = vector.extract_strided_slice %div3A_194 {offsets = [0, 4], sizes = [200, 1], strides = [1, 1]} : vector<200x75xf32> to vector<200x1xf32>
    %slice3A_318 = vector.extract_strided_slice %transpose3A {offsets = [4, 0], sizes = [1, 200], strides = [1, 1]} : vector<75x200xf32> to vector<1x200xf32>
    %min3A_319 = vector.broadcast %slice3A_317 : vector<200x1xf32> to vector<200x200xf32>
    %min3A_320 = vector.broadcast %slice3A_318 : vector<1x200xf32> to vector<200x200xf32>
    %min3A_321 = arith.minimumf %min3A_319, %min3A_320 : vector<200x200xf32>
    %add3A_322 = arith.addf %add3A_316, %min3A_321 : vector<200x200xf32>
    %slice3A_323 = vector.extract_strided_slice %div3A_194 {offsets = [0, 5], sizes = [200, 1], strides = [1, 1]} : vector<200x75xf32> to vector<200x1xf32>
    %slice3A_324 = vector.extract_strided_slice %transpose3A {offsets = [5, 0], sizes = [1, 200], strides = [1, 1]} : vector<75x200xf32> to vector<1x200xf32>
    %min3A_325 = vector.broadcast %slice3A_323 : vector<200x1xf32> to vector<200x200xf32>
    %min3A_326 = vector.broadcast %slice3A_324 : vector<1x200xf32> to vector<200x200xf32>
    %min3A_327 = arith.minimumf %min3A_325, %min3A_326 : vector<200x200xf32>
    %add3A_328 = arith.addf %add3A_322, %min3A_327 : vector<200x200xf32>
    %slice3A_329 = vector.extract_strided_slice %div3A_194 {offsets = [0, 6], sizes = [200, 1], strides = [1, 1]} : vector<200x75xf32> to vector<200x1xf32>
    %slice3A_330 = vector.extract_strided_slice %transpose3A {offsets = [6, 0], sizes = [1, 200], strides = [1, 1]} : vector<75x200xf32> to vector<1x200xf32>
    %min3A_331 = vector.broadcast %slice3A_329 : vector<200x1xf32> to vector<200x200xf32>
    %min3A_332 = vector.broadcast %slice3A_330 : vector<1x200xf32> to vector<200x200xf32>
    %min3A_333 = arith.minimumf %min3A_331, %min3A_332 : vector<200x200xf32>
    %add3A_334 = arith.addf %add3A_328, %min3A_333 : vector<200x200xf32>
    %slice3A_335 = vector.extract_strided_slice %div3A_194 {offsets = [0, 7], sizes = [200, 1], strides = [1, 1]} : vector<200x75xf32> to vector<200x1xf32>
    %slice3A_336 = vector.extract_strided_slice %transpose3A {offsets = [7, 0], sizes = [1, 200], strides = [1, 1]} : vector<75x200xf32> to vector<1x200xf32>
    %min3A_337 = vector.broadcast %slice3A_335 : vector<200x1xf32> to vector<200x200xf32>
    %min3A_338 = vector.broadcast %slice3A_336 : vector<1x200xf32> to vector<200x200xf32>
    %min3A_339 = arith.minimumf %min3A_337, %min3A_338 : vector<200x200xf32>
    %add3A_340 = arith.addf %add3A_334, %min3A_339 : vector<200x200xf32>
    %slice3A_341 = vector.extract_strided_slice %div3A_194 {offsets = [0, 8], sizes = [200, 1], strides = [1, 1]} : vector<200x75xf32> to vector<200x1xf32>
    %slice3A_342 = vector.extract_strided_slice %transpose3A {offsets = [8, 0], sizes = [1, 200], strides = [1, 1]} : vector<75x200xf32> to vector<1x200xf32>
    %min3A_343 = vector.broadcast %slice3A_341 : vector<200x1xf32> to vector<200x200xf32>
    %min3A_344 = vector.broadcast %slice3A_342 : vector<1x200xf32> to vector<200x200xf32>
    %min3A_345 = arith.minimumf %min3A_343, %min3A_344 : vector<200x200xf32>
    %add3A_346 = arith.addf %add3A_340, %min3A_345 : vector<200x200xf32>
    %slice3A_347 = vector.extract_strided_slice %div3A_194 {offsets = [0, 9], sizes = [200, 1], strides = [1, 1]} : vector<200x75xf32> to vector<200x1xf32>
    %slice3A_348 = vector.extract_strided_slice %transpose3A {offsets = [9, 0], sizes = [1, 200], strides = [1, 1]} : vector<75x200xf32> to vector<1x200xf32>
    %min3A_349 = vector.broadcast %slice3A_347 : vector<200x1xf32> to vector<200x200xf32>
    %min3A_350 = vector.broadcast %slice3A_348 : vector<1x200xf32> to vector<200x200xf32>
    %min3A_351 = arith.minimumf %min3A_349, %min3A_350 : vector<200x200xf32>
    %add3A_352 = arith.addf %add3A_346, %min3A_351 : vector<200x200xf32>
    %slice3A_353 = vector.extract_strided_slice %div3A_194 {offsets = [0, 10], sizes = [200, 1], strides = [1, 1]} : vector<200x75xf32> to vector<200x1xf32>
    %slice3A_354 = vector.extract_strided_slice %transpose3A {offsets = [10, 0], sizes = [1, 200], strides = [1, 1]} : vector<75x200xf32> to vector<1x200xf32>
    %min3A_355 = vector.broadcast %slice3A_353 : vector<200x1xf32> to vector<200x200xf32>
    %min3A_356 = vector.broadcast %slice3A_354 : vector<1x200xf32> to vector<200x200xf32>
    %min3A_357 = arith.minimumf %min3A_355, %min3A_356 : vector<200x200xf32>
    %add3A_358 = arith.addf %add3A_352, %min3A_357 : vector<200x200xf32>
    %slice3A_359 = vector.extract_strided_slice %div3A_194 {offsets = [0, 11], sizes = [200, 1], strides = [1, 1]} : vector<200x75xf32> to vector<200x1xf32>
    %slice3A_360 = vector.extract_strided_slice %transpose3A {offsets = [11, 0], sizes = [1, 200], strides = [1, 1]} : vector<75x200xf32> to vector<1x200xf32>
    %min3A_361 = vector.broadcast %slice3A_359 : vector<200x1xf32> to vector<200x200xf32>
    %min3A_362 = vector.broadcast %slice3A_360 : vector<1x200xf32> to vector<200x200xf32>
    %min3A_363 = arith.minimumf %min3A_361, %min3A_362 : vector<200x200xf32>
    %add3A_364 = arith.addf %add3A_358, %min3A_363 : vector<200x200xf32>
    %slice3A_365 = vector.extract_strided_slice %div3A_194 {offsets = [0, 12], sizes = [200, 1], strides = [1, 1]} : vector<200x75xf32> to vector<200x1xf32>
    %slice3A_366 = vector.extract_strided_slice %transpose3A {offsets = [12, 0], sizes = [1, 200], strides = [1, 1]} : vector<75x200xf32> to vector<1x200xf32>
    %min3A_367 = vector.broadcast %slice3A_365 : vector<200x1xf32> to vector<200x200xf32>
    %min3A_368 = vector.broadcast %slice3A_366 : vector<1x200xf32> to vector<200x200xf32>
    %min3A_369 = arith.minimumf %min3A_367, %min3A_368 : vector<200x200xf32>
    %add3A_370 = arith.addf %add3A_364, %min3A_369 : vector<200x200xf32>
    %slice3A_371 = vector.extract_strided_slice %div3A_194 {offsets = [0, 13], sizes = [200, 1], strides = [1, 1]} : vector<200x75xf32> to vector<200x1xf32>
    %slice3A_372 = vector.extract_strided_slice %transpose3A {offsets = [13, 0], sizes = [1, 200], strides = [1, 1]} : vector<75x200xf32> to vector<1x200xf32>
    %min3A_373 = vector.broadcast %slice3A_371 : vector<200x1xf32> to vector<200x200xf32>
    %min3A_374 = vector.broadcast %slice3A_372 : vector<1x200xf32> to vector<200x200xf32>
    %min3A_375 = arith.minimumf %min3A_373, %min3A_374 : vector<200x200xf32>
    %add3A_376 = arith.addf %add3A_370, %min3A_375 : vector<200x200xf32>
    %slice3A_377 = vector.extract_strided_slice %div3A_194 {offsets = [0, 14], sizes = [200, 1], strides = [1, 1]} : vector<200x75xf32> to vector<200x1xf32>
    %slice3A_378 = vector.extract_strided_slice %transpose3A {offsets = [14, 0], sizes = [1, 200], strides = [1, 1]} : vector<75x200xf32> to vector<1x200xf32>
    %min3A_379 = vector.broadcast %slice3A_377 : vector<200x1xf32> to vector<200x200xf32>
    %min3A_380 = vector.broadcast %slice3A_378 : vector<1x200xf32> to vector<200x200xf32>
    %min3A_381 = arith.minimumf %min3A_379, %min3A_380 : vector<200x200xf32>
    %add3A_382 = arith.addf %add3A_376, %min3A_381 : vector<200x200xf32>
    %slice3A_383 = vector.extract_strided_slice %div3A_194 {offsets = [0, 15], sizes = [200, 1], strides = [1, 1]} : vector<200x75xf32> to vector<200x1xf32>
    %slice3A_384 = vector.extract_strided_slice %transpose3A {offsets = [15, 0], sizes = [1, 200], strides = [1, 1]} : vector<75x200xf32> to vector<1x200xf32>
    %min3A_385 = vector.broadcast %slice3A_383 : vector<200x1xf32> to vector<200x200xf32>
    %min3A_386 = vector.broadcast %slice3A_384 : vector<1x200xf32> to vector<200x200xf32>
    %min3A_387 = arith.minimumf %min3A_385, %min3A_386 : vector<200x200xf32>
    %add3A_388 = arith.addf %add3A_382, %min3A_387 : vector<200x200xf32>
    %slice3A_389 = vector.extract_strided_slice %div3A_194 {offsets = [0, 16], sizes = [200, 1], strides = [1, 1]} : vector<200x75xf32> to vector<200x1xf32>
    %slice3A_390 = vector.extract_strided_slice %transpose3A {offsets = [16, 0], sizes = [1, 200], strides = [1, 1]} : vector<75x200xf32> to vector<1x200xf32>
    %min3A_391 = vector.broadcast %slice3A_389 : vector<200x1xf32> to vector<200x200xf32>
    %min3A_392 = vector.broadcast %slice3A_390 : vector<1x200xf32> to vector<200x200xf32>
    %min3A_393 = arith.minimumf %min3A_391, %min3A_392 : vector<200x200xf32>
    %add3A_394 = arith.addf %add3A_388, %min3A_393 : vector<200x200xf32>
    %slice3A_395 = vector.extract_strided_slice %div3A_194 {offsets = [0, 17], sizes = [200, 1], strides = [1, 1]} : vector<200x75xf32> to vector<200x1xf32>
    %slice3A_396 = vector.extract_strided_slice %transpose3A {offsets = [17, 0], sizes = [1, 200], strides = [1, 1]} : vector<75x200xf32> to vector<1x200xf32>
    %min3A_397 = vector.broadcast %slice3A_395 : vector<200x1xf32> to vector<200x200xf32>
    %min3A_398 = vector.broadcast %slice3A_396 : vector<1x200xf32> to vector<200x200xf32>
    %min3A_399 = arith.minimumf %min3A_397, %min3A_398 : vector<200x200xf32>
    %add3A_400 = arith.addf %add3A_394, %min3A_399 : vector<200x200xf32>
    %slice3A_401 = vector.extract_strided_slice %div3A_194 {offsets = [0, 18], sizes = [200, 1], strides = [1, 1]} : vector<200x75xf32> to vector<200x1xf32>
    %slice3A_402 = vector.extract_strided_slice %transpose3A {offsets = [18, 0], sizes = [1, 200], strides = [1, 1]} : vector<75x200xf32> to vector<1x200xf32>
    %min3A_403 = vector.broadcast %slice3A_401 : vector<200x1xf32> to vector<200x200xf32>
    %min3A_404 = vector.broadcast %slice3A_402 : vector<1x200xf32> to vector<200x200xf32>
    %min3A_405 = arith.minimumf %min3A_403, %min3A_404 : vector<200x200xf32>
    %add3A_406 = arith.addf %add3A_400, %min3A_405 : vector<200x200xf32>
    %slice3A_407 = vector.extract_strided_slice %div3A_194 {offsets = [0, 19], sizes = [200, 1], strides = [1, 1]} : vector<200x75xf32> to vector<200x1xf32>
    %slice3A_408 = vector.extract_strided_slice %transpose3A {offsets = [19, 0], sizes = [1, 200], strides = [1, 1]} : vector<75x200xf32> to vector<1x200xf32>
    %min3A_409 = vector.broadcast %slice3A_407 : vector<200x1xf32> to vector<200x200xf32>
    %min3A_410 = vector.broadcast %slice3A_408 : vector<1x200xf32> to vector<200x200xf32>
    %min3A_411 = arith.minimumf %min3A_409, %min3A_410 : vector<200x200xf32>
    %add3A_412 = arith.addf %add3A_406, %min3A_411 : vector<200x200xf32>
    %slice3A_413 = vector.extract_strided_slice %div3A_194 {offsets = [0, 20], sizes = [200, 1], strides = [1, 1]} : vector<200x75xf32> to vector<200x1xf32>
    %slice3A_414 = vector.extract_strided_slice %transpose3A {offsets = [20, 0], sizes = [1, 200], strides = [1, 1]} : vector<75x200xf32> to vector<1x200xf32>
    %min3A_415 = vector.broadcast %slice3A_413 : vector<200x1xf32> to vector<200x200xf32>
    %min3A_416 = vector.broadcast %slice3A_414 : vector<1x200xf32> to vector<200x200xf32>
    %min3A_417 = arith.minimumf %min3A_415, %min3A_416 : vector<200x200xf32>
    %add3A_418 = arith.addf %add3A_412, %min3A_417 : vector<200x200xf32>
    %slice3A_419 = vector.extract_strided_slice %div3A_194 {offsets = [0, 21], sizes = [200, 1], strides = [1, 1]} : vector<200x75xf32> to vector<200x1xf32>
    %slice3A_420 = vector.extract_strided_slice %transpose3A {offsets = [21, 0], sizes = [1, 200], strides = [1, 1]} : vector<75x200xf32> to vector<1x200xf32>
    %min3A_421 = vector.broadcast %slice3A_419 : vector<200x1xf32> to vector<200x200xf32>
    %min3A_422 = vector.broadcast %slice3A_420 : vector<1x200xf32> to vector<200x200xf32>
    %min3A_423 = arith.minimumf %min3A_421, %min3A_422 : vector<200x200xf32>
    %add3A_424 = arith.addf %add3A_418, %min3A_423 : vector<200x200xf32>
    %slice3A_425 = vector.extract_strided_slice %div3A_194 {offsets = [0, 22], sizes = [200, 1], strides = [1, 1]} : vector<200x75xf32> to vector<200x1xf32>
    %slice3A_426 = vector.extract_strided_slice %transpose3A {offsets = [22, 0], sizes = [1, 200], strides = [1, 1]} : vector<75x200xf32> to vector<1x200xf32>
    %min3A_427 = vector.broadcast %slice3A_425 : vector<200x1xf32> to vector<200x200xf32>
    %min3A_428 = vector.broadcast %slice3A_426 : vector<1x200xf32> to vector<200x200xf32>
    %min3A_429 = arith.minimumf %min3A_427, %min3A_428 : vector<200x200xf32>
    %add3A_430 = arith.addf %add3A_424, %min3A_429 : vector<200x200xf32>
    %slice3A_431 = vector.extract_strided_slice %div3A_194 {offsets = [0, 23], sizes = [200, 1], strides = [1, 1]} : vector<200x75xf32> to vector<200x1xf32>
    %slice3A_432 = vector.extract_strided_slice %transpose3A {offsets = [23, 0], sizes = [1, 200], strides = [1, 1]} : vector<75x200xf32> to vector<1x200xf32>
    %min3A_433 = vector.broadcast %slice3A_431 : vector<200x1xf32> to vector<200x200xf32>
    %min3A_434 = vector.broadcast %slice3A_432 : vector<1x200xf32> to vector<200x200xf32>
    %min3A_435 = arith.minimumf %min3A_433, %min3A_434 : vector<200x200xf32>
    %add3A_436 = arith.addf %add3A_430, %min3A_435 : vector<200x200xf32>
    %slice3A_437 = vector.extract_strided_slice %div3A_194 {offsets = [0, 24], sizes = [200, 1], strides = [1, 1]} : vector<200x75xf32> to vector<200x1xf32>
    %slice3A_438 = vector.extract_strided_slice %transpose3A {offsets = [24, 0], sizes = [1, 200], strides = [1, 1]} : vector<75x200xf32> to vector<1x200xf32>
    %min3A_439 = vector.broadcast %slice3A_437 : vector<200x1xf32> to vector<200x200xf32>
    %min3A_440 = vector.broadcast %slice3A_438 : vector<1x200xf32> to vector<200x200xf32>
    %min3A_441 = arith.minimumf %min3A_439, %min3A_440 : vector<200x200xf32>
    %add3A_442 = arith.addf %add3A_436, %min3A_441 : vector<200x200xf32>
    %slice3A_443 = vector.extract_strided_slice %div3A_194 {offsets = [0, 25], sizes = [200, 1], strides = [1, 1]} : vector<200x75xf32> to vector<200x1xf32>
    %slice3A_444 = vector.extract_strided_slice %transpose3A {offsets = [25, 0], sizes = [1, 200], strides = [1, 1]} : vector<75x200xf32> to vector<1x200xf32>
    %min3A_445 = vector.broadcast %slice3A_443 : vector<200x1xf32> to vector<200x200xf32>
    %min3A_446 = vector.broadcast %slice3A_444 : vector<1x200xf32> to vector<200x200xf32>
    %min3A_447 = arith.minimumf %min3A_445, %min3A_446 : vector<200x200xf32>
    %add3A_448 = arith.addf %add3A_442, %min3A_447 : vector<200x200xf32>
    %slice3A_449 = vector.extract_strided_slice %div3A_194 {offsets = [0, 26], sizes = [200, 1], strides = [1, 1]} : vector<200x75xf32> to vector<200x1xf32>
    %slice3A_450 = vector.extract_strided_slice %transpose3A {offsets = [26, 0], sizes = [1, 200], strides = [1, 1]} : vector<75x200xf32> to vector<1x200xf32>
    %min3A_451 = vector.broadcast %slice3A_449 : vector<200x1xf32> to vector<200x200xf32>
    %min3A_452 = vector.broadcast %slice3A_450 : vector<1x200xf32> to vector<200x200xf32>
    %min3A_453 = arith.minimumf %min3A_451, %min3A_452 : vector<200x200xf32>
    %add3A_454 = arith.addf %add3A_448, %min3A_453 : vector<200x200xf32>
    %slice3A_455 = vector.extract_strided_slice %div3A_194 {offsets = [0, 27], sizes = [200, 1], strides = [1, 1]} : vector<200x75xf32> to vector<200x1xf32>
    %slice3A_456 = vector.extract_strided_slice %transpose3A {offsets = [27, 0], sizes = [1, 200], strides = [1, 1]} : vector<75x200xf32> to vector<1x200xf32>
    %min3A_457 = vector.broadcast %slice3A_455 : vector<200x1xf32> to vector<200x200xf32>
    %min3A_458 = vector.broadcast %slice3A_456 : vector<1x200xf32> to vector<200x200xf32>
    %min3A_459 = arith.minimumf %min3A_457, %min3A_458 : vector<200x200xf32>
    %add3A_460 = arith.addf %add3A_454, %min3A_459 : vector<200x200xf32>
    %slice3A_461 = vector.extract_strided_slice %div3A_194 {offsets = [0, 28], sizes = [200, 1], strides = [1, 1]} : vector<200x75xf32> to vector<200x1xf32>
    %slice3A_462 = vector.extract_strided_slice %transpose3A {offsets = [28, 0], sizes = [1, 200], strides = [1, 1]} : vector<75x200xf32> to vector<1x200xf32>
    %min3A_463 = vector.broadcast %slice3A_461 : vector<200x1xf32> to vector<200x200xf32>
    %min3A_464 = vector.broadcast %slice3A_462 : vector<1x200xf32> to vector<200x200xf32>
    %min3A_465 = arith.minimumf %min3A_463, %min3A_464 : vector<200x200xf32>
    %add3A_466 = arith.addf %add3A_460, %min3A_465 : vector<200x200xf32>
    %slice3A_467 = vector.extract_strided_slice %div3A_194 {offsets = [0, 29], sizes = [200, 1], strides = [1, 1]} : vector<200x75xf32> to vector<200x1xf32>
    %slice3A_468 = vector.extract_strided_slice %transpose3A {offsets = [29, 0], sizes = [1, 200], strides = [1, 1]} : vector<75x200xf32> to vector<1x200xf32>
    %min3A_469 = vector.broadcast %slice3A_467 : vector<200x1xf32> to vector<200x200xf32>
    %min3A_470 = vector.broadcast %slice3A_468 : vector<1x200xf32> to vector<200x200xf32>
    %min3A_471 = arith.minimumf %min3A_469, %min3A_470 : vector<200x200xf32>
    %add3A_472 = arith.addf %add3A_466, %min3A_471 : vector<200x200xf32>
    %slice3A_473 = vector.extract_strided_slice %div3A_194 {offsets = [0, 30], sizes = [200, 1], strides = [1, 1]} : vector<200x75xf32> to vector<200x1xf32>
    %slice3A_474 = vector.extract_strided_slice %transpose3A {offsets = [30, 0], sizes = [1, 200], strides = [1, 1]} : vector<75x200xf32> to vector<1x200xf32>
    %min3A_475 = vector.broadcast %slice3A_473 : vector<200x1xf32> to vector<200x200xf32>
    %min3A_476 = vector.broadcast %slice3A_474 : vector<1x200xf32> to vector<200x200xf32>
    %min3A_477 = arith.minimumf %min3A_475, %min3A_476 : vector<200x200xf32>
    %add3A_478 = arith.addf %add3A_472, %min3A_477 : vector<200x200xf32>
    %slice3A_479 = vector.extract_strided_slice %div3A_194 {offsets = [0, 31], sizes = [200, 1], strides = [1, 1]} : vector<200x75xf32> to vector<200x1xf32>
    %slice3A_480 = vector.extract_strided_slice %transpose3A {offsets = [31, 0], sizes = [1, 200], strides = [1, 1]} : vector<75x200xf32> to vector<1x200xf32>
    %min3A_481 = vector.broadcast %slice3A_479 : vector<200x1xf32> to vector<200x200xf32>
    %min3A_482 = vector.broadcast %slice3A_480 : vector<1x200xf32> to vector<200x200xf32>
    %min3A_483 = arith.minimumf %min3A_481, %min3A_482 : vector<200x200xf32>
    %add3A_484 = arith.addf %add3A_478, %min3A_483 : vector<200x200xf32>
    %slice3A_485 = vector.extract_strided_slice %div3A_194 {offsets = [0, 32], sizes = [200, 1], strides = [1, 1]} : vector<200x75xf32> to vector<200x1xf32>
    %slice3A_486 = vector.extract_strided_slice %transpose3A {offsets = [32, 0], sizes = [1, 200], strides = [1, 1]} : vector<75x200xf32> to vector<1x200xf32>
    %min3A_487 = vector.broadcast %slice3A_485 : vector<200x1xf32> to vector<200x200xf32>
    %min3A_488 = vector.broadcast %slice3A_486 : vector<1x200xf32> to vector<200x200xf32>
    %min3A_489 = arith.minimumf %min3A_487, %min3A_488 : vector<200x200xf32>
    %add3A_490 = arith.addf %add3A_484, %min3A_489 : vector<200x200xf32>
    %slice3A_491 = vector.extract_strided_slice %div3A_194 {offsets = [0, 33], sizes = [200, 1], strides = [1, 1]} : vector<200x75xf32> to vector<200x1xf32>
    %slice3A_492 = vector.extract_strided_slice %transpose3A {offsets = [33, 0], sizes = [1, 200], strides = [1, 1]} : vector<75x200xf32> to vector<1x200xf32>
    %min3A_493 = vector.broadcast %slice3A_491 : vector<200x1xf32> to vector<200x200xf32>
    %min3A_494 = vector.broadcast %slice3A_492 : vector<1x200xf32> to vector<200x200xf32>
    %min3A_495 = arith.minimumf %min3A_493, %min3A_494 : vector<200x200xf32>
    %add3A_496 = arith.addf %add3A_490, %min3A_495 : vector<200x200xf32>
    %slice3A_497 = vector.extract_strided_slice %div3A_194 {offsets = [0, 34], sizes = [200, 1], strides = [1, 1]} : vector<200x75xf32> to vector<200x1xf32>
    %slice3A_498 = vector.extract_strided_slice %transpose3A {offsets = [34, 0], sizes = [1, 200], strides = [1, 1]} : vector<75x200xf32> to vector<1x200xf32>
    %min3A_499 = vector.broadcast %slice3A_497 : vector<200x1xf32> to vector<200x200xf32>
    %min3A_500 = vector.broadcast %slice3A_498 : vector<1x200xf32> to vector<200x200xf32>
    %min3A_501 = arith.minimumf %min3A_499, %min3A_500 : vector<200x200xf32>
    %add3A_502 = arith.addf %add3A_496, %min3A_501 : vector<200x200xf32>
    %slice3A_503 = vector.extract_strided_slice %div3A_194 {offsets = [0, 35], sizes = [200, 1], strides = [1, 1]} : vector<200x75xf32> to vector<200x1xf32>
    %slice3A_504 = vector.extract_strided_slice %transpose3A {offsets = [35, 0], sizes = [1, 200], strides = [1, 1]} : vector<75x200xf32> to vector<1x200xf32>
    %min3A_505 = vector.broadcast %slice3A_503 : vector<200x1xf32> to vector<200x200xf32>
    %min3A_506 = vector.broadcast %slice3A_504 : vector<1x200xf32> to vector<200x200xf32>
    %min3A_507 = arith.minimumf %min3A_505, %min3A_506 : vector<200x200xf32>
    %add3A_508 = arith.addf %add3A_502, %min3A_507 : vector<200x200xf32>
    %slice3A_509 = vector.extract_strided_slice %div3A_194 {offsets = [0, 36], sizes = [200, 1], strides = [1, 1]} : vector<200x75xf32> to vector<200x1xf32>
    %slice3A_510 = vector.extract_strided_slice %transpose3A {offsets = [36, 0], sizes = [1, 200], strides = [1, 1]} : vector<75x200xf32> to vector<1x200xf32>
    %min3A_511 = vector.broadcast %slice3A_509 : vector<200x1xf32> to vector<200x200xf32>
    %min3A_512 = vector.broadcast %slice3A_510 : vector<1x200xf32> to vector<200x200xf32>
    %min3A_513 = arith.minimumf %min3A_511, %min3A_512 : vector<200x200xf32>
    %add3A_514 = arith.addf %add3A_508, %min3A_513 : vector<200x200xf32>
    %slice3A_515 = vector.extract_strided_slice %div3A_194 {offsets = [0, 37], sizes = [200, 1], strides = [1, 1]} : vector<200x75xf32> to vector<200x1xf32>
    %slice3A_516 = vector.extract_strided_slice %transpose3A {offsets = [37, 0], sizes = [1, 200], strides = [1, 1]} : vector<75x200xf32> to vector<1x200xf32>
    %min3A_517 = vector.broadcast %slice3A_515 : vector<200x1xf32> to vector<200x200xf32>
    %min3A_518 = vector.broadcast %slice3A_516 : vector<1x200xf32> to vector<200x200xf32>
    %min3A_519 = arith.minimumf %min3A_517, %min3A_518 : vector<200x200xf32>
    %add3A_520 = arith.addf %add3A_514, %min3A_519 : vector<200x200xf32>
    %slice3A_521 = vector.extract_strided_slice %div3A_194 {offsets = [0, 38], sizes = [200, 1], strides = [1, 1]} : vector<200x75xf32> to vector<200x1xf32>
    %slice3A_522 = vector.extract_strided_slice %transpose3A {offsets = [38, 0], sizes = [1, 200], strides = [1, 1]} : vector<75x200xf32> to vector<1x200xf32>
    %min3A_523 = vector.broadcast %slice3A_521 : vector<200x1xf32> to vector<200x200xf32>
    %min3A_524 = vector.broadcast %slice3A_522 : vector<1x200xf32> to vector<200x200xf32>
    %min3A_525 = arith.minimumf %min3A_523, %min3A_524 : vector<200x200xf32>
    %add3A_526 = arith.addf %add3A_520, %min3A_525 : vector<200x200xf32>
    %slice3A_527 = vector.extract_strided_slice %div3A_194 {offsets = [0, 39], sizes = [200, 1], strides = [1, 1]} : vector<200x75xf32> to vector<200x1xf32>
    %slice3A_528 = vector.extract_strided_slice %transpose3A {offsets = [39, 0], sizes = [1, 200], strides = [1, 1]} : vector<75x200xf32> to vector<1x200xf32>
    %min3A_529 = vector.broadcast %slice3A_527 : vector<200x1xf32> to vector<200x200xf32>
    %min3A_530 = vector.broadcast %slice3A_528 : vector<1x200xf32> to vector<200x200xf32>
    %min3A_531 = arith.minimumf %min3A_529, %min3A_530 : vector<200x200xf32>
    %add3A_532 = arith.addf %add3A_526, %min3A_531 : vector<200x200xf32>
    %slice3A_533 = vector.extract_strided_slice %div3A_194 {offsets = [0, 40], sizes = [200, 1], strides = [1, 1]} : vector<200x75xf32> to vector<200x1xf32>
    %slice3A_534 = vector.extract_strided_slice %transpose3A {offsets = [40, 0], sizes = [1, 200], strides = [1, 1]} : vector<75x200xf32> to vector<1x200xf32>
    %min3A_535 = vector.broadcast %slice3A_533 : vector<200x1xf32> to vector<200x200xf32>
    %min3A_536 = vector.broadcast %slice3A_534 : vector<1x200xf32> to vector<200x200xf32>
    %min3A_537 = arith.minimumf %min3A_535, %min3A_536 : vector<200x200xf32>
    %add3A_538 = arith.addf %add3A_532, %min3A_537 : vector<200x200xf32>
    %slice3A_539 = vector.extract_strided_slice %div3A_194 {offsets = [0, 41], sizes = [200, 1], strides = [1, 1]} : vector<200x75xf32> to vector<200x1xf32>
    %slice3A_540 = vector.extract_strided_slice %transpose3A {offsets = [41, 0], sizes = [1, 200], strides = [1, 1]} : vector<75x200xf32> to vector<1x200xf32>
    %min3A_541 = vector.broadcast %slice3A_539 : vector<200x1xf32> to vector<200x200xf32>
    %min3A_542 = vector.broadcast %slice3A_540 : vector<1x200xf32> to vector<200x200xf32>
    %min3A_543 = arith.minimumf %min3A_541, %min3A_542 : vector<200x200xf32>
    %add3A_544 = arith.addf %add3A_538, %min3A_543 : vector<200x200xf32>
    %slice3A_545 = vector.extract_strided_slice %div3A_194 {offsets = [0, 42], sizes = [200, 1], strides = [1, 1]} : vector<200x75xf32> to vector<200x1xf32>
    %slice3A_546 = vector.extract_strided_slice %transpose3A {offsets = [42, 0], sizes = [1, 200], strides = [1, 1]} : vector<75x200xf32> to vector<1x200xf32>
    %min3A_547 = vector.broadcast %slice3A_545 : vector<200x1xf32> to vector<200x200xf32>
    %min3A_548 = vector.broadcast %slice3A_546 : vector<1x200xf32> to vector<200x200xf32>
    %min3A_549 = arith.minimumf %min3A_547, %min3A_548 : vector<200x200xf32>
    %add3A_550 = arith.addf %add3A_544, %min3A_549 : vector<200x200xf32>
    %slice3A_551 = vector.extract_strided_slice %div3A_194 {offsets = [0, 43], sizes = [200, 1], strides = [1, 1]} : vector<200x75xf32> to vector<200x1xf32>
    %slice3A_552 = vector.extract_strided_slice %transpose3A {offsets = [43, 0], sizes = [1, 200], strides = [1, 1]} : vector<75x200xf32> to vector<1x200xf32>
    %min3A_553 = vector.broadcast %slice3A_551 : vector<200x1xf32> to vector<200x200xf32>
    %min3A_554 = vector.broadcast %slice3A_552 : vector<1x200xf32> to vector<200x200xf32>
    %min3A_555 = arith.minimumf %min3A_553, %min3A_554 : vector<200x200xf32>
    %add3A_556 = arith.addf %add3A_550, %min3A_555 : vector<200x200xf32>
    %slice3A_557 = vector.extract_strided_slice %div3A_194 {offsets = [0, 44], sizes = [200, 1], strides = [1, 1]} : vector<200x75xf32> to vector<200x1xf32>
    %slice3A_558 = vector.extract_strided_slice %transpose3A {offsets = [44, 0], sizes = [1, 200], strides = [1, 1]} : vector<75x200xf32> to vector<1x200xf32>
    %min3A_559 = vector.broadcast %slice3A_557 : vector<200x1xf32> to vector<200x200xf32>
    %min3A_560 = vector.broadcast %slice3A_558 : vector<1x200xf32> to vector<200x200xf32>
    %min3A_561 = arith.minimumf %min3A_559, %min3A_560 : vector<200x200xf32>
    %add3A_562 = arith.addf %add3A_556, %min3A_561 : vector<200x200xf32>
    %slice3A_563 = vector.extract_strided_slice %div3A_194 {offsets = [0, 45], sizes = [200, 1], strides = [1, 1]} : vector<200x75xf32> to vector<200x1xf32>
    %slice3A_564 = vector.extract_strided_slice %transpose3A {offsets = [45, 0], sizes = [1, 200], strides = [1, 1]} : vector<75x200xf32> to vector<1x200xf32>
    %min3A_565 = vector.broadcast %slice3A_563 : vector<200x1xf32> to vector<200x200xf32>
    %min3A_566 = vector.broadcast %slice3A_564 : vector<1x200xf32> to vector<200x200xf32>
    %min3A_567 = arith.minimumf %min3A_565, %min3A_566 : vector<200x200xf32>
    %add3A_568 = arith.addf %add3A_562, %min3A_567 : vector<200x200xf32>
    %slice3A_569 = vector.extract_strided_slice %div3A_194 {offsets = [0, 46], sizes = [200, 1], strides = [1, 1]} : vector<200x75xf32> to vector<200x1xf32>
    %slice3A_570 = vector.extract_strided_slice %transpose3A {offsets = [46, 0], sizes = [1, 200], strides = [1, 1]} : vector<75x200xf32> to vector<1x200xf32>
    %min3A_571 = vector.broadcast %slice3A_569 : vector<200x1xf32> to vector<200x200xf32>
    %min3A_572 = vector.broadcast %slice3A_570 : vector<1x200xf32> to vector<200x200xf32>
    %min3A_573 = arith.minimumf %min3A_571, %min3A_572 : vector<200x200xf32>
    %add3A_574 = arith.addf %add3A_568, %min3A_573 : vector<200x200xf32>
    %slice3A_575 = vector.extract_strided_slice %div3A_194 {offsets = [0, 47], sizes = [200, 1], strides = [1, 1]} : vector<200x75xf32> to vector<200x1xf32>
    %slice3A_576 = vector.extract_strided_slice %transpose3A {offsets = [47, 0], sizes = [1, 200], strides = [1, 1]} : vector<75x200xf32> to vector<1x200xf32>
    %min3A_577 = vector.broadcast %slice3A_575 : vector<200x1xf32> to vector<200x200xf32>
    %min3A_578 = vector.broadcast %slice3A_576 : vector<1x200xf32> to vector<200x200xf32>
    %min3A_579 = arith.minimumf %min3A_577, %min3A_578 : vector<200x200xf32>
    %add3A_580 = arith.addf %add3A_574, %min3A_579 : vector<200x200xf32>
    %slice3A_581 = vector.extract_strided_slice %div3A_194 {offsets = [0, 48], sizes = [200, 1], strides = [1, 1]} : vector<200x75xf32> to vector<200x1xf32>
    %slice3A_582 = vector.extract_strided_slice %transpose3A {offsets = [48, 0], sizes = [1, 200], strides = [1, 1]} : vector<75x200xf32> to vector<1x200xf32>
    %min3A_583 = vector.broadcast %slice3A_581 : vector<200x1xf32> to vector<200x200xf32>
    %min3A_584 = vector.broadcast %slice3A_582 : vector<1x200xf32> to vector<200x200xf32>
    %min3A_585 = arith.minimumf %min3A_583, %min3A_584 : vector<200x200xf32>
    %add3A_586 = arith.addf %add3A_580, %min3A_585 : vector<200x200xf32>
    %slice3A_587 = vector.extract_strided_slice %div3A_194 {offsets = [0, 49], sizes = [200, 1], strides = [1, 1]} : vector<200x75xf32> to vector<200x1xf32>
    %slice3A_588 = vector.extract_strided_slice %transpose3A {offsets = [49, 0], sizes = [1, 200], strides = [1, 1]} : vector<75x200xf32> to vector<1x200xf32>
    %min3A_589 = vector.broadcast %slice3A_587 : vector<200x1xf32> to vector<200x200xf32>
    %min3A_590 = vector.broadcast %slice3A_588 : vector<1x200xf32> to vector<200x200xf32>
    %min3A_591 = arith.minimumf %min3A_589, %min3A_590 : vector<200x200xf32>
    %add3A_592 = arith.addf %add3A_586, %min3A_591 : vector<200x200xf32>
    %slice3A_593 = vector.extract_strided_slice %div3A_194 {offsets = [0, 50], sizes = [200, 1], strides = [1, 1]} : vector<200x75xf32> to vector<200x1xf32>
    %slice3A_594 = vector.extract_strided_slice %transpose3A {offsets = [50, 0], sizes = [1, 200], strides = [1, 1]} : vector<75x200xf32> to vector<1x200xf32>
    %min3A_595 = vector.broadcast %slice3A_593 : vector<200x1xf32> to vector<200x200xf32>
    %min3A_596 = vector.broadcast %slice3A_594 : vector<1x200xf32> to vector<200x200xf32>
    %min3A_597 = arith.minimumf %min3A_595, %min3A_596 : vector<200x200xf32>
    %add3A_598 = arith.addf %add3A_592, %min3A_597 : vector<200x200xf32>
    %slice3A_599 = vector.extract_strided_slice %div3A_194 {offsets = [0, 51], sizes = [200, 1], strides = [1, 1]} : vector<200x75xf32> to vector<200x1xf32>
    %slice3A_600 = vector.extract_strided_slice %transpose3A {offsets = [51, 0], sizes = [1, 200], strides = [1, 1]} : vector<75x200xf32> to vector<1x200xf32>
    %min3A_601 = vector.broadcast %slice3A_599 : vector<200x1xf32> to vector<200x200xf32>
    %min3A_602 = vector.broadcast %slice3A_600 : vector<1x200xf32> to vector<200x200xf32>
    %min3A_603 = arith.minimumf %min3A_601, %min3A_602 : vector<200x200xf32>
    %add3A_604 = arith.addf %add3A_598, %min3A_603 : vector<200x200xf32>
    %slice3A_605 = vector.extract_strided_slice %div3A_194 {offsets = [0, 52], sizes = [200, 1], strides = [1, 1]} : vector<200x75xf32> to vector<200x1xf32>
    %slice3A_606 = vector.extract_strided_slice %transpose3A {offsets = [52, 0], sizes = [1, 200], strides = [1, 1]} : vector<75x200xf32> to vector<1x200xf32>
    %min3A_607 = vector.broadcast %slice3A_605 : vector<200x1xf32> to vector<200x200xf32>
    %min3A_608 = vector.broadcast %slice3A_606 : vector<1x200xf32> to vector<200x200xf32>
    %min3A_609 = arith.minimumf %min3A_607, %min3A_608 : vector<200x200xf32>
    %add3A_610 = arith.addf %add3A_604, %min3A_609 : vector<200x200xf32>
    %slice3A_611 = vector.extract_strided_slice %div3A_194 {offsets = [0, 53], sizes = [200, 1], strides = [1, 1]} : vector<200x75xf32> to vector<200x1xf32>
    %slice3A_612 = vector.extract_strided_slice %transpose3A {offsets = [53, 0], sizes = [1, 200], strides = [1, 1]} : vector<75x200xf32> to vector<1x200xf32>
    %min3A_613 = vector.broadcast %slice3A_611 : vector<200x1xf32> to vector<200x200xf32>
    %min3A_614 = vector.broadcast %slice3A_612 : vector<1x200xf32> to vector<200x200xf32>
    %min3A_615 = arith.minimumf %min3A_613, %min3A_614 : vector<200x200xf32>
    %add3A_616 = arith.addf %add3A_610, %min3A_615 : vector<200x200xf32>
    %slice3A_617 = vector.extract_strided_slice %div3A_194 {offsets = [0, 54], sizes = [200, 1], strides = [1, 1]} : vector<200x75xf32> to vector<200x1xf32>
    %slice3A_618 = vector.extract_strided_slice %transpose3A {offsets = [54, 0], sizes = [1, 200], strides = [1, 1]} : vector<75x200xf32> to vector<1x200xf32>
    %min3A_619 = vector.broadcast %slice3A_617 : vector<200x1xf32> to vector<200x200xf32>
    %min3A_620 = vector.broadcast %slice3A_618 : vector<1x200xf32> to vector<200x200xf32>
    %min3A_621 = arith.minimumf %min3A_619, %min3A_620 : vector<200x200xf32>
    %add3A_622 = arith.addf %add3A_616, %min3A_621 : vector<200x200xf32>
    %slice3A_623 = vector.extract_strided_slice %div3A_194 {offsets = [0, 55], sizes = [200, 1], strides = [1, 1]} : vector<200x75xf32> to vector<200x1xf32>
    %slice3A_624 = vector.extract_strided_slice %transpose3A {offsets = [55, 0], sizes = [1, 200], strides = [1, 1]} : vector<75x200xf32> to vector<1x200xf32>
    %min3A_625 = vector.broadcast %slice3A_623 : vector<200x1xf32> to vector<200x200xf32>
    %min3A_626 = vector.broadcast %slice3A_624 : vector<1x200xf32> to vector<200x200xf32>
    %min3A_627 = arith.minimumf %min3A_625, %min3A_626 : vector<200x200xf32>
    %add3A_628 = arith.addf %add3A_622, %min3A_627 : vector<200x200xf32>
    %slice3A_629 = vector.extract_strided_slice %div3A_194 {offsets = [0, 56], sizes = [200, 1], strides = [1, 1]} : vector<200x75xf32> to vector<200x1xf32>
    %slice3A_630 = vector.extract_strided_slice %transpose3A {offsets = [56, 0], sizes = [1, 200], strides = [1, 1]} : vector<75x200xf32> to vector<1x200xf32>
    %min3A_631 = vector.broadcast %slice3A_629 : vector<200x1xf32> to vector<200x200xf32>
    %min3A_632 = vector.broadcast %slice3A_630 : vector<1x200xf32> to vector<200x200xf32>
    %min3A_633 = arith.minimumf %min3A_631, %min3A_632 : vector<200x200xf32>
    %add3A_634 = arith.addf %add3A_628, %min3A_633 : vector<200x200xf32>
    %slice3A_635 = vector.extract_strided_slice %div3A_194 {offsets = [0, 57], sizes = [200, 1], strides = [1, 1]} : vector<200x75xf32> to vector<200x1xf32>
    %slice3A_636 = vector.extract_strided_slice %transpose3A {offsets = [57, 0], sizes = [1, 200], strides = [1, 1]} : vector<75x200xf32> to vector<1x200xf32>
    %min3A_637 = vector.broadcast %slice3A_635 : vector<200x1xf32> to vector<200x200xf32>
    %min3A_638 = vector.broadcast %slice3A_636 : vector<1x200xf32> to vector<200x200xf32>
    %min3A_639 = arith.minimumf %min3A_637, %min3A_638 : vector<200x200xf32>
    %add3A_640 = arith.addf %add3A_634, %min3A_639 : vector<200x200xf32>
    %slice3A_641 = vector.extract_strided_slice %div3A_194 {offsets = [0, 58], sizes = [200, 1], strides = [1, 1]} : vector<200x75xf32> to vector<200x1xf32>
    %slice3A_642 = vector.extract_strided_slice %transpose3A {offsets = [58, 0], sizes = [1, 200], strides = [1, 1]} : vector<75x200xf32> to vector<1x200xf32>
    %min3A_643 = vector.broadcast %slice3A_641 : vector<200x1xf32> to vector<200x200xf32>
    %min3A_644 = vector.broadcast %slice3A_642 : vector<1x200xf32> to vector<200x200xf32>
    %min3A_645 = arith.minimumf %min3A_643, %min3A_644 : vector<200x200xf32>
    %add3A_646 = arith.addf %add3A_640, %min3A_645 : vector<200x200xf32>
    %slice3A_647 = vector.extract_strided_slice %div3A_194 {offsets = [0, 59], sizes = [200, 1], strides = [1, 1]} : vector<200x75xf32> to vector<200x1xf32>
    %slice3A_648 = vector.extract_strided_slice %transpose3A {offsets = [59, 0], sizes = [1, 200], strides = [1, 1]} : vector<75x200xf32> to vector<1x200xf32>
    %min3A_649 = vector.broadcast %slice3A_647 : vector<200x1xf32> to vector<200x200xf32>
    %min3A_650 = vector.broadcast %slice3A_648 : vector<1x200xf32> to vector<200x200xf32>
    %min3A_651 = arith.minimumf %min3A_649, %min3A_650 : vector<200x200xf32>
    %add3A_652 = arith.addf %add3A_646, %min3A_651 : vector<200x200xf32>
    %slice3A_653 = vector.extract_strided_slice %div3A_194 {offsets = [0, 60], sizes = [200, 1], strides = [1, 1]} : vector<200x75xf32> to vector<200x1xf32>
    %slice3A_654 = vector.extract_strided_slice %transpose3A {offsets = [60, 0], sizes = [1, 200], strides = [1, 1]} : vector<75x200xf32> to vector<1x200xf32>
    %min3A_655 = vector.broadcast %slice3A_653 : vector<200x1xf32> to vector<200x200xf32>
    %min3A_656 = vector.broadcast %slice3A_654 : vector<1x200xf32> to vector<200x200xf32>
    %min3A_657 = arith.minimumf %min3A_655, %min3A_656 : vector<200x200xf32>
    %add3A_658 = arith.addf %add3A_652, %min3A_657 : vector<200x200xf32>
    %slice3A_659 = vector.extract_strided_slice %div3A_194 {offsets = [0, 61], sizes = [200, 1], strides = [1, 1]} : vector<200x75xf32> to vector<200x1xf32>
    %slice3A_660 = vector.extract_strided_slice %transpose3A {offsets = [61, 0], sizes = [1, 200], strides = [1, 1]} : vector<75x200xf32> to vector<1x200xf32>
    %min3A_661 = vector.broadcast %slice3A_659 : vector<200x1xf32> to vector<200x200xf32>
    %min3A_662 = vector.broadcast %slice3A_660 : vector<1x200xf32> to vector<200x200xf32>
    %min3A_663 = arith.minimumf %min3A_661, %min3A_662 : vector<200x200xf32>
    %add3A_664 = arith.addf %add3A_658, %min3A_663 : vector<200x200xf32>
    %slice3A_665 = vector.extract_strided_slice %div3A_194 {offsets = [0, 62], sizes = [200, 1], strides = [1, 1]} : vector<200x75xf32> to vector<200x1xf32>
    %slice3A_666 = vector.extract_strided_slice %transpose3A {offsets = [62, 0], sizes = [1, 200], strides = [1, 1]} : vector<75x200xf32> to vector<1x200xf32>
    %min3A_667 = vector.broadcast %slice3A_665 : vector<200x1xf32> to vector<200x200xf32>
    %min3A_668 = vector.broadcast %slice3A_666 : vector<1x200xf32> to vector<200x200xf32>
    %min3A_669 = arith.minimumf %min3A_667, %min3A_668 : vector<200x200xf32>
    %add3A_670 = arith.addf %add3A_664, %min3A_669 : vector<200x200xf32>
    %slice3A_671 = vector.extract_strided_slice %div3A_194 {offsets = [0, 63], sizes = [200, 1], strides = [1, 1]} : vector<200x75xf32> to vector<200x1xf32>
    %slice3A_672 = vector.extract_strided_slice %transpose3A {offsets = [63, 0], sizes = [1, 200], strides = [1, 1]} : vector<75x200xf32> to vector<1x200xf32>
    %min3A_673 = vector.broadcast %slice3A_671 : vector<200x1xf32> to vector<200x200xf32>
    %min3A_674 = vector.broadcast %slice3A_672 : vector<1x200xf32> to vector<200x200xf32>
    %min3A_675 = arith.minimumf %min3A_673, %min3A_674 : vector<200x200xf32>
    %add3A_676 = arith.addf %add3A_670, %min3A_675 : vector<200x200xf32>
    %slice3A_677 = vector.extract_strided_slice %div3A_194 {offsets = [0, 64], sizes = [200, 1], strides = [1, 1]} : vector<200x75xf32> to vector<200x1xf32>
    %slice3A_678 = vector.extract_strided_slice %transpose3A {offsets = [64, 0], sizes = [1, 200], strides = [1, 1]} : vector<75x200xf32> to vector<1x200xf32>
    %min3A_679 = vector.broadcast %slice3A_677 : vector<200x1xf32> to vector<200x200xf32>
    %min3A_680 = vector.broadcast %slice3A_678 : vector<1x200xf32> to vector<200x200xf32>
    %min3A_681 = arith.minimumf %min3A_679, %min3A_680 : vector<200x200xf32>
    %add3A_682 = arith.addf %add3A_676, %min3A_681 : vector<200x200xf32>
    %slice3A_683 = vector.extract_strided_slice %div3A_194 {offsets = [0, 65], sizes = [200, 1], strides = [1, 1]} : vector<200x75xf32> to vector<200x1xf32>
    %slice3A_684 = vector.extract_strided_slice %transpose3A {offsets = [65, 0], sizes = [1, 200], strides = [1, 1]} : vector<75x200xf32> to vector<1x200xf32>
    %min3A_685 = vector.broadcast %slice3A_683 : vector<200x1xf32> to vector<200x200xf32>
    %min3A_686 = vector.broadcast %slice3A_684 : vector<1x200xf32> to vector<200x200xf32>
    %min3A_687 = arith.minimumf %min3A_685, %min3A_686 : vector<200x200xf32>
    %add3A_688 = arith.addf %add3A_682, %min3A_687 : vector<200x200xf32>
    %slice3A_689 = vector.extract_strided_slice %div3A_194 {offsets = [0, 66], sizes = [200, 1], strides = [1, 1]} : vector<200x75xf32> to vector<200x1xf32>
    %slice3A_690 = vector.extract_strided_slice %transpose3A {offsets = [66, 0], sizes = [1, 200], strides = [1, 1]} : vector<75x200xf32> to vector<1x200xf32>
    %min3A_691 = vector.broadcast %slice3A_689 : vector<200x1xf32> to vector<200x200xf32>
    %min3A_692 = vector.broadcast %slice3A_690 : vector<1x200xf32> to vector<200x200xf32>
    %min3A_693 = arith.minimumf %min3A_691, %min3A_692 : vector<200x200xf32>
    %add3A_694 = arith.addf %add3A_688, %min3A_693 : vector<200x200xf32>
    %slice3A_695 = vector.extract_strided_slice %div3A_194 {offsets = [0, 67], sizes = [200, 1], strides = [1, 1]} : vector<200x75xf32> to vector<200x1xf32>
    %slice3A_696 = vector.extract_strided_slice %transpose3A {offsets = [67, 0], sizes = [1, 200], strides = [1, 1]} : vector<75x200xf32> to vector<1x200xf32>
    %min3A_697 = vector.broadcast %slice3A_695 : vector<200x1xf32> to vector<200x200xf32>
    %min3A_698 = vector.broadcast %slice3A_696 : vector<1x200xf32> to vector<200x200xf32>
    %min3A_699 = arith.minimumf %min3A_697, %min3A_698 : vector<200x200xf32>
    %add3A_700 = arith.addf %add3A_694, %min3A_699 : vector<200x200xf32>
    %slice3A_701 = vector.extract_strided_slice %div3A_194 {offsets = [0, 68], sizes = [200, 1], strides = [1, 1]} : vector<200x75xf32> to vector<200x1xf32>
    %slice3A_702 = vector.extract_strided_slice %transpose3A {offsets = [68, 0], sizes = [1, 200], strides = [1, 1]} : vector<75x200xf32> to vector<1x200xf32>
    %min3A_703 = vector.broadcast %slice3A_701 : vector<200x1xf32> to vector<200x200xf32>
    %min3A_704 = vector.broadcast %slice3A_702 : vector<1x200xf32> to vector<200x200xf32>
    %min3A_705 = arith.minimumf %min3A_703, %min3A_704 : vector<200x200xf32>
    %add3A_706 = arith.addf %add3A_700, %min3A_705 : vector<200x200xf32>
    %slice3A_707 = vector.extract_strided_slice %div3A_194 {offsets = [0, 69], sizes = [200, 1], strides = [1, 1]} : vector<200x75xf32> to vector<200x1xf32>
    %slice3A_708 = vector.extract_strided_slice %transpose3A {offsets = [69, 0], sizes = [1, 200], strides = [1, 1]} : vector<75x200xf32> to vector<1x200xf32>
    %min3A_709 = vector.broadcast %slice3A_707 : vector<200x1xf32> to vector<200x200xf32>
    %min3A_710 = vector.broadcast %slice3A_708 : vector<1x200xf32> to vector<200x200xf32>
    %min3A_711 = arith.minimumf %min3A_709, %min3A_710 : vector<200x200xf32>
    %add3A_712 = arith.addf %add3A_706, %min3A_711 : vector<200x200xf32>
    %slice3A_713 = vector.extract_strided_slice %div3A_194 {offsets = [0, 70], sizes = [200, 1], strides = [1, 1]} : vector<200x75xf32> to vector<200x1xf32>
    %slice3A_714 = vector.extract_strided_slice %transpose3A {offsets = [70, 0], sizes = [1, 200], strides = [1, 1]} : vector<75x200xf32> to vector<1x200xf32>
    %min3A_715 = vector.broadcast %slice3A_713 : vector<200x1xf32> to vector<200x200xf32>
    %min3A_716 = vector.broadcast %slice3A_714 : vector<1x200xf32> to vector<200x200xf32>
    %min3A_717 = arith.minimumf %min3A_715, %min3A_716 : vector<200x200xf32>
    %add3A_718 = arith.addf %add3A_712, %min3A_717 : vector<200x200xf32>
    %slice3A_719 = vector.extract_strided_slice %div3A_194 {offsets = [0, 71], sizes = [200, 1], strides = [1, 1]} : vector<200x75xf32> to vector<200x1xf32>
    %slice3A_720 = vector.extract_strided_slice %transpose3A {offsets = [71, 0], sizes = [1, 200], strides = [1, 1]} : vector<75x200xf32> to vector<1x200xf32>
    %min3A_721 = vector.broadcast %slice3A_719 : vector<200x1xf32> to vector<200x200xf32>
    %min3A_722 = vector.broadcast %slice3A_720 : vector<1x200xf32> to vector<200x200xf32>
    %min3A_723 = arith.minimumf %min3A_721, %min3A_722 : vector<200x200xf32>
    %add3A_724 = arith.addf %add3A_718, %min3A_723 : vector<200x200xf32>
    %slice3A_725 = vector.extract_strided_slice %div3A_194 {offsets = [0, 72], sizes = [200, 1], strides = [1, 1]} : vector<200x75xf32> to vector<200x1xf32>
    %slice3A_726 = vector.extract_strided_slice %transpose3A {offsets = [72, 0], sizes = [1, 200], strides = [1, 1]} : vector<75x200xf32> to vector<1x200xf32>
    %min3A_727 = vector.broadcast %slice3A_725 : vector<200x1xf32> to vector<200x200xf32>
    %min3A_728 = vector.broadcast %slice3A_726 : vector<1x200xf32> to vector<200x200xf32>
    %min3A_729 = arith.minimumf %min3A_727, %min3A_728 : vector<200x200xf32>
    %add3A_730 = arith.addf %add3A_724, %min3A_729 : vector<200x200xf32>
    %slice3A_731 = vector.extract_strided_slice %div3A_194 {offsets = [0, 73], sizes = [200, 1], strides = [1, 1]} : vector<200x75xf32> to vector<200x1xf32>
    %slice3A_732 = vector.extract_strided_slice %transpose3A {offsets = [73, 0], sizes = [1, 200], strides = [1, 1]} : vector<75x200xf32> to vector<1x200xf32>
    %min3A_733 = vector.broadcast %slice3A_731 : vector<200x1xf32> to vector<200x200xf32>
    %min3A_734 = vector.broadcast %slice3A_732 : vector<1x200xf32> to vector<200x200xf32>
    %min3A_735 = arith.minimumf %min3A_733, %min3A_734 : vector<200x200xf32>
    %add3A_736 = arith.addf %add3A_730, %min3A_735 : vector<200x200xf32>
    %slice3A_737 = vector.extract_strided_slice %div3A_194 {offsets = [0, 74], sizes = [200, 1], strides = [1, 1]} : vector<200x75xf32> to vector<200x1xf32>
    %slice3A_738 = vector.extract_strided_slice %transpose3A {offsets = [74, 0], sizes = [1, 200], strides = [1, 1]} : vector<75x200xf32> to vector<1x200xf32>
    %min3A_739 = vector.broadcast %slice3A_737 : vector<200x1xf32> to vector<200x200xf32>
    %min3A_740 = vector.broadcast %slice3A_738 : vector<1x200xf32> to vector<200x200xf32>
    %min3A_741 = arith.minimumf %min3A_739, %min3A_740 : vector<200x200xf32>
    %add3A_742 = arith.addf %add3A_736, %min3A_741 : vector<200x200xf32>
    %slice3A_743 = vector.extract_strided_slice %div3A_198 {offsets = [0, 0], sizes = [200, 1], strides = [1, 1]} : vector<200x120xf32> to vector<200x1xf32>
    %slice3A_744 = vector.extract_strided_slice %transpose3A_199 {offsets = [0, 0], sizes = [1, 200], strides = [1, 1]} : vector<120x200xf32> to vector<1x200xf32>
    %min3A_745 = vector.broadcast %slice3A_743 : vector<200x1xf32> to vector<200x200xf32>
    %min3A_746 = vector.broadcast %slice3A_744 : vector<1x200xf32> to vector<200x200xf32>
    %min3A_747 = arith.minimumf %min3A_745, %min3A_746 : vector<200x200xf32>
    %add3A_748 = arith.addf %add3A_742, %min3A_747 : vector<200x200xf32>
    %slice3A_749 = vector.extract_strided_slice %div3A_198 {offsets = [0, 1], sizes = [200, 1], strides = [1, 1]} : vector<200x120xf32> to vector<200x1xf32>
    %slice3A_750 = vector.extract_strided_slice %transpose3A_199 {offsets = [1, 0], sizes = [1, 200], strides = [1, 1]} : vector<120x200xf32> to vector<1x200xf32>
    %min3A_751 = vector.broadcast %slice3A_749 : vector<200x1xf32> to vector<200x200xf32>
    %min3A_752 = vector.broadcast %slice3A_750 : vector<1x200xf32> to vector<200x200xf32>
    %min3A_753 = arith.minimumf %min3A_751, %min3A_752 : vector<200x200xf32>
    %add3A_754 = arith.addf %add3A_748, %min3A_753 : vector<200x200xf32>
    %slice3A_755 = vector.extract_strided_slice %div3A_198 {offsets = [0, 2], sizes = [200, 1], strides = [1, 1]} : vector<200x120xf32> to vector<200x1xf32>
    %slice3A_756 = vector.extract_strided_slice %transpose3A_199 {offsets = [2, 0], sizes = [1, 200], strides = [1, 1]} : vector<120x200xf32> to vector<1x200xf32>
    %min3A_757 = vector.broadcast %slice3A_755 : vector<200x1xf32> to vector<200x200xf32>
    %min3A_758 = vector.broadcast %slice3A_756 : vector<1x200xf32> to vector<200x200xf32>
    %min3A_759 = arith.minimumf %min3A_757, %min3A_758 : vector<200x200xf32>
    %add3A_760 = arith.addf %add3A_754, %min3A_759 : vector<200x200xf32>
    %slice3A_761 = vector.extract_strided_slice %div3A_198 {offsets = [0, 3], sizes = [200, 1], strides = [1, 1]} : vector<200x120xf32> to vector<200x1xf32>
    %slice3A_762 = vector.extract_strided_slice %transpose3A_199 {offsets = [3, 0], sizes = [1, 200], strides = [1, 1]} : vector<120x200xf32> to vector<1x200xf32>
    %min3A_763 = vector.broadcast %slice3A_761 : vector<200x1xf32> to vector<200x200xf32>
    %min3A_764 = vector.broadcast %slice3A_762 : vector<1x200xf32> to vector<200x200xf32>
    %min3A_765 = arith.minimumf %min3A_763, %min3A_764 : vector<200x200xf32>
    %add3A_766 = arith.addf %add3A_760, %min3A_765 : vector<200x200xf32>
    %slice3A_767 = vector.extract_strided_slice %div3A_198 {offsets = [0, 4], sizes = [200, 1], strides = [1, 1]} : vector<200x120xf32> to vector<200x1xf32>
    %slice3A_768 = vector.extract_strided_slice %transpose3A_199 {offsets = [4, 0], sizes = [1, 200], strides = [1, 1]} : vector<120x200xf32> to vector<1x200xf32>
    %min3A_769 = vector.broadcast %slice3A_767 : vector<200x1xf32> to vector<200x200xf32>
    %min3A_770 = vector.broadcast %slice3A_768 : vector<1x200xf32> to vector<200x200xf32>
    %min3A_771 = arith.minimumf %min3A_769, %min3A_770 : vector<200x200xf32>
    %add3A_772 = arith.addf %add3A_766, %min3A_771 : vector<200x200xf32>
    %slice3A_773 = vector.extract_strided_slice %div3A_198 {offsets = [0, 5], sizes = [200, 1], strides = [1, 1]} : vector<200x120xf32> to vector<200x1xf32>
    %slice3A_774 = vector.extract_strided_slice %transpose3A_199 {offsets = [5, 0], sizes = [1, 200], strides = [1, 1]} : vector<120x200xf32> to vector<1x200xf32>
    %min3A_775 = vector.broadcast %slice3A_773 : vector<200x1xf32> to vector<200x200xf32>
    %min3A_776 = vector.broadcast %slice3A_774 : vector<1x200xf32> to vector<200x200xf32>
    %min3A_777 = arith.minimumf %min3A_775, %min3A_776 : vector<200x200xf32>
    %add3A_778 = arith.addf %add3A_772, %min3A_777 : vector<200x200xf32>
    %slice3A_779 = vector.extract_strided_slice %div3A_198 {offsets = [0, 6], sizes = [200, 1], strides = [1, 1]} : vector<200x120xf32> to vector<200x1xf32>
    %slice3A_780 = vector.extract_strided_slice %transpose3A_199 {offsets = [6, 0], sizes = [1, 200], strides = [1, 1]} : vector<120x200xf32> to vector<1x200xf32>
    %min3A_781 = vector.broadcast %slice3A_779 : vector<200x1xf32> to vector<200x200xf32>
    %min3A_782 = vector.broadcast %slice3A_780 : vector<1x200xf32> to vector<200x200xf32>
    %min3A_783 = arith.minimumf %min3A_781, %min3A_782 : vector<200x200xf32>
    %add3A_784 = arith.addf %add3A_778, %min3A_783 : vector<200x200xf32>
    %slice3A_785 = vector.extract_strided_slice %div3A_198 {offsets = [0, 7], sizes = [200, 1], strides = [1, 1]} : vector<200x120xf32> to vector<200x1xf32>
    %slice3A_786 = vector.extract_strided_slice %transpose3A_199 {offsets = [7, 0], sizes = [1, 200], strides = [1, 1]} : vector<120x200xf32> to vector<1x200xf32>
    %min3A_787 = vector.broadcast %slice3A_785 : vector<200x1xf32> to vector<200x200xf32>
    %min3A_788 = vector.broadcast %slice3A_786 : vector<1x200xf32> to vector<200x200xf32>
    %min3A_789 = arith.minimumf %min3A_787, %min3A_788 : vector<200x200xf32>
    %add3A_790 = arith.addf %add3A_784, %min3A_789 : vector<200x200xf32>
    %slice3A_791 = vector.extract_strided_slice %div3A_198 {offsets = [0, 8], sizes = [200, 1], strides = [1, 1]} : vector<200x120xf32> to vector<200x1xf32>
    %slice3A_792 = vector.extract_strided_slice %transpose3A_199 {offsets = [8, 0], sizes = [1, 200], strides = [1, 1]} : vector<120x200xf32> to vector<1x200xf32>
    %min3A_793 = vector.broadcast %slice3A_791 : vector<200x1xf32> to vector<200x200xf32>
    %min3A_794 = vector.broadcast %slice3A_792 : vector<1x200xf32> to vector<200x200xf32>
    %min3A_795 = arith.minimumf %min3A_793, %min3A_794 : vector<200x200xf32>
    %add3A_796 = arith.addf %add3A_790, %min3A_795 : vector<200x200xf32>
    %slice3A_797 = vector.extract_strided_slice %div3A_198 {offsets = [0, 9], sizes = [200, 1], strides = [1, 1]} : vector<200x120xf32> to vector<200x1xf32>
    %slice3A_798 = vector.extract_strided_slice %transpose3A_199 {offsets = [9, 0], sizes = [1, 200], strides = [1, 1]} : vector<120x200xf32> to vector<1x200xf32>
    %min3A_799 = vector.broadcast %slice3A_797 : vector<200x1xf32> to vector<200x200xf32>
    %min3A_800 = vector.broadcast %slice3A_798 : vector<1x200xf32> to vector<200x200xf32>
    %min3A_801 = arith.minimumf %min3A_799, %min3A_800 : vector<200x200xf32>
    %add3A_802 = arith.addf %add3A_796, %min3A_801 : vector<200x200xf32>
    %slice3A_803 = vector.extract_strided_slice %div3A_198 {offsets = [0, 10], sizes = [200, 1], strides = [1, 1]} : vector<200x120xf32> to vector<200x1xf32>
    %slice3A_804 = vector.extract_strided_slice %transpose3A_199 {offsets = [10, 0], sizes = [1, 200], strides = [1, 1]} : vector<120x200xf32> to vector<1x200xf32>
    %min3A_805 = vector.broadcast %slice3A_803 : vector<200x1xf32> to vector<200x200xf32>
    %min3A_806 = vector.broadcast %slice3A_804 : vector<1x200xf32> to vector<200x200xf32>
    %min3A_807 = arith.minimumf %min3A_805, %min3A_806 : vector<200x200xf32>
    %add3A_808 = arith.addf %add3A_802, %min3A_807 : vector<200x200xf32>
    %slice3A_809 = vector.extract_strided_slice %div3A_198 {offsets = [0, 11], sizes = [200, 1], strides = [1, 1]} : vector<200x120xf32> to vector<200x1xf32>
    %slice3A_810 = vector.extract_strided_slice %transpose3A_199 {offsets = [11, 0], sizes = [1, 200], strides = [1, 1]} : vector<120x200xf32> to vector<1x200xf32>
    %min3A_811 = vector.broadcast %slice3A_809 : vector<200x1xf32> to vector<200x200xf32>
    %min3A_812 = vector.broadcast %slice3A_810 : vector<1x200xf32> to vector<200x200xf32>
    %min3A_813 = arith.minimumf %min3A_811, %min3A_812 : vector<200x200xf32>
    %add3A_814 = arith.addf %add3A_808, %min3A_813 : vector<200x200xf32>
    %slice3A_815 = vector.extract_strided_slice %div3A_198 {offsets = [0, 12], sizes = [200, 1], strides = [1, 1]} : vector<200x120xf32> to vector<200x1xf32>
    %slice3A_816 = vector.extract_strided_slice %transpose3A_199 {offsets = [12, 0], sizes = [1, 200], strides = [1, 1]} : vector<120x200xf32> to vector<1x200xf32>
    %min3A_817 = vector.broadcast %slice3A_815 : vector<200x1xf32> to vector<200x200xf32>
    %min3A_818 = vector.broadcast %slice3A_816 : vector<1x200xf32> to vector<200x200xf32>
    %min3A_819 = arith.minimumf %min3A_817, %min3A_818 : vector<200x200xf32>
    %add3A_820 = arith.addf %add3A_814, %min3A_819 : vector<200x200xf32>
    %slice3A_821 = vector.extract_strided_slice %div3A_198 {offsets = [0, 13], sizes = [200, 1], strides = [1, 1]} : vector<200x120xf32> to vector<200x1xf32>
    %slice3A_822 = vector.extract_strided_slice %transpose3A_199 {offsets = [13, 0], sizes = [1, 200], strides = [1, 1]} : vector<120x200xf32> to vector<1x200xf32>
    %min3A_823 = vector.broadcast %slice3A_821 : vector<200x1xf32> to vector<200x200xf32>
    %min3A_824 = vector.broadcast %slice3A_822 : vector<1x200xf32> to vector<200x200xf32>
    %min3A_825 = arith.minimumf %min3A_823, %min3A_824 : vector<200x200xf32>
    %add3A_826 = arith.addf %add3A_820, %min3A_825 : vector<200x200xf32>
    %slice3A_827 = vector.extract_strided_slice %div3A_198 {offsets = [0, 14], sizes = [200, 1], strides = [1, 1]} : vector<200x120xf32> to vector<200x1xf32>
    %slice3A_828 = vector.extract_strided_slice %transpose3A_199 {offsets = [14, 0], sizes = [1, 200], strides = [1, 1]} : vector<120x200xf32> to vector<1x200xf32>
    %min3A_829 = vector.broadcast %slice3A_827 : vector<200x1xf32> to vector<200x200xf32>
    %min3A_830 = vector.broadcast %slice3A_828 : vector<1x200xf32> to vector<200x200xf32>
    %min3A_831 = arith.minimumf %min3A_829, %min3A_830 : vector<200x200xf32>
    %add3A_832 = arith.addf %add3A_826, %min3A_831 : vector<200x200xf32>
    %slice3A_833 = vector.extract_strided_slice %div3A_198 {offsets = [0, 15], sizes = [200, 1], strides = [1, 1]} : vector<200x120xf32> to vector<200x1xf32>
    %slice3A_834 = vector.extract_strided_slice %transpose3A_199 {offsets = [15, 0], sizes = [1, 200], strides = [1, 1]} : vector<120x200xf32> to vector<1x200xf32>
    %min3A_835 = vector.broadcast %slice3A_833 : vector<200x1xf32> to vector<200x200xf32>
    %min3A_836 = vector.broadcast %slice3A_834 : vector<1x200xf32> to vector<200x200xf32>
    %min3A_837 = arith.minimumf %min3A_835, %min3A_836 : vector<200x200xf32>
    %add3A_838 = arith.addf %add3A_832, %min3A_837 : vector<200x200xf32>
    %slice3A_839 = vector.extract_strided_slice %div3A_198 {offsets = [0, 16], sizes = [200, 1], strides = [1, 1]} : vector<200x120xf32> to vector<200x1xf32>
    %slice3A_840 = vector.extract_strided_slice %transpose3A_199 {offsets = [16, 0], sizes = [1, 200], strides = [1, 1]} : vector<120x200xf32> to vector<1x200xf32>
    %min3A_841 = vector.broadcast %slice3A_839 : vector<200x1xf32> to vector<200x200xf32>
    %min3A_842 = vector.broadcast %slice3A_840 : vector<1x200xf32> to vector<200x200xf32>
    %min3A_843 = arith.minimumf %min3A_841, %min3A_842 : vector<200x200xf32>
    %add3A_844 = arith.addf %add3A_838, %min3A_843 : vector<200x200xf32>
    %slice3A_845 = vector.extract_strided_slice %div3A_198 {offsets = [0, 17], sizes = [200, 1], strides = [1, 1]} : vector<200x120xf32> to vector<200x1xf32>
    %slice3A_846 = vector.extract_strided_slice %transpose3A_199 {offsets = [17, 0], sizes = [1, 200], strides = [1, 1]} : vector<120x200xf32> to vector<1x200xf32>
    %min3A_847 = vector.broadcast %slice3A_845 : vector<200x1xf32> to vector<200x200xf32>
    %min3A_848 = vector.broadcast %slice3A_846 : vector<1x200xf32> to vector<200x200xf32>
    %min3A_849 = arith.minimumf %min3A_847, %min3A_848 : vector<200x200xf32>
    %add3A_850 = arith.addf %add3A_844, %min3A_849 : vector<200x200xf32>
    %slice3A_851 = vector.extract_strided_slice %div3A_198 {offsets = [0, 18], sizes = [200, 1], strides = [1, 1]} : vector<200x120xf32> to vector<200x1xf32>
    %slice3A_852 = vector.extract_strided_slice %transpose3A_199 {offsets = [18, 0], sizes = [1, 200], strides = [1, 1]} : vector<120x200xf32> to vector<1x200xf32>
    %min3A_853 = vector.broadcast %slice3A_851 : vector<200x1xf32> to vector<200x200xf32>
    %min3A_854 = vector.broadcast %slice3A_852 : vector<1x200xf32> to vector<200x200xf32>
    %min3A_855 = arith.minimumf %min3A_853, %min3A_854 : vector<200x200xf32>
    %add3A_856 = arith.addf %add3A_850, %min3A_855 : vector<200x200xf32>
    %slice3A_857 = vector.extract_strided_slice %div3A_198 {offsets = [0, 19], sizes = [200, 1], strides = [1, 1]} : vector<200x120xf32> to vector<200x1xf32>
    %slice3A_858 = vector.extract_strided_slice %transpose3A_199 {offsets = [19, 0], sizes = [1, 200], strides = [1, 1]} : vector<120x200xf32> to vector<1x200xf32>
    %min3A_859 = vector.broadcast %slice3A_857 : vector<200x1xf32> to vector<200x200xf32>
    %min3A_860 = vector.broadcast %slice3A_858 : vector<1x200xf32> to vector<200x200xf32>
    %min3A_861 = arith.minimumf %min3A_859, %min3A_860 : vector<200x200xf32>
    %add3A_862 = arith.addf %add3A_856, %min3A_861 : vector<200x200xf32>
    %slice3A_863 = vector.extract_strided_slice %div3A_198 {offsets = [0, 20], sizes = [200, 1], strides = [1, 1]} : vector<200x120xf32> to vector<200x1xf32>
    %slice3A_864 = vector.extract_strided_slice %transpose3A_199 {offsets = [20, 0], sizes = [1, 200], strides = [1, 1]} : vector<120x200xf32> to vector<1x200xf32>
    %min3A_865 = vector.broadcast %slice3A_863 : vector<200x1xf32> to vector<200x200xf32>
    %min3A_866 = vector.broadcast %slice3A_864 : vector<1x200xf32> to vector<200x200xf32>
    %min3A_867 = arith.minimumf %min3A_865, %min3A_866 : vector<200x200xf32>
    %add3A_868 = arith.addf %add3A_862, %min3A_867 : vector<200x200xf32>
    %slice3A_869 = vector.extract_strided_slice %div3A_198 {offsets = [0, 21], sizes = [200, 1], strides = [1, 1]} : vector<200x120xf32> to vector<200x1xf32>
    %slice3A_870 = vector.extract_strided_slice %transpose3A_199 {offsets = [21, 0], sizes = [1, 200], strides = [1, 1]} : vector<120x200xf32> to vector<1x200xf32>
    %min3A_871 = vector.broadcast %slice3A_869 : vector<200x1xf32> to vector<200x200xf32>
    %min3A_872 = vector.broadcast %slice3A_870 : vector<1x200xf32> to vector<200x200xf32>
    %min3A_873 = arith.minimumf %min3A_871, %min3A_872 : vector<200x200xf32>
    %add3A_874 = arith.addf %add3A_868, %min3A_873 : vector<200x200xf32>
    %slice3A_875 = vector.extract_strided_slice %div3A_198 {offsets = [0, 22], sizes = [200, 1], strides = [1, 1]} : vector<200x120xf32> to vector<200x1xf32>
    %slice3A_876 = vector.extract_strided_slice %transpose3A_199 {offsets = [22, 0], sizes = [1, 200], strides = [1, 1]} : vector<120x200xf32> to vector<1x200xf32>
    %min3A_877 = vector.broadcast %slice3A_875 : vector<200x1xf32> to vector<200x200xf32>
    %min3A_878 = vector.broadcast %slice3A_876 : vector<1x200xf32> to vector<200x200xf32>
    %min3A_879 = arith.minimumf %min3A_877, %min3A_878 : vector<200x200xf32>
    %add3A_880 = arith.addf %add3A_874, %min3A_879 : vector<200x200xf32>
    %slice3A_881 = vector.extract_strided_slice %div3A_198 {offsets = [0, 23], sizes = [200, 1], strides = [1, 1]} : vector<200x120xf32> to vector<200x1xf32>
    %slice3A_882 = vector.extract_strided_slice %transpose3A_199 {offsets = [23, 0], sizes = [1, 200], strides = [1, 1]} : vector<120x200xf32> to vector<1x200xf32>
    %min3A_883 = vector.broadcast %slice3A_881 : vector<200x1xf32> to vector<200x200xf32>
    %min3A_884 = vector.broadcast %slice3A_882 : vector<1x200xf32> to vector<200x200xf32>
    %min3A_885 = arith.minimumf %min3A_883, %min3A_884 : vector<200x200xf32>
    %add3A_886 = arith.addf %add3A_880, %min3A_885 : vector<200x200xf32>
    %slice3A_887 = vector.extract_strided_slice %div3A_198 {offsets = [0, 24], sizes = [200, 1], strides = [1, 1]} : vector<200x120xf32> to vector<200x1xf32>
    %slice3A_888 = vector.extract_strided_slice %transpose3A_199 {offsets = [24, 0], sizes = [1, 200], strides = [1, 1]} : vector<120x200xf32> to vector<1x200xf32>
    %min3A_889 = vector.broadcast %slice3A_887 : vector<200x1xf32> to vector<200x200xf32>
    %min3A_890 = vector.broadcast %slice3A_888 : vector<1x200xf32> to vector<200x200xf32>
    %min3A_891 = arith.minimumf %min3A_889, %min3A_890 : vector<200x200xf32>
    %add3A_892 = arith.addf %add3A_886, %min3A_891 : vector<200x200xf32>
    %slice3A_893 = vector.extract_strided_slice %div3A_198 {offsets = [0, 25], sizes = [200, 1], strides = [1, 1]} : vector<200x120xf32> to vector<200x1xf32>
    %slice3A_894 = vector.extract_strided_slice %transpose3A_199 {offsets = [25, 0], sizes = [1, 200], strides = [1, 1]} : vector<120x200xf32> to vector<1x200xf32>
    %min3A_895 = vector.broadcast %slice3A_893 : vector<200x1xf32> to vector<200x200xf32>
    %min3A_896 = vector.broadcast %slice3A_894 : vector<1x200xf32> to vector<200x200xf32>
    %min3A_897 = arith.minimumf %min3A_895, %min3A_896 : vector<200x200xf32>
    %add3A_898 = arith.addf %add3A_892, %min3A_897 : vector<200x200xf32>
    %slice3A_899 = vector.extract_strided_slice %div3A_198 {offsets = [0, 26], sizes = [200, 1], strides = [1, 1]} : vector<200x120xf32> to vector<200x1xf32>
    %slice3A_900 = vector.extract_strided_slice %transpose3A_199 {offsets = [26, 0], sizes = [1, 200], strides = [1, 1]} : vector<120x200xf32> to vector<1x200xf32>
    %min3A_901 = vector.broadcast %slice3A_899 : vector<200x1xf32> to vector<200x200xf32>
    %min3A_902 = vector.broadcast %slice3A_900 : vector<1x200xf32> to vector<200x200xf32>
    %min3A_903 = arith.minimumf %min3A_901, %min3A_902 : vector<200x200xf32>
    %add3A_904 = arith.addf %add3A_898, %min3A_903 : vector<200x200xf32>
    %slice3A_905 = vector.extract_strided_slice %div3A_198 {offsets = [0, 27], sizes = [200, 1], strides = [1, 1]} : vector<200x120xf32> to vector<200x1xf32>
    %slice3A_906 = vector.extract_strided_slice %transpose3A_199 {offsets = [27, 0], sizes = [1, 200], strides = [1, 1]} : vector<120x200xf32> to vector<1x200xf32>
    %min3A_907 = vector.broadcast %slice3A_905 : vector<200x1xf32> to vector<200x200xf32>
    %min3A_908 = vector.broadcast %slice3A_906 : vector<1x200xf32> to vector<200x200xf32>
    %min3A_909 = arith.minimumf %min3A_907, %min3A_908 : vector<200x200xf32>
    %add3A_910 = arith.addf %add3A_904, %min3A_909 : vector<200x200xf32>
    %slice3A_911 = vector.extract_strided_slice %div3A_198 {offsets = [0, 28], sizes = [200, 1], strides = [1, 1]} : vector<200x120xf32> to vector<200x1xf32>
    %slice3A_912 = vector.extract_strided_slice %transpose3A_199 {offsets = [28, 0], sizes = [1, 200], strides = [1, 1]} : vector<120x200xf32> to vector<1x200xf32>
    %min3A_913 = vector.broadcast %slice3A_911 : vector<200x1xf32> to vector<200x200xf32>
    %min3A_914 = vector.broadcast %slice3A_912 : vector<1x200xf32> to vector<200x200xf32>
    %min3A_915 = arith.minimumf %min3A_913, %min3A_914 : vector<200x200xf32>
    %add3A_916 = arith.addf %add3A_910, %min3A_915 : vector<200x200xf32>
    %slice3A_917 = vector.extract_strided_slice %div3A_198 {offsets = [0, 29], sizes = [200, 1], strides = [1, 1]} : vector<200x120xf32> to vector<200x1xf32>
    %slice3A_918 = vector.extract_strided_slice %transpose3A_199 {offsets = [29, 0], sizes = [1, 200], strides = [1, 1]} : vector<120x200xf32> to vector<1x200xf32>
    %min3A_919 = vector.broadcast %slice3A_917 : vector<200x1xf32> to vector<200x200xf32>
    %min3A_920 = vector.broadcast %slice3A_918 : vector<1x200xf32> to vector<200x200xf32>
    %min3A_921 = arith.minimumf %min3A_919, %min3A_920 : vector<200x200xf32>
    %add3A_922 = arith.addf %add3A_916, %min3A_921 : vector<200x200xf32>
    %slice3A_923 = vector.extract_strided_slice %div3A_198 {offsets = [0, 30], sizes = [200, 1], strides = [1, 1]} : vector<200x120xf32> to vector<200x1xf32>
    %slice3A_924 = vector.extract_strided_slice %transpose3A_199 {offsets = [30, 0], sizes = [1, 200], strides = [1, 1]} : vector<120x200xf32> to vector<1x200xf32>
    %min3A_925 = vector.broadcast %slice3A_923 : vector<200x1xf32> to vector<200x200xf32>
    %min3A_926 = vector.broadcast %slice3A_924 : vector<1x200xf32> to vector<200x200xf32>
    %min3A_927 = arith.minimumf %min3A_925, %min3A_926 : vector<200x200xf32>
    %add3A_928 = arith.addf %add3A_922, %min3A_927 : vector<200x200xf32>
    %slice3A_929 = vector.extract_strided_slice %div3A_198 {offsets = [0, 31], sizes = [200, 1], strides = [1, 1]} : vector<200x120xf32> to vector<200x1xf32>
    %slice3A_930 = vector.extract_strided_slice %transpose3A_199 {offsets = [31, 0], sizes = [1, 200], strides = [1, 1]} : vector<120x200xf32> to vector<1x200xf32>
    %min3A_931 = vector.broadcast %slice3A_929 : vector<200x1xf32> to vector<200x200xf32>
    %min3A_932 = vector.broadcast %slice3A_930 : vector<1x200xf32> to vector<200x200xf32>
    %min3A_933 = arith.minimumf %min3A_931, %min3A_932 : vector<200x200xf32>
    %add3A_934 = arith.addf %add3A_928, %min3A_933 : vector<200x200xf32>
    %slice3A_935 = vector.extract_strided_slice %div3A_198 {offsets = [0, 32], sizes = [200, 1], strides = [1, 1]} : vector<200x120xf32> to vector<200x1xf32>
    %slice3A_936 = vector.extract_strided_slice %transpose3A_199 {offsets = [32, 0], sizes = [1, 200], strides = [1, 1]} : vector<120x200xf32> to vector<1x200xf32>
    %min3A_937 = vector.broadcast %slice3A_935 : vector<200x1xf32> to vector<200x200xf32>
    %min3A_938 = vector.broadcast %slice3A_936 : vector<1x200xf32> to vector<200x200xf32>
    %min3A_939 = arith.minimumf %min3A_937, %min3A_938 : vector<200x200xf32>
    %add3A_940 = arith.addf %add3A_934, %min3A_939 : vector<200x200xf32>
    %slice3A_941 = vector.extract_strided_slice %div3A_198 {offsets = [0, 33], sizes = [200, 1], strides = [1, 1]} : vector<200x120xf32> to vector<200x1xf32>
    %slice3A_942 = vector.extract_strided_slice %transpose3A_199 {offsets = [33, 0], sizes = [1, 200], strides = [1, 1]} : vector<120x200xf32> to vector<1x200xf32>
    %min3A_943 = vector.broadcast %slice3A_941 : vector<200x1xf32> to vector<200x200xf32>
    %min3A_944 = vector.broadcast %slice3A_942 : vector<1x200xf32> to vector<200x200xf32>
    %min3A_945 = arith.minimumf %min3A_943, %min3A_944 : vector<200x200xf32>
    %add3A_946 = arith.addf %add3A_940, %min3A_945 : vector<200x200xf32>
    %slice3A_947 = vector.extract_strided_slice %div3A_198 {offsets = [0, 34], sizes = [200, 1], strides = [1, 1]} : vector<200x120xf32> to vector<200x1xf32>
    %slice3A_948 = vector.extract_strided_slice %transpose3A_199 {offsets = [34, 0], sizes = [1, 200], strides = [1, 1]} : vector<120x200xf32> to vector<1x200xf32>
    %min3A_949 = vector.broadcast %slice3A_947 : vector<200x1xf32> to vector<200x200xf32>
    %min3A_950 = vector.broadcast %slice3A_948 : vector<1x200xf32> to vector<200x200xf32>
    %min3A_951 = arith.minimumf %min3A_949, %min3A_950 : vector<200x200xf32>
    %add3A_952 = arith.addf %add3A_946, %min3A_951 : vector<200x200xf32>
    %slice3A_953 = vector.extract_strided_slice %div3A_198 {offsets = [0, 35], sizes = [200, 1], strides = [1, 1]} : vector<200x120xf32> to vector<200x1xf32>
    %slice3A_954 = vector.extract_strided_slice %transpose3A_199 {offsets = [35, 0], sizes = [1, 200], strides = [1, 1]} : vector<120x200xf32> to vector<1x200xf32>
    %min3A_955 = vector.broadcast %slice3A_953 : vector<200x1xf32> to vector<200x200xf32>
    %min3A_956 = vector.broadcast %slice3A_954 : vector<1x200xf32> to vector<200x200xf32>
    %min3A_957 = arith.minimumf %min3A_955, %min3A_956 : vector<200x200xf32>
    %add3A_958 = arith.addf %add3A_952, %min3A_957 : vector<200x200xf32>
    %slice3A_959 = vector.extract_strided_slice %div3A_198 {offsets = [0, 36], sizes = [200, 1], strides = [1, 1]} : vector<200x120xf32> to vector<200x1xf32>
    %slice3A_960 = vector.extract_strided_slice %transpose3A_199 {offsets = [36, 0], sizes = [1, 200], strides = [1, 1]} : vector<120x200xf32> to vector<1x200xf32>
    %min3A_961 = vector.broadcast %slice3A_959 : vector<200x1xf32> to vector<200x200xf32>
    %min3A_962 = vector.broadcast %slice3A_960 : vector<1x200xf32> to vector<200x200xf32>
    %min3A_963 = arith.minimumf %min3A_961, %min3A_962 : vector<200x200xf32>
    %add3A_964 = arith.addf %add3A_958, %min3A_963 : vector<200x200xf32>
    %slice3A_965 = vector.extract_strided_slice %div3A_198 {offsets = [0, 37], sizes = [200, 1], strides = [1, 1]} : vector<200x120xf32> to vector<200x1xf32>
    %slice3A_966 = vector.extract_strided_slice %transpose3A_199 {offsets = [37, 0], sizes = [1, 200], strides = [1, 1]} : vector<120x200xf32> to vector<1x200xf32>
    %min3A_967 = vector.broadcast %slice3A_965 : vector<200x1xf32> to vector<200x200xf32>
    %min3A_968 = vector.broadcast %slice3A_966 : vector<1x200xf32> to vector<200x200xf32>
    %min3A_969 = arith.minimumf %min3A_967, %min3A_968 : vector<200x200xf32>
    %add3A_970 = arith.addf %add3A_964, %min3A_969 : vector<200x200xf32>
    %slice3A_971 = vector.extract_strided_slice %div3A_198 {offsets = [0, 38], sizes = [200, 1], strides = [1, 1]} : vector<200x120xf32> to vector<200x1xf32>
    %slice3A_972 = vector.extract_strided_slice %transpose3A_199 {offsets = [38, 0], sizes = [1, 200], strides = [1, 1]} : vector<120x200xf32> to vector<1x200xf32>
    %min3A_973 = vector.broadcast %slice3A_971 : vector<200x1xf32> to vector<200x200xf32>
    %min3A_974 = vector.broadcast %slice3A_972 : vector<1x200xf32> to vector<200x200xf32>
    %min3A_975 = arith.minimumf %min3A_973, %min3A_974 : vector<200x200xf32>
    %add3A_976 = arith.addf %add3A_970, %min3A_975 : vector<200x200xf32>
    %slice3A_977 = vector.extract_strided_slice %div3A_198 {offsets = [0, 39], sizes = [200, 1], strides = [1, 1]} : vector<200x120xf32> to vector<200x1xf32>
    %slice3A_978 = vector.extract_strided_slice %transpose3A_199 {offsets = [39, 0], sizes = [1, 200], strides = [1, 1]} : vector<120x200xf32> to vector<1x200xf32>
    %min3A_979 = vector.broadcast %slice3A_977 : vector<200x1xf32> to vector<200x200xf32>
    %min3A_980 = vector.broadcast %slice3A_978 : vector<1x200xf32> to vector<200x200xf32>
    %min3A_981 = arith.minimumf %min3A_979, %min3A_980 : vector<200x200xf32>
    %add3A_982 = arith.addf %add3A_976, %min3A_981 : vector<200x200xf32>
    %slice3A_983 = vector.extract_strided_slice %div3A_198 {offsets = [0, 40], sizes = [200, 1], strides = [1, 1]} : vector<200x120xf32> to vector<200x1xf32>
    %slice3A_984 = vector.extract_strided_slice %transpose3A_199 {offsets = [40, 0], sizes = [1, 200], strides = [1, 1]} : vector<120x200xf32> to vector<1x200xf32>
    %min3A_985 = vector.broadcast %slice3A_983 : vector<200x1xf32> to vector<200x200xf32>
    %min3A_986 = vector.broadcast %slice3A_984 : vector<1x200xf32> to vector<200x200xf32>
    %min3A_987 = arith.minimumf %min3A_985, %min3A_986 : vector<200x200xf32>
    %add3A_988 = arith.addf %add3A_982, %min3A_987 : vector<200x200xf32>
    %slice3A_989 = vector.extract_strided_slice %div3A_198 {offsets = [0, 41], sizes = [200, 1], strides = [1, 1]} : vector<200x120xf32> to vector<200x1xf32>
    %slice3A_990 = vector.extract_strided_slice %transpose3A_199 {offsets = [41, 0], sizes = [1, 200], strides = [1, 1]} : vector<120x200xf32> to vector<1x200xf32>
    %min3A_991 = vector.broadcast %slice3A_989 : vector<200x1xf32> to vector<200x200xf32>
    %min3A_992 = vector.broadcast %slice3A_990 : vector<1x200xf32> to vector<200x200xf32>
    %min3A_993 = arith.minimumf %min3A_991, %min3A_992 : vector<200x200xf32>
    %add3A_994 = arith.addf %add3A_988, %min3A_993 : vector<200x200xf32>
    %slice3A_995 = vector.extract_strided_slice %div3A_198 {offsets = [0, 42], sizes = [200, 1], strides = [1, 1]} : vector<200x120xf32> to vector<200x1xf32>
    %slice3A_996 = vector.extract_strided_slice %transpose3A_199 {offsets = [42, 0], sizes = [1, 200], strides = [1, 1]} : vector<120x200xf32> to vector<1x200xf32>
    %min3A_997 = vector.broadcast %slice3A_995 : vector<200x1xf32> to vector<200x200xf32>
    %min3A_998 = vector.broadcast %slice3A_996 : vector<1x200xf32> to vector<200x200xf32>
    %min3A_999 = arith.minimumf %min3A_997, %min3A_998 : vector<200x200xf32>
    %add3A_1000 = arith.addf %add3A_994, %min3A_999 : vector<200x200xf32>
    %slice3A_1001 = vector.extract_strided_slice %div3A_198 {offsets = [0, 43], sizes = [200, 1], strides = [1, 1]} : vector<200x120xf32> to vector<200x1xf32>
    %slice3A_1002 = vector.extract_strided_slice %transpose3A_199 {offsets = [43, 0], sizes = [1, 200], strides = [1, 1]} : vector<120x200xf32> to vector<1x200xf32>
    %min3A_1003 = vector.broadcast %slice3A_1001 : vector<200x1xf32> to vector<200x200xf32>
    %min3A_1004 = vector.broadcast %slice3A_1002 : vector<1x200xf32> to vector<200x200xf32>
    %min3A_1005 = arith.minimumf %min3A_1003, %min3A_1004 : vector<200x200xf32>
    %add3A_1006 = arith.addf %add3A_1000, %min3A_1005 : vector<200x200xf32>
    %slice3A_1007 = vector.extract_strided_slice %div3A_198 {offsets = [0, 44], sizes = [200, 1], strides = [1, 1]} : vector<200x120xf32> to vector<200x1xf32>
    %slice3A_1008 = vector.extract_strided_slice %transpose3A_199 {offsets = [44, 0], sizes = [1, 200], strides = [1, 1]} : vector<120x200xf32> to vector<1x200xf32>
    %min3A_1009 = vector.broadcast %slice3A_1007 : vector<200x1xf32> to vector<200x200xf32>
    %min3A_1010 = vector.broadcast %slice3A_1008 : vector<1x200xf32> to vector<200x200xf32>
    %min3A_1011 = arith.minimumf %min3A_1009, %min3A_1010 : vector<200x200xf32>
    %add3A_1012 = arith.addf %add3A_1006, %min3A_1011 : vector<200x200xf32>
    %slice3A_1013 = vector.extract_strided_slice %div3A_198 {offsets = [0, 45], sizes = [200, 1], strides = [1, 1]} : vector<200x120xf32> to vector<200x1xf32>
    %slice3A_1014 = vector.extract_strided_slice %transpose3A_199 {offsets = [45, 0], sizes = [1, 200], strides = [1, 1]} : vector<120x200xf32> to vector<1x200xf32>
    %min3A_1015 = vector.broadcast %slice3A_1013 : vector<200x1xf32> to vector<200x200xf32>
    %min3A_1016 = vector.broadcast %slice3A_1014 : vector<1x200xf32> to vector<200x200xf32>
    %min3A_1017 = arith.minimumf %min3A_1015, %min3A_1016 : vector<200x200xf32>
    %add3A_1018 = arith.addf %add3A_1012, %min3A_1017 : vector<200x200xf32>
    %slice3A_1019 = vector.extract_strided_slice %div3A_198 {offsets = [0, 46], sizes = [200, 1], strides = [1, 1]} : vector<200x120xf32> to vector<200x1xf32>
    %slice3A_1020 = vector.extract_strided_slice %transpose3A_199 {offsets = [46, 0], sizes = [1, 200], strides = [1, 1]} : vector<120x200xf32> to vector<1x200xf32>
    %min3A_1021 = vector.broadcast %slice3A_1019 : vector<200x1xf32> to vector<200x200xf32>
    %min3A_1022 = vector.broadcast %slice3A_1020 : vector<1x200xf32> to vector<200x200xf32>
    %min3A_1023 = arith.minimumf %min3A_1021, %min3A_1022 : vector<200x200xf32>
    %add3A_1024 = arith.addf %add3A_1018, %min3A_1023 : vector<200x200xf32>
    %slice3A_1025 = vector.extract_strided_slice %div3A_198 {offsets = [0, 47], sizes = [200, 1], strides = [1, 1]} : vector<200x120xf32> to vector<200x1xf32>
    %slice3A_1026 = vector.extract_strided_slice %transpose3A_199 {offsets = [47, 0], sizes = [1, 200], strides = [1, 1]} : vector<120x200xf32> to vector<1x200xf32>
    %min3A_1027 = vector.broadcast %slice3A_1025 : vector<200x1xf32> to vector<200x200xf32>
    %min3A_1028 = vector.broadcast %slice3A_1026 : vector<1x200xf32> to vector<200x200xf32>
    %min3A_1029 = arith.minimumf %min3A_1027, %min3A_1028 : vector<200x200xf32>
    %add3A_1030 = arith.addf %add3A_1024, %min3A_1029 : vector<200x200xf32>
    %slice3A_1031 = vector.extract_strided_slice %div3A_198 {offsets = [0, 48], sizes = [200, 1], strides = [1, 1]} : vector<200x120xf32> to vector<200x1xf32>
    %slice3A_1032 = vector.extract_strided_slice %transpose3A_199 {offsets = [48, 0], sizes = [1, 200], strides = [1, 1]} : vector<120x200xf32> to vector<1x200xf32>
    %min3A_1033 = vector.broadcast %slice3A_1031 : vector<200x1xf32> to vector<200x200xf32>
    %min3A_1034 = vector.broadcast %slice3A_1032 : vector<1x200xf32> to vector<200x200xf32>
    %min3A_1035 = arith.minimumf %min3A_1033, %min3A_1034 : vector<200x200xf32>
    %add3A_1036 = arith.addf %add3A_1030, %min3A_1035 : vector<200x200xf32>
    %slice3A_1037 = vector.extract_strided_slice %div3A_198 {offsets = [0, 49], sizes = [200, 1], strides = [1, 1]} : vector<200x120xf32> to vector<200x1xf32>
    %slice3A_1038 = vector.extract_strided_slice %transpose3A_199 {offsets = [49, 0], sizes = [1, 200], strides = [1, 1]} : vector<120x200xf32> to vector<1x200xf32>
    %min3A_1039 = vector.broadcast %slice3A_1037 : vector<200x1xf32> to vector<200x200xf32>
    %min3A_1040 = vector.broadcast %slice3A_1038 : vector<1x200xf32> to vector<200x200xf32>
    %min3A_1041 = arith.minimumf %min3A_1039, %min3A_1040 : vector<200x200xf32>
    %add3A_1042 = arith.addf %add3A_1036, %min3A_1041 : vector<200x200xf32>
    %slice3A_1043 = vector.extract_strided_slice %div3A_198 {offsets = [0, 50], sizes = [200, 1], strides = [1, 1]} : vector<200x120xf32> to vector<200x1xf32>
    %slice3A_1044 = vector.extract_strided_slice %transpose3A_199 {offsets = [50, 0], sizes = [1, 200], strides = [1, 1]} : vector<120x200xf32> to vector<1x200xf32>
    %min3A_1045 = vector.broadcast %slice3A_1043 : vector<200x1xf32> to vector<200x200xf32>
    %min3A_1046 = vector.broadcast %slice3A_1044 : vector<1x200xf32> to vector<200x200xf32>
    %min3A_1047 = arith.minimumf %min3A_1045, %min3A_1046 : vector<200x200xf32>
    %add3A_1048 = arith.addf %add3A_1042, %min3A_1047 : vector<200x200xf32>
    %slice3A_1049 = vector.extract_strided_slice %div3A_198 {offsets = [0, 51], sizes = [200, 1], strides = [1, 1]} : vector<200x120xf32> to vector<200x1xf32>
    %slice3A_1050 = vector.extract_strided_slice %transpose3A_199 {offsets = [51, 0], sizes = [1, 200], strides = [1, 1]} : vector<120x200xf32> to vector<1x200xf32>
    %min3A_1051 = vector.broadcast %slice3A_1049 : vector<200x1xf32> to vector<200x200xf32>
    %min3A_1052 = vector.broadcast %slice3A_1050 : vector<1x200xf32> to vector<200x200xf32>
    %min3A_1053 = arith.minimumf %min3A_1051, %min3A_1052 : vector<200x200xf32>
    %add3A_1054 = arith.addf %add3A_1048, %min3A_1053 : vector<200x200xf32>
    %slice3A_1055 = vector.extract_strided_slice %div3A_198 {offsets = [0, 52], sizes = [200, 1], strides = [1, 1]} : vector<200x120xf32> to vector<200x1xf32>
    %slice3A_1056 = vector.extract_strided_slice %transpose3A_199 {offsets = [52, 0], sizes = [1, 200], strides = [1, 1]} : vector<120x200xf32> to vector<1x200xf32>
    %min3A_1057 = vector.broadcast %slice3A_1055 : vector<200x1xf32> to vector<200x200xf32>
    %min3A_1058 = vector.broadcast %slice3A_1056 : vector<1x200xf32> to vector<200x200xf32>
    %min3A_1059 = arith.minimumf %min3A_1057, %min3A_1058 : vector<200x200xf32>
    %add3A_1060 = arith.addf %add3A_1054, %min3A_1059 : vector<200x200xf32>
    %slice3A_1061 = vector.extract_strided_slice %div3A_198 {offsets = [0, 53], sizes = [200, 1], strides = [1, 1]} : vector<200x120xf32> to vector<200x1xf32>
    %slice3A_1062 = vector.extract_strided_slice %transpose3A_199 {offsets = [53, 0], sizes = [1, 200], strides = [1, 1]} : vector<120x200xf32> to vector<1x200xf32>
    %min3A_1063 = vector.broadcast %slice3A_1061 : vector<200x1xf32> to vector<200x200xf32>
    %min3A_1064 = vector.broadcast %slice3A_1062 : vector<1x200xf32> to vector<200x200xf32>
    %min3A_1065 = arith.minimumf %min3A_1063, %min3A_1064 : vector<200x200xf32>
    %add3A_1066 = arith.addf %add3A_1060, %min3A_1065 : vector<200x200xf32>
    %slice3A_1067 = vector.extract_strided_slice %div3A_198 {offsets = [0, 54], sizes = [200, 1], strides = [1, 1]} : vector<200x120xf32> to vector<200x1xf32>
    %slice3A_1068 = vector.extract_strided_slice %transpose3A_199 {offsets = [54, 0], sizes = [1, 200], strides = [1, 1]} : vector<120x200xf32> to vector<1x200xf32>
    %min3A_1069 = vector.broadcast %slice3A_1067 : vector<200x1xf32> to vector<200x200xf32>
    %min3A_1070 = vector.broadcast %slice3A_1068 : vector<1x200xf32> to vector<200x200xf32>
    %min3A_1071 = arith.minimumf %min3A_1069, %min3A_1070 : vector<200x200xf32>
    %add3A_1072 = arith.addf %add3A_1066, %min3A_1071 : vector<200x200xf32>
    %slice3A_1073 = vector.extract_strided_slice %div3A_198 {offsets = [0, 55], sizes = [200, 1], strides = [1, 1]} : vector<200x120xf32> to vector<200x1xf32>
    %slice3A_1074 = vector.extract_strided_slice %transpose3A_199 {offsets = [55, 0], sizes = [1, 200], strides = [1, 1]} : vector<120x200xf32> to vector<1x200xf32>
    %min3A_1075 = vector.broadcast %slice3A_1073 : vector<200x1xf32> to vector<200x200xf32>
    %min3A_1076 = vector.broadcast %slice3A_1074 : vector<1x200xf32> to vector<200x200xf32>
    %min3A_1077 = arith.minimumf %min3A_1075, %min3A_1076 : vector<200x200xf32>
    %add3A_1078 = arith.addf %add3A_1072, %min3A_1077 : vector<200x200xf32>
    %slice3A_1079 = vector.extract_strided_slice %div3A_198 {offsets = [0, 56], sizes = [200, 1], strides = [1, 1]} : vector<200x120xf32> to vector<200x1xf32>
    %slice3A_1080 = vector.extract_strided_slice %transpose3A_199 {offsets = [56, 0], sizes = [1, 200], strides = [1, 1]} : vector<120x200xf32> to vector<1x200xf32>
    %min3A_1081 = vector.broadcast %slice3A_1079 : vector<200x1xf32> to vector<200x200xf32>
    %min3A_1082 = vector.broadcast %slice3A_1080 : vector<1x200xf32> to vector<200x200xf32>
    %min3A_1083 = arith.minimumf %min3A_1081, %min3A_1082 : vector<200x200xf32>
    %add3A_1084 = arith.addf %add3A_1078, %min3A_1083 : vector<200x200xf32>
    %slice3A_1085 = vector.extract_strided_slice %div3A_198 {offsets = [0, 57], sizes = [200, 1], strides = [1, 1]} : vector<200x120xf32> to vector<200x1xf32>
    %slice3A_1086 = vector.extract_strided_slice %transpose3A_199 {offsets = [57, 0], sizes = [1, 200], strides = [1, 1]} : vector<120x200xf32> to vector<1x200xf32>
    %min3A_1087 = vector.broadcast %slice3A_1085 : vector<200x1xf32> to vector<200x200xf32>
    %min3A_1088 = vector.broadcast %slice3A_1086 : vector<1x200xf32> to vector<200x200xf32>
    %min3A_1089 = arith.minimumf %min3A_1087, %min3A_1088 : vector<200x200xf32>
    %add3A_1090 = arith.addf %add3A_1084, %min3A_1089 : vector<200x200xf32>
    %slice3A_1091 = vector.extract_strided_slice %div3A_198 {offsets = [0, 58], sizes = [200, 1], strides = [1, 1]} : vector<200x120xf32> to vector<200x1xf32>
    %slice3A_1092 = vector.extract_strided_slice %transpose3A_199 {offsets = [58, 0], sizes = [1, 200], strides = [1, 1]} : vector<120x200xf32> to vector<1x200xf32>
    %min3A_1093 = vector.broadcast %slice3A_1091 : vector<200x1xf32> to vector<200x200xf32>
    %min3A_1094 = vector.broadcast %slice3A_1092 : vector<1x200xf32> to vector<200x200xf32>
    %min3A_1095 = arith.minimumf %min3A_1093, %min3A_1094 : vector<200x200xf32>
    %add3A_1096 = arith.addf %add3A_1090, %min3A_1095 : vector<200x200xf32>
    %slice3A_1097 = vector.extract_strided_slice %div3A_198 {offsets = [0, 59], sizes = [200, 1], strides = [1, 1]} : vector<200x120xf32> to vector<200x1xf32>
    %slice3A_1098 = vector.extract_strided_slice %transpose3A_199 {offsets = [59, 0], sizes = [1, 200], strides = [1, 1]} : vector<120x200xf32> to vector<1x200xf32>
    %min3A_1099 = vector.broadcast %slice3A_1097 : vector<200x1xf32> to vector<200x200xf32>
    %min3A_1100 = vector.broadcast %slice3A_1098 : vector<1x200xf32> to vector<200x200xf32>
    %min3A_1101 = arith.minimumf %min3A_1099, %min3A_1100 : vector<200x200xf32>
    %add3A_1102 = arith.addf %add3A_1096, %min3A_1101 : vector<200x200xf32>
    %slice3A_1103 = vector.extract_strided_slice %div3A_198 {offsets = [0, 60], sizes = [200, 1], strides = [1, 1]} : vector<200x120xf32> to vector<200x1xf32>
    %slice3A_1104 = vector.extract_strided_slice %transpose3A_199 {offsets = [60, 0], sizes = [1, 200], strides = [1, 1]} : vector<120x200xf32> to vector<1x200xf32>
    %min3A_1105 = vector.broadcast %slice3A_1103 : vector<200x1xf32> to vector<200x200xf32>
    %min3A_1106 = vector.broadcast %slice3A_1104 : vector<1x200xf32> to vector<200x200xf32>
    %min3A_1107 = arith.minimumf %min3A_1105, %min3A_1106 : vector<200x200xf32>
    %add3A_1108 = arith.addf %add3A_1102, %min3A_1107 : vector<200x200xf32>
    %slice3A_1109 = vector.extract_strided_slice %div3A_198 {offsets = [0, 61], sizes = [200, 1], strides = [1, 1]} : vector<200x120xf32> to vector<200x1xf32>
    %slice3A_1110 = vector.extract_strided_slice %transpose3A_199 {offsets = [61, 0], sizes = [1, 200], strides = [1, 1]} : vector<120x200xf32> to vector<1x200xf32>
    %min3A_1111 = vector.broadcast %slice3A_1109 : vector<200x1xf32> to vector<200x200xf32>
    %min3A_1112 = vector.broadcast %slice3A_1110 : vector<1x200xf32> to vector<200x200xf32>
    %min3A_1113 = arith.minimumf %min3A_1111, %min3A_1112 : vector<200x200xf32>
    %add3A_1114 = arith.addf %add3A_1108, %min3A_1113 : vector<200x200xf32>
    %slice3A_1115 = vector.extract_strided_slice %div3A_198 {offsets = [0, 62], sizes = [200, 1], strides = [1, 1]} : vector<200x120xf32> to vector<200x1xf32>
    %slice3A_1116 = vector.extract_strided_slice %transpose3A_199 {offsets = [62, 0], sizes = [1, 200], strides = [1, 1]} : vector<120x200xf32> to vector<1x200xf32>
    %min3A_1117 = vector.broadcast %slice3A_1115 : vector<200x1xf32> to vector<200x200xf32>
    %min3A_1118 = vector.broadcast %slice3A_1116 : vector<1x200xf32> to vector<200x200xf32>
    %min3A_1119 = arith.minimumf %min3A_1117, %min3A_1118 : vector<200x200xf32>
    %add3A_1120 = arith.addf %add3A_1114, %min3A_1119 : vector<200x200xf32>
    %slice3A_1121 = vector.extract_strided_slice %div3A_198 {offsets = [0, 63], sizes = [200, 1], strides = [1, 1]} : vector<200x120xf32> to vector<200x1xf32>
    %slice3A_1122 = vector.extract_strided_slice %transpose3A_199 {offsets = [63, 0], sizes = [1, 200], strides = [1, 1]} : vector<120x200xf32> to vector<1x200xf32>
    %min3A_1123 = vector.broadcast %slice3A_1121 : vector<200x1xf32> to vector<200x200xf32>
    %min3A_1124 = vector.broadcast %slice3A_1122 : vector<1x200xf32> to vector<200x200xf32>
    %min3A_1125 = arith.minimumf %min3A_1123, %min3A_1124 : vector<200x200xf32>
    %add3A_1126 = arith.addf %add3A_1120, %min3A_1125 : vector<200x200xf32>
    %slice3A_1127 = vector.extract_strided_slice %div3A_198 {offsets = [0, 64], sizes = [200, 1], strides = [1, 1]} : vector<200x120xf32> to vector<200x1xf32>
    %slice3A_1128 = vector.extract_strided_slice %transpose3A_199 {offsets = [64, 0], sizes = [1, 200], strides = [1, 1]} : vector<120x200xf32> to vector<1x200xf32>
    %min3A_1129 = vector.broadcast %slice3A_1127 : vector<200x1xf32> to vector<200x200xf32>
    %min3A_1130 = vector.broadcast %slice3A_1128 : vector<1x200xf32> to vector<200x200xf32>
    %min3A_1131 = arith.minimumf %min3A_1129, %min3A_1130 : vector<200x200xf32>
    %add3A_1132 = arith.addf %add3A_1126, %min3A_1131 : vector<200x200xf32>
    %slice3A_1133 = vector.extract_strided_slice %div3A_198 {offsets = [0, 65], sizes = [200, 1], strides = [1, 1]} : vector<200x120xf32> to vector<200x1xf32>
    %slice3A_1134 = vector.extract_strided_slice %transpose3A_199 {offsets = [65, 0], sizes = [1, 200], strides = [1, 1]} : vector<120x200xf32> to vector<1x200xf32>
    %min3A_1135 = vector.broadcast %slice3A_1133 : vector<200x1xf32> to vector<200x200xf32>
    %min3A_1136 = vector.broadcast %slice3A_1134 : vector<1x200xf32> to vector<200x200xf32>
    %min3A_1137 = arith.minimumf %min3A_1135, %min3A_1136 : vector<200x200xf32>
    %add3A_1138 = arith.addf %add3A_1132, %min3A_1137 : vector<200x200xf32>
    %slice3A_1139 = vector.extract_strided_slice %div3A_198 {offsets = [0, 66], sizes = [200, 1], strides = [1, 1]} : vector<200x120xf32> to vector<200x1xf32>
    %slice3A_1140 = vector.extract_strided_slice %transpose3A_199 {offsets = [66, 0], sizes = [1, 200], strides = [1, 1]} : vector<120x200xf32> to vector<1x200xf32>
    %min3A_1141 = vector.broadcast %slice3A_1139 : vector<200x1xf32> to vector<200x200xf32>
    %min3A_1142 = vector.broadcast %slice3A_1140 : vector<1x200xf32> to vector<200x200xf32>
    %min3A_1143 = arith.minimumf %min3A_1141, %min3A_1142 : vector<200x200xf32>
    %add3A_1144 = arith.addf %add3A_1138, %min3A_1143 : vector<200x200xf32>
    %slice3A_1145 = vector.extract_strided_slice %div3A_198 {offsets = [0, 67], sizes = [200, 1], strides = [1, 1]} : vector<200x120xf32> to vector<200x1xf32>
    %slice3A_1146 = vector.extract_strided_slice %transpose3A_199 {offsets = [67, 0], sizes = [1, 200], strides = [1, 1]} : vector<120x200xf32> to vector<1x200xf32>
    %min3A_1147 = vector.broadcast %slice3A_1145 : vector<200x1xf32> to vector<200x200xf32>
    %min3A_1148 = vector.broadcast %slice3A_1146 : vector<1x200xf32> to vector<200x200xf32>
    %min3A_1149 = arith.minimumf %min3A_1147, %min3A_1148 : vector<200x200xf32>
    %add3A_1150 = arith.addf %add3A_1144, %min3A_1149 : vector<200x200xf32>
    %slice3A_1151 = vector.extract_strided_slice %div3A_198 {offsets = [0, 68], sizes = [200, 1], strides = [1, 1]} : vector<200x120xf32> to vector<200x1xf32>
    %slice3A_1152 = vector.extract_strided_slice %transpose3A_199 {offsets = [68, 0], sizes = [1, 200], strides = [1, 1]} : vector<120x200xf32> to vector<1x200xf32>
    %min3A_1153 = vector.broadcast %slice3A_1151 : vector<200x1xf32> to vector<200x200xf32>
    %min3A_1154 = vector.broadcast %slice3A_1152 : vector<1x200xf32> to vector<200x200xf32>
    %min3A_1155 = arith.minimumf %min3A_1153, %min3A_1154 : vector<200x200xf32>
    %add3A_1156 = arith.addf %add3A_1150, %min3A_1155 : vector<200x200xf32>
    %slice3A_1157 = vector.extract_strided_slice %div3A_198 {offsets = [0, 69], sizes = [200, 1], strides = [1, 1]} : vector<200x120xf32> to vector<200x1xf32>
    %slice3A_1158 = vector.extract_strided_slice %transpose3A_199 {offsets = [69, 0], sizes = [1, 200], strides = [1, 1]} : vector<120x200xf32> to vector<1x200xf32>
    %min3A_1159 = vector.broadcast %slice3A_1157 : vector<200x1xf32> to vector<200x200xf32>
    %min3A_1160 = vector.broadcast %slice3A_1158 : vector<1x200xf32> to vector<200x200xf32>
    %min3A_1161 = arith.minimumf %min3A_1159, %min3A_1160 : vector<200x200xf32>
    %add3A_1162 = arith.addf %add3A_1156, %min3A_1161 : vector<200x200xf32>
    %slice3A_1163 = vector.extract_strided_slice %div3A_198 {offsets = [0, 70], sizes = [200, 1], strides = [1, 1]} : vector<200x120xf32> to vector<200x1xf32>
    %slice3A_1164 = vector.extract_strided_slice %transpose3A_199 {offsets = [70, 0], sizes = [1, 200], strides = [1, 1]} : vector<120x200xf32> to vector<1x200xf32>
    %min3A_1165 = vector.broadcast %slice3A_1163 : vector<200x1xf32> to vector<200x200xf32>
    %min3A_1166 = vector.broadcast %slice3A_1164 : vector<1x200xf32> to vector<200x200xf32>
    %min3A_1167 = arith.minimumf %min3A_1165, %min3A_1166 : vector<200x200xf32>
    %add3A_1168 = arith.addf %add3A_1162, %min3A_1167 : vector<200x200xf32>
    %slice3A_1169 = vector.extract_strided_slice %div3A_198 {offsets = [0, 71], sizes = [200, 1], strides = [1, 1]} : vector<200x120xf32> to vector<200x1xf32>
    %slice3A_1170 = vector.extract_strided_slice %transpose3A_199 {offsets = [71, 0], sizes = [1, 200], strides = [1, 1]} : vector<120x200xf32> to vector<1x200xf32>
    %min3A_1171 = vector.broadcast %slice3A_1169 : vector<200x1xf32> to vector<200x200xf32>
    %min3A_1172 = vector.broadcast %slice3A_1170 : vector<1x200xf32> to vector<200x200xf32>
    %min3A_1173 = arith.minimumf %min3A_1171, %min3A_1172 : vector<200x200xf32>
    %add3A_1174 = arith.addf %add3A_1168, %min3A_1173 : vector<200x200xf32>
    %slice3A_1175 = vector.extract_strided_slice %div3A_198 {offsets = [0, 72], sizes = [200, 1], strides = [1, 1]} : vector<200x120xf32> to vector<200x1xf32>
    %slice3A_1176 = vector.extract_strided_slice %transpose3A_199 {offsets = [72, 0], sizes = [1, 200], strides = [1, 1]} : vector<120x200xf32> to vector<1x200xf32>
    %min3A_1177 = vector.broadcast %slice3A_1175 : vector<200x1xf32> to vector<200x200xf32>
    %min3A_1178 = vector.broadcast %slice3A_1176 : vector<1x200xf32> to vector<200x200xf32>
    %min3A_1179 = arith.minimumf %min3A_1177, %min3A_1178 : vector<200x200xf32>
    %add3A_1180 = arith.addf %add3A_1174, %min3A_1179 : vector<200x200xf32>
    %slice3A_1181 = vector.extract_strided_slice %div3A_198 {offsets = [0, 73], sizes = [200, 1], strides = [1, 1]} : vector<200x120xf32> to vector<200x1xf32>
    %slice3A_1182 = vector.extract_strided_slice %transpose3A_199 {offsets = [73, 0], sizes = [1, 200], strides = [1, 1]} : vector<120x200xf32> to vector<1x200xf32>
    %min3A_1183 = vector.broadcast %slice3A_1181 : vector<200x1xf32> to vector<200x200xf32>
    %min3A_1184 = vector.broadcast %slice3A_1182 : vector<1x200xf32> to vector<200x200xf32>
    %min3A_1185 = arith.minimumf %min3A_1183, %min3A_1184 : vector<200x200xf32>
    %add3A_1186 = arith.addf %add3A_1180, %min3A_1185 : vector<200x200xf32>
    %slice3A_1187 = vector.extract_strided_slice %div3A_198 {offsets = [0, 74], sizes = [200, 1], strides = [1, 1]} : vector<200x120xf32> to vector<200x1xf32>
    %slice3A_1188 = vector.extract_strided_slice %transpose3A_199 {offsets = [74, 0], sizes = [1, 200], strides = [1, 1]} : vector<120x200xf32> to vector<1x200xf32>
    %min3A_1189 = vector.broadcast %slice3A_1187 : vector<200x1xf32> to vector<200x200xf32>
    %min3A_1190 = vector.broadcast %slice3A_1188 : vector<1x200xf32> to vector<200x200xf32>
    %min3A_1191 = arith.minimumf %min3A_1189, %min3A_1190 : vector<200x200xf32>
    %add3A_1192 = arith.addf %add3A_1186, %min3A_1191 : vector<200x200xf32>
    %slice3A_1193 = vector.extract_strided_slice %div3A_198 {offsets = [0, 75], sizes = [200, 1], strides = [1, 1]} : vector<200x120xf32> to vector<200x1xf32>
    %slice3A_1194 = vector.extract_strided_slice %transpose3A_199 {offsets = [75, 0], sizes = [1, 200], strides = [1, 1]} : vector<120x200xf32> to vector<1x200xf32>
    %min3A_1195 = vector.broadcast %slice3A_1193 : vector<200x1xf32> to vector<200x200xf32>
    %min3A_1196 = vector.broadcast %slice3A_1194 : vector<1x200xf32> to vector<200x200xf32>
    %min3A_1197 = arith.minimumf %min3A_1195, %min3A_1196 : vector<200x200xf32>
    %add3A_1198 = arith.addf %add3A_1192, %min3A_1197 : vector<200x200xf32>
    %slice3A_1199 = vector.extract_strided_slice %div3A_198 {offsets = [0, 76], sizes = [200, 1], strides = [1, 1]} : vector<200x120xf32> to vector<200x1xf32>
    %slice3A_1200 = vector.extract_strided_slice %transpose3A_199 {offsets = [76, 0], sizes = [1, 200], strides = [1, 1]} : vector<120x200xf32> to vector<1x200xf32>
    %min3A_1201 = vector.broadcast %slice3A_1199 : vector<200x1xf32> to vector<200x200xf32>
    %min3A_1202 = vector.broadcast %slice3A_1200 : vector<1x200xf32> to vector<200x200xf32>
    %min3A_1203 = arith.minimumf %min3A_1201, %min3A_1202 : vector<200x200xf32>
    %add3A_1204 = arith.addf %add3A_1198, %min3A_1203 : vector<200x200xf32>
    %slice3A_1205 = vector.extract_strided_slice %div3A_198 {offsets = [0, 77], sizes = [200, 1], strides = [1, 1]} : vector<200x120xf32> to vector<200x1xf32>
    %slice3A_1206 = vector.extract_strided_slice %transpose3A_199 {offsets = [77, 0], sizes = [1, 200], strides = [1, 1]} : vector<120x200xf32> to vector<1x200xf32>
    %min3A_1207 = vector.broadcast %slice3A_1205 : vector<200x1xf32> to vector<200x200xf32>
    %min3A_1208 = vector.broadcast %slice3A_1206 : vector<1x200xf32> to vector<200x200xf32>
    %min3A_1209 = arith.minimumf %min3A_1207, %min3A_1208 : vector<200x200xf32>
    %add3A_1210 = arith.addf %add3A_1204, %min3A_1209 : vector<200x200xf32>
    %slice3A_1211 = vector.extract_strided_slice %div3A_198 {offsets = [0, 78], sizes = [200, 1], strides = [1, 1]} : vector<200x120xf32> to vector<200x1xf32>
    %slice3A_1212 = vector.extract_strided_slice %transpose3A_199 {offsets = [78, 0], sizes = [1, 200], strides = [1, 1]} : vector<120x200xf32> to vector<1x200xf32>
    %min3A_1213 = vector.broadcast %slice3A_1211 : vector<200x1xf32> to vector<200x200xf32>
    %min3A_1214 = vector.broadcast %slice3A_1212 : vector<1x200xf32> to vector<200x200xf32>
    %min3A_1215 = arith.minimumf %min3A_1213, %min3A_1214 : vector<200x200xf32>
    %add3A_1216 = arith.addf %add3A_1210, %min3A_1215 : vector<200x200xf32>
    %slice3A_1217 = vector.extract_strided_slice %div3A_198 {offsets = [0, 79], sizes = [200, 1], strides = [1, 1]} : vector<200x120xf32> to vector<200x1xf32>
    %slice3A_1218 = vector.extract_strided_slice %transpose3A_199 {offsets = [79, 0], sizes = [1, 200], strides = [1, 1]} : vector<120x200xf32> to vector<1x200xf32>
    %min3A_1219 = vector.broadcast %slice3A_1217 : vector<200x1xf32> to vector<200x200xf32>
    %min3A_1220 = vector.broadcast %slice3A_1218 : vector<1x200xf32> to vector<200x200xf32>
    %min3A_1221 = arith.minimumf %min3A_1219, %min3A_1220 : vector<200x200xf32>
    %add3A_1222 = arith.addf %add3A_1216, %min3A_1221 : vector<200x200xf32>
    %slice3A_1223 = vector.extract_strided_slice %div3A_198 {offsets = [0, 80], sizes = [200, 1], strides = [1, 1]} : vector<200x120xf32> to vector<200x1xf32>
    %slice3A_1224 = vector.extract_strided_slice %transpose3A_199 {offsets = [80, 0], sizes = [1, 200], strides = [1, 1]} : vector<120x200xf32> to vector<1x200xf32>
    %min3A_1225 = vector.broadcast %slice3A_1223 : vector<200x1xf32> to vector<200x200xf32>
    %min3A_1226 = vector.broadcast %slice3A_1224 : vector<1x200xf32> to vector<200x200xf32>
    %min3A_1227 = arith.minimumf %min3A_1225, %min3A_1226 : vector<200x200xf32>
    %add3A_1228 = arith.addf %add3A_1222, %min3A_1227 : vector<200x200xf32>
    %slice3A_1229 = vector.extract_strided_slice %div3A_198 {offsets = [0, 81], sizes = [200, 1], strides = [1, 1]} : vector<200x120xf32> to vector<200x1xf32>
    %slice3A_1230 = vector.extract_strided_slice %transpose3A_199 {offsets = [81, 0], sizes = [1, 200], strides = [1, 1]} : vector<120x200xf32> to vector<1x200xf32>
    %min3A_1231 = vector.broadcast %slice3A_1229 : vector<200x1xf32> to vector<200x200xf32>
    %min3A_1232 = vector.broadcast %slice3A_1230 : vector<1x200xf32> to vector<200x200xf32>
    %min3A_1233 = arith.minimumf %min3A_1231, %min3A_1232 : vector<200x200xf32>
    %add3A_1234 = arith.addf %add3A_1228, %min3A_1233 : vector<200x200xf32>
    %slice3A_1235 = vector.extract_strided_slice %div3A_198 {offsets = [0, 82], sizes = [200, 1], strides = [1, 1]} : vector<200x120xf32> to vector<200x1xf32>
    %slice3A_1236 = vector.extract_strided_slice %transpose3A_199 {offsets = [82, 0], sizes = [1, 200], strides = [1, 1]} : vector<120x200xf32> to vector<1x200xf32>
    %min3A_1237 = vector.broadcast %slice3A_1235 : vector<200x1xf32> to vector<200x200xf32>
    %min3A_1238 = vector.broadcast %slice3A_1236 : vector<1x200xf32> to vector<200x200xf32>
    %min3A_1239 = arith.minimumf %min3A_1237, %min3A_1238 : vector<200x200xf32>
    %add3A_1240 = arith.addf %add3A_1234, %min3A_1239 : vector<200x200xf32>
    %slice3A_1241 = vector.extract_strided_slice %div3A_198 {offsets = [0, 83], sizes = [200, 1], strides = [1, 1]} : vector<200x120xf32> to vector<200x1xf32>
    %slice3A_1242 = vector.extract_strided_slice %transpose3A_199 {offsets = [83, 0], sizes = [1, 200], strides = [1, 1]} : vector<120x200xf32> to vector<1x200xf32>
    %min3A_1243 = vector.broadcast %slice3A_1241 : vector<200x1xf32> to vector<200x200xf32>
    %min3A_1244 = vector.broadcast %slice3A_1242 : vector<1x200xf32> to vector<200x200xf32>
    %min3A_1245 = arith.minimumf %min3A_1243, %min3A_1244 : vector<200x200xf32>
    %add3A_1246 = arith.addf %add3A_1240, %min3A_1245 : vector<200x200xf32>
    %slice3A_1247 = vector.extract_strided_slice %div3A_198 {offsets = [0, 84], sizes = [200, 1], strides = [1, 1]} : vector<200x120xf32> to vector<200x1xf32>
    %slice3A_1248 = vector.extract_strided_slice %transpose3A_199 {offsets = [84, 0], sizes = [1, 200], strides = [1, 1]} : vector<120x200xf32> to vector<1x200xf32>
    %min3A_1249 = vector.broadcast %slice3A_1247 : vector<200x1xf32> to vector<200x200xf32>
    %min3A_1250 = vector.broadcast %slice3A_1248 : vector<1x200xf32> to vector<200x200xf32>
    %min3A_1251 = arith.minimumf %min3A_1249, %min3A_1250 : vector<200x200xf32>
    %add3A_1252 = arith.addf %add3A_1246, %min3A_1251 : vector<200x200xf32>
    %slice3A_1253 = vector.extract_strided_slice %div3A_198 {offsets = [0, 85], sizes = [200, 1], strides = [1, 1]} : vector<200x120xf32> to vector<200x1xf32>
    %slice3A_1254 = vector.extract_strided_slice %transpose3A_199 {offsets = [85, 0], sizes = [1, 200], strides = [1, 1]} : vector<120x200xf32> to vector<1x200xf32>
    %min3A_1255 = vector.broadcast %slice3A_1253 : vector<200x1xf32> to vector<200x200xf32>
    %min3A_1256 = vector.broadcast %slice3A_1254 : vector<1x200xf32> to vector<200x200xf32>
    %min3A_1257 = arith.minimumf %min3A_1255, %min3A_1256 : vector<200x200xf32>
    %add3A_1258 = arith.addf %add3A_1252, %min3A_1257 : vector<200x200xf32>
    %slice3A_1259 = vector.extract_strided_slice %div3A_198 {offsets = [0, 86], sizes = [200, 1], strides = [1, 1]} : vector<200x120xf32> to vector<200x1xf32>
    %slice3A_1260 = vector.extract_strided_slice %transpose3A_199 {offsets = [86, 0], sizes = [1, 200], strides = [1, 1]} : vector<120x200xf32> to vector<1x200xf32>
    %min3A_1261 = vector.broadcast %slice3A_1259 : vector<200x1xf32> to vector<200x200xf32>
    %min3A_1262 = vector.broadcast %slice3A_1260 : vector<1x200xf32> to vector<200x200xf32>
    %min3A_1263 = arith.minimumf %min3A_1261, %min3A_1262 : vector<200x200xf32>
    %add3A_1264 = arith.addf %add3A_1258, %min3A_1263 : vector<200x200xf32>
    %slice3A_1265 = vector.extract_strided_slice %div3A_198 {offsets = [0, 87], sizes = [200, 1], strides = [1, 1]} : vector<200x120xf32> to vector<200x1xf32>
    %slice3A_1266 = vector.extract_strided_slice %transpose3A_199 {offsets = [87, 0], sizes = [1, 200], strides = [1, 1]} : vector<120x200xf32> to vector<1x200xf32>
    %min3A_1267 = vector.broadcast %slice3A_1265 : vector<200x1xf32> to vector<200x200xf32>
    %min3A_1268 = vector.broadcast %slice3A_1266 : vector<1x200xf32> to vector<200x200xf32>
    %min3A_1269 = arith.minimumf %min3A_1267, %min3A_1268 : vector<200x200xf32>
    %add3A_1270 = arith.addf %add3A_1264, %min3A_1269 : vector<200x200xf32>
    %slice3A_1271 = vector.extract_strided_slice %div3A_198 {offsets = [0, 88], sizes = [200, 1], strides = [1, 1]} : vector<200x120xf32> to vector<200x1xf32>
    %slice3A_1272 = vector.extract_strided_slice %transpose3A_199 {offsets = [88, 0], sizes = [1, 200], strides = [1, 1]} : vector<120x200xf32> to vector<1x200xf32>
    %min3A_1273 = vector.broadcast %slice3A_1271 : vector<200x1xf32> to vector<200x200xf32>
    %min3A_1274 = vector.broadcast %slice3A_1272 : vector<1x200xf32> to vector<200x200xf32>
    %min3A_1275 = arith.minimumf %min3A_1273, %min3A_1274 : vector<200x200xf32>
    %add3A_1276 = arith.addf %add3A_1270, %min3A_1275 : vector<200x200xf32>
    %slice3A_1277 = vector.extract_strided_slice %div3A_198 {offsets = [0, 89], sizes = [200, 1], strides = [1, 1]} : vector<200x120xf32> to vector<200x1xf32>
    %slice3A_1278 = vector.extract_strided_slice %transpose3A_199 {offsets = [89, 0], sizes = [1, 200], strides = [1, 1]} : vector<120x200xf32> to vector<1x200xf32>
    %min3A_1279 = vector.broadcast %slice3A_1277 : vector<200x1xf32> to vector<200x200xf32>
    %min3A_1280 = vector.broadcast %slice3A_1278 : vector<1x200xf32> to vector<200x200xf32>
    %min3A_1281 = arith.minimumf %min3A_1279, %min3A_1280 : vector<200x200xf32>
    %add3A_1282 = arith.addf %add3A_1276, %min3A_1281 : vector<200x200xf32>
    %slice3A_1283 = vector.extract_strided_slice %div3A_198 {offsets = [0, 90], sizes = [200, 1], strides = [1, 1]} : vector<200x120xf32> to vector<200x1xf32>
    %slice3A_1284 = vector.extract_strided_slice %transpose3A_199 {offsets = [90, 0], sizes = [1, 200], strides = [1, 1]} : vector<120x200xf32> to vector<1x200xf32>
    %min3A_1285 = vector.broadcast %slice3A_1283 : vector<200x1xf32> to vector<200x200xf32>
    %min3A_1286 = vector.broadcast %slice3A_1284 : vector<1x200xf32> to vector<200x200xf32>
    %min3A_1287 = arith.minimumf %min3A_1285, %min3A_1286 : vector<200x200xf32>
    %add3A_1288 = arith.addf %add3A_1282, %min3A_1287 : vector<200x200xf32>
    %slice3A_1289 = vector.extract_strided_slice %div3A_198 {offsets = [0, 91], sizes = [200, 1], strides = [1, 1]} : vector<200x120xf32> to vector<200x1xf32>
    %slice3A_1290 = vector.extract_strided_slice %transpose3A_199 {offsets = [91, 0], sizes = [1, 200], strides = [1, 1]} : vector<120x200xf32> to vector<1x200xf32>
    %min3A_1291 = vector.broadcast %slice3A_1289 : vector<200x1xf32> to vector<200x200xf32>
    %min3A_1292 = vector.broadcast %slice3A_1290 : vector<1x200xf32> to vector<200x200xf32>
    %min3A_1293 = arith.minimumf %min3A_1291, %min3A_1292 : vector<200x200xf32>
    %add3A_1294 = arith.addf %add3A_1288, %min3A_1293 : vector<200x200xf32>
    %slice3A_1295 = vector.extract_strided_slice %div3A_198 {offsets = [0, 92], sizes = [200, 1], strides = [1, 1]} : vector<200x120xf32> to vector<200x1xf32>
    %slice3A_1296 = vector.extract_strided_slice %transpose3A_199 {offsets = [92, 0], sizes = [1, 200], strides = [1, 1]} : vector<120x200xf32> to vector<1x200xf32>
    %min3A_1297 = vector.broadcast %slice3A_1295 : vector<200x1xf32> to vector<200x200xf32>
    %min3A_1298 = vector.broadcast %slice3A_1296 : vector<1x200xf32> to vector<200x200xf32>
    %min3A_1299 = arith.minimumf %min3A_1297, %min3A_1298 : vector<200x200xf32>
    %add3A_1300 = arith.addf %add3A_1294, %min3A_1299 : vector<200x200xf32>
    %slice3A_1301 = vector.extract_strided_slice %div3A_198 {offsets = [0, 93], sizes = [200, 1], strides = [1, 1]} : vector<200x120xf32> to vector<200x1xf32>
    %slice3A_1302 = vector.extract_strided_slice %transpose3A_199 {offsets = [93, 0], sizes = [1, 200], strides = [1, 1]} : vector<120x200xf32> to vector<1x200xf32>
    %min3A_1303 = vector.broadcast %slice3A_1301 : vector<200x1xf32> to vector<200x200xf32>
    %min3A_1304 = vector.broadcast %slice3A_1302 : vector<1x200xf32> to vector<200x200xf32>
    %min3A_1305 = arith.minimumf %min3A_1303, %min3A_1304 : vector<200x200xf32>
    %add3A_1306 = arith.addf %add3A_1300, %min3A_1305 : vector<200x200xf32>
    %slice3A_1307 = vector.extract_strided_slice %div3A_198 {offsets = [0, 94], sizes = [200, 1], strides = [1, 1]} : vector<200x120xf32> to vector<200x1xf32>
    %slice3A_1308 = vector.extract_strided_slice %transpose3A_199 {offsets = [94, 0], sizes = [1, 200], strides = [1, 1]} : vector<120x200xf32> to vector<1x200xf32>
    %min3A_1309 = vector.broadcast %slice3A_1307 : vector<200x1xf32> to vector<200x200xf32>
    %min3A_1310 = vector.broadcast %slice3A_1308 : vector<1x200xf32> to vector<200x200xf32>
    %min3A_1311 = arith.minimumf %min3A_1309, %min3A_1310 : vector<200x200xf32>
    %add3A_1312 = arith.addf %add3A_1306, %min3A_1311 : vector<200x200xf32>
    %slice3A_1313 = vector.extract_strided_slice %div3A_198 {offsets = [0, 95], sizes = [200, 1], strides = [1, 1]} : vector<200x120xf32> to vector<200x1xf32>
    %slice3A_1314 = vector.extract_strided_slice %transpose3A_199 {offsets = [95, 0], sizes = [1, 200], strides = [1, 1]} : vector<120x200xf32> to vector<1x200xf32>
    %min3A_1315 = vector.broadcast %slice3A_1313 : vector<200x1xf32> to vector<200x200xf32>
    %min3A_1316 = vector.broadcast %slice3A_1314 : vector<1x200xf32> to vector<200x200xf32>
    %min3A_1317 = arith.minimumf %min3A_1315, %min3A_1316 : vector<200x200xf32>
    %add3A_1318 = arith.addf %add3A_1312, %min3A_1317 : vector<200x200xf32>
    %slice3A_1319 = vector.extract_strided_slice %div3A_198 {offsets = [0, 96], sizes = [200, 1], strides = [1, 1]} : vector<200x120xf32> to vector<200x1xf32>
    %slice3A_1320 = vector.extract_strided_slice %transpose3A_199 {offsets = [96, 0], sizes = [1, 200], strides = [1, 1]} : vector<120x200xf32> to vector<1x200xf32>
    %min3A_1321 = vector.broadcast %slice3A_1319 : vector<200x1xf32> to vector<200x200xf32>
    %min3A_1322 = vector.broadcast %slice3A_1320 : vector<1x200xf32> to vector<200x200xf32>
    %min3A_1323 = arith.minimumf %min3A_1321, %min3A_1322 : vector<200x200xf32>
    %add3A_1324 = arith.addf %add3A_1318, %min3A_1323 : vector<200x200xf32>
    %slice3A_1325 = vector.extract_strided_slice %div3A_198 {offsets = [0, 97], sizes = [200, 1], strides = [1, 1]} : vector<200x120xf32> to vector<200x1xf32>
    %slice3A_1326 = vector.extract_strided_slice %transpose3A_199 {offsets = [97, 0], sizes = [1, 200], strides = [1, 1]} : vector<120x200xf32> to vector<1x200xf32>
    %min3A_1327 = vector.broadcast %slice3A_1325 : vector<200x1xf32> to vector<200x200xf32>
    %min3A_1328 = vector.broadcast %slice3A_1326 : vector<1x200xf32> to vector<200x200xf32>
    %min3A_1329 = arith.minimumf %min3A_1327, %min3A_1328 : vector<200x200xf32>
    %add3A_1330 = arith.addf %add3A_1324, %min3A_1329 : vector<200x200xf32>
    %slice3A_1331 = vector.extract_strided_slice %div3A_198 {offsets = [0, 98], sizes = [200, 1], strides = [1, 1]} : vector<200x120xf32> to vector<200x1xf32>
    %slice3A_1332 = vector.extract_strided_slice %transpose3A_199 {offsets = [98, 0], sizes = [1, 200], strides = [1, 1]} : vector<120x200xf32> to vector<1x200xf32>
    %min3A_1333 = vector.broadcast %slice3A_1331 : vector<200x1xf32> to vector<200x200xf32>
    %min3A_1334 = vector.broadcast %slice3A_1332 : vector<1x200xf32> to vector<200x200xf32>
    %min3A_1335 = arith.minimumf %min3A_1333, %min3A_1334 : vector<200x200xf32>
    %add3A_1336 = arith.addf %add3A_1330, %min3A_1335 : vector<200x200xf32>
    %slice3A_1337 = vector.extract_strided_slice %div3A_198 {offsets = [0, 99], sizes = [200, 1], strides = [1, 1]} : vector<200x120xf32> to vector<200x1xf32>
    %slice3A_1338 = vector.extract_strided_slice %transpose3A_199 {offsets = [99, 0], sizes = [1, 200], strides = [1, 1]} : vector<120x200xf32> to vector<1x200xf32>
    %min3A_1339 = vector.broadcast %slice3A_1337 : vector<200x1xf32> to vector<200x200xf32>
    %min3A_1340 = vector.broadcast %slice3A_1338 : vector<1x200xf32> to vector<200x200xf32>
    %min3A_1341 = arith.minimumf %min3A_1339, %min3A_1340 : vector<200x200xf32>
    %add3A_1342 = arith.addf %add3A_1336, %min3A_1341 : vector<200x200xf32>
    %slice3A_1343 = vector.extract_strided_slice %div3A_198 {offsets = [0, 100], sizes = [200, 1], strides = [1, 1]} : vector<200x120xf32> to vector<200x1xf32>
    %slice3A_1344 = vector.extract_strided_slice %transpose3A_199 {offsets = [100, 0], sizes = [1, 200], strides = [1, 1]} : vector<120x200xf32> to vector<1x200xf32>
    %min3A_1345 = vector.broadcast %slice3A_1343 : vector<200x1xf32> to vector<200x200xf32>
    %min3A_1346 = vector.broadcast %slice3A_1344 : vector<1x200xf32> to vector<200x200xf32>
    %min3A_1347 = arith.minimumf %min3A_1345, %min3A_1346 : vector<200x200xf32>
    %add3A_1348 = arith.addf %add3A_1342, %min3A_1347 : vector<200x200xf32>
    %slice3A_1349 = vector.extract_strided_slice %div3A_198 {offsets = [0, 101], sizes = [200, 1], strides = [1, 1]} : vector<200x120xf32> to vector<200x1xf32>
    %slice3A_1350 = vector.extract_strided_slice %transpose3A_199 {offsets = [101, 0], sizes = [1, 200], strides = [1, 1]} : vector<120x200xf32> to vector<1x200xf32>
    %min3A_1351 = vector.broadcast %slice3A_1349 : vector<200x1xf32> to vector<200x200xf32>
    %min3A_1352 = vector.broadcast %slice3A_1350 : vector<1x200xf32> to vector<200x200xf32>
    %min3A_1353 = arith.minimumf %min3A_1351, %min3A_1352 : vector<200x200xf32>
    %add3A_1354 = arith.addf %add3A_1348, %min3A_1353 : vector<200x200xf32>
    %slice3A_1355 = vector.extract_strided_slice %div3A_198 {offsets = [0, 102], sizes = [200, 1], strides = [1, 1]} : vector<200x120xf32> to vector<200x1xf32>
    %slice3A_1356 = vector.extract_strided_slice %transpose3A_199 {offsets = [102, 0], sizes = [1, 200], strides = [1, 1]} : vector<120x200xf32> to vector<1x200xf32>
    %min3A_1357 = vector.broadcast %slice3A_1355 : vector<200x1xf32> to vector<200x200xf32>
    %min3A_1358 = vector.broadcast %slice3A_1356 : vector<1x200xf32> to vector<200x200xf32>
    %min3A_1359 = arith.minimumf %min3A_1357, %min3A_1358 : vector<200x200xf32>
    %add3A_1360 = arith.addf %add3A_1354, %min3A_1359 : vector<200x200xf32>
    %slice3A_1361 = vector.extract_strided_slice %div3A_198 {offsets = [0, 103], sizes = [200, 1], strides = [1, 1]} : vector<200x120xf32> to vector<200x1xf32>
    %slice3A_1362 = vector.extract_strided_slice %transpose3A_199 {offsets = [103, 0], sizes = [1, 200], strides = [1, 1]} : vector<120x200xf32> to vector<1x200xf32>
    %min3A_1363 = vector.broadcast %slice3A_1361 : vector<200x1xf32> to vector<200x200xf32>
    %min3A_1364 = vector.broadcast %slice3A_1362 : vector<1x200xf32> to vector<200x200xf32>
    %min3A_1365 = arith.minimumf %min3A_1363, %min3A_1364 : vector<200x200xf32>
    %add3A_1366 = arith.addf %add3A_1360, %min3A_1365 : vector<200x200xf32>
    %slice3A_1367 = vector.extract_strided_slice %div3A_198 {offsets = [0, 104], sizes = [200, 1], strides = [1, 1]} : vector<200x120xf32> to vector<200x1xf32>
    %slice3A_1368 = vector.extract_strided_slice %transpose3A_199 {offsets = [104, 0], sizes = [1, 200], strides = [1, 1]} : vector<120x200xf32> to vector<1x200xf32>
    %min3A_1369 = vector.broadcast %slice3A_1367 : vector<200x1xf32> to vector<200x200xf32>
    %min3A_1370 = vector.broadcast %slice3A_1368 : vector<1x200xf32> to vector<200x200xf32>
    %min3A_1371 = arith.minimumf %min3A_1369, %min3A_1370 : vector<200x200xf32>
    %add3A_1372 = arith.addf %add3A_1366, %min3A_1371 : vector<200x200xf32>
    %slice3A_1373 = vector.extract_strided_slice %div3A_198 {offsets = [0, 105], sizes = [200, 1], strides = [1, 1]} : vector<200x120xf32> to vector<200x1xf32>
    %slice3A_1374 = vector.extract_strided_slice %transpose3A_199 {offsets = [105, 0], sizes = [1, 200], strides = [1, 1]} : vector<120x200xf32> to vector<1x200xf32>
    %min3A_1375 = vector.broadcast %slice3A_1373 : vector<200x1xf32> to vector<200x200xf32>
    %min3A_1376 = vector.broadcast %slice3A_1374 : vector<1x200xf32> to vector<200x200xf32>
    %min3A_1377 = arith.minimumf %min3A_1375, %min3A_1376 : vector<200x200xf32>
    %add3A_1378 = arith.addf %add3A_1372, %min3A_1377 : vector<200x200xf32>
    %slice3A_1379 = vector.extract_strided_slice %div3A_198 {offsets = [0, 106], sizes = [200, 1], strides = [1, 1]} : vector<200x120xf32> to vector<200x1xf32>
    %slice3A_1380 = vector.extract_strided_slice %transpose3A_199 {offsets = [106, 0], sizes = [1, 200], strides = [1, 1]} : vector<120x200xf32> to vector<1x200xf32>
    %min3A_1381 = vector.broadcast %slice3A_1379 : vector<200x1xf32> to vector<200x200xf32>
    %min3A_1382 = vector.broadcast %slice3A_1380 : vector<1x200xf32> to vector<200x200xf32>
    %min3A_1383 = arith.minimumf %min3A_1381, %min3A_1382 : vector<200x200xf32>
    %add3A_1384 = arith.addf %add3A_1378, %min3A_1383 : vector<200x200xf32>
    %slice3A_1385 = vector.extract_strided_slice %div3A_198 {offsets = [0, 107], sizes = [200, 1], strides = [1, 1]} : vector<200x120xf32> to vector<200x1xf32>
    %slice3A_1386 = vector.extract_strided_slice %transpose3A_199 {offsets = [107, 0], sizes = [1, 200], strides = [1, 1]} : vector<120x200xf32> to vector<1x200xf32>
    %min3A_1387 = vector.broadcast %slice3A_1385 : vector<200x1xf32> to vector<200x200xf32>
    %min3A_1388 = vector.broadcast %slice3A_1386 : vector<1x200xf32> to vector<200x200xf32>
    %min3A_1389 = arith.minimumf %min3A_1387, %min3A_1388 : vector<200x200xf32>
    %add3A_1390 = arith.addf %add3A_1384, %min3A_1389 : vector<200x200xf32>
    %slice3A_1391 = vector.extract_strided_slice %div3A_198 {offsets = [0, 108], sizes = [200, 1], strides = [1, 1]} : vector<200x120xf32> to vector<200x1xf32>
    %slice3A_1392 = vector.extract_strided_slice %transpose3A_199 {offsets = [108, 0], sizes = [1, 200], strides = [1, 1]} : vector<120x200xf32> to vector<1x200xf32>
    %min3A_1393 = vector.broadcast %slice3A_1391 : vector<200x1xf32> to vector<200x200xf32>
    %min3A_1394 = vector.broadcast %slice3A_1392 : vector<1x200xf32> to vector<200x200xf32>
    %min3A_1395 = arith.minimumf %min3A_1393, %min3A_1394 : vector<200x200xf32>
    %add3A_1396 = arith.addf %add3A_1390, %min3A_1395 : vector<200x200xf32>
    %slice3A_1397 = vector.extract_strided_slice %div3A_198 {offsets = [0, 109], sizes = [200, 1], strides = [1, 1]} : vector<200x120xf32> to vector<200x1xf32>
    %slice3A_1398 = vector.extract_strided_slice %transpose3A_199 {offsets = [109, 0], sizes = [1, 200], strides = [1, 1]} : vector<120x200xf32> to vector<1x200xf32>
    %min3A_1399 = vector.broadcast %slice3A_1397 : vector<200x1xf32> to vector<200x200xf32>
    %min3A_1400 = vector.broadcast %slice3A_1398 : vector<1x200xf32> to vector<200x200xf32>
    %min3A_1401 = arith.minimumf %min3A_1399, %min3A_1400 : vector<200x200xf32>
    %add3A_1402 = arith.addf %add3A_1396, %min3A_1401 : vector<200x200xf32>
    %slice3A_1403 = vector.extract_strided_slice %div3A_198 {offsets = [0, 110], sizes = [200, 1], strides = [1, 1]} : vector<200x120xf32> to vector<200x1xf32>
    %slice3A_1404 = vector.extract_strided_slice %transpose3A_199 {offsets = [110, 0], sizes = [1, 200], strides = [1, 1]} : vector<120x200xf32> to vector<1x200xf32>
    %min3A_1405 = vector.broadcast %slice3A_1403 : vector<200x1xf32> to vector<200x200xf32>
    %min3A_1406 = vector.broadcast %slice3A_1404 : vector<1x200xf32> to vector<200x200xf32>
    %min3A_1407 = arith.minimumf %min3A_1405, %min3A_1406 : vector<200x200xf32>
    %add3A_1408 = arith.addf %add3A_1402, %min3A_1407 : vector<200x200xf32>
    %slice3A_1409 = vector.extract_strided_slice %div3A_198 {offsets = [0, 111], sizes = [200, 1], strides = [1, 1]} : vector<200x120xf32> to vector<200x1xf32>
    %slice3A_1410 = vector.extract_strided_slice %transpose3A_199 {offsets = [111, 0], sizes = [1, 200], strides = [1, 1]} : vector<120x200xf32> to vector<1x200xf32>
    %min3A_1411 = vector.broadcast %slice3A_1409 : vector<200x1xf32> to vector<200x200xf32>
    %min3A_1412 = vector.broadcast %slice3A_1410 : vector<1x200xf32> to vector<200x200xf32>
    %min3A_1413 = arith.minimumf %min3A_1411, %min3A_1412 : vector<200x200xf32>
    %add3A_1414 = arith.addf %add3A_1408, %min3A_1413 : vector<200x200xf32>
    %slice3A_1415 = vector.extract_strided_slice %div3A_198 {offsets = [0, 112], sizes = [200, 1], strides = [1, 1]} : vector<200x120xf32> to vector<200x1xf32>
    %slice3A_1416 = vector.extract_strided_slice %transpose3A_199 {offsets = [112, 0], sizes = [1, 200], strides = [1, 1]} : vector<120x200xf32> to vector<1x200xf32>
    %min3A_1417 = vector.broadcast %slice3A_1415 : vector<200x1xf32> to vector<200x200xf32>
    %min3A_1418 = vector.broadcast %slice3A_1416 : vector<1x200xf32> to vector<200x200xf32>
    %min3A_1419 = arith.minimumf %min3A_1417, %min3A_1418 : vector<200x200xf32>
    %add3A_1420 = arith.addf %add3A_1414, %min3A_1419 : vector<200x200xf32>
    %slice3A_1421 = vector.extract_strided_slice %div3A_198 {offsets = [0, 113], sizes = [200, 1], strides = [1, 1]} : vector<200x120xf32> to vector<200x1xf32>
    %slice3A_1422 = vector.extract_strided_slice %transpose3A_199 {offsets = [113, 0], sizes = [1, 200], strides = [1, 1]} : vector<120x200xf32> to vector<1x200xf32>
    %min3A_1423 = vector.broadcast %slice3A_1421 : vector<200x1xf32> to vector<200x200xf32>
    %min3A_1424 = vector.broadcast %slice3A_1422 : vector<1x200xf32> to vector<200x200xf32>
    %min3A_1425 = arith.minimumf %min3A_1423, %min3A_1424 : vector<200x200xf32>
    %add3A_1426 = arith.addf %add3A_1420, %min3A_1425 : vector<200x200xf32>
    %slice3A_1427 = vector.extract_strided_slice %div3A_198 {offsets = [0, 114], sizes = [200, 1], strides = [1, 1]} : vector<200x120xf32> to vector<200x1xf32>
    %slice3A_1428 = vector.extract_strided_slice %transpose3A_199 {offsets = [114, 0], sizes = [1, 200], strides = [1, 1]} : vector<120x200xf32> to vector<1x200xf32>
    %min3A_1429 = vector.broadcast %slice3A_1427 : vector<200x1xf32> to vector<200x200xf32>
    %min3A_1430 = vector.broadcast %slice3A_1428 : vector<1x200xf32> to vector<200x200xf32>
    %min3A_1431 = arith.minimumf %min3A_1429, %min3A_1430 : vector<200x200xf32>
    %add3A_1432 = arith.addf %add3A_1426, %min3A_1431 : vector<200x200xf32>
    %slice3A_1433 = vector.extract_strided_slice %div3A_198 {offsets = [0, 115], sizes = [200, 1], strides = [1, 1]} : vector<200x120xf32> to vector<200x1xf32>
    %slice3A_1434 = vector.extract_strided_slice %transpose3A_199 {offsets = [115, 0], sizes = [1, 200], strides = [1, 1]} : vector<120x200xf32> to vector<1x200xf32>
    %min3A_1435 = vector.broadcast %slice3A_1433 : vector<200x1xf32> to vector<200x200xf32>
    %min3A_1436 = vector.broadcast %slice3A_1434 : vector<1x200xf32> to vector<200x200xf32>
    %min3A_1437 = arith.minimumf %min3A_1435, %min3A_1436 : vector<200x200xf32>
    %add3A_1438 = arith.addf %add3A_1432, %min3A_1437 : vector<200x200xf32>
    %slice3A_1439 = vector.extract_strided_slice %div3A_198 {offsets = [0, 116], sizes = [200, 1], strides = [1, 1]} : vector<200x120xf32> to vector<200x1xf32>
    %slice3A_1440 = vector.extract_strided_slice %transpose3A_199 {offsets = [116, 0], sizes = [1, 200], strides = [1, 1]} : vector<120x200xf32> to vector<1x200xf32>
    %min3A_1441 = vector.broadcast %slice3A_1439 : vector<200x1xf32> to vector<200x200xf32>
    %min3A_1442 = vector.broadcast %slice3A_1440 : vector<1x200xf32> to vector<200x200xf32>
    %min3A_1443 = arith.minimumf %min3A_1441, %min3A_1442 : vector<200x200xf32>
    %add3A_1444 = arith.addf %add3A_1438, %min3A_1443 : vector<200x200xf32>
    %slice3A_1445 = vector.extract_strided_slice %div3A_198 {offsets = [0, 117], sizes = [200, 1], strides = [1, 1]} : vector<200x120xf32> to vector<200x1xf32>
    %slice3A_1446 = vector.extract_strided_slice %transpose3A_199 {offsets = [117, 0], sizes = [1, 200], strides = [1, 1]} : vector<120x200xf32> to vector<1x200xf32>
    %min3A_1447 = vector.broadcast %slice3A_1445 : vector<200x1xf32> to vector<200x200xf32>
    %min3A_1448 = vector.broadcast %slice3A_1446 : vector<1x200xf32> to vector<200x200xf32>
    %min3A_1449 = arith.minimumf %min3A_1447, %min3A_1448 : vector<200x200xf32>
    %add3A_1450 = arith.addf %add3A_1444, %min3A_1449 : vector<200x200xf32>
    %slice3A_1451 = vector.extract_strided_slice %div3A_198 {offsets = [0, 118], sizes = [200, 1], strides = [1, 1]} : vector<200x120xf32> to vector<200x1xf32>
    %slice3A_1452 = vector.extract_strided_slice %transpose3A_199 {offsets = [118, 0], sizes = [1, 200], strides = [1, 1]} : vector<120x200xf32> to vector<1x200xf32>
    %min3A_1453 = vector.broadcast %slice3A_1451 : vector<200x1xf32> to vector<200x200xf32>
    %min3A_1454 = vector.broadcast %slice3A_1452 : vector<1x200xf32> to vector<200x200xf32>
    %min3A_1455 = arith.minimumf %min3A_1453, %min3A_1454 : vector<200x200xf32>
    %add3A_1456 = arith.addf %add3A_1450, %min3A_1455 : vector<200x200xf32>
    %slice3A_1457 = vector.extract_strided_slice %div3A_198 {offsets = [0, 119], sizes = [200, 1], strides = [1, 1]} : vector<200x120xf32> to vector<200x1xf32>
    %slice3A_1458 = vector.extract_strided_slice %transpose3A_199 {offsets = [119, 0], sizes = [1, 200], strides = [1, 1]} : vector<120x200xf32> to vector<1x200xf32>
    %min3A_1459 = vector.broadcast %slice3A_1457 : vector<200x1xf32> to vector<200x200xf32>
    %min3A_1460 = vector.broadcast %slice3A_1458 : vector<1x200xf32> to vector<200x200xf32>
    %min3A_1461 = arith.minimumf %min3A_1459, %min3A_1460 : vector<200x200xf32>
    %add3A_1462 = arith.addf %add3A_1456, %min3A_1461 : vector<200x200xf32>
    %swap3A = arith.constant 0 : index
    %swap3A_1463 = arith.constant 0 : index
    %swap3A_1464 = arith.constant 0 : index
    %swap3A_1465 = vector.load %arg10[%swap3A, %swap3A_1463, %swap3A_1464] : memref<1x200x200xf32, #tpu.memory_space<vmem>>, vector<1x200x200xf32>
    %swap3A_1466 = vector.shape_cast %swap3A_1465 : vector<1x200x200xf32> to vector<200x200xf32>
    %swap3A_1467 = vector.shape_cast %add3A_1462 : vector<200x200xf32> to vector<1x200x200xf32>
    tpu.vector_store %arg10[%swap3A, %swap3A_1463, %swap3A_1464], %swap3A_1467 {strides = array<i32>} : memref<1x200x200xf32, #tpu.memory_space<vmem>>, vector<1x200x200xf32>,
    return
  }
  func.func @transform_0(%arg0: i32) -> (i32, i32, i32, i32, i32) {
    %c0_i32 = arith.constant 0 : i32
    %c0_i32_0 = arith.constant 0 : i32
    %c0_i32_1 = arith.constant 0 : i32
    %c0_i32_2 = arith.constant 0 : i32
    %c0_i32_3 = arith.constant 0 : i32
    return %arg0, %c0_i32, %c0_i32_0, %c0_i32_1, %c0_i32_2 : i32, i32, i32, i32, i32
  }
  func.func @transform_1(%arg0: i32) -> (i32, i32, i32, i32, i32) {
    %c0_i32 = arith.constant 0 : i32
    %c0_i32_0 = arith.constant 0 : i32
    %c0_i32_1 = arith.constant 0 : i32
    %c0_i32_2 = arith.constant 0 : i32
    %c0_i32_3 = arith.constant 0 : i32
    return %arg0, %c0_i32, %c0_i32_0, %c0_i32_1, %c0_i32_2 : i32, i32, i32, i32, i32
  }
  func.func @transform_2(%arg0: i32) -> (i32, i32, i32, i32, i32) {
    %c0_i32 = arith.constant 0 : i32
    %c0_i32_0 = arith.constant 0 : i32
    %c0_i32_1 = arith.constant 0 : i32
    %c0_i32_2 = arith.constant 0 : i32
    %c0_i32_3 = arith.constant 0 : i32
    return %arg0, %c0_i32, %c0_i32_0, %c0_i32_1, %c0_i32_2 : i32, i32, i32, i32, i32
  }
  func.func @transform_3(%arg0: i32) -> (i32, i32, i32) {
    %c0_i32 = arith.constant 0 : i32
    %c0_i32_0 = arith.constant 0 : i32
    %c0_i32_1 = arith.constant 0 : i32
    return %arg0, %c0_i32, %c0_i32_0 : i32, i32, i32
  }
  func.func @transform_4(%arg0: i32) -> (i32, i32, i32) {
    %c0_i32 = arith.constant 0 : i32
    %c0_i32_0 = arith.constant 0 : i32
    %c0_i32_1 = arith.constant 0 : i32
    return %arg0, %c0_i32, %c0_i32_0 : i32, i32, i32
  }
  func.func @transform_5(%arg0: i32) -> (i32, i32) {
    %c0_i32 = arith.constant 0 : i32
    %c0_i32_0 = arith.constant 0 : i32
    %c0_i32_1 = arith.constant 0 : i32
    return %c0_i32, %c0_i32_0 : i32, i32
  }
  func.func @transform_6(%arg0: i32) -> (i32, i32) {
    %c0_i32 = arith.constant 0 : i32
    %c0_i32_0 = arith.constant 0 : i32
    %c0_i32_1 = arith.constant 0 : i32
    return %c0_i32, %c0_i32_0 : i32, i32
  }
  func.func @transform_7(%arg0: i32) -> (i32, i32) {
    %c0_i32 = arith.constant 0 : i32
    %c0_i32_0 = arith.constant 0 : i32
    %c0_i32_1 = arith.constant 0 : i32
    return %c0_i32, %c0_i32_0 : i32, i32
  }
  func.func @transform_8(%arg0: i32) -> (i32, i32) {
    %c0_i32 = arith.constant 0 : i32
    %c0_i32_0 = arith.constant 0 : i32
    %c0_i32_1 = arith.constant 0 : i32
    return %c0_i32, %c0_i32_0 : i32, i32
  }
  func.func @transform_9(%arg0: i32) -> (i32, i32, i32) {
    %c0_i32 = arith.constant 0 : i32
    %c0_i32_0 = arith.constant 0 : i32
    %c0_i32_1 = arith.constant 0 : i32
    return %arg0, %c0_i32, %c0_i32_0 : i32, i32, i32
  }
}

</mosaic_0001>

<sc_bundles>
// kernel: kernel.5.cloned.1.call-start
scs
__scs_entry_jumppad:
0x0: {  	(pc) =	sbr.rel $0x88, $3  }
0x1: {  	(tag) =	ssettag $0x0;
	lr =	simm.s32 $0x1  }
0x2: {  	[smem:$0x3F9F] =	sst lr;
	_ =	strace $0xD0000000  }
0x3: {  	_ = 	snop  }
0x4: {  	_ = 	snop  }
0x5: {  	_ = 	snop  }
0x6: {  	_ = 	snop  }
0x7: {  	_ = 	snop  }
__scs_overlays_trampoline_lowered:
0x8: {  	[smem:$0x3FAE] =	sst s0  }
0x9: {  	[smem:$0x3FAF] =	sst s1  }
0xa: {  	[smem:$0x3FB0] =	sst s2  }
0xb: {  	[smem:$0x3FB1] =	sst s3  }
0xc: {  	[smem:$0x3FB2] =	sst s4  }
0xd: {  	[smem:$0x3FB3] =	sst s5  }
0xe: {  	[smem:$0x3FB4] =	sst s6  }
0xf: {  	[smem:$0x3FB5] =	sst s7  }
0x10: {  	[smem:$0x3FB6] =	sst s8  }
0x11: {  	[smem:$0x3FB7] =	sst s9;
	s0 =	simm.s32 @!p0 $0x0  }
0x12: {  	s1 =	sld [smem:$0x3F9D];
	s0 =	simm.s32 @p0 $0x1  }
0x13: {  	[smem:$0x3FB8] =	sst s0;
	s0 =	simm.s32 @!p1 $0x0  }
0x14: {  	s2 =	sld [smem:$0x3F9C];
	s0 =	simm.s32 @p1 $0x1  }
0x15: {  	[smem:$0x3FB9] =	sst s0;
	s0 =	simm.s32 @!p2 $0x0  }
0x16: {  	s3 =	sld [smem:$0x3FDB];
	s0 =	simm.s32 @p2 $0x1  }
0x17: {  	s4 =	simm.s32 $0x1BF5;
	[smem:$0x3FBB] =	sst s0  }
0x18: {  	s0 =	sld [smem:$0x3F9E];
	_ =	swait.ge [sflag:s4], $0x0  }
0x19: {  	s7 =	sld [smem:$0x3F9F]  }
0x1a: {  	s8 =	sadd.s32 $0xFFFFE003, lr  }
0x1b: {  	s9 =	sadd.s32 $0xFFFFFEF7, lr;
	s5 =	simm.s32 $0xFFFFFFFF;
	p2 =	slt.u32 s8, $0xFFFFF086  }
0x1c: {  	p1 =	slt.u32 s9, $0xF7A;
	s5 =	simm.s32 @!p2 $0x0  }
0x1d: {  	s5 =	simm.s32 @p1 $0x1;
	p0 =	seq.s32 s7, s2  }
0x1e: {  	s7 =	smul.u32 @!p0 $0xF7A, s2;
	p2 =	seq.s32 @!p0 s5, $0x0  }
0x1f: {  	s9 =	smul.u32 $0xF7A, s1;
	s8 =	simm.s32 @!p0 $0x1BF5;
	p2 =	por !p2, p0  }
0x20: {  	[sflag:s8] =	ssyncset.s32 @!p0 $0xFFFFF086;
	s6 =	sadd.s32 @!p0 s3, s7;
	s7 =	simm.s32 @!p0 $0x108  }
0x21: {  	s3 =	sadd.s32 s3, s9;
	s6 =	sadd.s32 @!p0 $0x88, s6;
	s7 =	simm.s32 @p2 $0x1082  }
0x22: {  	[simem:s7], [sflag:s8] =	dma.local @!p0 [hbm:s6], $0xF7A  }
0x23: {  	s9 =	sor.u32 $0xD0000000, s2;
	s6 =	simm.s32 $0x108;
	_ =	swait.ge @!p0 [sflag:s8], $0x0  }
0x24: {  	s3 =	sadd.s32 $0x88, s3;
	s6 =	simm.s32 @!p1 $0x1082;
	[sflag:s4] =	ssyncset.s32 $0xFFFFF086  }
0x25: {  	[simem:s6], [sflag:s4] =	dma.local [hbm:s3], $0xF7A  }
0x26: {  	[smem:$0x3F9F] =	sst s1;
	(tag) =	ssettag s2;
	_ =	strace s9  }
0x27: {  	s1 =	sld [smem:$0x3FAF]  }
0x28: {  	s2 =	sld [smem:$0x3FB0]  }
0x29: {  	s4 =	sld [smem:$0x3FB2]  }
0x2a: {  	p0 =	seq.s32 s5, $0x0;
	s5 =	sld [smem:$0x3FB3]  }
0x2b: {  	s6 =	sld [smem:$0x3FB4]  }
0x2c: {  	s7 =	sld [smem:$0x3FB5]  }
0x2d: {  	s3 =	simm.s32 $0x108;
	s8 =	sld [smem:$0x3FB6]  }
0x2e: {  	s3 =	simm.s32 @!p0 $0x1082;
	s9 =	sld [smem:$0x3FB7]  }
0x2f: {  	lr =	sadd.s32 s0, s3;
	s0 =	sld [smem:$0x3FAE]  }
0x30: {  	s3 =	sld [smem:$0x3FB1]  }
0x31: {  	[smem:$0x3FBA] =	sst s10  }
0x32: {  	s10 =	sld [smem:$0x3FB8];
	_ =	sdelay $0x3  }
0x33: {  	p0 =	seq.s32 s10, $0x1;
	s10 =	sld [smem:$0x3FBA];
	_ =	sdelay $0x3  }
0x34: {  	[smem:$0x3FBA] =	sst s10  }
0x35: {  	s10 =	sld [smem:$0x3FB9];
	_ =	sdelay $0x3  }
0x36: {  	p1 =	seq.s32 s10, $0x1;
	s10 =	sld [smem:$0x3FBA];
	_ =	sdelay $0x3  }
0x37: {  	[smem:$0x3FBA] =	sst s10  }
0x38: {  	s10 =	sld [smem:$0x3FBB]  }
0x39: {  	_ = 	snop;
	(pc) =	sbr.ind lr, $3  }
0x3a: {  	_ = 	snop  }
0x3b: {  	_ = 	snop  }
0x3c: {  	p2 =	seq.s32 s10, $0x1;
	s10 =	sld [smem:$0x3FBA]  }
0x3d: {  	_ =	shalt  }
0x3e: {  	_ =	shalt  }
0x3f: {  	_ =	shalt  }
0x40: {  	_ =	shalt  }
0x41: {  	_ =	shalt  }
0x42: {  	_ =	shalt  }
0x43: {  	_ =	shalt  }
0x44: {  	_ =	shalt  }
0x45: {  	_ =	shalt  }
0x46: {  	_ =	shalt  }
0x47: {  	_ =	shalt  }
0x48: {  	_ =	shalt  }
0x49: {  	_ =	shalt  }
0x4a: {  	_ =	shalt  }
0x4b: {  	_ =	shalt  }
0x4c: {  	_ =	shalt  }
0x4d: {  	_ =	shalt  }
0x4e: {  	_ =	shalt  }
0x4f: {  	_ =	shalt  }
0x50: {  	_ =	shalt  }
0x51: {  	_ =	shalt  }
0x52: {  	_ =	shalt  }
0x53: {  	_ =	shalt  }
0x54: {  	_ =	shalt  }
0x55: {  	_ =	shalt  }
0x56: {  	_ =	shalt  }
0x57: {  	_ =	shalt  }
0x58: {  	_ =	shalt  }
0x59: {  	_ =	shalt  }
0x5a: {  	_ =	shalt  }
0x5b: {  	_ =	shalt  }
0x5c: {  	_ =	shalt  }
0x5d: {  	_ =	shalt  }
0x5e: {  	_ =	shalt  }
0x5f: {  	_ =	shalt  }
0x60: {  	_ =	shalt  }
0x61: {  	_ =	shalt  }
0x62: {  	_ =	shalt  }
0x63: {  	_ =	shalt  }
0x64: {  	_ =	shalt  }
0x65: {  	_ =	shalt  }
0x66: {  	_ =	shalt  }
0x67: {  	_ =	shalt  }
0x68: {  	_ =	shalt  }
0x69: {  	_ =	shalt  }
0x6a: {  	_ =	shalt  }
0x6b: {  	_ =	shalt  }
0x6c: {  	_ =	shalt  }
0x6d: {  	_ =	shalt  }
0x6e: {  	_ =	shalt  }
0x6f: {  	_ =	shalt  }
0x70: {  	_ =	shalt  }
0x71: {  	_ =	shalt  }
0x72: {  	_ =	shalt  }
0x73: {  	_ =	shalt  }
0x74: {  	_ =	shalt  }
0x75: {  	_ =	shalt  }
0x76: {  	_ =	shalt  }
0x77: {  	_ =	shalt  }
0x78: {  	_ =	shalt  }
0x79: {  	_ =	shalt  }
0x7a: {  	_ =	shalt  }
0x7b: {  	_ =	shalt  }
0x7c: {  	_ =	shalt  }
0x7d: {  	_ =	shalt  }
0x7e: {  	_ =	shalt  }
0x7f: {  	_ =	shalt  }
0x80: {  	_ =	shalt  }
0x81: {  	_ =	shalt  }
0x82: {  	_ =	shalt  }
0x83: {  	_ =	shalt  }
0x84: {  	_ =	shalt  }
0x85: {  	_ =	shalt  }
0x86: {  	_ =	shalt  }
0x87: {  	_ =	shalt  }
.Lfunc_end0:
.L_simem_size_0:
called_computation_lowered:
.L_overlay_start_0:
0x88: {  	s2 =	sld [smem:$0x3FD9]  }
0x89: {  	s3 =	sld [smem:$0x3FFE];
	_ =	sdelay $0x1  }
0x8a: {  	s1 =	srdreg.scid  }
0x8b: {  	s0 =	sand.u32 $0x1, s1  }
0x8c: {  	s17 =	sshll.u32 s0, $0xA;
	s2 =	sadd.s32 s3, s2  }
0x8d: {  	s2 =	sadd.s32 s2, s17  }
0x8e: {  	[smem:$0x3FC6] =	sst s2  }
0x8f: {  	_ = 	snop  }
0x90: {  	s2 =	sld [smem:$0x3FD0];
	(tm) =	ssettm $0x1  }
0x91: {  	s18 =	sld [smem:$0x3FFB];
	_ =	sdelay $0x3  }
0x92: {  	_ =	strace s18  }
0x93: {  	s3 =	sld [smem:$0x3FFC];
	_ =	sdelay $0x3  }
0x94: {  	_ =	strace s3  }
0x95: {  	s3 =	sld [smem:$0x3FFD];
	_ =	sdelay $0x3  }
0x96: {  	_ =	strace s3  }
0x97: {  	_ =	strace $0x8FFFFFFF  }
0x98: {  	s19 =	sld [smem:$0x3FDB];
	_ =	sdelay $0x1  }
0x99: {  	s4 =	simm.s32 $_scs_section_size  }
0x9a: {  	s5 =	simm.s32 $_size__tile_overlayer_lowered;
	s6 =	simm.s32 $_tile_overlayer_lowered  }
0x9b: {  	s22 =	simm.s32 $0x1BFF;
	s21 =	sshll.u32 s6, $0x1;
	s3 =	sadd.s32 s4, s19  }
0x9c: {  	s7 =	simm.s32 $0x0;
	s20 =	sshll.u32 s5, $0x1;
	s5 =	sadd.s32 s21, s3  }
0x9d: {  	[timem:s7], [sflag:s22] =	dma.local [hbm:s5], s20  }
0x9e: {  	_ =	swait.ge [sflag:s22], s20  }
0x9f: {  	s4 =	ssub.s32 $0x0, s20;
	[sflag:s22] =	ssyncset.done $0x0  }
0xa0: {  	[sflag:s22] =	ssyncadd.s32 s4;
	_ =	sdelay $0x1  }
0xa1: {  	s23 =	simm.s32 $0x1B8B  }
0xa2: {  	_ =	swait.ge [sflag:s23], $0x1  }
0xa3: {  	[sflag:s23] =	ssyncset.done $0x0  }
0xa4: {  	s25 =	simm.s32 $0x1B8E;
	s24 =	sld [smem:$0x3FFE];
	[sflag:s23] =	ssyncadd.s32 $0xFFFFFFFF  }
0xa5: {  	s26 =	simm.s32 $execute0_lowered;
	[smem:$0x3FD2] =	sst s25  }
0xa6: {  	s5 =	sshll.u32 s26, $0x1;
	_ =	strace $0x80000046;
	[dreg:$0x1] =	wrdreg $0xFFFFFFFF  }
0xa7: {  	s28 =	simm.s32 $_size_execute0_lowered;
	s3 =	sadd.s32 s3, s5;
	[dreg:$0x0] =	wrdreg $0x0  }
0xa8: {  	s5 =	sshll.u32 s28, $0x1;
	[dreg:$0x2] =	wrdreg s3  }
0xa9: {  	[dreg:$0x3] =	wrdreg s5  }
0xaa: {  	[dreg:$0x4] =	wrdreg $0xC0  }
0xab: {  	_ =	task [dreg:s7], $0x5FFFF  }
0xac: {  	[dreg:$0x1] =	wrdreg $0xFFFFFFFF  }
0xad: {  	[dreg:$0x0] =	wrdreg $0x60  }
0xae: {  	[dreg:$0x2] =	wrdreg s24  }
0xaf: {  	[dreg:$0x3] =	wrdreg s2  }
0xb0: {  	[dreg:$0x4] =	wrdreg $0x9  }
0xb1: {  	_ =	task.clear_ibuf [dreg:s7], $0x5FFFF;
	_ =	strace $0x90000046  }
0xb2: {  	s29 =	simm.s32 $0x9;
	_ =	strace $0x80000048  }
0xb3: {  	_ =	swait.ge [sflag:s29], $0x1  }
0xb4: {  	[sflag:s29] =	ssyncadd.s32 $0xFFFFFFFF  }
0xb5: {  	_ =	strace $0x90000048  }
0xb6: {  	_ =	sfence  }
0xb7: {  	s30 =	sld [smem:$0x0];
	_ =	sdelay $0x2  }
0xb8: {  	s31 =	sshll.u32 s1, $0xD;
	s1 =	sshrl.u32 s1, $0x2  }
0xb9: {  	s3 =	sand.u32 $0x4000, s31;
	s1 =	sadd.s32 s1, s30  }
0xba: {  	s0 =	sor.u32 s3, s0;
	s1 =	sshll.u32 s1, $0x11  }
0xbb: {  	s0 =	sor.u32 s1, s0  }
0xbc: {  	s0 =	sadd.s32 $0x8F2B, s0  }
0xbd: {  	[sflag:s0] =	ssyncadd.remote.s32 $0x1  }
0xbe: {  	_ =	sfence.sel $0xFFFF  }
0xbf: {  	[dreg:$0x0] =	wrdreg $0xFFFFFFFF;
	(pc) =	sbr.abs _section_cstart, $3  }
0xc0: {  	[dreg:$0x1] =	wrdreg $0xFFFFFFFF  }
0xc1: {  	_ =	task.clear_ibuf [dreg:s7], $0x2FFFF;
	_ =	strace $0x9FFFFFFF  }
0xc2: {  	(tm) =	ssettm $0x7FFFFFFF  }
0xc3: {  	_ =	shalt  }
tec
execute0_lowered:
.L_overlay_start_1:
0x0: {  	(tag) =	ssettag $0x1  }
0x1: {  	s2 =	rddreg [dreg:$0x0]  }
0x2: {  	s6 =	rddreg [dreg:$0x1];
	s1 =	simm.s32 $0x0;
	s0 =	srdreg.scid  }
0x3: {  	s9 =	stileid.u32;
	s29 =	simm.s32 $0x1;
	s30 =	simm.s32 $0x3  }
0x4: {  	s31 =	simm.s32 $0x4800;
	s28 =	simm.s32 $0x0;
	s7 =	sand.u32 $0x1, s0  }
0x5: {  	[smem:$0x7FF] =	sst s1;
	s3 =	sadd.s32 $0x37A00, s2;
	s0 =	sshll.u32 s7, $0x4  }
0x6: {  	s4 =	sadd.s32 $0x1A00, s2;
	_ =	strace $0x80000047;
	s0 =	sor.u32 s9, s0  }
0x7: {  	s7 =	ssub.s32 $0x2, s7;
	s9 =	sand.u32 $0x1, s9;
	s8 =	smul.u32 $0x186A, s0  }
0x8: {  	s23 =	sshrl.u32 s7, $0x1;
	s5 =	sshrl.u32 s0, $0x1;
	s11 =	smul.u32 $0x9C4, s0  }
0x9: {  	p0 =	seq.s32 s9, $0x1;
	s9 =	simm.s32 $0x12000;
	s15 =	smul.u32 $0x4800, s0  }
0xa: {  	s7 =	ssub.s32 s7, s23;
	s14 =	smul.u32 $0x24000, s0;
	s21 =	sand.u32 $0x1C, s0  }
0xb: {  	p1 =	sgt.u32 s0, $0x17;
	p2 =	slt.u32 s0, $0x1C;
	s10 =	smul.u32 $0x24000, s5  }
0xc: {  	s5 =	sadd.s32 $0xA3A00, s2;
	s9 =	simm.s32 @!p0 $0x0;
	p0 =	sne.s32 s21, $0x18  }
0xd: {  	s8 =	sadd.s32 s8, s2;
	s12 =	sadd.s32 s11, s2;
	s22 =	sadd.s32 $0xFFCA0000, s14  }
0xe: {  	s23 =	sadd.s32 s5, s15;
	s17 =	sadd.s32 $0xFFCA2400, s14;
	s18 =	sadd.s32 $0xFFCA3600, s14  }
0xf: {  	s9 =	sadd.s32 s9, s10;
	s8 =	sadd.s32 $0x6DA00, s8;
	s20 =	sadd.s32 $0x92400, s12  }
0x10: {  	s15 =	sadd.s32 $0xFFF94000, s23;
	s24 =	sshrl.u32 s9, $0x3;
	[dreg:$0x7] =	wrdreg s8  }
0x11: {  	v0 =	vlaneseq.u32;
	s23 =	sadd.s32 $0xFFC13600, s14;
	[dreg:$0x8] =	wrdreg s20;
	s25 =	sadd.s32 s3, s24  }
0x12: {  	v0 =	vmul.u32 $0xC8, v0;
	s20 =	sadd.s32 $0xFFC12400, s14;
	s11 =	sadd.s32 s4, s24;
	[dreg:$0x3] =	wrdreg s25  }
0x13: {  	v1 =	vimm.f32 $0.0e+00;
	s26 =	sor.u32 $0x240, s24;
	s24 =	smul.u32 $0x2580, s0;
	[dreg:$0x4] =	wrdreg s11  }
0x14: {  	v2 =	vimm.f32 $1.000000000e+00;
	v3 =	vadd.s32 $0xC80, v0;
	v4 =	vadd.s32 $0x1900, v0;
	s13 =	sadd.s32 s3, s26;
	s10 =	sadd.s32 s4, s26;
	s11 =	sadd.s32 $0x3600, s9  }
0x15: {  	v5 =	vadd.s32 $0x2580, v0;
	v6 =	vadd.s32 $0x3200, v0;
	v7 =	vadd.s32 $0x3E80, v0;
	s25 =	sadd.s32 $0xA3C40, s2;
	s26 =	sadd.s32 $0xFFC10000, s14;
	[dreg:$0x5] =	wrdreg s13  }
0x16: {  	v8 =	vadd.s32 $0x4B00, v0;
	v9 =	vadd.s32 $0x5780, v0;
	v10 =	vadd.s32 $0x6400, v0;
	s13 =	smul.u32 $0xFA, s0;
	[dreg:$0x6] =	wrdreg s10;
	s10 =	sadd.s32 $0x2400, s9  }
.Ltmp0:
0x17: {  	v11 =	vadd.s32 $0x7080, v0;
	v12 =	vadd.s32 $0x7D00, v0;
	v13 =	vadd.s32 $0x8980, v0;
	s9 =	sshrl.u32 s22, $0x3;
	s2 =	sadd.s32 s2, s24;
	(pc) =	sbr.rel .LBB2_1-.Ltmp0, $4  }
0x18: {  	v14 =	vadd.s32 $0x9600, v0;
	v15 =	vadd.s32 $0xA280, v0;
	v16 =	vadd.s32 $0xAF00, v0;
	s24 =	smax.u32 s7, $0x1;
	s0 =	simm.s32 $0x2;
	s16 =	sadd.s32 s9, s25  }
0x19: {  	v17 =	vadd.s32 $0xBB80, v0;
	v18 =	vadd.s32 $0xC800, v0;
	v19 =	vadd.s32 $0xD480, v0;
	s19 =	sadd.s32 $0x7D600, s2;
	s2 =	sshrl.u32 s26, $0x3;
	s26 =	simm.s32 $0x1200  }
0x1a: {  	v20 =	vadd.s32 $0xE100, v0;
	v21 =	vadd.s32 $0xED80, v0;
	v22 =	vadd.s32 $0xFA00, v0;
	s6 =	sadd.s32 s6, s13;
	s21 =	sadd.s32 s2, s25;
	s22 =	sadd.s32 s5, s2  }
0x1b: {  	v23 =	vadd.s32 $0x10680, v0;
	v24 =	vadd.s32 $0x11300, v0;
	v25 =	vadd.s32 $0x11F80, v0;
	s2 =	simm.s32 $0x4;
	s25 =	simm.s32 $0x5;
	[dreg:$0x9] =	wrdreg s6  }
.LBB2_31:
0x1c: {  	s28 =	sadd.s32 $0x1, s28  }
0x1d: {  	p3 =	sne.s32 s28, s24  }
.Ltmp1:
0x1e: {  	_ = 	snop;
	(pc) =	sbr.rel @!p3 .LBB2_32-.Ltmp1, $1  }
0x1f: {  	_ =	sdelay $0x3  }
.LBB2_1:
.Ltmp2:
0x20: {  	(pc) =	sbr.rel @p1 .LBB2_11-.Ltmp2, $1  }
0x21: {  	_ =	sdelay $0x3  }
0x22: {  	s6 =	sshra.s32 s1, $0x2;
	s7 =	sadd.s32 $0x200, s1  }
.LBB2_3:
0x23: {  	p3 =	sne.s32 s7, $0x46200;
	[tilespmem:s6+$0x4870] =	vst v1  }
0x24: {  	[tilespmem:s6+$0x4800] =	vst v1  }
0x25: {  	[tilespmem:s6+$0x4810] =	vst v1  }
.Ltmp3:
0x26: {  	[tilespmem:s6+$0x4820] =	vst v1;
	(pc) =	sbr.rel @p3 .LBB2_3-.Ltmp3, $4  }
0x27: {  	[tilespmem:s6+$0x4830] =	vst v1  }
0x28: {  	[tilespmem:s6+$0x4840] =	vst v1  }
0x29: {  	[tilespmem:s6+$0x4850] =	vst v1  }
0x2a: {  	[tilespmem:s6+$0x4860] =	vst v1;
	s6 =	sshra.s32 s7, $0x2;
	s7 =	sadd.s32 $0x200, s7  }
0x2b: {  	[tilespmem:s6+$0x4870] =	vst v1  }
0x2c: {  	[tilespmem:s6+$0x4800] =	vst v1  }
0x2d: {  	[tilespmem:s6+$0x4810] =	vst v1  }
0x2e: {  	[tilespmem:s6+$0x4820] =	vst v1  }
0x2f: {  	[tilespmem:s6+$0x4830] =	vst v1  }
0x30: {  	[tilespmem:s6+$0x4840] =	vst v1  }
0x31: {  	[tilespmem:s6+$0x4850] =	vst v1  }
0x32: {  	[tilespmem:s6+$0x4860] =	vst v1  }
0x33: {  	[tilespmem:$0x16100] =	vst v1  }
0x34: {  	[tilespmem:$0x16110] =	vst v1  }
0x35: {  	[tilespmem:$0x16120] =	vst v1  }
0x36: {  	s6 =	simm.s32 $0x0;
	s7 =	rddreg [dreg:$0x3];
	[tilespmem:$0x16130] =	vst v1  }
0x37: {  	[tilespmem:s6], [sflag:$0x1] =	stream.linear.gather [hbm4b:s7+s6], $0x1200, $0x38;
	[tilespmem:$0x16140] =	vst v63  }
0x38: {  	s9 =	rddreg [dreg:$0x4];
	s8 =	simm.s32 $0x2400  }
0x39: {  	[tilespmem:s8], [sflag:$0x3] =	stream.linear.gather [hbm4b:s9+s6], $0x1200, $0x38;
	[tilespmem:$0x16140] =	vst v63  }
0x3a: {  	s12 =	rddreg [dreg:$0x5]  }
0x3b: {  	[tilespmem:s26], [sflag:$0x2] =	stream.linear.gather [hbm4b:s12+s6], $0x1200, $0x38;
	[tilespmem:$0x16140] =	vst v63  }
0x3c: {  	s13 =	rddreg [dreg:$0x6];
	s14 =	simm.s32 $0x3600  }
0x3d: {  	[tilespmem:s14], [sflag:$0x4] =	stream.linear.gather [hbm4b:s13+s6], $0x1200, $0x38;
	[tilespmem:$0x16140] =	vst v63  }
.LBB2_5:
0x3e: {  	_ =	swait.ge [sflag:s29], $0x1200;
	p3 =	seq.s32 s6, $0x7  }
0x3f: {  	[sflag:s29] =	ssyncset.done $0x0;
	s7 =	smul.u32 @!p3 $0x2400, s6  }
0x40: {  	[sflag:s29] =	ssyncadd.s32 $0xFFFFEE00  }
0x41: {  	_ =	swait.ge [sflag:s30], $0x1200;
	s8 =	sadd.s32 @!p3 s7, s10  }
0x42: {  	[sflag:s30] =	ssyncset.done $0x0;
	s8 =	sshrl.u32 @!p3 s8, $0x3  }
0x43: {  	s12 =	simm.s32 @!p3 $0x0;
	[sflag:s30] =	ssyncadd.s32 $0xFFFFEE00;
	s9 =	sadd.s32 @!p3 s3, s8  }
0x44: {  	[tilespmem:s12], [sflag:$0x1] =	stream.linear.gather @!p3 [hbm4b:s9+s12], $0x1200, $0x38;
	[tilespmem:$0x16140] =	vst v63  }
0x45: {  	s14 =	simm.s32 $0x0;
	s8 =	sadd.s32 @!p3 s4, s8;
	s9 =	simm.s32 @!p3 $0x2400  }
0x46: {  	[tilespmem:s9], [sflag:$0x3] =	stream.linear.gather @!p3 [hbm4b:s8+s12], $0x1200, $0x38;
	[tilespmem:$0x16140] =	vst v63  }
0x47: {  	v26 =	vld [tilespmem:s14+$0x2400];
	_ =	sdelay $0x1  }
0x48: {  	v27 =	vld [tilespmem:s14+$0x2410]  }
0x49: {  	v28 =	vld [tilespmem:s14+$0x0];
	_ =	sdelay $0x1  }
0x4a: {  	v29 =	vld [tilespmem:s14+$0x2420];
	v30 =	vshrl.u32 v26, $0x11  }
0x4b: {  	v31 =	vld [tilespmem:s14+$0x10];
	v26 =	vand.u32 $0x7FFF, v26;
	v32 =	vadd.s32 $0x11170, v30  }
0x4c: {  	v26 =	vadd.s32 $0xC350, v26;
	v30 =	vand.u32 $0x7, v30;
	v32 =	vand.u32 $0x1FFF8, v32  }
0x4d: {  	v34 =	vld [tilespmem:s14+$0x2430];
	v33 =	vshrl.u32 v27, $0x11;
	v30 =	vor.u32 v30, v32  }
0x4e: {  	v35 =	vld [tilespmem:s14+$0x20];
	v27 =	vand.u32 $0x7FFF, v27;
	v57 =	vadd.s32 $0x11170, v33  }
0x4f: {  	v36 =	vld [tilespmem:s14+$0x30];
	v27 =	vadd.s32 $0xC350, v27;
	v33 =	vand.u32 $0x7, v33;
	v32 =	vand.u32 $0x1FFF8, v57  }
0x50: {  	v37 =	vshrl.u32 v29, $0x11;
	[tilespmem:v28+s31+$0x0] =	vst.idx.add.f32.msk $0xffff, v2;
	v58 =	vor.u32 v33, v32  }
0x51: {  	v29 =	vand.u32 $0x7FFF, v29;
	v59 =	vadd.s32 $0x11170, v37;
	[tilespmem:v26+s31+$0x0] =	vst.idx.add.f32.msk $0xffff, v2  }
0x52: {  	v29 =	vadd.s32 $0xC350, v29;
	v60 =	vand.u32 $0x7, v37;
	v26 =	vand.u32 $0x1FFF8, v59;
	[tilespmem:v30+s31+$0x0] =	vst.idx.add.f32.msk $0xffff, v2  }
0x53: {  	v26 =	vor.u32 v60, v26;
	[tilespmem:v31+s31+$0x0] =	vst.idx.add.f32.msk $0xffff, v2  }
0x54: {  	[tilespmem:v27+s31+$0x0] =	vst.idx.add.f32.msk $0xffff, v2  }
0x55: {  	[tilespmem:v58+s31+$0x0] =	vst.idx.add.f32.msk $0xffff, v2  }
0x56: {  	v61 =	vand.u32 $0x7FFF, v34;
	v62 =	vshrl.u32 v34, $0x11;
	[tilespmem:v35+s31+$0x0] =	vst.idx.add.f32.msk $0xffff, v2  }
0x57: {  	v63 =	vadd.s32 $0x11170, v62;
	v27 =	vadd.s32 $0xC350, v61;
	[tilespmem:v29+s31+$0x0] =	vst.idx.add.f32.msk $0xffff, v2  }
0x58: {  	v28 =	vand.u32 $0x7, v62;
	[tilespmem:v26+s31+$0x0] =	vst.idx.add.f32.msk $0xffff, v2;
	v26 =	vand.u32 $0x1FFF8, v63  }
0x59: {  	v26 =	vor.u32 v28, v26;
	_ =	sdelay $0x1  }
0x5a: {  	[tilespmem:v36+s31+$0x0] =	vst.idx.add.f32.msk $0xffff, v2  }
0x5b: {  	s8 =	simm.s32 $0x100;
	s9 =	simm.s32 $0x200;
	[tilespmem:v27+s31+$0x0] =	vst.idx.add.f32.msk $0xffff, v2  }
.LBB2_6:
0x5c: {  	p4 =	sne.s32 s9, $0x4700  }
0x5d: {  	s12 =	sshra.s32 s8, $0x2;
	[tilespmem:v26+s31+$0x0] =	vst.idx.add.f32.msk $0xffff, v2;
	s8 =	smov.u32 s9;
	s9 =	sadd.s32 $0x100, s9  }
0x5e: {  	v26 =	vld [tilespmem:s12+$0x2400];
	_ =	sdelay $0x1  }
0x5f: {  	v27 =	vld [tilespmem:s12+$0x2410]  }
0x60: {  	v28 =	vld [tilespmem:s12+$0x0];
	_ =	sdelay $0x1  }
0x61: {  	v29 =	vld [tilespmem:s12+$0x2420];
	v30 =	vand.u32 $0x7FFF, v26;
	v26 =	vshrl.u32 v26, $0x11  }
0x62: {  	v31 =	vld [tilespmem:s12+$0x10];
	v32 =	vadd.s32 $0x11170, v26;
	v30 =	vadd.s32 $0xC350, v30  }
0x63: {  	v26 =	vand.u32 $0x7, v26;
	v33 =	vshrl.u32 v27, $0x11;
	v32 =	vand.u32 $0x1FFF8, v32  }
0x64: {  	v27 =	vand.u32 $0x7FFF, v27;
	v34 =	vld [tilespmem:s12+$0x2430];
	v35 =	vadd.s32 $0x11170, v33;
	v26 =	vor.u32 v26, v32  }
0x65: {  	v32 =	vld [tilespmem:s12+$0x20];
	v35 =	vand.u32 $0x1FFF8, v35  }
0x66: {  	v27 =	vadd.s32 $0xC350, v27;
	v33 =	vand.u32 $0x7, v33;
	v36 =	vld [tilespmem:s12+$0x30];
	v37 =	vshrl.u32 v29, $0x11  }
0x67: {  	v29 =	vand.u32 $0x7FFF, v29;
	v38 =	vadd.s32 $0x11170, v37;
	[tilespmem:v28+s31+$0x0] =	vst.idx.add.f32.msk $0xffff, v2;
	v28 =	vor.u32 v33, v35  }
0x68: {  	[tilespmem:v30+s31+$0x0] =	vst.idx.add.f32.msk $0xffff, v2;
	v30 =	vand.u32 $0x1FFF8, v38  }
0x69: {  	v29 =	vadd.s32 $0xC350, v29;
	v33 =	vshrl.u32 v34, $0x11;
	[tilespmem:v26+s31+$0x0] =	vst.idx.add.f32.msk $0xffff, v2;
	v26 =	vand.u32 $0x7, v37  }
0x6a: {  	v34 =	vand.u32 $0x7FFF, v34;
	v35 =	vadd.s32 $0x11170, v33;
	[tilespmem:v31+s31+$0x0] =	vst.idx.add.f32.msk $0xffff, v2;
	v30 =	vor.u32 v26, v30  }
0x6b: {  	[tilespmem:v27+s31+$0x0] =	vst.idx.add.f32.msk $0xffff, v2;
	v26 =	vand.u32 $0x1FFF8, v35  }
0x6c: {  	v27 =	vadd.s32 $0xC350, v34;
	[tilespmem:v28+s31+$0x0] =	vst.idx.add.f32.msk $0xffff, v2;
	v28 =	vand.u32 $0x7, v33  }
.Ltmp4:
0x6d: {  	[tilespmem:v32+s31+$0x0] =	vst.idx.add.f32.msk $0xffff, v2;
	v26 =	vor.u32 v28, v26;
	(pc) =	sbr.rel @p4 .LBB2_6-.Ltmp4, $4  }
0x6e: {  	[tilespmem:v29+s31+$0x0] =	vst.idx.add.f32.msk $0xffff, v2  }
0x6f: {  	[tilespmem:v30+s31+$0x0] =	vst.idx.add.f32.msk $0xffff, v2  }
0x70: {  	[tilespmem:v36+s31+$0x0] =	vst.idx.add.f32.msk $0xffff, v2  }
0x71: {  	[tilespmem:v27+s31+$0x0] =	vst.idx.add.f32.msk $0xffff, v2  }
0x72: {  	_ =	sdelay $0x3  }
0x73: {  	s8 =	sshra.s32 s8, $0x2;
	[tilespmem:v26+s31+$0x0] =	vst.idx.add.f32.msk $0xffff, v2  }
0x74: {  	v26 =	vld [tilespmem:s8+$0x2400];
	_ =	sdelay $0x1  }
0x75: {  	v27 =	vld [tilespmem:s8+$0x2410]  }
0x76: {  	v28 =	vld [tilespmem:s8+$0x0];
	_ =	sdelay $0x1  }
0x77: {  	v29 =	vld [tilespmem:s8+$0x2420];
	v30 =	vshrl.u32 v26, $0x11  }
0x78: {  	v31 =	vld [tilespmem:s8+$0x10];
	v26 =	vand.u32 $0x7FFF, v26;
	v32 =	vadd.s32 $0x11170, v30  }
0x79: {  	v26 =	vadd.s32 $0xC350, v26;
	v30 =	vand.u32 $0x7, v30;
	v32 =	vand.u32 $0x1FFF8, v32  }
0x7a: {  	v34 =	vld [tilespmem:s8+$0x2430];
	v33 =	vshrl.u32 v27, $0x11;
	v30 =	vor.u32 v30, v32  }
0x7b: {  	v35 =	vld [tilespmem:s8+$0x20];
	v27 =	vand.u32 $0x7FFF, v27;
	v38 =	vadd.s32 $0x11170, v33  }
0x7c: {  	v36 =	vld [tilespmem:s8+$0x30];
	v27 =	vadd.s32 $0xC350, v27;
	v33 =	vand.u32 $0x7, v33;
	v32 =	vand.u32 $0x1FFF8, v38  }
0x7d: {  	v37 =	vshrl.u32 v29, $0x11;
	[tilespmem:v28+s31+$0x0] =	vst.idx.add.f32.msk $0xffff, v2;
	v39 =	vor.u32 v33, v32  }
0x7e: {  	v29 =	vand.u32 $0x7FFF, v29;
	v40 =	vadd.s32 $0x11170, v37;
	[tilespmem:v26+s31+$0x0] =	vst.idx.add.f32.msk $0xffff, v2  }
0x7f: {  	v29 =	vadd.s32 $0xC350, v29;
	v41 =	vand.u32 $0x7, v37;
	v26 =	vand.u32 $0x1FFF8, v40;
	[tilespmem:v30+s31+$0x0] =	vst.idx.add.f32.msk $0xffff, v2  }
0x80: {  	v42 =	vshrl.u32 v34, $0x11;
	v26 =	vor.u32 v41, v26;
	[tilespmem:v31+s31+$0x0] =	vst.idx.add.f32.msk $0xffff, v2  }
0x81: {  	v43 =	vand.u32 $0x7FFF, v34;
	v44 =	vadd.s32 $0x11170, v42;
	[tilespmem:v27+s31+$0x0] =	vst.idx.add.f32.msk $0xffff, v2  }
0x82: {  	v45 =	vadd.s32 $0xC350, v43;
	v46 =	vand.u32 $0x7, v42;
	v27 =	vand.u32 $0x1FFF8, v44;
	[tilespmem:v39+s31+$0x0] =	vst.idx.add.f32.msk $0xffff, v2  }
0x83: {  	v27 =	vor.u32 v46, v27;
	[tilespmem:v35+s31+$0x0] =	vst.idx.add.f32.msk $0xffff, v2  }
0x84: {  	[tilespmem:v29+s31+$0x0] =	vst.idx.add.f32.msk $0xffff, v2  }
0x85: {  	[tilespmem:v26+s31+$0x0] =	vst.idx.add.f32.msk $0xffff, v2  }
0x86: {  	[tilespmem:v36+s31+$0x0] =	vst.idx.add.f32.msk $0xffff, v2  }
0x87: {  	[tilespmem:v45+s31+$0x0] =	vst.idx.add.f32.msk $0xffff, v2  }
0x88: {  	[tilespmem:v27+s31+$0x0] =	vst.idx.add.f32.msk $0xffff, v2  }
0x89: {  	_ =	swait.ge [sflag:s0], $0x1200  }
0x8a: {  	[sflag:s0] =	ssyncset.done $0x0  }
0x8b: {  	[sflag:s0] =	ssyncadd.s32 $0xFFFFEE00  }
0x8c: {  	s7 =	sadd.s32 @!p3 s7, s11;
	_ =	swait.ge [sflag:s2], $0x1200  }
0x8d: {  	s9 =	simm.s32 @!p3 $0x0;
	s7 =	sshrl.u32 @!p3 s7, $0x3;
	[sflag:s2] =	ssyncset.done $0x0  }
0x8e: {  	s12 =	simm.s32 @!p3 $0x1200;
	s8 =	sadd.s32 @!p3 s3, s7;
	[sflag:s2] =	ssyncadd.s32 $0xFFFFEE00  }
0x8f: {  	[tilespmem:s12], [sflag:$0x2] =	stream.linear.gather @!p3 [hbm4b:s8+s9], $0x1200, $0x38;
	[tilespmem:$0x16140] =	vst v63  }
0x90: {  	s14 =	simm.s32 $0x0;
	s7 =	sadd.s32 @!p3 s4, s7;
	s8 =	simm.s32 @!p3 $0x3600  }
0x91: {  	[tilespmem:s8], [sflag:$0x4] =	stream.linear.gather @!p3 [hbm4b:s7+s9], $0x1200, $0x38;
	[tilespmem:$0x16140] =	vst v63  }
0x92: {  	v26 =	vld [tilespmem:s14+$0x3600];
	_ =	sdelay $0x1  }
0x93: {  	v27 =	vld [tilespmem:s14+$0x3610]  }
0x94: {  	v47 =	vld [tilespmem:s14+$0x1200];
	_ =	sdelay $0x1  }
0x95: {  	v48 =	vld [tilespmem:s14+$0x3620];
	v49 =	vshrl.u32 v26, $0x11  }
0x96: {  	v50 =	vld [tilespmem:s14+$0x1210];
	v26 =	vand.u32 $0x7FFF, v26;
	v51 =	vadd.s32 $0x11170, v49  }
0x97: {  	v26 =	vadd.s32 $0xC350, v26;
	v30 =	vand.u32 $0x7, v49;
	v32 =	vand.u32 $0x1FFF8, v51  }
0x98: {  	v53 =	vld [tilespmem:s14+$0x3630];
	v52 =	vshrl.u32 v27, $0x11;
	v30 =	vor.u32 v30, v32  }
0x99: {  	v55 =	vld [tilespmem:s14+$0x1220];
	v27 =	vand.u32 $0x7FFF, v27;
	v54 =	vadd.s32 $0x11170, v52  }
0x9a: {  	v56 =	vld [tilespmem:s14+$0x1230];
	v27 =	vadd.s32 $0xC350, v27;
	v33 =	vand.u32 $0x7, v52;
	v32 =	vand.u32 $0x1FFF8, v54  }
0x9b: {  	v57 =	vshrl.u32 v48, $0x11;
	[tilespmem:v47+s31+$0x0] =	vst.idx.add.f32.msk $0xffff, v2;
	v58 =	vor.u32 v33, v32  }
0x9c: {  	v29 =	vand.u32 $0x7FFF, v48;
	v59 =	vadd.s32 $0x11170, v57;
	[tilespmem:v26+s31+$0x0] =	vst.idx.add.f32.msk $0xffff, v2  }
0x9d: {  	v29 =	vadd.s32 $0xC350, v29;
	v60 =	vand.u32 $0x7, v57;
	v26 =	vand.u32 $0x1FFF8, v59;
	[tilespmem:v30+s31+$0x0] =	vst.idx.add.f32.msk $0xffff, v2  }
0x9e: {  	v26 =	vor.u32 v60, v26;
	[tilespmem:v50+s31+$0x0] =	vst.idx.add.f32.msk $0xffff, v2  }
0x9f: {  	[tilespmem:v27+s31+$0x0] =	vst.idx.add.f32.msk $0xffff, v2  }
0xa0: {  	[tilespmem:v58+s31+$0x0] =	vst.idx.add.f32.msk $0xffff, v2  }
0xa1: {  	v61 =	vand.u32 $0x7FFF, v53;
	v62 =	vshrl.u32 v53, $0x11;
	[tilespmem:v55+s31+$0x0] =	vst.idx.add.f32.msk $0xffff, v2  }
0xa2: {  	v63 =	vadd.s32 $0x11170, v62;
	v27 =	vadd.s32 $0xC350, v61;
	[tilespmem:v29+s31+$0x0] =	vst.idx.add.f32.msk $0xffff, v2  }
0xa3: {  	v28 =	vand.u32 $0x7, v62;
	[tilespmem:v26+s31+$0x0] =	vst.idx.add.f32.msk $0xffff, v2;
	v26 =	vand.u32 $0x1FFF8, v63  }
0xa4: {  	v26 =	vor.u32 v28, v26;
	_ =	sdelay $0x1  }
0xa5: {  	[tilespmem:v56+s31+$0x0] =	vst.idx.add.f32.msk $0xffff, v2  }
0xa6: {  	s7 =	simm.s32 $0x100;
	s8 =	simm.s32 $0x200;
	[tilespmem:v27+s31+$0x0] =	vst.idx.add.f32.msk $0xffff, v2  }
.LBB2_8:
0xa7: {  	p3 =	sne.s32 s8, $0x4700  }
0xa8: {  	s9 =	sshra.s32 s7, $0x2;
	[tilespmem:v26+s31+$0x0] =	vst.idx.add.f32.msk $0xffff, v2;
	s7 =	smov.u32 s8;
	s8 =	sadd.s32 $0x100, s8  }
0xa9: {  	v26 =	vld [tilespmem:s9+$0x3600];
	_ =	sdelay $0x1  }
0xaa: {  	v27 =	vld [tilespmem:s9+$0x3610]  }
0xab: {  	v28 =	vld [tilespmem:s9+$0x1200];
	_ =	sdelay $0x1  }
0xac: {  	v29 =	vld [tilespmem:s9+$0x3620];
	v30 =	vand.u32 $0x7FFF, v26;
	v26 =	vshrl.u32 v26, $0x11  }
0xad: {  	v31 =	vld [tilespmem:s9+$0x1210];
	v32 =	vadd.s32 $0x11170, v26;
	v30 =	vadd.s32 $0xC350, v30  }
0xae: {  	v26 =	vand.u32 $0x7, v26;
	v33 =	vshrl.u32 v27, $0x11;
	v32 =	vand.u32 $0x1FFF8, v32  }
0xaf: {  	v27 =	vand.u32 $0x7FFF, v27;
	v34 =	vld [tilespmem:s9+$0x3630];
	v35 =	vadd.s32 $0x11170, v33;
	v26 =	vor.u32 v26, v32  }
0xb0: {  	v32 =	vld [tilespmem:s9+$0x1220];
	v35 =	vand.u32 $0x1FFF8, v35  }
0xb1: {  	v27 =	vadd.s32 $0xC350, v27;
	v33 =	vand.u32 $0x7, v33;
	v36 =	vld [tilespmem:s9+$0x1230];
	v37 =	vshrl.u32 v29, $0x11  }
0xb2: {  	v29 =	vand.u32 $0x7FFF, v29;
	v38 =	vadd.s32 $0x11170, v37;
	[tilespmem:v28+s31+$0x0] =	vst.idx.add.f32.msk $0xffff, v2;
	v28 =	vor.u32 v33, v35  }
0xb3: {  	[tilespmem:v30+s31+$0x0] =	vst.idx.add.f32.msk $0xffff, v2;
	v30 =	vand.u32 $0x1FFF8, v38  }
0xb4: {  	v29 =	vadd.s32 $0xC350, v29;
	v33 =	vshrl.u32 v34, $0x11;
	[tilespmem:v26+s31+$0x0] =	vst.idx.add.f32.msk $0xffff, v2;
	v26 =	vand.u32 $0x7, v37  }
0xb5: {  	v34 =	vand.u32 $0x7FFF, v34;
	v35 =	vadd.s32 $0x11170, v33;
	[tilespmem:v31+s31+$0x0] =	vst.idx.add.f32.msk $0xffff, v2;
	v30 =	vor.u32 v26, v30  }
0xb6: {  	[tilespmem:v27+s31+$0x0] =	vst.idx.add.f32.msk $0xffff, v2;
	v26 =	vand.u32 $0x1FFF8, v35  }
0xb7: {  	v27 =	vadd.s32 $0xC350, v34;
	[tilespmem:v28+s31+$0x0] =	vst.idx.add.f32.msk $0xffff, v2;
	v28 =	vand.u32 $0x7, v33  }
.Ltmp5:
0xb8: {  	[tilespmem:v32+s31+$0x0] =	vst.idx.add.f32.msk $0xffff, v2;
	v26 =	vor.u32 v28, v26;
	(pc) =	sbr.rel @p3 .LBB2_8-.Ltmp5, $4  }
0xb9: {  	[tilespmem:v29+s31+$0x0] =	vst.idx.add.f32.msk $0xffff, v2  }
0xba: {  	[tilespmem:v30+s31+$0x0] =	vst.idx.add.f32.msk $0xffff, v2  }
0xbb: {  	[tilespmem:v36+s31+$0x0] =	vst.idx.add.f32.msk $0xffff, v2  }
0xbc: {  	[tilespmem:v27+s31+$0x0] =	vst.idx.add.f32.msk $0xffff, v2  }
0xbd: {  	_ =	sdelay $0x3  }
0xbe: {  	s7 =	sshra.s32 s7, $0x2;
	[tilespmem:v26+s31+$0x0] =	vst.idx.add.f32.msk $0xffff, v2  }
0xbf: {  	v26 =	vld [tilespmem:s7+$0x3600];
	_ =	sdelay $0x1  }
0xc0: {  	v27 =	vld [tilespmem:s7+$0x3610]  }
0xc1: {  	v28 =	vld [tilespmem:s7+$0x1200];
	_ =	sdelay $0x1  }
0xc2: {  	v29 =	vld [tilespmem:s7+$0x3620];
	v30 =	vshrl.u32 v26, $0x11  }
0xc3: {  	v31 =	vld [tilespmem:s7+$0x1210];
	v26 =	vand.u32 $0x7FFF, v26;
	v32 =	vadd.s32 $0x11170, v30  }
0xc4: {  	v26 =	vadd.s32 $0xC350, v26;
	v30 =	vand.u32 $0x7, v30;
	v32 =	vand.u32 $0x1FFF8, v32  }
0xc5: {  	v34 =	vld [tilespmem:s7+$0x3630];
	v33 =	vshrl.u32 v27, $0x11;
	v30 =	vor.u32 v30, v32  }
0xc6: {  	v35 =	vld [tilespmem:s7+$0x1220];
	v27 =	vand.u32 $0x7FFF, v27;
	v55 =	vadd.s32 $0x11170, v33  }
0xc7: {  	v36 =	vld [tilespmem:s7+$0x1230];
	v27 =	vadd.s32 $0xC350, v27;
	v33 =	vand.u32 $0x7, v33;
	v32 =	vand.u32 $0x1FFF8, v55  }
0xc8: {  	v37 =	vshrl.u32 v29, $0x11;
	[tilespmem:v28+s31+$0x0] =	vst.idx.add.f32.msk $0xffff, v2;
	v56 =	vor.u32 v33, v32  }
0xc9: {  	v29 =	vand.u32 $0x7FFF, v29;
	v57 =	vadd.s32 $0x11170, v37;
	[tilespmem:v26+s31+$0x0] =	vst.idx.add.f32.msk $0xffff, v2  }
0xca: {  	v29 =	vadd.s32 $0xC350, v29;
	v58 =	vand.u32 $0x7, v37;
	v26 =	vand.u32 $0x1FFF8, v57;
	[tilespmem:v30+s31+$0x0] =	vst.idx.add.f32.msk $0xffff, v2  }
0xcb: {  	v59 =	vshrl.u32 v34, $0x11;
	v26 =	vor.u32 v58, v26;
	[tilespmem:v31+s31+$0x0] =	vst.idx.add.f32.msk $0xffff, v2  }
0xcc: {  	v60 =	vand.u32 $0x7FFF, v34;
	v61 =	vadd.s32 $0x11170, v59;
	[tilespmem:v27+s31+$0x0] =	vst.idx.add.f32.msk $0xffff, v2  }
0xcd: {  	s6 =	sadd.s32 $0x1, s6;
	v62 =	vadd.s32 $0xC350, v60;
	v63 =	vand.u32 $0x7, v59;
	v27 =	vand.u32 $0x1FFF8, v61;
	[tilespmem:v56+s31+$0x0] =	vst.idx.add.f32.msk $0xffff, v2  }
0xce: {  	p3 =	sne.s32 s6, $0x8;
	v27 =	vor.u32 v63, v27;
	[tilespmem:v35+s31+$0x0] =	vst.idx.add.f32.msk $0xffff, v2  }
.Ltmp6:
0xcf: {  	[tilespmem:v29+s31+$0x0] =	vst.idx.add.f32.msk $0xffff, v2;
	(pc) =	sbr.rel @p3 .LBB2_5-.Ltmp6, $4  }
0xd0: {  	[tilespmem:v26+s31+$0x0] =	vst.idx.add.f32.msk $0xffff, v2  }
0xd1: {  	[tilespmem:v36+s31+$0x0] =	vst.idx.add.f32.msk $0xffff, v2  }
0xd2: {  	[tilespmem:v62+s31+$0x0] =	vst.idx.add.f32.msk $0xffff, v2  }
0xd3: {  	[tilespmem:v27+s31+$0x0] =	vst.idx.add.f32.msk $0xffff, v2  }
0xd4: {  	s6 =	rddreg [dreg:$0x7]  }
0xd5: {  	[hbm4b:s6+s1] =	stream.linear.scatter [tilespmem:s31], [sflag:$0x5], $0xC350, $0x38;
	[tilespmem:$0x16140] =	vst v63  }
0xd6: {  	_ =	swait.ge [sflag:s25], $0xC350  }
0xd7: {  	[sflag:s25] =	ssyncset.done $0x0  }
0xd8: {  	s7 =	simm.s32 $0x10B50;
	s12 =	rddreg [dreg:$0x8];
	[sflag:s25] =	ssyncadd.s32 $0xFFFF3CB0  }
0xd9: {  	[hbm4b:s12+s1] =	stream.linear.scatter [tilespmem:s7], [sflag:$0x5], $0x4E20, $0x38;
	[tilespmem:$0x16140] =	vst v63  }
0xda: {  	_ =	swait.ge [sflag:s25], $0x4E20  }
0xdb: {  	[sflag:s25] =	ssyncset.done $0x0  }
0xdc: {  	s14 =	simm.s32 $0x15970;
	s13 =	rddreg [dreg:$0x9];
	[sflag:s25] =	ssyncadd.s32 $0xFFFFB1E0  }
0xdd: {  	[hbm4b:s13+s1] =	stream.linear.scatter [tilespmem:s14], [sflag:$0x5], $0x7D0, $0x38;
	[tilespmem:$0x16140] =	vst v63  }
0xde: {  	_ =	swait.ge [sflag:s25], $0x7D0  }
0xdf: {  	[sflag:s25] =	ssyncset.done $0x0  }
0xe0: {  	[sflag:s25] =	ssyncadd.s32 $0xFFFFF830  }
.LBB2_11:
.Ltmp7:
0xe1: {  	(pc) =	sbr.rel @p0 .LBB2_21-.Ltmp7, $2  }
0xe2: {  	_ =	sdelay $0x2  }
0xe3: {  	s7 =	simm.s32 $0x0  }
0xe4: {  	s6 =	sshra.s32 s7, $0x2;
	s7 =	sadd.s32 $0x200, s7  }
.LBB2_13:
0xe5: {  	p3 =	sne.s32 s7, $0x4AE00;
	[tilespmem:s6+$0x4870] =	vst v1  }
0xe6: {  	[tilespmem:s6+$0x4800] =	vst v1  }
0xe7: {  	[tilespmem:s6+$0x4810] =	vst v1  }
.Ltmp8:
0xe8: {  	[tilespmem:s6+$0x4820] =	vst v1;
	(pc) =	sbr.rel @p3 .LBB2_13-.Ltmp8, $4  }
0xe9: {  	[tilespmem:s6+$0x4830] =	vst v1  }
0xea: {  	[tilespmem:s6+$0x4840] =	vst v1  }
0xeb: {  	[tilespmem:s6+$0x4850] =	vst v1  }
0xec: {  	[tilespmem:s6+$0x4860] =	vst v1;
	s6 =	sshra.s32 s7, $0x2;
	s7 =	sadd.s32 $0x200, s7  }
0xed: {  	[tilespmem:s6+$0x4870] =	vst v1  }
0xee: {  	[tilespmem:s6+$0x4800] =	vst v1  }
0xef: {  	[tilespmem:s6+$0x4810] =	vst v1  }
0xf0: {  	[tilespmem:s6+$0x4820] =	vst v1  }
0xf1: {  	[tilespmem:s6+$0x4830] =	vst v1  }
0xf2: {  	[tilespmem:s6+$0x4840] =	vst v1  }
0xf3: {  	[tilespmem:s6+$0x4850] =	vst v1  }
0xf4: {  	[tilespmem:s6+$0x4860] =	vst v1;
	s6 =	simm.s32 $0x0  }
0xf5: {  	[tilespmem:s6], [sflag:$0x1] =	stream.linear.gather [hbm4b:s15+s6], $0x1200, $0x38;
	[tilespmem:$0x16140] =	vst v63  }
0xf6: {  	s7 =	simm.s32 $0x960;
	s8 =	simm.s32 $0x0  }
0xf7: {  	[tilespmem:s26], [sflag:$0x2] =	stream.linear.gather [hbm4b:s16+s6], $0x1200, $0x38;
	[tilespmem:$0x16140] =	vst v63  }
.LBB2_15:
0xf8: {  	p3 =	seq.s32 s8, $0xF  }
0xf9: {  	s9 =	smul.u32 @!p3 $0x2400, s8;
	_ =	sdelay $0x1  }
0xfa: {  	_ =	swait.ge [sflag:s29], $0x1200;
	s12 =	sadd.s32 @!p3 s9, s17  }
0xfb: {  	[sflag:s29] =	ssyncset.done $0x0;
	s12 =	sshrl.u32 @!p3 s12, $0x3  }
0xfc: {  	s13 =	simm.s32 @!p3 $0x0;
	[sflag:s29] =	ssyncadd.s32 $0xFFFFEE00;
	s12 =	sadd.s32 @!p3 s5, s12  }
0xfd: {  	[tilespmem:s13], [sflag:$0x1] =	stream.linear.gather @!p3 [hbm4b:s12+s13], $0x1200, $0x38;
	[tilespmem:$0x16140] =	vst v63  }
0xfe: {  	s12 =	simm.s32 $0xC0;
	s13 =	simm.s32 $0x0  }
.LBB2_16:
0xff: {  	v26 =	vld [tilespmem:s12+$0xFFFFFF40]  }
0x100: {  	v27 =	vld [tilespmem:s12+$0xFFFFFF50]  }
0x101: {  	v28 =	vld [tilespmem:s12+$0xFFFFFF60]  }
0x102: {  	v29 =	vld [tilespmem:s12+$0xFFFFFF70]  }
0x103: {  	s14 =	sadd.s32 s13, s6;
	v30 =	vld [tilespmem:s12+$0xFFFFFF80]  }
0x104: {  	v31 =	vld [tilespmem:s12+$0xFFFFFF90];
	v26 =	vadd.s32 s14, v26  }
0x105: {  	v32 =	vld [tilespmem:s12+$0xFFFFFFA0];
	v27 =	vadd.s32 s14, v27  }
0x106: {  	v33 =	vld [tilespmem:s12+$0xFFFFFFB0];
	v28 =	vadd.s32 s14, v28  }
0x107: {  	v29 =	vadd.s32 s14, v29  }
0x108: {  	v30 =	vadd.s32 s14, v30  }
0x109: {  	v31 =	vadd.s32 s14, v31;
	[tilespmem:v26+s31+$0x0] =	vst.idx.add.f32.msk $0xffff, v2  }
0x10a: {  	v26 =	vadd.s32 s14, v32;
	[tilespmem:v27+s31+$0x0] =	vst.idx.add.f32.msk $0xffff, v2  }
0x10b: {  	v27 =	vadd.s32 s14, v33;
	[tilespmem:v28+s31+$0x0] =	vst.idx.add.f32.msk $0xffff, v2  }
0x10c: {  	[tilespmem:v29+s31+$0x0] =	vst.idx.add.f32.msk $0xffff, v2  }
0x10d: {  	[tilespmem:v30+s31+$0x0] =	vst.idx.add.f32.msk $0xffff, v2  }
0x10e: {  	[tilespmem:v31+s31+$0x0] =	vst.idx.add.f32.msk $0xffff, v2  }
0x10f: {  	[tilespmem:v26+s31+$0x0] =	vst.idx.add.f32.msk $0xffff, v2  }
0x110: {  	[tilespmem:v27+s31+$0x0] =	vst.idx.add.f32.msk $0xffff, v2  }
0x111: {  	v26 =	vld [tilespmem:s12+$0xFFFFFFC0]  }
0x112: {  	v27 =	vld [tilespmem:s12+$0xFFFFFFD0]  }
0x113: {  	v28 =	vld [tilespmem:s12+$0xFFFFFFE0]  }
0x114: {  	v29 =	vld [tilespmem:s12+$0xFFFFFFF0]  }
0x115: {  	v30 =	vld [tilespmem:s12+$0x0]  }
0x116: {  	v31 =	vld [tilespmem:s12+$0x10];
	v26 =	vadd.s32 s14, v26  }
0x117: {  	v60 =	vld [tilespmem:s12+$0x20];
	v27 =	vadd.s32 s14, v27  }
0x118: {  	v61 =	vld [tilespmem:s12+$0x30];
	v28 =	vadd.s32 s14, v28  }
0x119: {  	v29 =	vadd.s32 s14, v29  }
0x11a: {  	v30 =	vadd.s32 s14, v30  }
0x11b: {  	v31 =	vadd.s32 s14, v31;
	[tilespmem:v26+s31+$0x0] =	vst.idx.add.f32.msk $0xffff, v2  }
0x11c: {  	v26 =	vadd.s32 s14, v60;
	[tilespmem:v27+s31+$0x0] =	vst.idx.add.f32.msk $0xffff, v2  }
0x11d: {  	v27 =	vadd.s32 s14, v61;
	[tilespmem:v28+s31+$0x0] =	vst.idx.add.f32.msk $0xffff, v2  }
0x11e: {  	[tilespmem:v29+s31+$0x0] =	vst.idx.add.f32.msk $0xffff, v2  }
0x11f: {  	[tilespmem:v30+s31+$0x0] =	vst.idx.add.f32.msk $0xffff, v2  }
0x120: {  	[tilespmem:v31+s31+$0x0] =	vst.idx.add.f32.msk $0xffff, v2  }
0x121: {  	[tilespmem:v26+s31+$0x0] =	vst.idx.add.f32.msk $0xffff, v2  }
0x122: {  	[tilespmem:v27+s31+$0x0] =	vst.idx.add.f32.msk $0xffff, v2  }
0x123: {  	v26 =	vld [tilespmem:s12+$0x40]  }
0x124: {  	v27 =	vld [tilespmem:s12+$0x50]  }
0x125: {  	v28 =	vld [tilespmem:s12+$0x60]  }
0x126: {  	v29 =	vld [tilespmem:s12+$0x70]  }
0x127: {  	v30 =	vld [tilespmem:s12+$0x80]  }
0x128: {  	v31 =	vld [tilespmem:s12+$0x90];
	v26 =	vadd.s32 s14, v26  }
0x129: {  	v62 =	vld [tilespmem:s12+$0xA0];
	v27 =	vadd.s32 s14, v27  }
0x12a: {  	v63 =	vld [tilespmem:s12+$0xB0];
	v28 =	vadd.s32 s14, v28  }
0x12b: {  	v29 =	vadd.s32 s14, v29  }
0x12c: {  	v30 =	vadd.s32 s14, v30  }
0x12d: {  	v31 =	vadd.s32 s14, v31;
	[tilespmem:v26+s31+$0x0] =	vst.idx.add.f32.msk $0xffff, v2  }
0x12e: {  	v26 =	vadd.s32 s14, v62;
	[tilespmem:v27+s31+$0x0] =	vst.idx.add.f32.msk $0xffff, v2  }
0x12f: {  	p4 =	sne.s32 s13, $0x898;
	v27 =	vadd.s32 s14, v63;
	[tilespmem:v28+s31+$0x0] =	vst.idx.add.f32.msk $0xffff, v2  }
.Ltmp9:
0x130: {  	[tilespmem:v29+s31+$0x0] =	vst.idx.add.f32.msk $0xffff, v2;
	(pc) =	sbr.rel @p4 .LBB2_16-.Ltmp9, $4  }
0x131: {  	[tilespmem:v30+s31+$0x0] =	vst.idx.add.f32.msk $0xffff, v2  }
0x132: {  	[tilespmem:v31+s31+$0x0] =	vst.idx.add.f32.msk $0xffff, v2  }
0x133: {  	[tilespmem:v26+s31+$0x0] =	vst.idx.add.f32.msk $0xffff, v2  }
0x134: {  	s13 =	sadd.s32 $0xC8, s13;
	s12 =	sadd.s32 $0x180, s12;
	[tilespmem:v27+s31+$0x0] =	vst.idx.add.f32.msk $0xffff, v2  }
0x135: {  	_ =	swait.ge [sflag:s0], $0x1200;
	s9 =	sadd.s32 @!p3 s9, s18  }
0x136: {  	s12 =	simm.s32 @!p3 $0x0;
	[sflag:s0] =	ssyncset.done $0x0;
	s9 =	sshrl.u32 @!p3 s9, $0x3  }
0x137: {  	s13 =	simm.s32 @!p3 $0x1200;
	[sflag:s0] =	ssyncadd.s32 $0xFFFFEE00;
	s9 =	sadd.s32 @!p3 s5, s9  }
0x138: {  	[tilespmem:s13], [sflag:$0x2] =	stream.linear.gather @!p3 [hbm4b:s9+s12], $0x1200, $0x38;
	[tilespmem:$0x16140] =	vst v63  }
0x139: {  	s9 =	simm.s32 $0x0;
	s12 =	simm.s32 $0x1370  }
.LBB2_18:
0x13a: {  	v26 =	vld [tilespmem:s12+$0xFFFFFE90]  }
0x13b: {  	v27 =	vld [tilespmem:s12+$0xFFFFFEA0]  }
0x13c: {  	v28 =	vld [tilespmem:s12+$0xFFFFFEB0]  }
0x13d: {  	v29 =	vld [tilespmem:s12+$0xFFFFFEC0]  }
0x13e: {  	s13 =	sadd.s32 s9, s7;
	v30 =	vld [tilespmem:s12+$0xFFFFFED0]  }
0x13f: {  	v31 =	vld [tilespmem:s12+$0xFFFFFEE0];
	v26 =	vadd.s32 s13, v26  }
0x140: {  	v32 =	vld [tilespmem:s12+$0xFFFFFEF0];
	v27 =	vadd.s32 s13, v27  }
0x141: {  	v33 =	vld [tilespmem:s12+$0xFFFFFF00];
	v28 =	vadd.s32 s13, v28  }
0x142: {  	v29 =	vadd.s32 s13, v29  }
0x143: {  	v30 =	vadd.s32 s13, v30  }
0x144: {  	v31 =	vadd.s32 s13, v31;
	[tilespmem:v26+s31+$0x0] =	vst.idx.add.f32.msk $0xffff, v2  }
0x145: {  	v26 =	vadd.s32 s13, v32;
	[tilespmem:v27+s31+$0x0] =	vst.idx.add.f32.msk $0xffff, v2  }
0x146: {  	v27 =	vadd.s32 s13, v33;
	[tilespmem:v28+s31+$0x0] =	vst.idx.add.f32.msk $0xffff, v2  }
0x147: {  	[tilespmem:v29+s31+$0x0] =	vst.idx.add.f32.msk $0xffff, v2  }
0x148: {  	[tilespmem:v30+s31+$0x0] =	vst.idx.add.f32.msk $0xffff, v2  }
0x149: {  	[tilespmem:v31+s31+$0x0] =	vst.idx.add.f32.msk $0xffff, v2  }
0x14a: {  	[tilespmem:v26+s31+$0x0] =	vst.idx.add.f32.msk $0xffff, v2  }
0x14b: {  	[tilespmem:v27+s31+$0x0] =	vst.idx.add.f32.msk $0xffff, v2  }
0x14c: {  	v26 =	vld [tilespmem:s12+$0xFFFFFF10]  }
0x14d: {  	v27 =	vld [tilespmem:s12+$0xFFFFFF20]  }
0x14e: {  	v28 =	vld [tilespmem:s12+$0xFFFFFF30]  }
0x14f: {  	v29 =	vld [tilespmem:s12+$0xFFFFFF40]  }
0x150: {  	v30 =	vld [tilespmem:s12+$0xFFFFFF50]  }
0x151: {  	v31 =	vld [tilespmem:s12+$0xFFFFFF60];
	v26 =	vadd.s32 s13, v26  }
0x152: {  	v60 =	vld [tilespmem:s12+$0xFFFFFF70];
	v27 =	vadd.s32 s13, v27  }
0x153: {  	v61 =	vld [tilespmem:s12+$0xFFFFFF80];
	v28 =	vadd.s32 s13, v28  }
0x154: {  	v29 =	vadd.s32 s13, v29  }
0x155: {  	v30 =	vadd.s32 s13, v30  }
0x156: {  	v31 =	vadd.s32 s13, v31;
	[tilespmem:v26+s31+$0x0] =	vst.idx.add.f32.msk $0xffff, v2  }
0x157: {  	v26 =	vadd.s32 s13, v60;
	[tilespmem:v27+s31+$0x0] =	vst.idx.add.f32.msk $0xffff, v2  }
0x158: {  	v27 =	vadd.s32 s13, v61;
	[tilespmem:v28+s31+$0x0] =	vst.idx.add.f32.msk $0xffff, v2  }
0x159: {  	[tilespmem:v29+s31+$0x0] =	vst.idx.add.f32.msk $0xffff, v2  }
0x15a: {  	[tilespmem:v30+s31+$0x0] =	vst.idx.add.f32.msk $0xffff, v2  }
0x15b: {  	[tilespmem:v31+s31+$0x0] =	vst.idx.add.f32.msk $0xffff, v2  }
0x15c: {  	[tilespmem:v26+s31+$0x0] =	vst.idx.add.f32.msk $0xffff, v2  }
0x15d: {  	[tilespmem:v27+s31+$0x0] =	vst.idx.add.f32.msk $0xffff, v2  }
0x15e: {  	v26 =	vld [tilespmem:s12+$0xFFFFFF90]  }
0x15f: {  	v27 =	vld [tilespmem:s12+$0xFFFFFFA0]  }
0x160: {  	v28 =	vld [tilespmem:s12+$0xFFFFFFB0]  }
0x161: {  	v29 =	vld [tilespmem:s12+$0xFFFFFFC0]  }
0x162: {  	v30 =	vld [tilespmem:s12+$0xFFFFFFD0]  }
0x163: {  	v31 =	vld [tilespmem:s12+$0xFFFFFFE0];
	v26 =	vadd.s32 s13, v26  }
0x164: {  	v62 =	vld [tilespmem:s12+$0xFFFFFFF0];
	v27 =	vadd.s32 s13, v27  }
0x165: {  	v63 =	vld [tilespmem:s12+$0x0];
	v28 =	vadd.s32 s13, v28  }
0x166: {  	v29 =	vadd.s32 s13, v29  }
0x167: {  	v30 =	vadd.s32 s13, v30  }
0x168: {  	v31 =	vadd.s32 s13, v31;
	[tilespmem:v26+s31+$0x0] =	vst.idx.add.f32.msk $0xffff, v2  }
0x169: {  	v26 =	vadd.s32 s13, v62;
	[tilespmem:v27+s31+$0x0] =	vst.idx.add.f32.msk $0xffff, v2  }
0x16a: {  	p3 =	sne.s32 s9, $0x898;
	v27 =	vadd.s32 s13, v63;
	[tilespmem:v28+s31+$0x0] =	vst.idx.add.f32.msk $0xffff, v2  }
.Ltmp10:
0x16b: {  	[tilespmem:v29+s31+$0x0] =	vst.idx.add.f32.msk $0xffff, v2;
	(pc) =	sbr.rel @p3 .LBB2_18-.Ltmp10, $4  }
0x16c: {  	[tilespmem:v30+s31+$0x0] =	vst.idx.add.f32.msk $0xffff, v2  }
0x16d: {  	[tilespmem:v31+s31+$0x0] =	vst.idx.add.f32.msk $0xffff, v2  }
0x16e: {  	[tilespmem:v26+s31+$0x0] =	vst.idx.add.f32.msk $0xffff, v2  }
0x16f: {  	s9 =	sadd.s32 $0xC8, s9;
	s12 =	sadd.s32 $0x180, s12;
	[tilespmem:v27+s31+$0x0] =	vst.idx.add.f32.msk $0xffff, v2  }
0x170: {  	s8 =	sadd.s32 $0x1, s8  }
0x171: {  	p3 =	sne.s32 s8, $0x10  }
.Ltmp11:
0x172: {  	_ = 	snop;
	(pc) =	sbr.rel @p3 .LBB2_15-.Ltmp11, $2  }
0x173: {  	_ =	sdelay $0x2  }
0x174: {  	s6 =	sadd.s32 $0x12C0, s6;
	s7 =	sadd.s32 $0x12C0, s7  }
0x175: {  	[hbm4b:s19+s1] =	stream.linear.scatter [tilespmem:s31], [sflag:$0x5], $0x12C00, $0x38;
	[tilespmem:$0x16140] =	vst v63  }
0x176: {  	_ =	swait.ge [sflag:s25], $0x12C00  }
0x177: {  	[sflag:s25] =	ssyncset.done $0x0  }
0x178: {  	[sflag:s25] =	ssyncadd.s32 $0xFFFED400  }
.LBB2_21:
.Ltmp12:
0x179: {  	(pc) =	sbr.rel @p2 .LBB2_31-.Ltmp12, $2  }
0x17a: {  	_ =	sdelay $0x2  }
0x17b: {  	s7 =	simm.s32 $0x0  }
0x17c: {  	s6 =	sshra.s32 s7, $0x2;
	s7 =	sadd.s32 $0x200, s7  }
.LBB2_23:
0x17d: {  	p3 =	sne.s32 s7, $0x4AE00;
	[tilespmem:s6+$0x4870] =	vst v1  }
0x17e: {  	[tilespmem:s6+$0x4800] =	vst v1  }
0x17f: {  	[tilespmem:s6+$0x4810] =	vst v1  }
.Ltmp13:
0x180: {  	[tilespmem:s6+$0x4820] =	vst v1;
	(pc) =	sbr.rel @p3 .LBB2_23-.Ltmp13, $4  }
0x181: {  	[tilespmem:s6+$0x4830] =	vst v1  }
0x182: {  	[tilespmem:s6+$0x4840] =	vst v1  }
0x183: {  	[tilespmem:s6+$0x4850] =	vst v1  }
0x184: {  	[tilespmem:s6+$0x4860] =	vst v1;
	s6 =	sshra.s32 s7, $0x2;
	s7 =	sadd.s32 $0x200, s7  }
0x185: {  	[tilespmem:s6+$0x4870] =	vst v1  }
0x186: {  	[tilespmem:s6+$0x4800] =	vst v1  }
0x187: {  	[tilespmem:s6+$0x4810] =	vst v1  }
0x188: {  	[tilespmem:s6+$0x4820] =	vst v1  }
0x189: {  	[tilespmem:s6+$0x4830] =	vst v1  }
0x18a: {  	[tilespmem:s6+$0x4840] =	vst v1  }
0x18b: {  	[tilespmem:s6+$0x4850] =	vst v1  }
0x18c: {  	[tilespmem:s6+$0x4860] =	vst v1;
	s6 =	simm.s32 $0x0  }
0x18d: {  	[tilespmem:s6], [sflag:$0x1] =	stream.linear.gather [hbm4b:s22+s6], $0x1200, $0x38;
	[tilespmem:$0x16140] =	vst v63  }
0x18e: {  	_ = 	snop  }
0x18f: {  	[tilespmem:s26], [sflag:$0x2] =	stream.linear.gather [hbm4b:s21+s6], $0x1200, $0x38;
	[tilespmem:$0x16140] =	vst v63  }
.LBB2_25:
0x190: {  	p3 =	seq.s32 s6, $0xF  }
0x191: {  	s7 =	smul.u32 @!p3 $0x2400, s6;
	_ =	sdelay $0x1  }
0x192: {  	_ =	swait.ge [sflag:s29], $0x1200;
	s8 =	sadd.s32 @!p3 s7, s20  }
0x193: {  	s14 =	simm.s32 $0x0;
	[sflag:s29] =	ssyncset.done $0x0;
	s8 =	sshrl.u32 @!p3 s8, $0x3  }
0x194: {  	s9 =	simm.s32 @!p3 $0x0;
	[sflag:s29] =	ssyncadd.s32 $0xFFFFEE00;
	s8 =	sadd.s32 @!p3 s5, s8  }
0x195: {  	[tilespmem:s9], [sflag:$0x1] =	stream.linear.gather @!p3 [hbm4b:s8+s9], $0x1200, $0x38;
	[tilespmem:$0x16140] =	vst v63  }
0x196: {  	v26 =	vld [tilespmem:s14+$0x0]  }
0x197: {  	v27 =	vld [tilespmem:s14+$0x10]  }
0x198: {  	v28 =	vld [tilespmem:s14+$0x20]  }
0x199: {  	v29 =	vld [tilespmem:s14+$0x30]  }
0x19a: {  	v30 =	vld [tilespmem:s14+$0x40]  }
0x19b: {  	v31 =	vld [tilespmem:s14+$0x50];
	v26 =	vadd.s32 v0, v26  }
0x19c: {  	v32 =	vld [tilespmem:s14+$0x60];
	v27 =	vadd.s32 v3, v27  }
0x19d: {  	v33 =	vld [tilespmem:s14+$0x70];
	v28 =	vadd.s32 v4, v28  }
0x19e: {  	v29 =	vadd.s32 v5, v29  }
0x19f: {  	v30 =	vadd.s32 v6, v30  }
0x1a0: {  	v31 =	vadd.s32 v7, v31;
	[tilespmem:v26+s31+$0x0] =	vst.idx.add.f32.msk $0xffff, v2  }
0x1a1: {  	v26 =	vadd.s32 v8, v32;
	[tilespmem:v27+s31+$0x0] =	vst.idx.add.f32.msk $0xffff, v2  }
0x1a2: {  	v27 =	vadd.s32 v9, v33;
	[tilespmem:v28+s31+$0x0] =	vst.idx.add.f32.msk $0xffff, v2  }
0x1a3: {  	[tilespmem:v29+s31+$0x0] =	vst.idx.add.f32.msk $0xffff, v2  }
0x1a4: {  	[tilespmem:v30+s31+$0x0] =	vst.idx.add.f32.msk $0xffff, v2  }
0x1a5: {  	[tilespmem:v31+s31+$0x0] =	vst.idx.add.f32.msk $0xffff, v2  }
0x1a6: {  	[tilespmem:v26+s31+$0x0] =	vst.idx.add.f32.msk $0xffff, v2  }
0x1a7: {  	[tilespmem:v27+s31+$0x0] =	vst.idx.add.f32.msk $0xffff, v2  }
0x1a8: {  	v26 =	vld [tilespmem:s14+$0x80]  }
0x1a9: {  	v27 =	vld [tilespmem:s14+$0x90]  }
0x1aa: {  	v28 =	vld [tilespmem:s14+$0xA0]  }
0x1ab: {  	v29 =	vld [tilespmem:s14+$0xB0]  }
0x1ac: {  	v30 =	vld [tilespmem:s14+$0xC0]  }
0x1ad: {  	v31 =	vld [tilespmem:s14+$0xD0];
	v26 =	vadd.s32 v10, v26  }
0x1ae: {  	v60 =	vld [tilespmem:s14+$0xE0];
	v27 =	vadd.s32 v11, v27  }
0x1af: {  	v61 =	vld [tilespmem:s14+$0xF0];
	v28 =	vadd.s32 v12, v28  }
0x1b0: {  	v29 =	vadd.s32 v13, v29  }
0x1b1: {  	v30 =	vadd.s32 v14, v30  }
0x1b2: {  	v31 =	vadd.s32 v15, v31;
	[tilespmem:v26+s31+$0x0] =	vst.idx.add.f32.msk $0xffff, v2  }
0x1b3: {  	v26 =	vadd.s32 v16, v60;
	[tilespmem:v27+s31+$0x0] =	vst.idx.add.f32.msk $0xffff, v2  }
0x1b4: {  	v27 =	vadd.s32 v17, v61;
	[tilespmem:v28+s31+$0x0] =	vst.idx.add.f32.msk $0xffff, v2  }
0x1b5: {  	[tilespmem:v29+s31+$0x0] =	vst.idx.add.f32.msk $0xffff, v2  }
0x1b6: {  	[tilespmem:v30+s31+$0x0] =	vst.idx.add.f32.msk $0xffff, v2  }
0x1b7: {  	[tilespmem:v31+s31+$0x0] =	vst.idx.add.f32.msk $0xffff, v2  }
0x1b8: {  	[tilespmem:v26+s31+$0x0] =	vst.idx.add.f32.msk $0xffff, v2  }
0x1b9: {  	[tilespmem:v27+s31+$0x0] =	vst.idx.add.f32.msk $0xffff, v2  }
0x1ba: {  	v26 =	vld [tilespmem:s14+$0x100]  }
0x1bb: {  	v27 =	vld [tilespmem:s14+$0x110]  }
0x1bc: {  	v28 =	vld [tilespmem:s14+$0x120]  }
0x1bd: {  	v29 =	vld [tilespmem:s14+$0x130]  }
0x1be: {  	v30 =	vld [tilespmem:s14+$0x140]  }
0x1bf: {  	v31 =	vld [tilespmem:s14+$0x150];
	v26 =	vadd.s32 v18, v26  }
0x1c0: {  	v62 =	vld [tilespmem:s14+$0x160];
	v27 =	vadd.s32 v19, v27  }
0x1c1: {  	v28 =	vadd.s32 v20, v28  }
0x1c2: {  	v63 =	vld [tilespmem:s14+$0x170];
	v29 =	vadd.s32 v21, v29  }
0x1c3: {  	v30 =	vadd.s32 v22, v30  }
0x1c4: {  	v31 =	vadd.s32 v23, v31;
	[tilespmem:v26+s31+$0x0] =	vst.idx.add.f32.msk $0xffff, v2  }
0x1c5: {  	v32 =	vadd.s32 v24, v62;
	[tilespmem:v27+s31+$0x0] =	vst.idx.add.f32.msk $0xffff, v2  }
0x1c6: {  	[tilespmem:v28+s31+$0x0] =	vst.idx.add.f32.msk $0xffff, v2  }
0x1c7: {  	v26 =	vadd.s32 v25, v63;
	[tilespmem:v29+s31+$0x0] =	vst.idx.add.f32.msk $0xffff, v2  }
0x1c8: {  	[tilespmem:v30+s31+$0x0] =	vst.idx.add.f32.msk $0xffff, v2  }
0x1c9: {  	[tilespmem:v31+s31+$0x0] =	vst.idx.add.f32.msk $0xffff, v2  }
0x1ca: {  	s8 =	simm.s32 $0x600;
	s9 =	simm.s32 $0xC00;
	[tilespmem:v32+s31+$0x0] =	vst.idx.add.f32.msk $0xffff, v2  }
.LBB2_26:
0x1cb: {  	p4 =	sne.s32 s9, $0x4200  }
0x1cc: {  	s12 =	sshra.s32 s8, $0x2;
	[tilespmem:v26+s31+$0x0] =	vst.idx.add.f32.msk $0xffff, v2;
	s8 =	smov.u32 s9;
	s9 =	sadd.s32 $0x600, s9  }
0x1cd: {  	v26 =	vld [tilespmem:s12+$0x0]  }
0x1ce: {  	v27 =	vld [tilespmem:s12+$0x10]  }
0x1cf: {  	v28 =	vld [tilespmem:s12+$0x20]  }
0x1d0: {  	v29 =	vld [tilespmem:s12+$0x30]  }
0x1d1: {  	v30 =	vld [tilespmem:s12+$0x40]  }
0x1d2: {  	v31 =	vld [tilespmem:s12+$0x50];
	v26 =	vadd.s32 v0, v26  }
0x1d3: {  	v32 =	vld [tilespmem:s12+$0x60];
	v27 =	vadd.s32 v3, v27  }
0x1d4: {  	v33 =	vld [tilespmem:s12+$0x70];
	v28 =	vadd.s32 v4, v28  }
0x1d5: {  	v29 =	vadd.s32 v5, v29  }
0x1d6: {  	v30 =	vadd.s32 v6, v30  }
0x1d7: {  	v31 =	vadd.s32 v7, v31;
	[tilespmem:v26+s31+$0x0] =	vst.idx.add.f32.msk $0xffff, v2  }
0x1d8: {  	v26 =	vadd.s32 v8, v32;
	[tilespmem:v27+s31+$0x0] =	vst.idx.add.f32.msk $0xffff, v2  }
0x1d9: {  	v27 =	vadd.s32 v9, v33;
	[tilespmem:v28+s31+$0x0] =	vst.idx.add.f32.msk $0xffff, v2  }
0x1da: {  	[tilespmem:v29+s31+$0x0] =	vst.idx.add.f32.msk $0xffff, v2  }
0x1db: {  	[tilespmem:v30+s31+$0x0] =	vst.idx.add.f32.msk $0xffff, v2  }
0x1dc: {  	[tilespmem:v31+s31+$0x0] =	vst.idx.add.f32.msk $0xffff, v2  }
0x1dd: {  	[tilespmem:v26+s31+$0x0] =	vst.idx.add.f32.msk $0xffff, v2  }
0x1de: {  	[tilespmem:v27+s31+$0x0] =	vst.idx.add.f32.msk $0xffff, v2  }
0x1df: {  	v26 =	vld [tilespmem:s12+$0x80]  }
0x1e0: {  	v27 =	vld [tilespmem:s12+$0x90]  }
0x1e1: {  	v28 =	vld [tilespmem:s12+$0xA0]  }
0x1e2: {  	v29 =	vld [tilespmem:s12+$0xB0]  }
0x1e3: {  	v30 =	vld [tilespmem:s12+$0xC0]  }
0x1e4: {  	v31 =	vld [tilespmem:s12+$0xD0];
	v26 =	vadd.s32 v10, v26  }
0x1e5: {  	v32 =	vld [tilespmem:s12+$0xE0];
	v27 =	vadd.s32 v11, v27  }
0x1e6: {  	v33 =	vld [tilespmem:s12+$0xF0];
	v28 =	vadd.s32 v12, v28  }
0x1e7: {  	v29 =	vadd.s32 v13, v29  }
0x1e8: {  	v30 =	vadd.s32 v14, v30  }
0x1e9: {  	v31 =	vadd.s32 v15, v31;
	[tilespmem:v26+s31+$0x0] =	vst.idx.add.f32.msk $0xffff, v2  }
0x1ea: {  	v26 =	vadd.s32 v16, v32;
	[tilespmem:v27+s31+$0x0] =	vst.idx.add.f32.msk $0xffff, v2  }
0x1eb: {  	v27 =	vadd.s32 v17, v33;
	[tilespmem:v28+s31+$0x0] =	vst.idx.add.f32.msk $0xffff, v2  }
0x1ec: {  	[tilespmem:v29+s31+$0x0] =	vst.idx.add.f32.msk $0xffff, v2  }
0x1ed: {  	[tilespmem:v30+s31+$0x0] =	vst.idx.add.f32.msk $0xffff, v2  }
0x1ee: {  	[tilespmem:v31+s31+$0x0] =	vst.idx.add.f32.msk $0xffff, v2  }
0x1ef: {  	[tilespmem:v26+s31+$0x0] =	vst.idx.add.f32.msk $0xffff, v2  }
0x1f0: {  	[tilespmem:v27+s31+$0x0] =	vst.idx.add.f32.msk $0xffff, v2  }
0x1f1: {  	v26 =	vld [tilespmem:s12+$0x100]  }
0x1f2: {  	v27 =	vld [tilespmem:s12+$0x110]  }
0x1f3: {  	v28 =	vld [tilespmem:s12+$0x120]  }
0x1f4: {  	v29 =	vld [tilespmem:s12+$0x130]  }
0x1f5: {  	v30 =	vld [tilespmem:s12+$0x140]  }
0x1f6: {  	v31 =	vld [tilespmem:s12+$0x150];
	v26 =	vadd.s32 v18, v26  }
0x1f7: {  	v32 =	vld [tilespmem:s12+$0x160];
	v27 =	vadd.s32 v19, v27  }
0x1f8: {  	v33 =	vld [tilespmem:s12+$0x170];
	v28 =	vadd.s32 v20, v28  }
0x1f9: {  	v29 =	vadd.s32 v21, v29  }
0x1fa: {  	v30 =	vadd.s32 v22, v30  }
0x1fb: {  	v31 =	vadd.s32 v23, v31;
	[tilespmem:v26+s31+$0x0] =	vst.idx.add.f32.msk $0xffff, v2  }
0x1fc: {  	v32 =	vadd.s32 v24, v32;
	[tilespmem:v27+s31+$0x0] =	vst.idx.add.f32.msk $0xffff, v2  }
.Ltmp14:
0x1fd: {  	v26 =	vadd.s32 v25, v33;
	[tilespmem:v28+s31+$0x0] =	vst.idx.add.f32.msk $0xffff, v2;
	(pc) =	sbr.rel @p4 .LBB2_26-.Ltmp14, $4  }
0x1fe: {  	[tilespmem:v29+s31+$0x0] =	vst.idx.add.f32.msk $0xffff, v2  }
0x1ff: {  	[tilespmem:v30+s31+$0x0] =	vst.idx.add.f32.msk $0xffff, v2  }
0x200: {  	[tilespmem:v31+s31+$0x0] =	vst.idx.add.f32.msk $0xffff, v2  }
0x201: {  	[tilespmem:v32+s31+$0x0] =	vst.idx.add.f32.msk $0xffff, v2  }
0x202: {  	_ =	sdelay $0x3  }
0x203: {  	s8 =	sshra.s32 s8, $0x2;
	[tilespmem:v26+s31+$0x0] =	vst.idx.add.f32.msk $0xffff, v2  }
0x204: {  	v26 =	vld [tilespmem:s8+$0x0]  }
0x205: {  	v27 =	vld [tilespmem:s8+$0x10]  }
0x206: {  	v28 =	vld [tilespmem:s8+$0x20]  }
0x207: {  	v29 =	vld [tilespmem:s8+$0x30]  }
0x208: {  	v30 =	vld [tilespmem:s8+$0x40]  }
0x209: {  	v31 =	vld [tilespmem:s8+$0x50];
	v26 =	vadd.s32 v0, v26  }
0x20a: {  	v32 =	vld [tilespmem:s8+$0x60];
	v27 =	vadd.s32 v3, v27  }
0x20b: {  	v33 =	vld [tilespmem:s8+$0x70];
	v28 =	vadd.s32 v4, v28  }
0x20c: {  	v29 =	vadd.s32 v5, v29  }
0x20d: {  	v30 =	vadd.s32 v6, v30  }
0x20e: {  	v31 =	vadd.s32 v7, v31;
	[tilespmem:v26+s31+$0x0] =	vst.idx.add.f32.msk $0xffff, v2  }
0x20f: {  	v26 =	vadd.s32 v8, v32;
	[tilespmem:v27+s31+$0x0] =	vst.idx.add.f32.msk $0xffff, v2  }
0x210: {  	v27 =	vadd.s32 v9, v33;
	[tilespmem:v28+s31+$0x0] =	vst.idx.add.f32.msk $0xffff, v2  }
0x211: {  	[tilespmem:v29+s31+$0x0] =	vst.idx.add.f32.msk $0xffff, v2  }
0x212: {  	[tilespmem:v30+s31+$0x0] =	vst.idx.add.f32.msk $0xffff, v2  }
0x213: {  	[tilespmem:v31+s31+$0x0] =	vst.idx.add.f32.msk $0xffff, v2  }
0x214: {  	[tilespmem:v26+s31+$0x0] =	vst.idx.add.f32.msk $0xffff, v2  }
0x215: {  	[tilespmem:v27+s31+$0x0] =	vst.idx.add.f32.msk $0xffff, v2  }
0x216: {  	v26 =	vld [tilespmem:s8+$0x80]  }
0x217: {  	v27 =	vld [tilespmem:s8+$0x90]  }
0x218: {  	v28 =	vld [tilespmem:s8+$0xA0]  }
0x219: {  	v29 =	vld [tilespmem:s8+$0xB0]  }
0x21a: {  	v30 =	vld [tilespmem:s8+$0xC0]  }
0x21b: {  	v31 =	vld [tilespmem:s8+$0xD0];
	v26 =	vadd.s32 v10, v26  }
0x21c: {  	v50 =	vld [tilespmem:s8+$0xE0];
	v27 =	vadd.s32 v11, v27  }
0x21d: {  	v51 =	vld [tilespmem:s8+$0xF0];
	v28 =	vadd.s32 v12, v28  }
0x21e: {  	v29 =	vadd.s32 v13, v29  }
0x21f: {  	v30 =	vadd.s32 v14, v30  }
0x220: {  	v31 =	vadd.s32 v15, v31;
	[tilespmem:v26+s31+$0x0] =	vst.idx.add.f32.msk $0xffff, v2  }
0x221: {  	v26 =	vadd.s32 v16, v50;
	[tilespmem:v27+s31+$0x0] =	vst.idx.add.f32.msk $0xffff, v2  }
0x222: {  	v27 =	vadd.s32 v17, v51;
	[tilespmem:v28+s31+$0x0] =	vst.idx.add.f32.msk $0xffff, v2  }
0x223: {  	[tilespmem:v29+s31+$0x0] =	vst.idx.add.f32.msk $0xffff, v2  }
0x224: {  	[tilespmem:v30+s31+$0x0] =	vst.idx.add.f32.msk $0xffff, v2  }
0x225: {  	[tilespmem:v31+s31+$0x0] =	vst.idx.add.f32.msk $0xffff, v2  }
0x226: {  	[tilespmem:v26+s31+$0x0] =	vst.idx.add.f32.msk $0xffff, v2  }
0x227: {  	[tilespmem:v27+s31+$0x0] =	vst.idx.add.f32.msk $0xffff, v2  }
0x228: {  	v26 =	vld [tilespmem:s8+$0x100]  }
0x229: {  	v27 =	vld [tilespmem:s8+$0x110]  }
0x22a: {  	v28 =	vld [tilespmem:s8+$0x120]  }
0x22b: {  	v29 =	vld [tilespmem:s8+$0x130]  }
0x22c: {  	v30 =	vld [tilespmem:s8+$0x140]  }
0x22d: {  	v31 =	vld [tilespmem:s8+$0x150];
	v26 =	vadd.s32 v18, v26  }
0x22e: {  	v52 =	vld [tilespmem:s8+$0x160];
	v27 =	vadd.s32 v19, v27  }
0x22f: {  	v53 =	vld [tilespmem:s8+$0x170];
	v28 =	vadd.s32 v20, v28  }
0x230: {  	v29 =	vadd.s32 v21, v29  }
0x231: {  	v30 =	vadd.s32 v22, v30  }
0x232: {  	v31 =	vadd.s32 v23, v31;
	[tilespmem:v26+s31+$0x0] =	vst.idx.add.f32.msk $0xffff, v2  }
0x233: {  	v26 =	vadd.s32 v24, v52;
	[tilespmem:v27+s31+$0x0] =	vst.idx.add.f32.msk $0xffff, v2  }
0x234: {  	v27 =	vadd.s32 v25, v53;
	[tilespmem:v28+s31+$0x0] =	vst.idx.add.f32.msk $0xffff, v2  }
0x235: {  	[tilespmem:v29+s31+$0x0] =	vst.idx.add.f32.msk $0xffff, v2  }
0x236: {  	[tilespmem:v30+s31+$0x0] =	vst.idx.add.f32.msk $0xffff, v2  }
0x237: {  	[tilespmem:v31+s31+$0x0] =	vst.idx.add.f32.msk $0xffff, v2  }
0x238: {  	[tilespmem:v26+s31+$0x0] =	vst.idx.add.f32.msk $0xffff, v2  }
0x239: {  	[tilespmem:v27+s31+$0x0] =	vst.idx.add.f32.msk $0xffff, v2  }
0x23a: {  	s7 =	sadd.s32 @!p3 s7, s23;
	s9 =	simm.s32 @!p3 $0x1200;
	_ =	swait.ge [sflag:s0], $0x1200  }
0x23b: {  	s14 =	simm.s32 $0x0;
	s7 =	sshrl.u32 @!p3 s7, $0x3;
	[sflag:s0] =	ssyncset.done $0x0  }
0x23c: {  	s7 =	sadd.s32 @!p3 s5, s7;
	s8 =	simm.s32 @!p3 $0x0;
	[sflag:s0] =	ssyncadd.s32 $0xFFFFEE00  }
0x23d: {  	[tilespmem:s9], [sflag:$0x2] =	stream.linear.gather @!p3 [hbm4b:s7+s8], $0x1200, $0x38;
	[tilespmem:$0x16140] =	vst v63  }
0x23e: {  	v26 =	vld [tilespmem:s14+$0x1200]  }
0x23f: {  	v27 =	vld [tilespmem:s14+$0x1210]  }
0x240: {  	v54 =	vld [tilespmem:s14+$0x1220]  }
0x241: {  	v55 =	vld [tilespmem:s14+$0x1230]  }
0x242: {  	v56 =	vld [tilespmem:s14+$0x1240]  }
0x243: {  	v57 =	vld [tilespmem:s14+$0x1250];
	v26 =	vadd.s32 v0, v26  }
0x244: {  	v58 =	vld [tilespmem:s14+$0x1260];
	v27 =	vadd.s32 v3, v27  }
0x245: {  	v59 =	vld [tilespmem:s14+$0x1270];
	v28 =	vadd.s32 v4, v54  }
0x246: {  	v29 =	vadd.s32 v5, v55  }
0x247: {  	v30 =	vadd.s32 v6, v56  }
0x248: {  	v31 =	vadd.s32 v7, v57;
	[tilespmem:v26+s31+$0x0] =	vst.idx.add.f32.msk $0xffff, v2  }
0x249: {  	v26 =	vadd.s32 v8, v58;
	[tilespmem:v27+s31+$0x0] =	vst.idx.add.f32.msk $0xffff, v2  }
0x24a: {  	v27 =	vadd.s32 v9, v59;
	[tilespmem:v28+s31+$0x0] =	vst.idx.add.f32.msk $0xffff, v2  }
0x24b: {  	[tilespmem:v29+s31+$0x0] =	vst.idx.add.f32.msk $0xffff, v2  }
0x24c: {  	[tilespmem:v30+s31+$0x0] =	vst.idx.add.f32.msk $0xffff, v2  }
0x24d: {  	[tilespmem:v31+s31+$0x0] =	vst.idx.add.f32.msk $0xffff, v2  }
0x24e: {  	[tilespmem:v26+s31+$0x0] =	vst.idx.add.f32.msk $0xffff, v2  }
0x24f: {  	[tilespmem:v27+s31+$0x0] =	vst.idx.add.f32.msk $0xffff, v2  }
0x250: {  	v26 =	vld [tilespmem:s14+$0x1280]  }
0x251: {  	v27 =	vld [tilespmem:s14+$0x1290]  }
0x252: {  	v28 =	vld [tilespmem:s14+$0x12A0]  }
0x253: {  	v29 =	vld [tilespmem:s14+$0x12B0]  }
0x254: {  	v30 =	vld [tilespmem:s14+$0x12C0]  }
0x255: {  	v31 =	vld [tilespmem:s14+$0x12D0];
	v26 =	vadd.s32 v10, v26  }
0x256: {  	v60 =	vld [tilespmem:s14+$0x12E0];
	v27 =	vadd.s32 v11, v27  }
0x257: {  	v61 =	vld [tilespmem:s14+$0x12F0];
	v28 =	vadd.s32 v12, v28  }
0x258: {  	v29 =	vadd.s32 v13, v29  }
0x259: {  	v30 =	vadd.s32 v14, v30  }
0x25a: {  	v31 =	vadd.s32 v15, v31;
	[tilespmem:v26+s31+$0x0] =	vst.idx.add.f32.msk $0xffff, v2  }
0x25b: {  	v26 =	vadd.s32 v16, v60;
	[tilespmem:v27+s31+$0x0] =	vst.idx.add.f32.msk $0xffff, v2  }
0x25c: {  	v27 =	vadd.s32 v17, v61;
	[tilespmem:v28+s31+$0x0] =	vst.idx.add.f32.msk $0xffff, v2  }
0x25d: {  	[tilespmem:v29+s31+$0x0] =	vst.idx.add.f32.msk $0xffff, v2  }
0x25e: {  	[tilespmem:v30+s31+$0x0] =	vst.idx.add.f32.msk $0xffff, v2  }
0x25f: {  	[tilespmem:v31+s31+$0x0] =	vst.idx.add.f32.msk $0xffff, v2  }
0x260: {  	[tilespmem:v26+s31+$0x0] =	vst.idx.add.f32.msk $0xffff, v2  }
0x261: {  	[tilespmem:v27+s31+$0x0] =	vst.idx.add.f32.msk $0xffff, v2  }
0x262: {  	v26 =	vld [tilespmem:s14+$0x1300]  }
0x263: {  	v27 =	vld [tilespmem:s14+$0x1310]  }
0x264: {  	v28 =	vld [tilespmem:s14+$0x1320]  }
0x265: {  	v29 =	vld [tilespmem:s14+$0x1330]  }
0x266: {  	v30 =	vld [tilespmem:s14+$0x1340]  }
0x267: {  	v31 =	vld [tilespmem:s14+$0x1350];
	v26 =	vadd.s32 v18, v26  }
0x268: {  	v62 =	vld [tilespmem:s14+$0x1360];
	v27 =	vadd.s32 v19, v27  }
0x269: {  	v28 =	vadd.s32 v20, v28  }
0x26a: {  	v63 =	vld [tilespmem:s14+$0x1370];
	v29 =	vadd.s32 v21, v29  }
0x26b: {  	v30 =	vadd.s32 v22, v30  }
0x26c: {  	v31 =	vadd.s32 v23, v31;
	[tilespmem:v26+s31+$0x0] =	vst.idx.add.f32.msk $0xffff, v2  }
0x26d: {  	v32 =	vadd.s32 v24, v62;
	[tilespmem:v27+s31+$0x0] =	vst.idx.add.f32.msk $0xffff, v2  }
0x26e: {  	[tilespmem:v28+s31+$0x0] =	vst.idx.add.f32.msk $0xffff, v2  }
0x26f: {  	v26 =	vadd.s32 v25, v63;
	[tilespmem:v29+s31+$0x0] =	vst.idx.add.f32.msk $0xffff, v2  }
0x270: {  	[tilespmem:v30+s31+$0x0] =	vst.idx.add.f32.msk $0xffff, v2  }
0x271: {  	[tilespmem:v31+s31+$0x0] =	vst.idx.add.f32.msk $0xffff, v2  }
0x272: {  	s7 =	simm.s32 $0x600;
	s8 =	simm.s32 $0xC00;
	[tilespmem:v32+s31+$0x0] =	vst.idx.add.f32.msk $0xffff, v2  }
.LBB2_28:
0x273: {  	p3 =	sne.s32 s8, $0x4200  }
0x274: {  	s9 =	sshra.s32 s7, $0x2;
	[tilespmem:v26+s31+$0x0] =	vst.idx.add.f32.msk $0xffff, v2;
	s7 =	smov.u32 s8;
	s8 =	sadd.s32 $0x600, s8  }
0x275: {  	v26 =	vld [tilespmem:s9+$0x1200]  }
0x276: {  	v27 =	vld [tilespmem:s9+$0x1210]  }
0x277: {  	v28 =	vld [tilespmem:s9+$0x1220]  }
0x278: {  	v29 =	vld [tilespmem:s9+$0x1230]  }
0x279: {  	v30 =	vld [tilespmem:s9+$0x1240]  }
0x27a: {  	v31 =	vld [tilespmem:s9+$0x1250];
	v26 =	vadd.s32 v0, v26  }
0x27b: {  	v32 =	vld [tilespmem:s9+$0x1260];
	v27 =	vadd.s32 v3, v27  }
0x27c: {  	v33 =	vld [tilespmem:s9+$0x1270];
	v28 =	vadd.s32 v4, v28  }
0x27d: {  	v29 =	vadd.s32 v5, v29  }
0x27e: {  	v30 =	vadd.s32 v6, v30  }
0x27f: {  	v31 =	vadd.s32 v7, v31;
	[tilespmem:v26+s31+$0x0] =	vst.idx.add.f32.msk $0xffff, v2  }
0x280: {  	v26 =	vadd.s32 v8, v32;
	[tilespmem:v27+s31+$0x0] =	vst.idx.add.f32.msk $0xffff, v2  }
0x281: {  	v27 =	vadd.s32 v9, v33;
	[tilespmem:v28+s31+$0x0] =	vst.idx.add.f32.msk $0xffff, v2  }
0x282: {  	[tilespmem:v29+s31+$0x0] =	vst.idx.add.f32.msk $0xffff, v2  }
0x283: {  	[tilespmem:v30+s31+$0x0] =	vst.idx.add.f32.msk $0xffff, v2  }
0x284: {  	[tilespmem:v31+s31+$0x0] =	vst.idx.add.f32.msk $0xffff, v2  }
0x285: {  	[tilespmem:v26+s31+$0x0] =	vst.idx.add.f32.msk $0xffff, v2  }
0x286: {  	[tilespmem:v27+s31+$0x0] =	vst.idx.add.f32.msk $0xffff, v2  }
0x287: {  	v26 =	vld [tilespmem:s9+$0x1280]  }
0x288: {  	v27 =	vld [tilespmem:s9+$0x1290]  }
0x289: {  	v28 =	vld [tilespmem:s9+$0x12A0]  }
0x28a: {  	v29 =	vld [tilespmem:s9+$0x12B0]  }
0x28b: {  	v30 =	vld [tilespmem:s9+$0x12C0]  }
0x28c: {  	v31 =	vld [tilespmem:s9+$0x12D0];
	v26 =	vadd.s32 v10, v26  }
0x28d: {  	v32 =	vld [tilespmem:s9+$0x12E0];
	v27 =	vadd.s32 v11, v27  }
0x28e: {  	v33 =	vld [tilespmem:s9+$0x12F0];
	v28 =	vadd.s32 v12, v28  }
0x28f: {  	v29 =	vadd.s32 v13, v29  }
0x290: {  	v30 =	vadd.s32 v14, v30  }
0x291: {  	v31 =	vadd.s32 v15, v31;
	[tilespmem:v26+s31+$0x0] =	vst.idx.add.f32.msk $0xffff, v2  }
0x292: {  	v26 =	vadd.s32 v16, v32;
	[tilespmem:v27+s31+$0x0] =	vst.idx.add.f32.msk $0xffff, v2  }
0x293: {  	v27 =	vadd.s32 v17, v33;
	[tilespmem:v28+s31+$0x0] =	vst.idx.add.f32.msk $0xffff, v2  }
0x294: {  	[tilespmem:v29+s31+$0x0] =	vst.idx.add.f32.msk $0xffff, v2  }
0x295: {  	[tilespmem:v30+s31+$0x0] =	vst.idx.add.f32.msk $0xffff, v2  }
0x296: {  	[tilespmem:v31+s31+$0x0] =	vst.idx.add.f32.msk $0xffff, v2  }
0x297: {  	[tilespmem:v26+s31+$0x0] =	vst.idx.add.f32.msk $0xffff, v2  }
0x298: {  	[tilespmem:v27+s31+$0x0] =	vst.idx.add.f32.msk $0xffff, v2  }
0x299: {  	v26 =	vld [tilespmem:s9+$0x1300]  }
0x29a: {  	v27 =	vld [tilespmem:s9+$0x1310]  }
0x29b: {  	v28 =	vld [tilespmem:s9+$0x1320]  }
0x29c: {  	v29 =	vld [tilespmem:s9+$0x1330]  }
0x29d: {  	v30 =	vld [tilespmem:s9+$0x1340]  }
0x29e: {  	v31 =	vld [tilespmem:s9+$0x1350];
	v26 =	vadd.s32 v18, v26  }
0x29f: {  	v32 =	vld [tilespmem:s9+$0x1360];
	v27 =	vadd.s32 v19, v27  }
0x2a0: {  	v33 =	vld [tilespmem:s9+$0x1370];
	v28 =	vadd.s32 v20, v28  }
0x2a1: {  	v29 =	vadd.s32 v21, v29  }
0x2a2: {  	v30 =	vadd.s32 v22, v30  }
0x2a3: {  	v31 =	vadd.s32 v23, v31;
	[tilespmem:v26+s31+$0x0] =	vst.idx.add.f32.msk $0xffff, v2  }
0x2a4: {  	v32 =	vadd.s32 v24, v32;
	[tilespmem:v27+s31+$0x0] =	vst.idx.add.f32.msk $0xffff, v2  }
.Ltmp15:
0x2a5: {  	v26 =	vadd.s32 v25, v33;
	[tilespmem:v28+s31+$0x0] =	vst.idx.add.f32.msk $0xffff, v2;
	(pc) =	sbr.rel @p3 .LBB2_28-.Ltmp15, $4  }
0x2a6: {  	[tilespmem:v29+s31+$0x0] =	vst.idx.add.f32.msk $0xffff, v2  }
0x2a7: {  	[tilespmem:v30+s31+$0x0] =	vst.idx.add.f32.msk $0xffff, v2  }
0x2a8: {  	[tilespmem:v31+s31+$0x0] =	vst.idx.add.f32.msk $0xffff, v2  }
0x2a9: {  	[tilespmem:v32+s31+$0x0] =	vst.idx.add.f32.msk $0xffff, v2  }
0x2aa: {  	_ =	sdelay $0x3  }
0x2ab: {  	s7 =	sshra.s32 s7, $0x2;
	[tilespmem:v26+s31+$0x0] =	vst.idx.add.f32.msk $0xffff, v2  }
0x2ac: {  	v26 =	vld [tilespmem:s7+$0x1200]  }
0x2ad: {  	v27 =	vld [tilespmem:s7+$0x1210]  }
0x2ae: {  	v28 =	vld [tilespmem:s7+$0x1220]  }
0x2af: {  	v29 =	vld [tilespmem:s7+$0x1230]  }
0x2b0: {  	v30 =	vld [tilespmem:s7+$0x1240]  }
0x2b1: {  	v31 =	vld [tilespmem:s7+$0x1250];
	v26 =	vadd.s32 v0, v26  }
0x2b2: {  	v32 =	vld [tilespmem:s7+$0x1260];
	v27 =	vadd.s32 v3, v27  }
0x2b3: {  	v33 =	vld [tilespmem:s7+$0x1270];
	v28 =	vadd.s32 v4, v28  }
0x2b4: {  	v29 =	vadd.s32 v5, v29  }
0x2b5: {  	v30 =	vadd.s32 v6, v30  }
0x2b6: {  	v31 =	vadd.s32 v7, v31;
	[tilespmem:v26+s31+$0x0] =	vst.idx.add.f32.msk $0xffff, v2  }
0x2b7: {  	v26 =	vadd.s32 v8, v32;
	[tilespmem:v27+s31+$0x0] =	vst.idx.add.f32.msk $0xffff, v2  }
0x2b8: {  	v27 =	vadd.s32 v9, v33;
	[tilespmem:v28+s31+$0x0] =	vst.idx.add.f32.msk $0xffff, v2  }
0x2b9: {  	[tilespmem:v29+s31+$0x0] =	vst.idx.add.f32.msk $0xffff, v2  }
0x2ba: {  	[tilespmem:v30+s31+$0x0] =	vst.idx.add.f32.msk $0xffff, v2  }
0x2bb: {  	[tilespmem:v31+s31+$0x0] =	vst.idx.add.f32.msk $0xffff, v2  }
0x2bc: {  	[tilespmem:v26+s31+$0x0] =	vst.idx.add.f32.msk $0xffff, v2  }
0x2bd: {  	[tilespmem:v27+s31+$0x0] =	vst.idx.add.f32.msk $0xffff, v2  }
0x2be: {  	v26 =	vld [tilespmem:s7+$0x1280]  }
0x2bf: {  	v27 =	vld [tilespmem:s7+$0x1290]  }
0x2c0: {  	v28 =	vld [tilespmem:s7+$0x12A0]  }
0x2c1: {  	v29 =	vld [tilespmem:s7+$0x12B0]  }
0x2c2: {  	v30 =	vld [tilespmem:s7+$0x12C0]  }
0x2c3: {  	v31 =	vld [tilespmem:s7+$0x12D0];
	v26 =	vadd.s32 v10, v26  }
0x2c4: {  	v60 =	vld [tilespmem:s7+$0x12E0];
	v27 =	vadd.s32 v11, v27  }
0x2c5: {  	v61 =	vld [tilespmem:s7+$0x12F0];
	v28 =	vadd.s32 v12, v28  }
0x2c6: {  	v29 =	vadd.s32 v13, v29  }
0x2c7: {  	v30 =	vadd.s32 v14, v30  }
0x2c8: {  	v31 =	vadd.s32 v15, v31;
	[tilespmem:v26+s31+$0x0] =	vst.idx.add.f32.msk $0xffff, v2  }
0x2c9: {  	v26 =	vadd.s32 v16, v60;
	[tilespmem:v27+s31+$0x0] =	vst.idx.add.f32.msk $0xffff, v2  }
0x2ca: {  	v27 =	vadd.s32 v17, v61;
	[tilespmem:v28+s31+$0x0] =	vst.idx.add.f32.msk $0xffff, v2  }
0x2cb: {  	[tilespmem:v29+s31+$0x0] =	vst.idx.add.f32.msk $0xffff, v2  }
0x2cc: {  	[tilespmem:v30+s31+$0x0] =	vst.idx.add.f32.msk $0xffff, v2  }
0x2cd: {  	[tilespmem:v31+s31+$0x0] =	vst.idx.add.f32.msk $0xffff, v2  }
0x2ce: {  	[tilespmem:v26+s31+$0x0] =	vst.idx.add.f32.msk $0xffff, v2  }
0x2cf: {  	[tilespmem:v27+s31+$0x0] =	vst.idx.add.f32.msk $0xffff, v2  }
0x2d0: {  	v26 =	vld [tilespmem:s7+$0x1300]  }
0x2d1: {  	v27 =	vld [tilespmem:s7+$0x1310]  }
0x2d2: {  	v28 =	vld [tilespmem:s7+$0x1320]  }
0x2d3: {  	v29 =	vld [tilespmem:s7+$0x1330]  }
0x2d4: {  	v30 =	vld [tilespmem:s7+$0x1340]  }
0x2d5: {  	v31 =	vld [tilespmem:s7+$0x1350];
	v26 =	vadd.s32 v18, v26  }
0x2d6: {  	v62 =	vld [tilespmem:s7+$0x1360];
	v27 =	vadd.s32 v19, v27  }
0x2d7: {  	v63 =	vld [tilespmem:s7+$0x1370];
	v28 =	vadd.s32 v20, v28  }
0x2d8: {  	v29 =	vadd.s32 v21, v29  }
0x2d9: {  	v30 =	vadd.s32 v22, v30  }
0x2da: {  	v31 =	vadd.s32 v23, v31;
	[tilespmem:v26+s31+$0x0] =	vst.idx.add.f32.msk $0xffff, v2  }
0x2db: {  	s6 =	sadd.s32 $0x1, s6;
	v26 =	vadd.s32 v24, v62;
	[tilespmem:v27+s31+$0x0] =	vst.idx.add.f32.msk $0xffff, v2  }
0x2dc: {  	p3 =	sne.s32 s6, $0x10;
	v27 =	vadd.s32 v25, v63;
	[tilespmem:v28+s31+$0x0] =	vst.idx.add.f32.msk $0xffff, v2  }
.Ltmp16:
0x2dd: {  	[tilespmem:v29+s31+$0x0] =	vst.idx.add.f32.msk $0xffff, v2;
	(pc) =	sbr.rel @p3 .LBB2_25-.Ltmp16, $4  }
0x2de: {  	[tilespmem:v30+s31+$0x0] =	vst.idx.add.f32.msk $0xffff, v2  }
0x2df: {  	[tilespmem:v31+s31+$0x0] =	vst.idx.add.f32.msk $0xffff, v2  }
0x2e0: {  	[tilespmem:v26+s31+$0x0] =	vst.idx.add.f32.msk $0xffff, v2  }
0x2e1: {  	[tilespmem:v27+s31+$0x0] =	vst.idx.add.f32.msk $0xffff, v2  }
.Ltmp17:
0x2e2: {  	(pc) =	sbr.rel .LBB2_31-.Ltmp17, $4  }
0x2e3: {  	[hbm4b:s19+s1] =	stream.linear.scatter [tilespmem:s31], [sflag:$0x5], $0x12C00, $0x38;
	[tilespmem:$0x16140] =	vst v63  }
0x2e4: {  	_ =	swait.ge [sflag:s25], $0x12C00  }
0x2e5: {  	[sflag:s25] =	ssyncset.done $0x0  }
0x2e6: {  	[sflag:s25] =	ssyncadd.s32 $0xFFFED400  }
.LBB2_32:
0x2e7: {  	_ =	sfence.sel $0x180000  }
0x2e8: {  	[bflag:$0x0] =	sbarrier.arrive $0xFFFF  }
0x2e9: {  	_ =	strace $0x90000047  }
0x2ea: {  	s0 =	stileid.u32;
	[bflag:$0x2] =	sbarrier.arrive $0xFFFF  }
0x2eb: {  	p0 =	sne.s32 s0, $0x0;
	s0 =	rddreg [dreg:$0x2]  }
0x2ec: {  	s0 =	sadd.s32 @!p0 $0x100000, s0  }
0x2ed: {  	[sflag:s0] =	ssyncadd.tile.s32 @!p0 $0x1;
	_ =	shalt  }
.Lfunc_end2:
_tile_overlayer_lowered:
.L_overlay_start_2:
0x2ee: {  	(tag) =	ssettag $0x2  }
0x2ef: {  	s0 =	rddreg [dreg:$0x0];
	s2 =	stileid.u32  }
0x2f0: {  	s1 =	rddreg [dreg:$0x1];
	p0 =	sne.s32 s2, $0x0  }
0x2f1: {  	s3 =	rddreg [dreg:$0x2];
	[bflag:$0x3] =	sbarrier.arrive $0xFFFF;
	s2 =	simm.s32 @!p0 $0x1C05  }
0x2f2: {  	[timem:s3], [sflag:s2] =	dma.local @!p0 [hbm:s0], s1  }
0x2f3: {  	s0 =	simm.s32 @!p0 $0x5  }
0x2f4: {  	_ =	swait.ge @!p0 [sflag:s0], s1  }
0x2f5: {  	s1 =	ssub.s32 @!p0 $0x0, s1;
	[sflag:s0] =	ssyncset.done @!p0 $0x0  }
0x2f6: {  	[sflag:s0] =	ssyncadd.s32 @!p0 s1  }
0x2f7: {  	[bflag:$0x3] =	sbarrier.arrive $0xFFFF  }
0x2f8: {  	_ =	shalt  }

</sc_bundles>
